<compile_context>
chip_gen: v7x
topology: tpu7x:2x2x1
jax: 0.10.2.dev20260603
libtpu: 0.0.44.dev20260713+nightly
codegen_flags: <defaults>
</compile_context>

<pallas_src>
import functools

import jax
import jax.numpy as jnp
from jax import lax
from jax.experimental import pallas as pl
from jax.experimental.pallas import tpu as pltpu
from jax.experimental.pallas import tpu_sc as plsc

FT_OUT = 512
MAX_F = 32
N_FT = 49152
N_FFT = 768
B = 4096

NC = 2
NS = 16
NW = NC * NS
R = B // NW
NO = FT_OUT // 32

_PVEC = 3 * FT_OUT
_WG = 8


def _rne_bf16_bits(x):
    u = lax.bitcast_convert_type(x, jnp.uint32)
    return (u + 0x7FFF + ((u >> 16) & 1)) >> 16


def _pack_rows(rows):
    lo = _rne_bf16_bits(rows[..., : FT_OUT // 2])
    hi = _rne_bf16_bits(rows[..., FT_OUT // 2:])
    return lax.bitcast_convert_type(lo | (hi << 16), jnp.int32)


def _combine_body(ft_ref, fft_ref, ftb_ref, fftb_ref, outw_ref, o_ref, pv_ref):
    ft = ft_ref[...].reshape(_WG, N_FFT, FT_OUT)
    s = ft + fft_ref[...][None]
    o_ref[...] = _pack_rows(s).reshape(_WG * N_FFT, FT_OUT // 2)
    bias = ftb_ref[...] + fftb_ref[...]
    ow = outw_ref[...]
    rows = jnp.concatenate([bias, ow[:, :FT_OUT], ow[:, FT_OUT:]], axis=0)
    pv_ref[...] = _pack_rows(rows)


def _build_w2(ft_w, fft_w, ft_b, fft_b, out_w):
    return pl.pallas_call(
        _combine_body,
        grid=(N_FT // (_WG * N_FFT),),
        in_specs=[
            pl.BlockSpec((_WG * N_FFT, FT_OUT), lambda i: (i, 0)),
            pl.BlockSpec((N_FFT, FT_OUT), lambda i: (0, 0)),
            pl.BlockSpec((1, FT_OUT), lambda i: (0, 0)),
            pl.BlockSpec((1, FT_OUT), lambda i: (0, 0)),
            pl.BlockSpec((1, 2 * FT_OUT), lambda i: (0, 0)),
        ],
        out_specs=[
            pl.BlockSpec((_WG * N_FFT, FT_OUT // 2), lambda i: (i, 0)),
            pl.BlockSpec((3, FT_OUT // 2), lambda i: (0, 0)),
        ],
        out_shape=[
            jax.ShapeDtypeStruct((N_FT, FT_OUT // 2), jnp.int32),
            jax.ShapeDtypeStruct((3, FT_OUT // 2), jnp.int32),
        ],
    )(ft_w, fft_w, ft_b.reshape(1, FT_OUT), fft_b.reshape(1, FT_OUT), out_w)


def _sc_body(w2, vals_flat, stm, nstm, pvec, obvec, out_hbm,
             stm_v, nstm_v, vals_v, pvec_v, ob_v,
             g0, g1, g2, g3, tbuf, logit_v,
             sem0, sem1, sem2, sem3):
    wid = lax.axis_index("s") * NC + lax.axis_index("c")
    base = wid * R

    pltpu.sync_copy(stm.at[pl.ds(base * MAX_F, R * MAX_F)], stm_v)
    pltpu.sync_copy(nstm.at[pl.ds(base * MAX_F, R * MAX_F)], nstm_v)
    pltpu.sync_copy(vals_flat.at[pl.ds(base * MAX_F, R * MAX_F)], vals_v)
    pltpu.sync_copy(pvec, pvec_v)
    pltpu.sync_copy(obvec, ob_v)

    def issue(r, g, sem):
        sl = pl.ds(r * MAX_F, MAX_F)
        pltpu.async_copy(w2.at[stm_v.at[sl]], g.at[pl.ds(0, MAX_F)], sem)
        pltpu.async_copy(w2.at[nstm_v.at[sl]],
                         g.at[pl.ds(MAX_F, MAX_F)], sem)

    def drain(g, sem):
        pltpu.make_async_copy(w2.at[pl.ds(0, 2 * MAX_F)], g, sem).wait()

    def compute(r, g):
        wv0 = vals_v[pl.ds(r * MAX_F, 16)]
        wv1 = vals_v[pl.ds(r * MAX_F + 16, 16)]
        ws = [wv0[f] for f in range(16)] + [wv1[f] for f in range(16)]

        def _splat_bf16(w):
            wv = jnp.broadcast_to(w, (16,))
            return plsc.pack(wv, wv, format=plsc.PackFormat.INTERLEAVED)

        wb = [_splat_bf16(w) for w in ws]
        zero = jnp.zeros((32,), jnp.bfloat16)
        one = jnp.full((32,), 1.0, jnp.bfloat16)

        def obody(o, t):
            o16 = o * 16
            sl = pl.ds(o16, 16)

            def bf(x):
                return plsc.bitcast(x, jnp.bfloat16)

            a_s = bf(pvec_v[sl])
            a_n = a_s
            for f in range(MAX_F):
                a_s = a_s + wb[f] * bf(g[f, sl])
                a_n = a_n + wb[f] * bf(g[MAX_F + f, sl])
            hs = jnp.minimum(jnp.maximum(a_s, zero), one)
            hn = jnp.minimum(jnp.maximum(a_n, zero), one)
            return (t + hs * bf(pvec_v[pl.ds(FT_OUT // 2 + o16, 16)])
                      + hn * bf(pvec_v[pl.ds(FT_OUT + o16, 16)]))

        t = lax.fori_loop(0, NO, obody, zero)
        ta, tb = plsc.unpack(t, format=plsc.PackFormat.INTERLEAVED)
        tbuf[pl.ds(r * 16, 16)] = ta + tb

    slots = ((g0, sem0), (g1, sem1), (g2, sem2), (g3, sem3))
    for k in range(4):
        issue(k, *slots[k])

    def body(i, carry):
        r0 = 4 * i
        for k in range(4):
            r = r0 + k
            g, sem = slots[k]
            drain(g, sem)
            compute(r, g)

            @pl.when(r + 4 < R)
            def _():
                issue(r + 4, g, sem)
        return carry

    lax.fori_loop(0, R // 4, body, 0)

    ob = ob_v[...]
    lanes16 = lax.iota(jnp.int32, 16) * 16
    for j in range(R // 16):
        s = ob
        for p in range(16):
            idx = lanes16 + (j * 256 + p)
            s = s + plsc.load_gather(tbuf, [idx])
        logit_v[pl.ds(j * 16, 16)] = 1.0 / (1.0 + jnp.exp(-s))
    pltpu.sync_copy(logit_v, out_hbm.at[pl.ds(base, R)])


@jax.jit
def _sc_bag(w2, vals_flat, stm, nstm, pvec, obvec):
    mesh = plsc.VectorSubcoreMesh(core_axis_name="c", subcore_axis_name="s")
    f = pl.kernel(
        _sc_body,
        mesh=mesh,
        out_type=jax.ShapeDtypeStruct((B,), jnp.float32),
        compiler_params=pltpu.CompilerParams(needs_layout_passes=False),
        scratch_types=[
            pltpu.VMEM((R * MAX_F,), jnp.int32),
            pltpu.VMEM((R * MAX_F,), jnp.int32),
            pltpu.VMEM((R * MAX_F,), jnp.float32),
            pltpu.VMEM((_PVEC // 2,), jnp.int32),
            pltpu.VMEM((16,), jnp.float32),
            pltpu.VMEM((2 * MAX_F, FT_OUT // 2), jnp.int32),
            pltpu.VMEM((2 * MAX_F, FT_OUT // 2), jnp.int32),
            pltpu.VMEM((2 * MAX_F, FT_OUT // 2), jnp.int32),
            pltpu.VMEM((2 * MAX_F, FT_OUT // 2), jnp.int32),
            pltpu.VMEM((R * 16,), jnp.float32),
            pltpu.VMEM((R,), jnp.float32),
            pltpu.SemaphoreType.DMA,
            pltpu.SemaphoreType.DMA,
            pltpu.SemaphoreType.DMA,
            pltpu.SemaphoreType.DMA,
        ],
    )
    return f(w2, vals_flat, stm, nstm, pvec, obvec)


def kernel(values, stm_indices, nstm_indices, ft_w, ft_b, fft_w, fft_b,
           out_w, out_b):
    w2, pv = _build_w2(ft_w, fft_w, ft_b, fft_b, out_w)
    obvec = jnp.broadcast_to(out_b, (16,)).astype(jnp.float32)
    out = _sc_bag(w2, values.reshape(-1),
                  stm_indices.astype(jnp.int32).reshape(-1),
                  nstm_indices.astype(jnp.int32).reshape(-1),
                  pv.reshape(_PVEC // 2), obvec)
    return out.reshape(B, 1)

# --- scband reference (transcript-rebuilt; emitter-appended) ---
"""Pipeline reference for scband-nn-half-kacuda-36498632081981 (READ-ONLY COPY).

The authoritative reference and input builder live on the scoring server;
editing this copy changes nothing except your own understanding.
"""

import jax, jax.numpy as jnp
import numpy as np

FT_OUT = 512
MAX_FEATURES = 32
NUM_FT = 49152
NUM_FFT = 768
BATCH = 4096


def setup_inputs(seed: int = 0) -> dict:
    key = jax.random.key(seed)
    ks = jax.random.split(key, 8)
    values = jax.random.uniform(ks[0], (BATCH, MAX_FEATURES), dtype=jnp.float32)
    stm_indices = jax.random.randint(ks[1], (BATCH, MAX_FEATURES), 0, NUM_FT, dtype=jnp.int32)
    nstm_indices = jax.random.randint(ks[2], (BATCH, MAX_FEATURES), 0, NUM_FT, dtype=jnp.int32)
    ft_w = jax.random.normal(ks[3], (NUM_FT, FT_OUT), dtype=jnp.float32) * 0.01
    ft_b = jnp.zeros((FT_OUT,), dtype=jnp.float32)
    fft_w = jax.random.normal(ks[4], (NUM_FFT, FT_OUT), dtype=jnp.float32) * 0.01
    fft_b = jnp.zeros((FT_OUT,), dtype=jnp.float32)
    out_w = jax.random.normal(ks[5], (1, 2 * FT_OUT), dtype=jnp.float32) * 0.02
    out_b = jnp.zeros((1,), dtype=jnp.float32)
    return {
        "values": values,
        "stm_indices": stm_indices,
        "nstm_indices": nstm_indices,
        "ft_w": ft_w,
        "ft_b": ft_b,
        "fft_w": fft_w,
        "fft_b": fft_b,
        "out_w": out_w,
        "out_b": out_b,
    }


def _ft_slice(w, b, idx, vals):
    # DoubleFeatureTransformerSlice semantics: weighted embedding-bag sum + bias
    g = jnp.take(w, idx, axis=0)  # [B, MAX_FEATURES, FT_OUT]
    return jnp.einsum('bf,bfo->bo', vals, g) + b


def reference(values, stm_indices, nstm_indices, ft_w, ft_b, fft_w, fft_b, out_w, out_b):
    stm_indices = stm_indices.astype(jnp.int32)
    nstm_indices = nstm_indices.astype(jnp.int32)
    stm_ft = _ft_slice(ft_w, ft_b, stm_indices, values)
    nstm_ft = _ft_slice(ft_w, ft_b, nstm_indices, values)
    v_stm_ft = _ft_slice(fft_w, fft_b, stm_indices % NUM_FFT, values)
    v_nstm_ft = _ft_slice(fft_w, fft_b, nstm_indices % NUM_FFT, values)
    hidden = jnp.clip(
        jnp.concatenate((stm_ft + v_stm_ft, nstm_ft + v_nstm_ft), axis=1), 0.0, 1.0
    )
    return jax.nn.sigmoid(hidden @ out_w.T + out_b)

if __name__ == "__main__":
    import jax
    _d = setup_inputs()
    print(jax.jit(kernel)(*tuple(_d.values())))

</pallas_src>

<mosaic_0001>
#map = affine_map<(d0, d1) -> (0, 0)>
#map1 = affine_map<(d0, d1) -> (0)>
module attributes {stable_mosaic.version = 14 : i64} {
  func.func @_sc_body(%arg0: i32, %arg1: i32, %arg2: memref<49152x256xi32, #tpu.memory_space<hbm>>, %arg3: memref<131072xf32, #tpu.memory_space<hbm>>, %arg4: memref<131072xi32, #tpu.memory_space<hbm>>, %arg5: memref<131072xi32, #tpu.memory_space<hbm>>, %arg6: memref<768xi32, #tpu.memory_space<hbm>>, %arg7: memref<16xf32, #tpu.memory_space<hbm>>, %arg8: memref<4096xf32, #tpu.memory_space<hbm>>, %arg9: memref<4096xi32, #tpu.memory_space<vmem>>, %arg10: memref<4096xi32, #tpu.memory_space<vmem>>, %arg11: memref<4096xf32, #tpu.memory_space<vmem>>, %arg12: memref<768xi32, #tpu.memory_space<vmem>>, %arg13: memref<16xf32, #tpu.memory_space<vmem>>, %arg14: memref<64x256xi32, #tpu.memory_space<vmem>>, %arg15: memref<64x256xi32, #tpu.memory_space<vmem>>, %arg16: memref<64x256xi32, #tpu.memory_space<vmem>>, %arg17: memref<64x256xi32, #tpu.memory_space<vmem>>, %arg18: memref<2048xf32, #tpu.memory_space<vmem>>, %arg19: memref<128xf32, #tpu.memory_space<vmem>>, %arg20: memref<!tpu.dma_semaphore, #tpu.memory_space<semaphore_mem>>, %arg21: memref<!tpu.dma_semaphore, #tpu.memory_space<semaphore_mem>>, %arg22: memref<!tpu.dma_semaphore, #tpu.memory_space<semaphore_mem>>, %arg23: memref<!tpu.dma_semaphore, #tpu.memory_space<semaphore_mem>>) attributes {dimension_semantics = [#tpu.dimension_semantics<core_parallel>, #tpu.dimension_semantics<subcore_parallel>], iteration_bounds = array<i64: 2, 16>, scalar_prefetch = 0 : i64, scratch_operands = 15 : i64, tpu.core_type = #tpu.core_type<sc_vector_subcore>, window_params = [{transform_indices = #map}, {transform_indices = #map1}, {transform_indices = #map1}, {transform_indices = #map1}, {transform_indices = #map1}, {transform_indices = #map1}, {transform_indices = #map1}]} {
    %mul3A = arith.constant 2 : i32
    %mul3A_0 = arith.muli %arg1, %mul3A : i32
    %add3A = arith.addi %mul3A_0, %arg0 : i32
    %mul3A_1 = arith.constant 128 : i32
    %mul3A_2 = arith.muli %add3A, %mul3A_1 : i32
    %mul3A_3 = arith.constant 32 : i32
    %mul3A_4 = arith.muli %mul3A_2, %mul3A_3 : i32
    "tpu.region"() ({
      %run_scoped3A = tpu.sem_alloc : memref<!tpu.dma_semaphore, #tpu.memory_space<semaphore_mem>>
      %dma_start3A_812 = tpu.memref_slice %arg4[%mul3A_4] : memref<131072xi32, #tpu.memory_space<hbm>> -> memref<4096xi32, #tpu.memory_space<hbm>>
      %dma_start3A_813 = tpu.memref_slice %arg4[%mul3A_4] : memref<131072xi32, #tpu.memory_space<hbm>> -> memref<4096xi32, #tpu.memory_space<hbm>>
      tpu.enqueue_dma source(%dma_start3A_813 : memref<4096xi32, #tpu.memory_space<hbm>>) target(%arg9 : memref<4096xi32, #tpu.memory_space<vmem>>) target_semaphore(%run_scoped3A : memref<!tpu.dma_semaphore, #tpu.memory_space<semaphore_mem>>)
      %dma_wait3A = tpu.memref_slice %arg4[%mul3A_4] : memref<131072xi32, #tpu.memory_space<hbm>> -> memref<4096xi32, #tpu.memory_space<hbm>>
      %dma_wait3A_814 = tpu.memref_slice %arg4[%mul3A_4] : memref<131072xi32, #tpu.memory_space<hbm>> -> memref<4096xi32, #tpu.memory_space<hbm>>
      tpu.wait_dma2 semaphore(%run_scoped3A : memref<!tpu.dma_semaphore, #tpu.memory_space<semaphore_mem>>) src(%dma_wait3A_814 : memref<4096xi32, #tpu.memory_space<hbm>>) dst(%arg9 : memref<4096xi32, #tpu.memory_space<vmem>>)
      tpu.yield
    }) : () -> ()
    %mul3A_5 = arith.constant 32 : i32
    %mul3A_6 = arith.muli %mul3A_2, %mul3A_5 : i32
    "tpu.region"() ({
      %run_scoped3A = tpu.sem_alloc : memref<!tpu.dma_semaphore, #tpu.memory_space<semaphore_mem>>
      %dma_start3A_812 = tpu.memref_slice %arg5[%mul3A_6] : memref<131072xi32, #tpu.memory_space<hbm>> -> memref<4096xi32, #tpu.memory_space<hbm>>
      %dma_start3A_813 = tpu.memref_slice %arg5[%mul3A_6] : memref<131072xi32, #tpu.memory_space<hbm>> -> memref<4096xi32, #tpu.memory_space<hbm>>
      tpu.enqueue_dma source(%dma_start3A_813 : memref<4096xi32, #tpu.memory_space<hbm>>) target(%arg10 : memref<4096xi32, #tpu.memory_space<vmem>>) target_semaphore(%run_scoped3A : memref<!tpu.dma_semaphore, #tpu.memory_space<semaphore_mem>>)
      %dma_wait3A = tpu.memref_slice %arg5[%mul3A_6] : memref<131072xi32, #tpu.memory_space<hbm>> -> memref<4096xi32, #tpu.memory_space<hbm>>
      %dma_wait3A_814 = tpu.memref_slice %arg5[%mul3A_6] : memref<131072xi32, #tpu.memory_space<hbm>> -> memref<4096xi32, #tpu.memory_space<hbm>>
      tpu.wait_dma2 semaphore(%run_scoped3A : memref<!tpu.dma_semaphore, #tpu.memory_space<semaphore_mem>>) src(%dma_wait3A_814 : memref<4096xi32, #tpu.memory_space<hbm>>) dst(%arg10 : memref<4096xi32, #tpu.memory_space<vmem>>)
      tpu.yield
    }) : () -> ()
    %mul3A_7 = arith.constant 32 : i32
    %mul3A_8 = arith.muli %mul3A_2, %mul3A_7 : i32
    "tpu.region"() ({
      %run_scoped3A = tpu.sem_alloc : memref<!tpu.dma_semaphore, #tpu.memory_space<semaphore_mem>>
      %dma_start3A_812 = tpu.memref_slice %arg3[%mul3A_8] : memref<131072xf32, #tpu.memory_space<hbm>> -> memref<4096xf32, #tpu.memory_space<hbm>>
      %dma_start3A_813 = tpu.memref_slice %arg3[%mul3A_8] : memref<131072xf32, #tpu.memory_space<hbm>> -> memref<4096xf32, #tpu.memory_space<hbm>>
      tpu.enqueue_dma source(%dma_start3A_813 : memref<4096xf32, #tpu.memory_space<hbm>>) target(%arg11 : memref<4096xf32, #tpu.memory_space<vmem>>) target_semaphore(%run_scoped3A : memref<!tpu.dma_semaphore, #tpu.memory_space<semaphore_mem>>)
      %dma_wait3A = tpu.memref_slice %arg3[%mul3A_8] : memref<131072xf32, #tpu.memory_space<hbm>> -> memref<4096xf32, #tpu.memory_space<hbm>>
      %dma_wait3A_814 = tpu.memref_slice %arg3[%mul3A_8] : memref<131072xf32, #tpu.memory_space<hbm>> -> memref<4096xf32, #tpu.memory_space<hbm>>
      tpu.wait_dma2 semaphore(%run_scoped3A : memref<!tpu.dma_semaphore, #tpu.memory_space<semaphore_mem>>) src(%dma_wait3A_814 : memref<4096xf32, #tpu.memory_space<hbm>>) dst(%arg11 : memref<4096xf32, #tpu.memory_space<vmem>>)
      tpu.yield
    }) : () -> ()
    "tpu.region"() ({
      %run_scoped3A = tpu.sem_alloc : memref<!tpu.dma_semaphore, #tpu.memory_space<semaphore_mem>>
      tpu.enqueue_dma source(%arg6 : memref<768xi32, #tpu.memory_space<hbm>>) target(%arg12 : memref<768xi32, #tpu.memory_space<vmem>>) target_semaphore(%run_scoped3A : memref<!tpu.dma_semaphore, #tpu.memory_space<semaphore_mem>>)
      tpu.wait_dma2 semaphore(%run_scoped3A : memref<!tpu.dma_semaphore, #tpu.memory_space<semaphore_mem>>) src(%arg6 : memref<768xi32, #tpu.memory_space<hbm>>) dst(%arg12 : memref<768xi32, #tpu.memory_space<vmem>>)
      tpu.yield
    }) : () -> ()
    "tpu.region"() ({
      %run_scoped3A = tpu.sem_alloc : memref<!tpu.dma_semaphore, #tpu.memory_space<semaphore_mem>>
      tpu.enqueue_dma source(%arg7 : memref<16xf32, #tpu.memory_space<hbm>>) target(%arg13 : memref<16xf32, #tpu.memory_space<vmem>>) target_semaphore(%run_scoped3A : memref<!tpu.dma_semaphore, #tpu.memory_space<semaphore_mem>>)
      tpu.wait_dma2 semaphore(%run_scoped3A : memref<!tpu.dma_semaphore, #tpu.memory_space<semaphore_mem>>) src(%arg7 : memref<16xf32, #tpu.memory_space<hbm>>) dst(%arg13 : memref<16xf32, #tpu.memory_space<vmem>>)
      tpu.yield
    }) : () -> ()
    %dma_start3A = arith.constant 0 : i32
    %dma_start3A_9 = arith.constant 0 : i32
    %dma_start3A_10 = tpu.memref_slice %arg14[%dma_start3A, %dma_start3A_9] : memref<64x256xi32, #tpu.memory_space<vmem>> -> memref<32x256xi32, #tpu.memory_space<vmem>>
    %dma_start3A_11 = arith.constant 0 : i32
    %dma_start3A_12 = tpu.memref_slice %arg9[%dma_start3A_11] : memref<4096xi32, #tpu.memory_space<vmem>> -> memref<32xi32, #tpu.memory_space<vmem>>
    %dma_start3A_13 = arith.constant 0 : i32
    %dma_start3A_14 = arith.constant 0 : i32
    %dma_start3A_15 = tpu.memref_slice %arg2[%dma_start3A_13, %dma_start3A_14] : memref<49152x256xi32, #tpu.memory_space<hbm>> -> memref<49152x256xi32, #tpu.memory_space<hbm>>
    tpu.enqueue_indirect_dma source(%dma_start3A_15 : memref<49152x256xi32, #tpu.memory_space<hbm>>) target(%dma_start3A_10 : memref<32x256xi32, #tpu.memory_space<vmem>>) offsets(%dma_start3A_12 : memref<32xi32, #tpu.memory_space<vmem>>) semaphore(%arg20 : memref<!tpu.dma_semaphore, #tpu.memory_space<semaphore_mem>>)
    %dma_start3A_16 = arith.constant 32 : i32
    %dma_start3A_17 = arith.constant 0 : i32
    %dma_start3A_18 = tpu.memref_slice %arg14[%dma_start3A_16, %dma_start3A_17] : memref<64x256xi32, #tpu.memory_space<vmem>> -> memref<32x256xi32, #tpu.memory_space<vmem>>
    %dma_start3A_19 = arith.constant 0 : i32
    %dma_start3A_20 = tpu.memref_slice %arg10[%dma_start3A_19] : memref<4096xi32, #tpu.memory_space<vmem>> -> memref<32xi32, #tpu.memory_space<vmem>>
    %dma_start3A_21 = arith.constant 0 : i32
    %dma_start3A_22 = arith.constant 0 : i32
    %dma_start3A_23 = tpu.memref_slice %arg2[%dma_start3A_21, %dma_start3A_22] : memref<49152x256xi32, #tpu.memory_space<hbm>> -> memref<49152x256xi32, #tpu.memory_space<hbm>>
    tpu.enqueue_indirect_dma source(%dma_start3A_23 : memref<49152x256xi32, #tpu.memory_space<hbm>>) target(%dma_start3A_18 : memref<32x256xi32, #tpu.memory_space<vmem>>) offsets(%dma_start3A_20 : memref<32xi32, #tpu.memory_space<vmem>>) semaphore(%arg20 : memref<!tpu.dma_semaphore, #tpu.memory_space<semaphore_mem>>)
    %dma_start3A_24 = arith.constant 0 : i32
    %dma_start3A_25 = arith.constant 0 : i32
    %dma_start3A_26 = tpu.memref_slice %arg15[%dma_start3A_24, %dma_start3A_25] : memref<64x256xi32, #tpu.memory_space<vmem>> -> memref<32x256xi32, #tpu.memory_space<vmem>>
    %dma_start3A_27 = arith.constant 32 : i32
    %dma_start3A_28 = tpu.memref_slice %arg9[%dma_start3A_27] : memref<4096xi32, #tpu.memory_space<vmem>> -> memref<32xi32, #tpu.memory_space<vmem>>
    %dma_start3A_29 = arith.constant 0 : i32
    %dma_start3A_30 = arith.constant 0 : i32
    %dma_start3A_31 = tpu.memref_slice %arg2[%dma_start3A_29, %dma_start3A_30] : memref<49152x256xi32, #tpu.memory_space<hbm>> -> memref<49152x256xi32, #tpu.memory_space<hbm>>
    tpu.enqueue_indirect_dma source(%dma_start3A_31 : memref<49152x256xi32, #tpu.memory_space<hbm>>) target(%dma_start3A_26 : memref<32x256xi32, #tpu.memory_space<vmem>>) offsets(%dma_start3A_28 : memref<32xi32, #tpu.memory_space<vmem>>) semaphore(%arg21 : memref<!tpu.dma_semaphore, #tpu.memory_space<semaphore_mem>>)
    %dma_start3A_32 = arith.constant 32 : i32
    %dma_start3A_33 = arith.constant 0 : i32
    %dma_start3A_34 = tpu.memref_slice %arg15[%dma_start3A_32, %dma_start3A_33] : memref<64x256xi32, #tpu.memory_space<vmem>> -> memref<32x256xi32, #tpu.memory_space<vmem>>
    %dma_start3A_35 = arith.constant 32 : i32
    %dma_start3A_36 = tpu.memref_slice %arg10[%dma_start3A_35] : memref<4096xi32, #tpu.memory_space<vmem>> -> memref<32xi32, #tpu.memory_space<vmem>>
    %dma_start3A_37 = arith.constant 0 : i32
    %dma_start3A_38 = arith.constant 0 : i32
    %dma_start3A_39 = tpu.memref_slice %arg2[%dma_start3A_37, %dma_start3A_38] : memref<49152x256xi32, #tpu.memory_space<hbm>> -> memref<49152x256xi32, #tpu.memory_space<hbm>>
    tpu.enqueue_indirect_dma source(%dma_start3A_39 : memref<49152x256xi32, #tpu.memory_space<hbm>>) target(%dma_start3A_34 : memref<32x256xi32, #tpu.memory_space<vmem>>) offsets(%dma_start3A_36 : memref<32xi32, #tpu.memory_space<vmem>>) semaphore(%arg21 : memref<!tpu.dma_semaphore, #tpu.memory_space<semaphore_mem>>)
    %dma_start3A_40 = arith.constant 0 : i32
    %dma_start3A_41 = arith.constant 0 : i32
    %dma_start3A_42 = tpu.memref_slice %arg16[%dma_start3A_40, %dma_start3A_41] : memref<64x256xi32, #tpu.memory_space<vmem>> -> memref<32x256xi32, #tpu.memory_space<vmem>>
    %dma_start3A_43 = arith.constant 64 : i32
    %dma_start3A_44 = tpu.memref_slice %arg9[%dma_start3A_43] : memref<4096xi32, #tpu.memory_space<vmem>> -> memref<32xi32, #tpu.memory_space<vmem>>
    %dma_start3A_45 = arith.constant 0 : i32
    %dma_start3A_46 = arith.constant 0 : i32
    %dma_start3A_47 = tpu.memref_slice %arg2[%dma_start3A_45, %dma_start3A_46] : memref<49152x256xi32, #tpu.memory_space<hbm>> -> memref<49152x256xi32, #tpu.memory_space<hbm>>
    tpu.enqueue_indirect_dma source(%dma_start3A_47 : memref<49152x256xi32, #tpu.memory_space<hbm>>) target(%dma_start3A_42 : memref<32x256xi32, #tpu.memory_space<vmem>>) offsets(%dma_start3A_44 : memref<32xi32, #tpu.memory_space<vmem>>) semaphore(%arg22 : memref<!tpu.dma_semaphore, #tpu.memory_space<semaphore_mem>>)
    %dma_start3A_48 = arith.constant 32 : i32
    %dma_start3A_49 = arith.constant 0 : i32
    %dma_start3A_50 = tpu.memref_slice %arg16[%dma_start3A_48, %dma_start3A_49] : memref<64x256xi32, #tpu.memory_space<vmem>> -> memref<32x256xi32, #tpu.memory_space<vmem>>
    %dma_start3A_51 = arith.constant 64 : i32
    %dma_start3A_52 = tpu.memref_slice %arg10[%dma_start3A_51] : memref<4096xi32, #tpu.memory_space<vmem>> -> memref<32xi32, #tpu.memory_space<vmem>>
    %dma_start3A_53 = arith.constant 0 : i32
    %dma_start3A_54 = arith.constant 0 : i32
    %dma_start3A_55 = tpu.memref_slice %arg2[%dma_start3A_53, %dma_start3A_54] : memref<49152x256xi32, #tpu.memory_space<hbm>> -> memref<49152x256xi32, #tpu.memory_space<hbm>>
    tpu.enqueue_indirect_dma source(%dma_start3A_55 : memref<49152x256xi32, #tpu.memory_space<hbm>>) target(%dma_start3A_50 : memref<32x256xi32, #tpu.memory_space<vmem>>) offsets(%dma_start3A_52 : memref<32xi32, #tpu.memory_space<vmem>>) semaphore(%arg22 : memref<!tpu.dma_semaphore, #tpu.memory_space<semaphore_mem>>)
    %dma_start3A_56 = arith.constant 0 : i32
    %dma_start3A_57 = arith.constant 0 : i32
    %dma_start3A_58 = tpu.memref_slice %arg17[%dma_start3A_56, %dma_start3A_57] : memref<64x256xi32, #tpu.memory_space<vmem>> -> memref<32x256xi32, #tpu.memory_space<vmem>>
    %dma_start3A_59 = arith.constant 96 : i32
    %dma_start3A_60 = tpu.memref_slice %arg9[%dma_start3A_59] : memref<4096xi32, #tpu.memory_space<vmem>> -> memref<32xi32, #tpu.memory_space<vmem>>
    %dma_start3A_61 = arith.constant 0 : i32
    %dma_start3A_62 = arith.constant 0 : i32
    %dma_start3A_63 = tpu.memref_slice %arg2[%dma_start3A_61, %dma_start3A_62] : memref<49152x256xi32, #tpu.memory_space<hbm>> -> memref<49152x256xi32, #tpu.memory_space<hbm>>
    tpu.enqueue_indirect_dma source(%dma_start3A_63 : memref<49152x256xi32, #tpu.memory_space<hbm>>) target(%dma_start3A_58 : memref<32x256xi32, #tpu.memory_space<vmem>>) offsets(%dma_start3A_60 : memref<32xi32, #tpu.memory_space<vmem>>) semaphore(%arg23 : memref<!tpu.dma_semaphore, #tpu.memory_space<semaphore_mem>>)
    %dma_start3A_64 = arith.constant 32 : i32
    %dma_start3A_65 = arith.constant 0 : i32
    %dma_start3A_66 = tpu.memref_slice %arg17[%dma_start3A_64, %dma_start3A_65] : memref<64x256xi32, #tpu.memory_space<vmem>> -> memref<32x256xi32, #tpu.memory_space<vmem>>
    %dma_start3A_67 = arith.constant 96 : i32
    %dma_start3A_68 = tpu.memref_slice %arg10[%dma_start3A_67] : memref<4096xi32, #tpu.memory_space<vmem>> -> memref<32xi32, #tpu.memory_space<vmem>>
    %dma_start3A_69 = arith.constant 0 : i32
    %dma_start3A_70 = arith.constant 0 : i32
    %dma_start3A_71 = tpu.memref_slice %arg2[%dma_start3A_69, %dma_start3A_70] : memref<49152x256xi32, #tpu.memory_space<hbm>> -> memref<49152x256xi32, #tpu.memory_space<hbm>>
    tpu.enqueue_indirect_dma source(%dma_start3A_71 : memref<49152x256xi32, #tpu.memory_space<hbm>>) target(%dma_start3A_66 : memref<32x256xi32, #tpu.memory_space<vmem>>) offsets(%dma_start3A_68 : memref<32xi32, #tpu.memory_space<vmem>>) semaphore(%arg23 : memref<!tpu.dma_semaphore, #tpu.memory_space<semaphore_mem>>)
    %scan3A = arith.constant 0 : i32
    %scan3A_72 = arith.constant 0 : i32
    %scan3A_73 = arith.constant 32 : i32
    %scan3A_74 = arith.addi %scan3A_72, %scan3A_73 : i32
    %scan3A_75 = arith.constant 1 : i32
    scf.for %scan3A_812 = %scan3A_72 to %scan3A_74 step %scan3A_75  : i32 {
      %mul3A_813 = arith.constant 4 : i32
      %mul3A_814 = arith.muli %mul3A_813, %scan3A_812 : i32
      %add3A_815 = arith.constant 0 : i32
      %add3A_816 = arith.addi %mul3A_814, %add3A_815 : i32
      %dma_wait3A = arith.constant 0 : i32
      %dma_wait3A_817 = arith.constant 0 : i32
      %dma_wait3A_818 = tpu.memref_slice %arg2[%dma_wait3A, %dma_wait3A_817] : memref<49152x256xi32, #tpu.memory_space<hbm>> -> memref<64x256xi32, #tpu.memory_space<hbm>>
      %dma_wait3A_819 = arith.constant 0 : i32
      %dma_wait3A_820 = arith.constant 0 : i32
      %dma_wait3A_821 = tpu.memref_slice %arg2[%dma_wait3A_819, %dma_wait3A_820] : memref<49152x256xi32, #tpu.memory_space<hbm>> -> memref<64x256xi32, #tpu.memory_space<hbm>>
      tpu.wait_dma2 semaphore(%arg20 : memref<!tpu.dma_semaphore, #tpu.memory_space<semaphore_mem>>) src(%dma_wait3A_821 : memref<64x256xi32, #tpu.memory_space<hbm>>) dst(%arg14 : memref<64x256xi32, #tpu.memory_space<vmem>>)
      %mul3A_822 = arith.constant 32 : i32
      %mul3A_823 = arith.muli %add3A_816, %mul3A_822 : i32
      %get3A_824 = arith.index_cast %mul3A_823 : i32 to index
      %get3A_825 = tpu.vector_load %arg11[%get3A_824] {strides = array<i32>} : memref<4096xf32, #tpu.memory_space<vmem>>, vector<16xf32>,
      %mul3A_826 = arith.constant 32 : i32
      %mul3A_827 = arith.muli %add3A_816, %mul3A_826 : i32
      %add3A_828 = arith.constant 16 : i32
      %add3A_829 = arith.addi %mul3A_827, %add3A_828 : i32
      %get3A_830 = arith.index_cast %add3A_829 : i32 to index
      %get3A_831 = tpu.vector_load %arg11[%get3A_830] {strides = array<i32>} : memref<4096xf32, #tpu.memory_space<vmem>>, vector<16xf32>,
      %slice3A = vector.extract_strided_slice %get3A_825 {offsets = [0], sizes = [1], strides = [1]} : vector<16xf32> to vector<1xf32>
      %squeeze3A = vector.extract %slice3A[0] : f32 from vector<1xf32>
      %slice3A_832 = vector.extract_strided_slice %get3A_825 {offsets = [1], sizes = [1], strides = [1]} : vector<16xf32> to vector<1xf32>
      %squeeze3A_833 = vector.extract %slice3A_832[0] : f32 from vector<1xf32>
      %slice3A_834 = vector.extract_strided_slice %get3A_825 {offsets = [2], sizes = [1], strides = [1]} : vector<16xf32> to vector<1xf32>
      %squeeze3A_835 = vector.extract %slice3A_834[0] : f32 from vector<1xf32>
      %slice3A_836 = vector.extract_strided_slice %get3A_825 {offsets = [3], sizes = [1], strides = [1]} : vector<16xf32> to vector<1xf32>
      %squeeze3A_837 = vector.extract %slice3A_836[0] : f32 from vector<1xf32>
      %slice3A_838 = vector.extract_strided_slice %get3A_825 {offsets = [4], sizes = [1], strides = [1]} : vector<16xf32> to vector<1xf32>
      %squeeze3A_839 = vector.extract %slice3A_838[0] : f32 from vector<1xf32>
      %slice3A_840 = vector.extract_strided_slice %get3A_825 {offsets = [5], sizes = [1], strides = [1]} : vector<16xf32> to vector<1xf32>
      %squeeze3A_841 = vector.extract %slice3A_840[0] : f32 from vector<1xf32>
      %slice3A_842 = vector.extract_strided_slice %get3A_825 {offsets = [6], sizes = [1], strides = [1]} : vector<16xf32> to vector<1xf32>
      %squeeze3A_843 = vector.extract %slice3A_842[0] : f32 from vector<1xf32>
      %slice3A_844 = vector.extract_strided_slice %get3A_825 {offsets = [7], sizes = [1], strides = [1]} : vector<16xf32> to vector<1xf32>
      %squeeze3A_845 = vector.extract %slice3A_844[0] : f32 from vector<1xf32>
      %slice3A_846 = vector.extract_strided_slice %get3A_825 {offsets = [8], sizes = [1], strides = [1]} : vector<16xf32> to vector<1xf32>
      %squeeze3A_847 = vector.extract %slice3A_846[0] : f32 from vector<1xf32>
      %slice3A_848 = vector.extract_strided_slice %get3A_825 {offsets = [9], sizes = [1], strides = [1]} : vector<16xf32> to vector<1xf32>
      %squeeze3A_849 = vector.extract %slice3A_848[0] : f32 from vector<1xf32>
      %slice3A_850 = vector.extract_strided_slice %get3A_825 {offsets = [10], sizes = [1], strides = [1]} : vector<16xf32> to vector<1xf32>
      %squeeze3A_851 = vector.extract %slice3A_850[0] : f32 from vector<1xf32>
      %slice3A_852 = vector.extract_strided_slice %get3A_825 {offsets = [11], sizes = [1], strides = [1]} : vector<16xf32> to vector<1xf32>
      %squeeze3A_853 = vector.extract %slice3A_852[0] : f32 from vector<1xf32>
      %slice3A_854 = vector.extract_strided_slice %get3A_825 {offsets = [12], sizes = [1], strides = [1]} : vector<16xf32> to vector<1xf32>
      %squeeze3A_855 = vector.extract %slice3A_854[0] : f32 from vector<1xf32>
      %slice3A_856 = vector.extract_strided_slice %get3A_825 {offsets = [13], sizes = [1], strides = [1]} : vector<16xf32> to vector<1xf32>
      %squeeze3A_857 = vector.extract %slice3A_856[0] : f32 from vector<1xf32>
      %slice3A_858 = vector.extract_strided_slice %get3A_825 {offsets = [14], sizes = [1], strides = [1]} : vector<16xf32> to vector<1xf32>
      %squeeze3A_859 = vector.extract %slice3A_858[0] : f32 from vector<1xf32>
      %slice3A_860 = vector.extract_strided_slice %get3A_825 {offsets = [15], sizes = [1], strides = [1]} : vector<16xf32> to vector<1xf32>
      %squeeze3A_861 = vector.extract %slice3A_860[0] : f32 from vector<1xf32>
      %slice3A_862 = vector.extract_strided_slice %get3A_831 {offsets = [0], sizes = [1], strides = [1]} : vector<16xf32> to vector<1xf32>
      %squeeze3A_863 = vector.extract %slice3A_862[0] : f32 from vector<1xf32>
      %slice3A_864 = vector.extract_strided_slice %get3A_831 {offsets = [1], sizes = [1], strides = [1]} : vector<16xf32> to vector<1xf32>
      %squeeze3A_865 = vector.extract %slice3A_864[0] : f32 from vector<1xf32>
      %slice3A_866 = vector.extract_strided_slice %get3A_831 {offsets = [2], sizes = [1], strides = [1]} : vector<16xf32> to vector<1xf32>
      %squeeze3A_867 = vector.extract %slice3A_866[0] : f32 from vector<1xf32>
      %slice3A_868 = vector.extract_strided_slice %get3A_831 {offsets = [3], sizes = [1], strides = [1]} : vector<16xf32> to vector<1xf32>
      %squeeze3A_869 = vector.extract %slice3A_868[0] : f32 from vector<1xf32>
      %slice3A_870 = vector.extract_strided_slice %get3A_831 {offsets = [4], sizes = [1], strides = [1]} : vector<16xf32> to vector<1xf32>
      %squeeze3A_871 = vector.extract %slice3A_870[0] : f32 from vector<1xf32>
      %slice3A_872 = vector.extract_strided_slice %get3A_831 {offsets = [5], sizes = [1], strides = [1]} : vector<16xf32> to vector<1xf32>
      %squeeze3A_873 = vector.extract %slice3A_872[0] : f32 from vector<1xf32>
      %slice3A_874 = vector.extract_strided_slice %get3A_831 {offsets = [6], sizes = [1], strides = [1]} : vector<16xf32> to vector<1xf32>
      %squeeze3A_875 = vector.extract %slice3A_874[0] : f32 from vector<1xf32>
      %slice3A_876 = vector.extract_strided_slice %get3A_831 {offsets = [7], sizes = [1], strides = [1]} : vector<16xf32> to vector<1xf32>
      %squeeze3A_877 = vector.extract %slice3A_876[0] : f32 from vector<1xf32>
      %slice3A_878 = vector.extract_strided_slice %get3A_831 {offsets = [8], sizes = [1], strides = [1]} : vector<16xf32> to vector<1xf32>
      %squeeze3A_879 = vector.extract %slice3A_878[0] : f32 from vector<1xf32>
      %slice3A_880 = vector.extract_strided_slice %get3A_831 {offsets = [9], sizes = [1], strides = [1]} : vector<16xf32> to vector<1xf32>
      %squeeze3A_881 = vector.extract %slice3A_880[0] : f32 from vector<1xf32>
      %slice3A_882 = vector.extract_strided_slice %get3A_831 {offsets = [10], sizes = [1], strides = [1]} : vector<16xf32> to vector<1xf32>
      %squeeze3A_883 = vector.extract %slice3A_882[0] : f32 from vector<1xf32>
      %slice3A_884 = vector.extract_strided_slice %get3A_831 {offsets = [11], sizes = [1], strides = [1]} : vector<16xf32> to vector<1xf32>
      %squeeze3A_885 = vector.extract %slice3A_884[0] : f32 from vector<1xf32>
      %slice3A_886 = vector.extract_strided_slice %get3A_831 {offsets = [12], sizes = [1], strides = [1]} : vector<16xf32> to vector<1xf32>
      %squeeze3A_887 = vector.extract %slice3A_886[0] : f32 from vector<1xf32>
      %slice3A_888 = vector.extract_strided_slice %get3A_831 {offsets = [13], sizes = [1], strides = [1]} : vector<16xf32> to vector<1xf32>
      %squeeze3A_889 = vector.extract %slice3A_888[0] : f32 from vector<1xf32>
      %slice3A_890 = vector.extract_strided_slice %get3A_831 {offsets = [14], sizes = [1], strides = [1]} : vector<16xf32> to vector<1xf32>
      %squeeze3A_891 = vector.extract %slice3A_890[0] : f32 from vector<1xf32>
      %slice3A_892 = vector.extract_strided_slice %get3A_831 {offsets = [15], sizes = [1], strides = [1]} : vector<16xf32> to vector<1xf32>
      %squeeze3A_893 = vector.extract %slice3A_892[0] : f32 from vector<1xf32>
      %broadcast_in_dim3A = vector.broadcast %squeeze3A : f32 to vector<16xf32>
      %pack3A = tpu.pack_subelements %broadcast_in_dim3A, %broadcast_in_dim3A {pack_format = #tpu.pack_format<interleaved>, positions = array<i32: 0, 1>} : vector<16xf32>, vector<16xf32> -> vector<32xbf16>
      %broadcast_in_dim3A_894 = vector.broadcast %squeeze3A_833 : f32 to vector<16xf32>
      %pack3A_895 = tpu.pack_subelements %broadcast_in_dim3A_894, %broadcast_in_dim3A_894 {pack_format = #tpu.pack_format<interleaved>, positions = array<i32: 0, 1>} : vector<16xf32>, vector<16xf32> -> vector<32xbf16>
      %broadcast_in_dim3A_896 = vector.broadcast %squeeze3A_835 : f32 to vector<16xf32>
      %pack3A_897 = tpu.pack_subelements %broadcast_in_dim3A_896, %broadcast_in_dim3A_896 {pack_format = #tpu.pack_format<interleaved>, positions = array<i32: 0, 1>} : vector<16xf32>, vector<16xf32> -> vector<32xbf16>
      %broadcast_in_dim3A_898 = vector.broadcast %squeeze3A_837 : f32 to vector<16xf32>
      %pack3A_899 = tpu.pack_subelements %broadcast_in_dim3A_898, %broadcast_in_dim3A_898 {pack_format = #tpu.pack_format<interleaved>, positions = array<i32: 0, 1>} : vector<16xf32>, vector<16xf32> -> vector<32xbf16>
      %broadcast_in_dim3A_900 = vector.broadcast %squeeze3A_839 : f32 to vector<16xf32>
      %pack3A_901 = tpu.pack_subelements %broadcast_in_dim3A_900, %broadcast_in_dim3A_900 {pack_format = #tpu.pack_format<interleaved>, positions = array<i32: 0, 1>} : vector<16xf32>, vector<16xf32> -> vector<32xbf16>
      %broadcast_in_dim3A_902 = vector.broadcast %squeeze3A_841 : f32 to vector<16xf32>
      %pack3A_903 = tpu.pack_subelements %broadcast_in_dim3A_902, %broadcast_in_dim3A_902 {pack_format = #tpu.pack_format<interleaved>, positions = array<i32: 0, 1>} : vector<16xf32>, vector<16xf32> -> vector<32xbf16>
      %broadcast_in_dim3A_904 = vector.broadcast %squeeze3A_843 : f32 to vector<16xf32>
      %pack3A_905 = tpu.pack_subelements %broadcast_in_dim3A_904, %broadcast_in_dim3A_904 {pack_format = #tpu.pack_format<interleaved>, positions = array<i32: 0, 1>} : vector<16xf32>, vector<16xf32> -> vector<32xbf16>
      %broadcast_in_dim3A_906 = vector.broadcast %squeeze3A_845 : f32 to vector<16xf32>
      %pack3A_907 = tpu.pack_subelements %broadcast_in_dim3A_906, %broadcast_in_dim3A_906 {pack_format = #tpu.pack_format<interleaved>, positions = array<i32: 0, 1>} : vector<16xf32>, vector<16xf32> -> vector<32xbf16>
      %broadcast_in_dim3A_908 = vector.broadcast %squeeze3A_847 : f32 to vector<16xf32>
      %pack3A_909 = tpu.pack_subelements %broadcast_in_dim3A_908, %broadcast_in_dim3A_908 {pack_format = #tpu.pack_format<interleaved>, positions = array<i32: 0, 1>} : vector<16xf32>, vector<16xf32> -> vector<32xbf16>
      %broadcast_in_dim3A_910 = vector.broadcast %squeeze3A_849 : f32 to vector<16xf32>
      %pack3A_911 = tpu.pack_subelements %broadcast_in_dim3A_910, %broadcast_in_dim3A_910 {pack_format = #tpu.pack_format<interleaved>, positions = array<i32: 0, 1>} : vector<16xf32>, vector<16xf32> -> vector<32xbf16>
      %broadcast_in_dim3A_912 = vector.broadcast %squeeze3A_851 : f32 to vector<16xf32>
      %pack3A_913 = tpu.pack_subelements %broadcast_in_dim3A_912, %broadcast_in_dim3A_912 {pack_format = #tpu.pack_format<interleaved>, positions = array<i32: 0, 1>} : vector<16xf32>, vector<16xf32> -> vector<32xbf16>
      %broadcast_in_dim3A_914 = vector.broadcast %squeeze3A_853 : f32 to vector<16xf32>
      %pack3A_915 = tpu.pack_subelements %broadcast_in_dim3A_914, %broadcast_in_dim3A_914 {pack_format = #tpu.pack_format<interleaved>, positions = array<i32: 0, 1>} : vector<16xf32>, vector<16xf32> -> vector<32xbf16>
      %broadcast_in_dim3A_916 = vector.broadcast %squeeze3A_855 : f32 to vector<16xf32>
      %pack3A_917 = tpu.pack_subelements %broadcast_in_dim3A_916, %broadcast_in_dim3A_916 {pack_format = #tpu.pack_format<interleaved>, positions = array<i32: 0, 1>} : vector<16xf32>, vector<16xf32> -> vector<32xbf16>
      %broadcast_in_dim3A_918 = vector.broadcast %squeeze3A_857 : f32 to vector<16xf32>
      %pack3A_919 = tpu.pack_subelements %broadcast_in_dim3A_918, %broadcast_in_dim3A_918 {pack_format = #tpu.pack_format<interleaved>, positions = array<i32: 0, 1>} : vector<16xf32>, vector<16xf32> -> vector<32xbf16>
      %broadcast_in_dim3A_920 = vector.broadcast %squeeze3A_859 : f32 to vector<16xf32>
      %pack3A_921 = tpu.pack_subelements %broadcast_in_dim3A_920, %broadcast_in_dim3A_920 {pack_format = #tpu.pack_format<interleaved>, positions = array<i32: 0, 1>} : vector<16xf32>, vector<16xf32> -> vector<32xbf16>
      %broadcast_in_dim3A_922 = vector.broadcast %squeeze3A_861 : f32 to vector<16xf32>
      %pack3A_923 = tpu.pack_subelements %broadcast_in_dim3A_922, %broadcast_in_dim3A_922 {pack_format = #tpu.pack_format<interleaved>, positions = array<i32: 0, 1>} : vector<16xf32>, vector<16xf32> -> vector<32xbf16>
      %broadcast_in_dim3A_924 = vector.broadcast %squeeze3A_863 : f32 to vector<16xf32>
      %pack3A_925 = tpu.pack_subelements %broadcast_in_dim3A_924, %broadcast_in_dim3A_924 {pack_format = #tpu.pack_format<interleaved>, positions = array<i32: 0, 1>} : vector<16xf32>, vector<16xf32> -> vector<32xbf16>
      %broadcast_in_dim3A_926 = vector.broadcast %squeeze3A_865 : f32 to vector<16xf32>
      %pack3A_927 = tpu.pack_subelements %broadcast_in_dim3A_926, %broadcast_in_dim3A_926 {pack_format = #tpu.pack_format<interleaved>, positions = array<i32: 0, 1>} : vector<16xf32>, vector<16xf32> -> vector<32xbf16>
      %broadcast_in_dim3A_928 = vector.broadcast %squeeze3A_867 : f32 to vector<16xf32>
      %pack3A_929 = tpu.pack_subelements %broadcast_in_dim3A_928, %broadcast_in_dim3A_928 {pack_format = #tpu.pack_format<interleaved>, positions = array<i32: 0, 1>} : vector<16xf32>, vector<16xf32> -> vector<32xbf16>
      %broadcast_in_dim3A_930 = vector.broadcast %squeeze3A_869 : f32 to vector<16xf32>
      %pack3A_931 = tpu.pack_subelements %broadcast_in_dim3A_930, %broadcast_in_dim3A_930 {pack_format = #tpu.pack_format<interleaved>, positions = array<i32: 0, 1>} : vector<16xf32>, vector<16xf32> -> vector<32xbf16>
      %broadcast_in_dim3A_932 = vector.broadcast %squeeze3A_871 : f32 to vector<16xf32>
      %pack3A_933 = tpu.pack_subelements %broadcast_in_dim3A_932, %broadcast_in_dim3A_932 {pack_format = #tpu.pack_format<interleaved>, positions = array<i32: 0, 1>} : vector<16xf32>, vector<16xf32> -> vector<32xbf16>
      %broadcast_in_dim3A_934 = vector.broadcast %squeeze3A_873 : f32 to vector<16xf32>
      %pack3A_935 = tpu.pack_subelements %broadcast_in_dim3A_934, %broadcast_in_dim3A_934 {pack_format = #tpu.pack_format<interleaved>, positions = array<i32: 0, 1>} : vector<16xf32>, vector<16xf32> -> vector<32xbf16>
      %broadcast_in_dim3A_936 = vector.broadcast %squeeze3A_875 : f32 to vector<16xf32>
      %pack3A_937 = tpu.pack_subelements %broadcast_in_dim3A_936, %broadcast_in_dim3A_936 {pack_format = #tpu.pack_format<interleaved>, positions = array<i32: 0, 1>} : vector<16xf32>, vector<16xf32> -> vector<32xbf16>
      %broadcast_in_dim3A_938 = vector.broadcast %squeeze3A_877 : f32 to vector<16xf32>
      %pack3A_939 = tpu.pack_subelements %broadcast_in_dim3A_938, %broadcast_in_dim3A_938 {pack_format = #tpu.pack_format<interleaved>, positions = array<i32: 0, 1>} : vector<16xf32>, vector<16xf32> -> vector<32xbf16>
      %broadcast_in_dim3A_940 = vector.broadcast %squeeze3A_879 : f32 to vector<16xf32>
      %pack3A_941 = tpu.pack_subelements %broadcast_in_dim3A_940, %broadcast_in_dim3A_940 {pack_format = #tpu.pack_format<interleaved>, positions = array<i32: 0, 1>} : vector<16xf32>, vector<16xf32> -> vector<32xbf16>
      %broadcast_in_dim3A_942 = vector.broadcast %squeeze3A_881 : f32 to vector<16xf32>
      %pack3A_943 = tpu.pack_subelements %broadcast_in_dim3A_942, %broadcast_in_dim3A_942 {pack_format = #tpu.pack_format<interleaved>, positions = array<i32: 0, 1>} : vector<16xf32>, vector<16xf32> -> vector<32xbf16>
      %broadcast_in_dim3A_944 = vector.broadcast %squeeze3A_883 : f32 to vector<16xf32>
      %pack3A_945 = tpu.pack_subelements %broadcast_in_dim3A_944, %broadcast_in_dim3A_944 {pack_format = #tpu.pack_format<interleaved>, positions = array<i32: 0, 1>} : vector<16xf32>, vector<16xf32> -> vector<32xbf16>
      %broadcast_in_dim3A_946 = vector.broadcast %squeeze3A_885 : f32 to vector<16xf32>
      %pack3A_947 = tpu.pack_subelements %broadcast_in_dim3A_946, %broadcast_in_dim3A_946 {pack_format = #tpu.pack_format<interleaved>, positions = array<i32: 0, 1>} : vector<16xf32>, vector<16xf32> -> vector<32xbf16>
      %broadcast_in_dim3A_948 = vector.broadcast %squeeze3A_887 : f32 to vector<16xf32>
      %pack3A_949 = tpu.pack_subelements %broadcast_in_dim3A_948, %broadcast_in_dim3A_948 {pack_format = #tpu.pack_format<interleaved>, positions = array<i32: 0, 1>} : vector<16xf32>, vector<16xf32> -> vector<32xbf16>
      %broadcast_in_dim3A_950 = vector.broadcast %squeeze3A_889 : f32 to vector<16xf32>
      %pack3A_951 = tpu.pack_subelements %broadcast_in_dim3A_950, %broadcast_in_dim3A_950 {pack_format = #tpu.pack_format<interleaved>, positions = array<i32: 0, 1>} : vector<16xf32>, vector<16xf32> -> vector<32xbf16>
      %broadcast_in_dim3A_952 = vector.broadcast %squeeze3A_891 : f32 to vector<16xf32>
      %pack3A_953 = tpu.pack_subelements %broadcast_in_dim3A_952, %broadcast_in_dim3A_952 {pack_format = #tpu.pack_format<interleaved>, positions = array<i32: 0, 1>} : vector<16xf32>, vector<16xf32> -> vector<32xbf16>
      %broadcast_in_dim3A_954 = vector.broadcast %squeeze3A_893 : f32 to vector<16xf32>
      %pack3A_955 = tpu.pack_subelements %broadcast_in_dim3A_954, %broadcast_in_dim3A_954 {pack_format = #tpu.pack_format<interleaved>, positions = array<i32: 0, 1>} : vector<16xf32>, vector<16xf32> -> vector<32xbf16>
      %broadcast_in_dim3A_956 = arith.constant 0.000000e+00 : bf16
      %broadcast_in_dim3A_957 = vector.broadcast %broadcast_in_dim3A_956 : bf16 to vector<32xbf16>
      %broadcast_in_dim3A_958 = arith.constant 1.000000e+00 : bf16
      %broadcast_in_dim3A_959 = vector.broadcast %broadcast_in_dim3A_958 : bf16 to vector<32xbf16>
      %scan3A_960 = arith.constant 0 : i32
      %scan3A_961 = arith.constant 16 : i32
      %scan3A_962 = arith.addi %scan3A_960, %scan3A_961 : i32
      %scan3A_963 = arith.constant 1 : i32
      %scan3A_964 = scf.for %scan3A_1486 = %scan3A_960 to %scan3A_962 step %scan3A_963 iter_args(%scan3A_1487 = %broadcast_in_dim3A_957) -> (vector<32xbf16>)  : i32 {
        %mul3A_1488 = arith.constant 16 : i32
        %mul3A_1489 = arith.muli %scan3A_1486, %mul3A_1488 : i32
        %get3A_1490 = arith.index_cast %mul3A_1489 : i32 to index
        %get3A_1491 = tpu.vector_load %arg12[%get3A_1490] {strides = array<i32>} : memref<768xi32, #tpu.memory_space<vmem>>, vector<16xi32>,
        %bitcast3A = vector.bitcast %get3A_1491 : vector<16xi32> to vector<32xbf16>
        %get3A_1492 = arith.constant 0 : i32
        %get3A_1493 = arith.index_cast %get3A_1492 : i32 to index
        %get3A_1494 = arith.index_cast %mul3A_1489 : i32 to index
        %get3A_1495 = tpu.vector_load %arg14[%get3A_1493, %get3A_1494] {strides = array<i32>} : memref<64x256xi32, #tpu.memory_space<vmem>>, vector<16xi32>,
        %bitcast3A_1496 = vector.bitcast %get3A_1495 : vector<16xi32> to vector<32xbf16>
        %mul3A_1497 = arith.mulf %pack3A, %bitcast3A_1496 : vector<32xbf16>
        %add3A_1498 = arith.addf %bitcast3A, %mul3A_1497 : vector<32xbf16>
        %get3A_1499 = arith.constant 32 : i32
        %get3A_1500 = arith.index_cast %get3A_1499 : i32 to index
        %get3A_1501 = arith.index_cast %mul3A_1489 : i32 to index
        %get3A_1502 = tpu.vector_load %arg14[%get3A_1500, %get3A_1501] {strides = array<i32>} : memref<64x256xi32, #tpu.memory_space<vmem>>, vector<16xi32>,
        %bitcast3A_1503 = vector.bitcast %get3A_1502 : vector<16xi32> to vector<32xbf16>
        %mul3A_1504 = arith.mulf %pack3A, %bitcast3A_1503 : vector<32xbf16>
        %add3A_1505 = arith.addf %bitcast3A, %mul3A_1504 : vector<32xbf16>
        %get3A_1506 = arith.constant 1 : i32
        %get3A_1507 = arith.index_cast %get3A_1506 : i32 to index
        %get3A_1508 = arith.index_cast %mul3A_1489 : i32 to index
        %get3A_1509 = tpu.vector_load %arg14[%get3A_1507, %get3A_1508] {strides = array<i32>} : memref<64x256xi32, #tpu.memory_space<vmem>>, vector<16xi32>,
        %bitcast3A_1510 = vector.bitcast %get3A_1509 : vector<16xi32> to vector<32xbf16>
        %mul3A_1511 = arith.mulf %pack3A_895, %bitcast3A_1510 : vector<32xbf16>
        %add3A_1512 = arith.addf %add3A_1498, %mul3A_1511 : vector<32xbf16>
        %get3A_1513 = arith.constant 33 : i32
        %get3A_1514 = arith.index_cast %get3A_1513 : i32 to index
        %get3A_1515 = arith.index_cast %mul3A_1489 : i32 to index
        %get3A_1516 = tpu.vector_load %arg14[%get3A_1514, %get3A_1515] {strides = array<i32>} : memref<64x256xi32, #tpu.memory_space<vmem>>, vector<16xi32>,
        %bitcast3A_1517 = vector.bitcast %get3A_1516 : vector<16xi32> to vector<32xbf16>
        %mul3A_1518 = arith.mulf %pack3A_895, %bitcast3A_1517 : vector<32xbf16>
        %add3A_1519 = arith.addf %add3A_1505, %mul3A_1518 : vector<32xbf16>
        %get3A_1520 = arith.constant 2 : i32
        %get3A_1521 = arith.index_cast %get3A_1520 : i32 to index
        %get3A_1522 = arith.index_cast %mul3A_1489 : i32 to index
        %get3A_1523 = tpu.vector_load %arg14[%get3A_1521, %get3A_1522] {strides = array<i32>} : memref<64x256xi32, #tpu.memory_space<vmem>>, vector<16xi32>,
        %bitcast3A_1524 = vector.bitcast %get3A_1523 : vector<16xi32> to vector<32xbf16>
        %mul3A_1525 = arith.mulf %pack3A_897, %bitcast3A_1524 : vector<32xbf16>
        %add3A_1526 = arith.addf %add3A_1512, %mul3A_1525 : vector<32xbf16>
        %get3A_1527 = arith.constant 34 : i32
        %get3A_1528 = arith.index_cast %get3A_1527 : i32 to index
        %get3A_1529 = arith.index_cast %mul3A_1489 : i32 to index
        %get3A_1530 = tpu.vector_load %arg14[%get3A_1528, %get3A_1529] {strides = array<i32>} : memref<64x256xi32, #tpu.memory_space<vmem>>, vector<16xi32>,
        %bitcast3A_1531 = vector.bitcast %get3A_1530 : vector<16xi32> to vector<32xbf16>
        %mul3A_1532 = arith.mulf %pack3A_897, %bitcast3A_1531 : vector<32xbf16>
        %add3A_1533 = arith.addf %add3A_1519, %mul3A_1532 : vector<32xbf16>
        %get3A_1534 = arith.constant 3 : i32
        %get3A_1535 = arith.index_cast %get3A_1534 : i32 to index
        %get3A_1536 = arith.index_cast %mul3A_1489 : i32 to index
        %get3A_1537 = tpu.vector_load %arg14[%get3A_1535, %get3A_1536] {strides = array<i32>} : memref<64x256xi32, #tpu.memory_space<vmem>>, vector<16xi32>,
        %bitcast3A_1538 = vector.bitcast %get3A_1537 : vector<16xi32> to vector<32xbf16>
        %mul3A_1539 = arith.mulf %pack3A_899, %bitcast3A_1538 : vector<32xbf16>
        %add3A_1540 = arith.addf %add3A_1526, %mul3A_1539 : vector<32xbf16>
        %get3A_1541 = arith.constant 35 : i32
        %get3A_1542 = arith.index_cast %get3A_1541 : i32 to index
        %get3A_1543 = arith.index_cast %mul3A_1489 : i32 to index
        %get3A_1544 = tpu.vector_load %arg14[%get3A_1542, %get3A_1543] {strides = array<i32>} : memref<64x256xi32, #tpu.memory_space<vmem>>, vector<16xi32>,
        %bitcast3A_1545 = vector.bitcast %get3A_1544 : vector<16xi32> to vector<32xbf16>
        %mul3A_1546 = arith.mulf %pack3A_899, %bitcast3A_1545 : vector<32xbf16>
        %add3A_1547 = arith.addf %add3A_1533, %mul3A_1546 : vector<32xbf16>
        %get3A_1548 = arith.constant 4 : i32
        %get3A_1549 = arith.index_cast %get3A_1548 : i32 to index
        %get3A_1550 = arith.index_cast %mul3A_1489 : i32 to index
        %get3A_1551 = tpu.vector_load %arg14[%get3A_1549, %get3A_1550] {strides = array<i32>} : memref<64x256xi32, #tpu.memory_space<vmem>>, vector<16xi32>,
        %bitcast3A_1552 = vector.bitcast %get3A_1551 : vector<16xi32> to vector<32xbf16>
        %mul3A_1553 = arith.mulf %pack3A_901, %bitcast3A_1552 : vector<32xbf16>
        %add3A_1554 = arith.addf %add3A_1540, %mul3A_1553 : vector<32xbf16>
        %get3A_1555 = arith.constant 36 : i32
        %get3A_1556 = arith.index_cast %get3A_1555 : i32 to index
        %get3A_1557 = arith.index_cast %mul3A_1489 : i32 to index
        %get3A_1558 = tpu.vector_load %arg14[%get3A_1556, %get3A_1557] {strides = array<i32>} : memref<64x256xi32, #tpu.memory_space<vmem>>, vector<16xi32>,
        %bitcast3A_1559 = vector.bitcast %get3A_1558 : vector<16xi32> to vector<32xbf16>
        %mul3A_1560 = arith.mulf %pack3A_901, %bitcast3A_1559 : vector<32xbf16>
        %add3A_1561 = arith.addf %add3A_1547, %mul3A_1560 : vector<32xbf16>
        %get3A_1562 = arith.constant 5 : i32
        %get3A_1563 = arith.index_cast %get3A_1562 : i32 to index
        %get3A_1564 = arith.index_cast %mul3A_1489 : i32 to index
        %get3A_1565 = tpu.vector_load %arg14[%get3A_1563, %get3A_1564] {strides = array<i32>} : memref<64x256xi32, #tpu.memory_space<vmem>>, vector<16xi32>,
        %bitcast3A_1566 = vector.bitcast %get3A_1565 : vector<16xi32> to vector<32xbf16>
        %mul3A_1567 = arith.mulf %pack3A_903, %bitcast3A_1566 : vector<32xbf16>
        %add3A_1568 = arith.addf %add3A_1554, %mul3A_1567 : vector<32xbf16>
        %get3A_1569 = arith.constant 37 : i32
        %get3A_1570 = arith.index_cast %get3A_1569 : i32 to index
        %get3A_1571 = arith.index_cast %mul3A_1489 : i32 to index
        %get3A_1572 = tpu.vector_load %arg14[%get3A_1570, %get3A_1571] {strides = array<i32>} : memref<64x256xi32, #tpu.memory_space<vmem>>, vector<16xi32>,
        %bitcast3A_1573 = vector.bitcast %get3A_1572 : vector<16xi32> to vector<32xbf16>
        %mul3A_1574 = arith.mulf %pack3A_903, %bitcast3A_1573 : vector<32xbf16>
        %add3A_1575 = arith.addf %add3A_1561, %mul3A_1574 : vector<32xbf16>
        %get3A_1576 = arith.constant 6 : i32
        %get3A_1577 = arith.index_cast %get3A_1576 : i32 to index
        %get3A_1578 = arith.index_cast %mul3A_1489 : i32 to index
        %get3A_1579 = tpu.vector_load %arg14[%get3A_1577, %get3A_1578] {strides = array<i32>} : memref<64x256xi32, #tpu.memory_space<vmem>>, vector<16xi32>,
        %bitcast3A_1580 = vector.bitcast %get3A_1579 : vector<16xi32> to vector<32xbf16>
        %mul3A_1581 = arith.mulf %pack3A_905, %bitcast3A_1580 : vector<32xbf16>
        %add3A_1582 = arith.addf %add3A_1568, %mul3A_1581 : vector<32xbf16>
        %get3A_1583 = arith.constant 38 : i32
        %get3A_1584 = arith.index_cast %get3A_1583 : i32 to index
        %get3A_1585 = arith.index_cast %mul3A_1489 : i32 to index
        %get3A_1586 = tpu.vector_load %arg14[%get3A_1584, %get3A_1585] {strides = array<i32>} : memref<64x256xi32, #tpu.memory_space<vmem>>, vector<16xi32>,
        %bitcast3A_1587 = vector.bitcast %get3A_1586 : vector<16xi32> to vector<32xbf16>
        %mul3A_1588 = arith.mulf %pack3A_905, %bitcast3A_1587 : vector<32xbf16>
        %add3A_1589 = arith.addf %add3A_1575, %mul3A_1588 : vector<32xbf16>
        %get3A_1590 = arith.constant 7 : i32
        %get3A_1591 = arith.index_cast %get3A_1590 : i32 to index
        %get3A_1592 = arith.index_cast %mul3A_1489 : i32 to index
        %get3A_1593 = tpu.vector_load %arg14[%get3A_1591, %get3A_1592] {strides = array<i32>} : memref<64x256xi32, #tpu.memory_space<vmem>>, vector<16xi32>,
        %bitcast3A_1594 = vector.bitcast %get3A_1593 : vector<16xi32> to vector<32xbf16>
        %mul3A_1595 = arith.mulf %pack3A_907, %bitcast3A_1594 : vector<32xbf16>
        %add3A_1596 = arith.addf %add3A_1582, %mul3A_1595 : vector<32xbf16>
        %get3A_1597 = arith.constant 39 : i32
        %get3A_1598 = arith.index_cast %get3A_1597 : i32 to index
        %get3A_1599 = arith.index_cast %mul3A_1489 : i32 to index
        %get3A_1600 = tpu.vector_load %arg14[%get3A_1598, %get3A_1599] {strides = array<i32>} : memref<64x256xi32, #tpu.memory_space<vmem>>, vector<16xi32>,
        %bitcast3A_1601 = vector.bitcast %get3A_1600 : vector<16xi32> to vector<32xbf16>
        %mul3A_1602 = arith.mulf %pack3A_907, %bitcast3A_1601 : vector<32xbf16>
        %add3A_1603 = arith.addf %add3A_1589, %mul3A_1602 : vector<32xbf16>
        %get3A_1604 = arith.constant 8 : i32
        %get3A_1605 = arith.index_cast %get3A_1604 : i32 to index
        %get3A_1606 = arith.index_cast %mul3A_1489 : i32 to index
        %get3A_1607 = tpu.vector_load %arg14[%get3A_1605, %get3A_1606] {strides = array<i32>} : memref<64x256xi32, #tpu.memory_space<vmem>>, vector<16xi32>,
        %bitcast3A_1608 = vector.bitcast %get3A_1607 : vector<16xi32> to vector<32xbf16>
        %mul3A_1609 = arith.mulf %pack3A_909, %bitcast3A_1608 : vector<32xbf16>
        %add3A_1610 = arith.addf %add3A_1596, %mul3A_1609 : vector<32xbf16>
        %get3A_1611 = arith.constant 40 : i32
        %get3A_1612 = arith.index_cast %get3A_1611 : i32 to index
        %get3A_1613 = arith.index_cast %mul3A_1489 : i32 to index
        %get3A_1614 = tpu.vector_load %arg14[%get3A_1612, %get3A_1613] {strides = array<i32>} : memref<64x256xi32, #tpu.memory_space<vmem>>, vector<16xi32>,
        %bitcast3A_1615 = vector.bitcast %get3A_1614 : vector<16xi32> to vector<32xbf16>
        %mul3A_1616 = arith.mulf %pack3A_909, %bitcast3A_1615 : vector<32xbf16>
        %add3A_1617 = arith.addf %add3A_1603, %mul3A_1616 : vector<32xbf16>
        %get3A_1618 = arith.constant 9 : i32
        %get3A_1619 = arith.index_cast %get3A_1618 : i32 to index
        %get3A_1620 = arith.index_cast %mul3A_1489 : i32 to index
        %get3A_1621 = tpu.vector_load %arg14[%get3A_1619, %get3A_1620] {strides = array<i32>} : memref<64x256xi32, #tpu.memory_space<vmem>>, vector<16xi32>,
        %bitcast3A_1622 = vector.bitcast %get3A_1621 : vector<16xi32> to vector<32xbf16>
        %mul3A_1623 = arith.mulf %pack3A_911, %bitcast3A_1622 : vector<32xbf16>
        %add3A_1624 = arith.addf %add3A_1610, %mul3A_1623 : vector<32xbf16>
        %get3A_1625 = arith.constant 41 : i32
        %get3A_1626 = arith.index_cast %get3A_1625 : i32 to index
        %get3A_1627 = arith.index_cast %mul3A_1489 : i32 to index
        %get3A_1628 = tpu.vector_load %arg14[%get3A_1626, %get3A_1627] {strides = array<i32>} : memref<64x256xi32, #tpu.memory_space<vmem>>, vector<16xi32>,
        %bitcast3A_1629 = vector.bitcast %get3A_1628 : vector<16xi32> to vector<32xbf16>
        %mul3A_1630 = arith.mulf %pack3A_911, %bitcast3A_1629 : vector<32xbf16>
        %add3A_1631 = arith.addf %add3A_1617, %mul3A_1630 : vector<32xbf16>
        %get3A_1632 = arith.constant 10 : i32
        %get3A_1633 = arith.index_cast %get3A_1632 : i32 to index
        %get3A_1634 = arith.index_cast %mul3A_1489 : i32 to index
        %get3A_1635 = tpu.vector_load %arg14[%get3A_1633, %get3A_1634] {strides = array<i32>} : memref<64x256xi32, #tpu.memory_space<vmem>>, vector<16xi32>,
        %bitcast3A_1636 = vector.bitcast %get3A_1635 : vector<16xi32> to vector<32xbf16>
        %mul3A_1637 = arith.mulf %pack3A_913, %bitcast3A_1636 : vector<32xbf16>
        %add3A_1638 = arith.addf %add3A_1624, %mul3A_1637 : vector<32xbf16>
        %get3A_1639 = arith.constant 42 : i32
        %get3A_1640 = arith.index_cast %get3A_1639 : i32 to index
        %get3A_1641 = arith.index_cast %mul3A_1489 : i32 to index
        %get3A_1642 = tpu.vector_load %arg14[%get3A_1640, %get3A_1641] {strides = array<i32>} : memref<64x256xi32, #tpu.memory_space<vmem>>, vector<16xi32>,
        %bitcast3A_1643 = vector.bitcast %get3A_1642 : vector<16xi32> to vector<32xbf16>
        %mul3A_1644 = arith.mulf %pack3A_913, %bitcast3A_1643 : vector<32xbf16>
        %add3A_1645 = arith.addf %add3A_1631, %mul3A_1644 : vector<32xbf16>
        %get3A_1646 = arith.constant 11 : i32
        %get3A_1647 = arith.index_cast %get3A_1646 : i32 to index
        %get3A_1648 = arith.index_cast %mul3A_1489 : i32 to index
        %get3A_1649 = tpu.vector_load %arg14[%get3A_1647, %get3A_1648] {strides = array<i32>} : memref<64x256xi32, #tpu.memory_space<vmem>>, vector<16xi32>,
        %bitcast3A_1650 = vector.bitcast %get3A_1649 : vector<16xi32> to vector<32xbf16>
        %mul3A_1651 = arith.mulf %pack3A_915, %bitcast3A_1650 : vector<32xbf16>
        %add3A_1652 = arith.addf %add3A_1638, %mul3A_1651 : vector<32xbf16>
        %get3A_1653 = arith.constant 43 : i32
        %get3A_1654 = arith.index_cast %get3A_1653 : i32 to index
        %get3A_1655 = arith.index_cast %mul3A_1489 : i32 to index
        %get3A_1656 = tpu.vector_load %arg14[%get3A_1654, %get3A_1655] {strides = array<i32>} : memref<64x256xi32, #tpu.memory_space<vmem>>, vector<16xi32>,
        %bitcast3A_1657 = vector.bitcast %get3A_1656 : vector<16xi32> to vector<32xbf16>
        %mul3A_1658 = arith.mulf %pack3A_915, %bitcast3A_1657 : vector<32xbf16>
        %add3A_1659 = arith.addf %add3A_1645, %mul3A_1658 : vector<32xbf16>
        %get3A_1660 = arith.constant 12 : i32
        %get3A_1661 = arith.index_cast %get3A_1660 : i32 to index
        %get3A_1662 = arith.index_cast %mul3A_1489 : i32 to index
        %get3A_1663 = tpu.vector_load %arg14[%get3A_1661, %get3A_1662] {strides = array<i32>} : memref<64x256xi32, #tpu.memory_space<vmem>>, vector<16xi32>,
        %bitcast3A_1664 = vector.bitcast %get3A_1663 : vector<16xi32> to vector<32xbf16>
        %mul3A_1665 = arith.mulf %pack3A_917, %bitcast3A_1664 : vector<32xbf16>
        %add3A_1666 = arith.addf %add3A_1652, %mul3A_1665 : vector<32xbf16>
        %get3A_1667 = arith.constant 44 : i32
        %get3A_1668 = arith.index_cast %get3A_1667 : i32 to index
        %get3A_1669 = arith.index_cast %mul3A_1489 : i32 to index
        %get3A_1670 = tpu.vector_load %arg14[%get3A_1668, %get3A_1669] {strides = array<i32>} : memref<64x256xi32, #tpu.memory_space<vmem>>, vector<16xi32>,
        %bitcast3A_1671 = vector.bitcast %get3A_1670 : vector<16xi32> to vector<32xbf16>
        %mul3A_1672 = arith.mulf %pack3A_917, %bitcast3A_1671 : vector<32xbf16>
        %add3A_1673 = arith.addf %add3A_1659, %mul3A_1672 : vector<32xbf16>
        %get3A_1674 = arith.constant 13 : i32
        %get3A_1675 = arith.index_cast %get3A_1674 : i32 to index
        %get3A_1676 = arith.index_cast %mul3A_1489 : i32 to index
        %get3A_1677 = tpu.vector_load %arg14[%get3A_1675, %get3A_1676] {strides = array<i32>} : memref<64x256xi32, #tpu.memory_space<vmem>>, vector<16xi32>,
        %bitcast3A_1678 = vector.bitcast %get3A_1677 : vector<16xi32> to vector<32xbf16>
        %mul3A_1679 = arith.mulf %pack3A_919, %bitcast3A_1678 : vector<32xbf16>
        %add3A_1680 = arith.addf %add3A_1666, %mul3A_1679 : vector<32xbf16>
        %get3A_1681 = arith.constant 45 : i32
        %get3A_1682 = arith.index_cast %get3A_1681 : i32 to index
        %get3A_1683 = arith.index_cast %mul3A_1489 : i32 to index
        %get3A_1684 = tpu.vector_load %arg14[%get3A_1682, %get3A_1683] {strides = array<i32>} : memref<64x256xi32, #tpu.memory_space<vmem>>, vector<16xi32>,
        %bitcast3A_1685 = vector.bitcast %get3A_1684 : vector<16xi32> to vector<32xbf16>
        %mul3A_1686 = arith.mulf %pack3A_919, %bitcast3A_1685 : vector<32xbf16>
        %add3A_1687 = arith.addf %add3A_1673, %mul3A_1686 : vector<32xbf16>
        %get3A_1688 = arith.constant 14 : i32
        %get3A_1689 = arith.index_cast %get3A_1688 : i32 to index
        %get3A_1690 = arith.index_cast %mul3A_1489 : i32 to index
        %get3A_1691 = tpu.vector_load %arg14[%get3A_1689, %get3A_1690] {strides = array<i32>} : memref<64x256xi32, #tpu.memory_space<vmem>>, vector<16xi32>,
        %bitcast3A_1692 = vector.bitcast %get3A_1691 : vector<16xi32> to vector<32xbf16>
        %mul3A_1693 = arith.mulf %pack3A_921, %bitcast3A_1692 : vector<32xbf16>
        %add3A_1694 = arith.addf %add3A_1680, %mul3A_1693 : vector<32xbf16>
        %get3A_1695 = arith.constant 46 : i32
        %get3A_1696 = arith.index_cast %get3A_1695 : i32 to index
        %get3A_1697 = arith.index_cast %mul3A_1489 : i32 to index
        %get3A_1698 = tpu.vector_load %arg14[%get3A_1696, %get3A_1697] {strides = array<i32>} : memref<64x256xi32, #tpu.memory_space<vmem>>, vector<16xi32>,
        %bitcast3A_1699 = vector.bitcast %get3A_1698 : vector<16xi32> to vector<32xbf16>
        %mul3A_1700 = arith.mulf %pack3A_921, %bitcast3A_1699 : vector<32xbf16>
        %add3A_1701 = arith.addf %add3A_1687, %mul3A_1700 : vector<32xbf16>
        %get3A_1702 = arith.constant 15 : i32
        %get3A_1703 = arith.index_cast %get3A_1702 : i32 to index
        %get3A_1704 = arith.index_cast %mul3A_1489 : i32 to index
        %get3A_1705 = tpu.vector_load %arg14[%get3A_1703, %get3A_1704] {strides = array<i32>} : memref<64x256xi32, #tpu.memory_space<vmem>>, vector<16xi32>,
        %bitcast3A_1706 = vector.bitcast %get3A_1705 : vector<16xi32> to vector<32xbf16>
        %mul3A_1707 = arith.mulf %pack3A_923, %bitcast3A_1706 : vector<32xbf16>
        %add3A_1708 = arith.addf %add3A_1694, %mul3A_1707 : vector<32xbf16>
        %get3A_1709 = arith.constant 47 : i32
        %get3A_1710 = arith.index_cast %get3A_1709 : i32 to index
        %get3A_1711 = arith.index_cast %mul3A_1489 : i32 to index
        %get3A_1712 = tpu.vector_load %arg14[%get3A_1710, %get3A_1711] {strides = array<i32>} : memref<64x256xi32, #tpu.memory_space<vmem>>, vector<16xi32>,
        %bitcast3A_1713 = vector.bitcast %get3A_1712 : vector<16xi32> to vector<32xbf16>
        %mul3A_1714 = arith.mulf %pack3A_923, %bitcast3A_1713 : vector<32xbf16>
        %add3A_1715 = arith.addf %add3A_1701, %mul3A_1714 : vector<32xbf16>
        %get3A_1716 = arith.constant 16 : i32
        %get3A_1717 = arith.index_cast %get3A_1716 : i32 to index
        %get3A_1718 = arith.index_cast %mul3A_1489 : i32 to index
        %get3A_1719 = tpu.vector_load %arg14[%get3A_1717, %get3A_1718] {strides = array<i32>} : memref<64x256xi32, #tpu.memory_space<vmem>>, vector<16xi32>,
        %bitcast3A_1720 = vector.bitcast %get3A_1719 : vector<16xi32> to vector<32xbf16>
        %mul3A_1721 = arith.mulf %pack3A_925, %bitcast3A_1720 : vector<32xbf16>
        %add3A_1722 = arith.addf %add3A_1708, %mul3A_1721 : vector<32xbf16>
        %get3A_1723 = arith.constant 48 : i32
        %get3A_1724 = arith.index_cast %get3A_1723 : i32 to index
        %get3A_1725 = arith.index_cast %mul3A_1489 : i32 to index
        %get3A_1726 = tpu.vector_load %arg14[%get3A_1724, %get3A_1725] {strides = array<i32>} : memref<64x256xi32, #tpu.memory_space<vmem>>, vector<16xi32>,
        %bitcast3A_1727 = vector.bitcast %get3A_1726 : vector<16xi32> to vector<32xbf16>
        %mul3A_1728 = arith.mulf %pack3A_925, %bitcast3A_1727 : vector<32xbf16>
        %add3A_1729 = arith.addf %add3A_1715, %mul3A_1728 : vector<32xbf16>
        %get3A_1730 = arith.constant 17 : i32
        %get3A_1731 = arith.index_cast %get3A_1730 : i32 to index
        %get3A_1732 = arith.index_cast %mul3A_1489 : i32 to index
        %get3A_1733 = tpu.vector_load %arg14[%get3A_1731, %get3A_1732] {strides = array<i32>} : memref<64x256xi32, #tpu.memory_space<vmem>>, vector<16xi32>,
        %bitcast3A_1734 = vector.bitcast %get3A_1733 : vector<16xi32> to vector<32xbf16>
        %mul3A_1735 = arith.mulf %pack3A_927, %bitcast3A_1734 : vector<32xbf16>
        %add3A_1736 = arith.addf %add3A_1722, %mul3A_1735 : vector<32xbf16>
        %get3A_1737 = arith.constant 49 : i32
        %get3A_1738 = arith.index_cast %get3A_1737 : i32 to index
        %get3A_1739 = arith.index_cast %mul3A_1489 : i32 to index
        %get3A_1740 = tpu.vector_load %arg14[%get3A_1738, %get3A_1739] {strides = array<i32>} : memref<64x256xi32, #tpu.memory_space<vmem>>, vector<16xi32>,
        %bitcast3A_1741 = vector.bitcast %get3A_1740 : vector<16xi32> to vector<32xbf16>
        %mul3A_1742 = arith.mulf %pack3A_927, %bitcast3A_1741 : vector<32xbf16>
        %add3A_1743 = arith.addf %add3A_1729, %mul3A_1742 : vector<32xbf16>
        %get3A_1744 = arith.constant 18 : i32
        %get3A_1745 = arith.index_cast %get3A_1744 : i32 to index
        %get3A_1746 = arith.index_cast %mul3A_1489 : i32 to index
        %get3A_1747 = tpu.vector_load %arg14[%get3A_1745, %get3A_1746] {strides = array<i32>} : memref<64x256xi32, #tpu.memory_space<vmem>>, vector<16xi32>,
        %bitcast3A_1748 = vector.bitcast %get3A_1747 : vector<16xi32> to vector<32xbf16>
        %mul3A_1749 = arith.mulf %pack3A_929, %bitcast3A_1748 : vector<32xbf16>
        %add3A_1750 = arith.addf %add3A_1736, %mul3A_1749 : vector<32xbf16>
        %get3A_1751 = arith.constant 50 : i32
        %get3A_1752 = arith.index_cast %get3A_1751 : i32 to index
        %get3A_1753 = arith.index_cast %mul3A_1489 : i32 to index
        %get3A_1754 = tpu.vector_load %arg14[%get3A_1752, %get3A_1753] {strides = array<i32>} : memref<64x256xi32, #tpu.memory_space<vmem>>, vector<16xi32>,
        %bitcast3A_1755 = vector.bitcast %get3A_1754 : vector<16xi32> to vector<32xbf16>
        %mul3A_1756 = arith.mulf %pack3A_929, %bitcast3A_1755 : vector<32xbf16>
        %add3A_1757 = arith.addf %add3A_1743, %mul3A_1756 : vector<32xbf16>
        %get3A_1758 = arith.constant 19 : i32
        %get3A_1759 = arith.index_cast %get3A_1758 : i32 to index
        %get3A_1760 = arith.index_cast %mul3A_1489 : i32 to index
        %get3A_1761 = tpu.vector_load %arg14[%get3A_1759, %get3A_1760] {strides = array<i32>} : memref<64x256xi32, #tpu.memory_space<vmem>>, vector<16xi32>,
        %bitcast3A_1762 = vector.bitcast %get3A_1761 : vector<16xi32> to vector<32xbf16>
        %mul3A_1763 = arith.mulf %pack3A_931, %bitcast3A_1762 : vector<32xbf16>
        %add3A_1764 = arith.addf %add3A_1750, %mul3A_1763 : vector<32xbf16>
        %get3A_1765 = arith.constant 51 : i32
        %get3A_1766 = arith.index_cast %get3A_1765 : i32 to index
        %get3A_1767 = arith.index_cast %mul3A_1489 : i32 to index
        %get3A_1768 = tpu.vector_load %arg14[%get3A_1766, %get3A_1767] {strides = array<i32>} : memref<64x256xi32, #tpu.memory_space<vmem>>, vector<16xi32>,
        %bitcast3A_1769 = vector.bitcast %get3A_1768 : vector<16xi32> to vector<32xbf16>
        %mul3A_1770 = arith.mulf %pack3A_931, %bitcast3A_1769 : vector<32xbf16>
        %add3A_1771 = arith.addf %add3A_1757, %mul3A_1770 : vector<32xbf16>
        %get3A_1772 = arith.constant 20 : i32
        %get3A_1773 = arith.index_cast %get3A_1772 : i32 to index
        %get3A_1774 = arith.index_cast %mul3A_1489 : i32 to index
        %get3A_1775 = tpu.vector_load %arg14[%get3A_1773, %get3A_1774] {strides = array<i32>} : memref<64x256xi32, #tpu.memory_space<vmem>>, vector<16xi32>,
        %bitcast3A_1776 = vector.bitcast %get3A_1775 : vector<16xi32> to vector<32xbf16>
        %mul3A_1777 = arith.mulf %pack3A_933, %bitcast3A_1776 : vector<32xbf16>
        %add3A_1778 = arith.addf %add3A_1764, %mul3A_1777 : vector<32xbf16>
        %get3A_1779 = arith.constant 52 : i32
        %get3A_1780 = arith.index_cast %get3A_1779 : i32 to index
        %get3A_1781 = arith.index_cast %mul3A_1489 : i32 to index
        %get3A_1782 = tpu.vector_load %arg14[%get3A_1780, %get3A_1781] {strides = array<i32>} : memref<64x256xi32, #tpu.memory_space<vmem>>, vector<16xi32>,
        %bitcast3A_1783 = vector.bitcast %get3A_1782 : vector<16xi32> to vector<32xbf16>
        %mul3A_1784 = arith.mulf %pack3A_933, %bitcast3A_1783 : vector<32xbf16>
        %add3A_1785 = arith.addf %add3A_1771, %mul3A_1784 : vector<32xbf16>
        %get3A_1786 = arith.constant 21 : i32
        %get3A_1787 = arith.index_cast %get3A_1786 : i32 to index
        %get3A_1788 = arith.index_cast %mul3A_1489 : i32 to index
        %get3A_1789 = tpu.vector_load %arg14[%get3A_1787, %get3A_1788] {strides = array<i32>} : memref<64x256xi32, #tpu.memory_space<vmem>>, vector<16xi32>,
        %bitcast3A_1790 = vector.bitcast %get3A_1789 : vector<16xi32> to vector<32xbf16>
        %mul3A_1791 = arith.mulf %pack3A_935, %bitcast3A_1790 : vector<32xbf16>
        %add3A_1792 = arith.addf %add3A_1778, %mul3A_1791 : vector<32xbf16>
        %get3A_1793 = arith.constant 53 : i32
        %get3A_1794 = arith.index_cast %get3A_1793 : i32 to index
        %get3A_1795 = arith.index_cast %mul3A_1489 : i32 to index
        %get3A_1796 = tpu.vector_load %arg14[%get3A_1794, %get3A_1795] {strides = array<i32>} : memref<64x256xi32, #tpu.memory_space<vmem>>, vector<16xi32>,
        %bitcast3A_1797 = vector.bitcast %get3A_1796 : vector<16xi32> to vector<32xbf16>
        %mul3A_1798 = arith.mulf %pack3A_935, %bitcast3A_1797 : vector<32xbf16>
        %add3A_1799 = arith.addf %add3A_1785, %mul3A_1798 : vector<32xbf16>
        %get3A_1800 = arith.constant 22 : i32
        %get3A_1801 = arith.index_cast %get3A_1800 : i32 to index
        %get3A_1802 = arith.index_cast %mul3A_1489 : i32 to index
        %get3A_1803 = tpu.vector_load %arg14[%get3A_1801, %get3A_1802] {strides = array<i32>} : memref<64x256xi32, #tpu.memory_space<vmem>>, vector<16xi32>,
        %bitcast3A_1804 = vector.bitcast %get3A_1803 : vector<16xi32> to vector<32xbf16>
        %mul3A_1805 = arith.mulf %pack3A_937, %bitcast3A_1804 : vector<32xbf16>
        %add3A_1806 = arith.addf %add3A_1792, %mul3A_1805 : vector<32xbf16>
        %get3A_1807 = arith.constant 54 : i32
        %get3A_1808 = arith.index_cast %get3A_1807 : i32 to index
        %get3A_1809 = arith.index_cast %mul3A_1489 : i32 to index
        %get3A_1810 = tpu.vector_load %arg14[%get3A_1808, %get3A_1809] {strides = array<i32>} : memref<64x256xi32, #tpu.memory_space<vmem>>, vector<16xi32>,
        %bitcast3A_1811 = vector.bitcast %get3A_1810 : vector<16xi32> to vector<32xbf16>
        %mul3A_1812 = arith.mulf %pack3A_937, %bitcast3A_1811 : vector<32xbf16>
        %add3A_1813 = arith.addf %add3A_1799, %mul3A_1812 : vector<32xbf16>
        %get3A_1814 = arith.constant 23 : i32
        %get3A_1815 = arith.index_cast %get3A_1814 : i32 to index
        %get3A_1816 = arith.index_cast %mul3A_1489 : i32 to index
        %get3A_1817 = tpu.vector_load %arg14[%get3A_1815, %get3A_1816] {strides = array<i32>} : memref<64x256xi32, #tpu.memory_space<vmem>>, vector<16xi32>,
        %bitcast3A_1818 = vector.bitcast %get3A_1817 : vector<16xi32> to vector<32xbf16>
        %mul3A_1819 = arith.mulf %pack3A_939, %bitcast3A_1818 : vector<32xbf16>
        %add3A_1820 = arith.addf %add3A_1806, %mul3A_1819 : vector<32xbf16>
        %get3A_1821 = arith.constant 55 : i32
        %get3A_1822 = arith.index_cast %get3A_1821 : i32 to index
        %get3A_1823 = arith.index_cast %mul3A_1489 : i32 to index
        %get3A_1824 = tpu.vector_load %arg14[%get3A_1822, %get3A_1823] {strides = array<i32>} : memref<64x256xi32, #tpu.memory_space<vmem>>, vector<16xi32>,
        %bitcast3A_1825 = vector.bitcast %get3A_1824 : vector<16xi32> to vector<32xbf16>
        %mul3A_1826 = arith.mulf %pack3A_939, %bitcast3A_1825 : vector<32xbf16>
        %add3A_1827 = arith.addf %add3A_1813, %mul3A_1826 : vector<32xbf16>
        %get3A_1828 = arith.constant 24 : i32
        %get3A_1829 = arith.index_cast %get3A_1828 : i32 to index
        %get3A_1830 = arith.index_cast %mul3A_1489 : i32 to index
        %get3A_1831 = tpu.vector_load %arg14[%get3A_1829, %get3A_1830] {strides = array<i32>} : memref<64x256xi32, #tpu.memory_space<vmem>>, vector<16xi32>,
        %bitcast3A_1832 = vector.bitcast %get3A_1831 : vector<16xi32> to vector<32xbf16>
        %mul3A_1833 = arith.mulf %pack3A_941, %bitcast3A_1832 : vector<32xbf16>
        %add3A_1834 = arith.addf %add3A_1820, %mul3A_1833 : vector<32xbf16>
        %get3A_1835 = arith.constant 56 : i32
        %get3A_1836 = arith.index_cast %get3A_1835 : i32 to index
        %get3A_1837 = arith.index_cast %mul3A_1489 : i32 to index
        %get3A_1838 = tpu.vector_load %arg14[%get3A_1836, %get3A_1837] {strides = array<i32>} : memref<64x256xi32, #tpu.memory_space<vmem>>, vector<16xi32>,
        %bitcast3A_1839 = vector.bitcast %get3A_1838 : vector<16xi32> to vector<32xbf16>
        %mul3A_1840 = arith.mulf %pack3A_941, %bitcast3A_1839 : vector<32xbf16>
        %add3A_1841 = arith.addf %add3A_1827, %mul3A_1840 : vector<32xbf16>
        %get3A_1842 = arith.constant 25 : i32
        %get3A_1843 = arith.index_cast %get3A_1842 : i32 to index
        %get3A_1844 = arith.index_cast %mul3A_1489 : i32 to index
        %get3A_1845 = tpu.vector_load %arg14[%get3A_1843, %get3A_1844] {strides = array<i32>} : memref<64x256xi32, #tpu.memory_space<vmem>>, vector<16xi32>,
        %bitcast3A_1846 = vector.bitcast %get3A_1845 : vector<16xi32> to vector<32xbf16>
        %mul3A_1847 = arith.mulf %pack3A_943, %bitcast3A_1846 : vector<32xbf16>
        %add3A_1848 = arith.addf %add3A_1834, %mul3A_1847 : vector<32xbf16>
        %get3A_1849 = arith.constant 57 : i32
        %get3A_1850 = arith.index_cast %get3A_1849 : i32 to index
        %get3A_1851 = arith.index_cast %mul3A_1489 : i32 to index
        %get3A_1852 = tpu.vector_load %arg14[%get3A_1850, %get3A_1851] {strides = array<i32>} : memref<64x256xi32, #tpu.memory_space<vmem>>, vector<16xi32>,
        %bitcast3A_1853 = vector.bitcast %get3A_1852 : vector<16xi32> to vector<32xbf16>
        %mul3A_1854 = arith.mulf %pack3A_943, %bitcast3A_1853 : vector<32xbf16>
        %add3A_1855 = arith.addf %add3A_1841, %mul3A_1854 : vector<32xbf16>
        %get3A_1856 = arith.constant 26 : i32
        %get3A_1857 = arith.index_cast %get3A_1856 : i32 to index
        %get3A_1858 = arith.index_cast %mul3A_1489 : i32 to index
        %get3A_1859 = tpu.vector_load %arg14[%get3A_1857, %get3A_1858] {strides = array<i32>} : memref<64x256xi32, #tpu.memory_space<vmem>>, vector<16xi32>,
        %bitcast3A_1860 = vector.bitcast %get3A_1859 : vector<16xi32> to vector<32xbf16>
        %mul3A_1861 = arith.mulf %pack3A_945, %bitcast3A_1860 : vector<32xbf16>
        %add3A_1862 = arith.addf %add3A_1848, %mul3A_1861 : vector<32xbf16>
        %get3A_1863 = arith.constant 58 : i32
        %get3A_1864 = arith.index_cast %get3A_1863 : i32 to index
        %get3A_1865 = arith.index_cast %mul3A_1489 : i32 to index
        %get3A_1866 = tpu.vector_load %arg14[%get3A_1864, %get3A_1865] {strides = array<i32>} : memref<64x256xi32, #tpu.memory_space<vmem>>, vector<16xi32>,
        %bitcast3A_1867 = vector.bitcast %get3A_1866 : vector<16xi32> to vector<32xbf16>
        %mul3A_1868 = arith.mulf %pack3A_945, %bitcast3A_1867 : vector<32xbf16>
        %add3A_1869 = arith.addf %add3A_1855, %mul3A_1868 : vector<32xbf16>
        %get3A_1870 = arith.constant 27 : i32
        %get3A_1871 = arith.index_cast %get3A_1870 : i32 to index
        %get3A_1872 = arith.index_cast %mul3A_1489 : i32 to index
        %get3A_1873 = tpu.vector_load %arg14[%get3A_1871, %get3A_1872] {strides = array<i32>} : memref<64x256xi32, #tpu.memory_space<vmem>>, vector<16xi32>,
        %bitcast3A_1874 = vector.bitcast %get3A_1873 : vector<16xi32> to vector<32xbf16>
        %mul3A_1875 = arith.mulf %pack3A_947, %bitcast3A_1874 : vector<32xbf16>
        %add3A_1876 = arith.addf %add3A_1862, %mul3A_1875 : vector<32xbf16>
        %get3A_1877 = arith.constant 59 : i32
        %get3A_1878 = arith.index_cast %get3A_1877 : i32 to index
        %get3A_1879 = arith.index_cast %mul3A_1489 : i32 to index
        %get3A_1880 = tpu.vector_load %arg14[%get3A_1878, %get3A_1879] {strides = array<i32>} : memref<64x256xi32, #tpu.memory_space<vmem>>, vector<16xi32>,
        %bitcast3A_1881 = vector.bitcast %get3A_1880 : vector<16xi32> to vector<32xbf16>
        %mul3A_1882 = arith.mulf %pack3A_947, %bitcast3A_1881 : vector<32xbf16>
        %add3A_1883 = arith.addf %add3A_1869, %mul3A_1882 : vector<32xbf16>
        %get3A_1884 = arith.constant 28 : i32
        %get3A_1885 = arith.index_cast %get3A_1884 : i32 to index
        %get3A_1886 = arith.index_cast %mul3A_1489 : i32 to index
        %get3A_1887 = tpu.vector_load %arg14[%get3A_1885, %get3A_1886] {strides = array<i32>} : memref<64x256xi32, #tpu.memory_space<vmem>>, vector<16xi32>,
        %bitcast3A_1888 = vector.bitcast %get3A_1887 : vector<16xi32> to vector<32xbf16>
        %mul3A_1889 = arith.mulf %pack3A_949, %bitcast3A_1888 : vector<32xbf16>
        %add3A_1890 = arith.addf %add3A_1876, %mul3A_1889 : vector<32xbf16>
        %get3A_1891 = arith.constant 60 : i32
        %get3A_1892 = arith.index_cast %get3A_1891 : i32 to index
        %get3A_1893 = arith.index_cast %mul3A_1489 : i32 to index
        %get3A_1894 = tpu.vector_load %arg14[%get3A_1892, %get3A_1893] {strides = array<i32>} : memref<64x256xi32, #tpu.memory_space<vmem>>, vector<16xi32>,
        %bitcast3A_1895 = vector.bitcast %get3A_1894 : vector<16xi32> to vector<32xbf16>
        %mul3A_1896 = arith.mulf %pack3A_949, %bitcast3A_1895 : vector<32xbf16>
        %add3A_1897 = arith.addf %add3A_1883, %mul3A_1896 : vector<32xbf16>
        %get3A_1898 = arith.constant 29 : i32
        %get3A_1899 = arith.index_cast %get3A_1898 : i32 to index
        %get3A_1900 = arith.index_cast %mul3A_1489 : i32 to index
        %get3A_1901 = tpu.vector_load %arg14[%get3A_1899, %get3A_1900] {strides = array<i32>} : memref<64x256xi32, #tpu.memory_space<vmem>>, vector<16xi32>,
        %bitcast3A_1902 = vector.bitcast %get3A_1901 : vector<16xi32> to vector<32xbf16>
        %mul3A_1903 = arith.mulf %pack3A_951, %bitcast3A_1902 : vector<32xbf16>
        %add3A_1904 = arith.addf %add3A_1890, %mul3A_1903 : vector<32xbf16>
        %get3A_1905 = arith.constant 61 : i32
        %get3A_1906 = arith.index_cast %get3A_1905 : i32 to index
        %get3A_1907 = arith.index_cast %mul3A_1489 : i32 to index
        %get3A_1908 = tpu.vector_load %arg14[%get3A_1906, %get3A_1907] {strides = array<i32>} : memref<64x256xi32, #tpu.memory_space<vmem>>, vector<16xi32>,
        %bitcast3A_1909 = vector.bitcast %get3A_1908 : vector<16xi32> to vector<32xbf16>
        %mul3A_1910 = arith.mulf %pack3A_951, %bitcast3A_1909 : vector<32xbf16>
        %add3A_1911 = arith.addf %add3A_1897, %mul3A_1910 : vector<32xbf16>
        %get3A_1912 = arith.constant 30 : i32
        %get3A_1913 = arith.index_cast %get3A_1912 : i32 to index
        %get3A_1914 = arith.index_cast %mul3A_1489 : i32 to index
        %get3A_1915 = tpu.vector_load %arg14[%get3A_1913, %get3A_1914] {strides = array<i32>} : memref<64x256xi32, #tpu.memory_space<vmem>>, vector<16xi32>,
        %bitcast3A_1916 = vector.bitcast %get3A_1915 : vector<16xi32> to vector<32xbf16>
        %mul3A_1917 = arith.mulf %pack3A_953, %bitcast3A_1916 : vector<32xbf16>
        %add3A_1918 = arith.addf %add3A_1904, %mul3A_1917 : vector<32xbf16>
        %get3A_1919 = arith.constant 62 : i32
        %get3A_1920 = arith.index_cast %get3A_1919 : i32 to index
        %get3A_1921 = arith.index_cast %mul3A_1489 : i32 to index
        %get3A_1922 = tpu.vector_load %arg14[%get3A_1920, %get3A_1921] {strides = array<i32>} : memref<64x256xi32, #tpu.memory_space<vmem>>, vector<16xi32>,
        %bitcast3A_1923 = vector.bitcast %get3A_1922 : vector<16xi32> to vector<32xbf16>
        %mul3A_1924 = arith.mulf %pack3A_953, %bitcast3A_1923 : vector<32xbf16>
        %add3A_1925 = arith.addf %add3A_1911, %mul3A_1924 : vector<32xbf16>
        %get3A_1926 = arith.constant 31 : i32
        %get3A_1927 = arith.index_cast %get3A_1926 : i32 to index
        %get3A_1928 = arith.index_cast %mul3A_1489 : i32 to index
        %get3A_1929 = tpu.vector_load %arg14[%get3A_1927, %get3A_1928] {strides = array<i32>} : memref<64x256xi32, #tpu.memory_space<vmem>>, vector<16xi32>,
        %bitcast3A_1930 = vector.bitcast %get3A_1929 : vector<16xi32> to vector<32xbf16>
        %mul3A_1931 = arith.mulf %pack3A_955, %bitcast3A_1930 : vector<32xbf16>
        %add3A_1932 = arith.addf %add3A_1918, %mul3A_1931 : vector<32xbf16>
        %get3A_1933 = arith.constant 63 : i32
        %get3A_1934 = arith.index_cast %get3A_1933 : i32 to index
        %get3A_1935 = arith.index_cast %mul3A_1489 : i32 to index
        %get3A_1936 = tpu.vector_load %arg14[%get3A_1934, %get3A_1935] {strides = array<i32>} : memref<64x256xi32, #tpu.memory_space<vmem>>, vector<16xi32>,
        %bitcast3A_1937 = vector.bitcast %get3A_1936 : vector<16xi32> to vector<32xbf16>
        %mul3A_1938 = arith.mulf %pack3A_955, %bitcast3A_1937 : vector<32xbf16>
        %add3A_1939 = arith.addf %add3A_1925, %mul3A_1938 : vector<32xbf16>
        %max3A = arith.maximumf %add3A_1932, %broadcast_in_dim3A_957 : vector<32xbf16>
        %min3A = arith.minimumf %max3A, %broadcast_in_dim3A_959 : vector<32xbf16>
        %max3A_1940 = arith.maximumf %add3A_1939, %broadcast_in_dim3A_957 : vector<32xbf16>
        %min3A_1941 = arith.minimumf %max3A_1940, %broadcast_in_dim3A_959 : vector<32xbf16>
        %add3A_1942 = arith.constant 256 : i32
        %add3A_1943 = arith.addi %add3A_1942, %mul3A_1489 : i32
        %get3A_1944 = arith.index_cast %add3A_1943 : i32 to index
        %get3A_1945 = tpu.vector_load %arg12[%get3A_1944] {strides = array<i32>} : memref<768xi32, #tpu.memory_space<vmem>>, vector<16xi32>,
        %bitcast3A_1946 = vector.bitcast %get3A_1945 : vector<16xi32> to vector<32xbf16>
        %mul3A_1947 = arith.mulf %min3A, %bitcast3A_1946 : vector<32xbf16>
        %add3A_1948 = arith.addf %scan3A_1487, %mul3A_1947 : vector<32xbf16>
        %add3A_1949 = arith.constant 512 : i32
        %add3A_1950 = arith.addi %add3A_1949, %mul3A_1489 : i32
        %get3A_1951 = arith.index_cast %add3A_1950 : i32 to index
        %get3A_1952 = tpu.vector_load %arg12[%get3A_1951] {strides = array<i32>} : memref<768xi32, #tpu.memory_space<vmem>>, vector<16xi32>,
        %bitcast3A_1953 = vector.bitcast %get3A_1952 : vector<16xi32> to vector<32xbf16>
        %mul3A_1954 = arith.mulf %min3A_1941, %bitcast3A_1953 : vector<32xbf16>
        %add3A_1955 = arith.addf %add3A_1948, %mul3A_1954 : vector<32xbf16>
        scf.yield %add3A_1955 : vector<32xbf16>
      }
      %scan3A_965 = arith.constant 16 : i32
      %unpack3A = tpu.unpack_subelements %scan3A_964, 0 {pack_format = #tpu.pack_format<interleaved>} : vector<32xbf16> -> vector<16xf32>
      %unpack3A_966 = tpu.unpack_subelements %scan3A_964, 1 {pack_format = #tpu.pack_format<interleaved>} : vector<32xbf16> -> vector<16xf32>
      %add3A_967 = arith.addf %unpack3A, %unpack3A_966 : vector<16xf32>
      %mul3A_968 = arith.constant 16 : i32
      %mul3A_969 = arith.muli %add3A_816, %mul3A_968 : i32
      %swap3A_970 = arith.index_cast %mul3A_969 : i32 to index
      %swap3A_971 = tpu.vector_load %arg18[%swap3A_970] {strides = array<i32>} : memref<2048xf32, #tpu.memory_space<vmem>>, vector<16xf32>,
      tpu.vector_store %arg18[%swap3A_970], %add3A_967 {strides = array<i32>} : memref<2048xf32, #tpu.memory_space<vmem>>, vector<16xf32>,
      %add3A_972 = arith.constant 4 : i32
      %add3A_973 = arith.addi %add3A_816, %add3A_972 : i32
      %lt3A = arith.constant 128 : i32
      %lt3A_974 = arith.cmpi slt, %add3A_973, %lt3A : i32
      %convert_element_type3A = arith.extui %lt3A_974 : i1 to i32
      %cond3A = arith.constant 0 : i32
      %cond3A_975 = arith.cmpi ne, %convert_element_type3A, %cond3A : i32
      scf.if %cond3A_975 {
        %add3A_1486 = arith.constant 4 : i32
        %add3A_1487 = arith.addi %add3A_816, %add3A_1486 : i32
        %mul3A_1488 = arith.constant 32 : i32
        %mul3A_1489 = arith.muli %add3A_1487, %mul3A_1488 : i32
        %dma_start3A_1490 = arith.constant 0 : i32
        %dma_start3A_1491 = arith.constant 0 : i32
        %dma_start3A_1492 = tpu.memref_slice %arg14[%dma_start3A_1490, %dma_start3A_1491] : memref<64x256xi32, #tpu.memory_space<vmem>> -> memref<32x256xi32, #tpu.memory_space<vmem>>
        %dma_start3A_1493 = tpu.memref_slice %arg9[%mul3A_1489] : memref<4096xi32, #tpu.memory_space<vmem>> -> memref<32xi32, #tpu.memory_space<vmem>>
        %dma_start3A_1494 = arith.constant 0 : i32
        %dma_start3A_1495 = arith.constant 0 : i32
        %dma_start3A_1496 = tpu.memref_slice %arg2[%dma_start3A_1494, %dma_start3A_1495] : memref<49152x256xi32, #tpu.memory_space<hbm>> -> memref<49152x256xi32, #tpu.memory_space<hbm>>
        tpu.enqueue_indirect_dma source(%dma_start3A_1496 : memref<49152x256xi32, #tpu.memory_space<hbm>>) target(%dma_start3A_1492 : memref<32x256xi32, #tpu.memory_space<vmem>>) offsets(%dma_start3A_1493 : memref<32xi32, #tpu.memory_space<vmem>>) semaphore(%arg20 : memref<!tpu.dma_semaphore, #tpu.memory_space<semaphore_mem>>)
        %dma_start3A_1497 = arith.constant 32 : i32
        %dma_start3A_1498 = arith.constant 0 : i32
        %dma_start3A_1499 = tpu.memref_slice %arg14[%dma_start3A_1497, %dma_start3A_1498] : memref<64x256xi32, #tpu.memory_space<vmem>> -> memref<32x256xi32, #tpu.memory_space<vmem>>
        %dma_start3A_1500 = tpu.memref_slice %arg10[%mul3A_1489] : memref<4096xi32, #tpu.memory_space<vmem>> -> memref<32xi32, #tpu.memory_space<vmem>>
        %dma_start3A_1501 = arith.constant 0 : i32
        %dma_start3A_1502 = arith.constant 0 : i32
        %dma_start3A_1503 = tpu.memref_slice %arg2[%dma_start3A_1501, %dma_start3A_1502] : memref<49152x256xi32, #tpu.memory_space<hbm>> -> memref<49152x256xi32, #tpu.memory_space<hbm>>
        tpu.enqueue_indirect_dma source(%dma_start3A_1503 : memref<49152x256xi32, #tpu.memory_space<hbm>>) target(%dma_start3A_1499 : memref<32x256xi32, #tpu.memory_space<vmem>>) offsets(%dma_start3A_1500 : memref<32xi32, #tpu.memory_space<vmem>>) semaphore(%arg20 : memref<!tpu.dma_semaphore, #tpu.memory_space<semaphore_mem>>)
      } else {
      }
      %add3A_976 = arith.constant 1 : i32
      %add3A_977 = arith.addi %mul3A_814, %add3A_976 : i32
      %dma_wait3A_978 = arith.constant 0 : i32
      %dma_wait3A_979 = arith.constant 0 : i32
      %dma_wait3A_980 = tpu.memref_slice %arg2[%dma_wait3A_978, %dma_wait3A_979] : memref<49152x256xi32, #tpu.memory_space<hbm>> -> memref<64x256xi32, #tpu.memory_space<hbm>>
      %dma_wait3A_981 = arith.constant 0 : i32
      %dma_wait3A_982 = arith.constant 0 : i32
      %dma_wait3A_983 = tpu.memref_slice %arg2[%dma_wait3A_981, %dma_wait3A_982] : memref<49152x256xi32, #tpu.memory_space<hbm>> -> memref<64x256xi32, #tpu.memory_space<hbm>>
      tpu.wait_dma2 semaphore(%arg21 : memref<!tpu.dma_semaphore, #tpu.memory_space<semaphore_mem>>) src(%dma_wait3A_983 : memref<64x256xi32, #tpu.memory_space<hbm>>) dst(%arg15 : memref<64x256xi32, #tpu.memory_space<vmem>>)
      %mul3A_984 = arith.constant 32 : i32
      %mul3A_985 = arith.muli %add3A_977, %mul3A_984 : i32
      %get3A_986 = arith.index_cast %mul3A_985 : i32 to index
      %get3A_987 = tpu.vector_load %arg11[%get3A_986] {strides = array<i32>} : memref<4096xf32, #tpu.memory_space<vmem>>, vector<16xf32>,
      %mul3A_988 = arith.constant 32 : i32
      %mul3A_989 = arith.muli %add3A_977, %mul3A_988 : i32
      %add3A_990 = arith.constant 16 : i32
      %add3A_991 = arith.addi %mul3A_989, %add3A_990 : i32
      %get3A_992 = arith.index_cast %add3A_991 : i32 to index
      %get3A_993 = tpu.vector_load %arg11[%get3A_992] {strides = array<i32>} : memref<4096xf32, #tpu.memory_space<vmem>>, vector<16xf32>,
      %slice3A_994 = vector.extract_strided_slice %get3A_987 {offsets = [0], sizes = [1], strides = [1]} : vector<16xf32> to vector<1xf32>
      %squeeze3A_995 = vector.extract %slice3A_994[0] : f32 from vector<1xf32>
      %slice3A_996 = vector.extract_strided_slice %get3A_987 {offsets = [1], sizes = [1], strides = [1]} : vector<16xf32> to vector<1xf32>
      %squeeze3A_997 = vector.extract %slice3A_996[0] : f32 from vector<1xf32>
      %slice3A_998 = vector.extract_strided_slice %get3A_987 {offsets = [2], sizes = [1], strides = [1]} : vector<16xf32> to vector<1xf32>
      %squeeze3A_999 = vector.extract %slice3A_998[0] : f32 from vector<1xf32>
      %slice3A_1000 = vector.extract_strided_slice %get3A_987 {offsets = [3], sizes = [1], strides = [1]} : vector<16xf32> to vector<1xf32>
      %squeeze3A_1001 = vector.extract %slice3A_1000[0] : f32 from vector<1xf32>
      %slice3A_1002 = vector.extract_strided_slice %get3A_987 {offsets = [4], sizes = [1], strides = [1]} : vector<16xf32> to vector<1xf32>
      %squeeze3A_1003 = vector.extract %slice3A_1002[0] : f32 from vector<1xf32>
      %slice3A_1004 = vector.extract_strided_slice %get3A_987 {offsets = [5], sizes = [1], strides = [1]} : vector<16xf32> to vector<1xf32>
      %squeeze3A_1005 = vector.extract %slice3A_1004[0] : f32 from vector<1xf32>
      %slice3A_1006 = vector.extract_strided_slice %get3A_987 {offsets = [6], sizes = [1], strides = [1]} : vector<16xf32> to vector<1xf32>
      %squeeze3A_1007 = vector.extract %slice3A_1006[0] : f32 from vector<1xf32>
      %slice3A_1008 = vector.extract_strided_slice %get3A_987 {offsets = [7], sizes = [1], strides = [1]} : vector<16xf32> to vector<1xf32>
      %squeeze3A_1009 = vector.extract %slice3A_1008[0] : f32 from vector<1xf32>
      %slice3A_1010 = vector.extract_strided_slice %get3A_987 {offsets = [8], sizes = [1], strides = [1]} : vector<16xf32> to vector<1xf32>
      %squeeze3A_1011 = vector.extract %slice3A_1010[0] : f32 from vector<1xf32>
      %slice3A_1012 = vector.extract_strided_slice %get3A_987 {offsets = [9], sizes = [1], strides = [1]} : vector<16xf32> to vector<1xf32>
      %squeeze3A_1013 = vector.extract %slice3A_1012[0] : f32 from vector<1xf32>
      %slice3A_1014 = vector.extract_strided_slice %get3A_987 {offsets = [10], sizes = [1], strides = [1]} : vector<16xf32> to vector<1xf32>
      %squeeze3A_1015 = vector.extract %slice3A_1014[0] : f32 from vector<1xf32>
      %slice3A_1016 = vector.extract_strided_slice %get3A_987 {offsets = [11], sizes = [1], strides = [1]} : vector<16xf32> to vector<1xf32>
      %squeeze3A_1017 = vector.extract %slice3A_1016[0] : f32 from vector<1xf32>
      %slice3A_1018 = vector.extract_strided_slice %get3A_987 {offsets = [12], sizes = [1], strides = [1]} : vector<16xf32> to vector<1xf32>
      %squeeze3A_1019 = vector.extract %slice3A_1018[0] : f32 from vector<1xf32>
      %slice3A_1020 = vector.extract_strided_slice %get3A_987 {offsets = [13], sizes = [1], strides = [1]} : vector<16xf32> to vector<1xf32>
      %squeeze3A_1021 = vector.extract %slice3A_1020[0] : f32 from vector<1xf32>
      %slice3A_1022 = vector.extract_strided_slice %get3A_987 {offsets = [14], sizes = [1], strides = [1]} : vector<16xf32> to vector<1xf32>
      %squeeze3A_1023 = vector.extract %slice3A_1022[0] : f32 from vector<1xf32>
      %slice3A_1024 = vector.extract_strided_slice %get3A_987 {offsets = [15], sizes = [1], strides = [1]} : vector<16xf32> to vector<1xf32>
      %squeeze3A_1025 = vector.extract %slice3A_1024[0] : f32 from vector<1xf32>
      %slice3A_1026 = vector.extract_strided_slice %get3A_993 {offsets = [0], sizes = [1], strides = [1]} : vector<16xf32> to vector<1xf32>
      %squeeze3A_1027 = vector.extract %slice3A_1026[0] : f32 from vector<1xf32>
      %slice3A_1028 = vector.extract_strided_slice %get3A_993 {offsets = [1], sizes = [1], strides = [1]} : vector<16xf32> to vector<1xf32>
      %squeeze3A_1029 = vector.extract %slice3A_1028[0] : f32 from vector<1xf32>
      %slice3A_1030 = vector.extract_strided_slice %get3A_993 {offsets = [2], sizes = [1], strides = [1]} : vector<16xf32> to vector<1xf32>
      %squeeze3A_1031 = vector.extract %slice3A_1030[0] : f32 from vector<1xf32>
      %slice3A_1032 = vector.extract_strided_slice %get3A_993 {offsets = [3], sizes = [1], strides = [1]} : vector<16xf32> to vector<1xf32>
      %squeeze3A_1033 = vector.extract %slice3A_1032[0] : f32 from vector<1xf32>
      %slice3A_1034 = vector.extract_strided_slice %get3A_993 {offsets = [4], sizes = [1], strides = [1]} : vector<16xf32> to vector<1xf32>
      %squeeze3A_1035 = vector.extract %slice3A_1034[0] : f32 from vector<1xf32>
      %slice3A_1036 = vector.extract_strided_slice %get3A_993 {offsets = [5], sizes = [1], strides = [1]} : vector<16xf32> to vector<1xf32>
      %squeeze3A_1037 = vector.extract %slice3A_1036[0] : f32 from vector<1xf32>
      %slice3A_1038 = vector.extract_strided_slice %get3A_993 {offsets = [6], sizes = [1], strides = [1]} : vector<16xf32> to vector<1xf32>
      %squeeze3A_1039 = vector.extract %slice3A_1038[0] : f32 from vector<1xf32>
      %slice3A_1040 = vector.extract_strided_slice %get3A_993 {offsets = [7], sizes = [1], strides = [1]} : vector<16xf32> to vector<1xf32>
      %squeeze3A_1041 = vector.extract %slice3A_1040[0] : f32 from vector<1xf32>
      %slice3A_1042 = vector.extract_strided_slice %get3A_993 {offsets = [8], sizes = [1], strides = [1]} : vector<16xf32> to vector<1xf32>
      %squeeze3A_1043 = vector.extract %slice3A_1042[0] : f32 from vector<1xf32>
      %slice3A_1044 = vector.extract_strided_slice %get3A_993 {offsets = [9], sizes = [1], strides = [1]} : vector<16xf32> to vector<1xf32>
      %squeeze3A_1045 = vector.extract %slice3A_1044[0] : f32 from vector<1xf32>
      %slice3A_1046 = vector.extract_strided_slice %get3A_993 {offsets = [10], sizes = [1], strides = [1]} : vector<16xf32> to vector<1xf32>
      %squeeze3A_1047 = vector.extract %slice3A_1046[0] : f32 from vector<1xf32>
      %slice3A_1048 = vector.extract_strided_slice %get3A_993 {offsets = [11], sizes = [1], strides = [1]} : vector<16xf32> to vector<1xf32>
      %squeeze3A_1049 = vector.extract %slice3A_1048[0] : f32 from vector<1xf32>
      %slice3A_1050 = vector.extract_strided_slice %get3A_993 {offsets = [12], sizes = [1], strides = [1]} : vector<16xf32> to vector<1xf32>
      %squeeze3A_1051 = vector.extract %slice3A_1050[0] : f32 from vector<1xf32>
      %slice3A_1052 = vector.extract_strided_slice %get3A_993 {offsets = [13], sizes = [1], strides = [1]} : vector<16xf32> to vector<1xf32>
      %squeeze3A_1053 = vector.extract %slice3A_1052[0] : f32 from vector<1xf32>
      %slice3A_1054 = vector.extract_strided_slice %get3A_993 {offsets = [14], sizes = [1], strides = [1]} : vector<16xf32> to vector<1xf32>
      %squeeze3A_1055 = vector.extract %slice3A_1054[0] : f32 from vector<1xf32>
      %slice3A_1056 = vector.extract_strided_slice %get3A_993 {offsets = [15], sizes = [1], strides = [1]} : vector<16xf32> to vector<1xf32>
      %squeeze3A_1057 = vector.extract %slice3A_1056[0] : f32 from vector<1xf32>
      %broadcast_in_dim3A_1058 = vector.broadcast %squeeze3A_995 : f32 to vector<16xf32>
      %pack3A_1059 = tpu.pack_subelements %broadcast_in_dim3A_1058, %broadcast_in_dim3A_1058 {pack_format = #tpu.pack_format<interleaved>, positions = array<i32: 0, 1>} : vector<16xf32>, vector<16xf32> -> vector<32xbf16>
      %broadcast_in_dim3A_1060 = vector.broadcast %squeeze3A_997 : f32 to vector<16xf32>
      %pack3A_1061 = tpu.pack_subelements %broadcast_in_dim3A_1060, %broadcast_in_dim3A_1060 {pack_format = #tpu.pack_format<interleaved>, positions = array<i32: 0, 1>} : vector<16xf32>, vector<16xf32> -> vector<32xbf16>
      %broadcast_in_dim3A_1062 = vector.broadcast %squeeze3A_999 : f32 to vector<16xf32>
      %pack3A_1063 = tpu.pack_subelements %broadcast_in_dim3A_1062, %broadcast_in_dim3A_1062 {pack_format = #tpu.pack_format<interleaved>, positions = array<i32: 0, 1>} : vector<16xf32>, vector<16xf32> -> vector<32xbf16>
      %broadcast_in_dim3A_1064 = vector.broadcast %squeeze3A_1001 : f32 to vector<16xf32>
      %pack3A_1065 = tpu.pack_subelements %broadcast_in_dim3A_1064, %broadcast_in_dim3A_1064 {pack_format = #tpu.pack_format<interleaved>, positions = array<i32: 0, 1>} : vector<16xf32>, vector<16xf32> -> vector<32xbf16>
      %broadcast_in_dim3A_1066 = vector.broadcast %squeeze3A_1003 : f32 to vector<16xf32>
      %pack3A_1067 = tpu.pack_subelements %broadcast_in_dim3A_1066, %broadcast_in_dim3A_1066 {pack_format = #tpu.pack_format<interleaved>, positions = array<i32: 0, 1>} : vector<16xf32>, vector<16xf32> -> vector<32xbf16>
      %broadcast_in_dim3A_1068 = vector.broadcast %squeeze3A_1005 : f32 to vector<16xf32>
      %pack3A_1069 = tpu.pack_subelements %broadcast_in_dim3A_1068, %broadcast_in_dim3A_1068 {pack_format = #tpu.pack_format<interleaved>, positions = array<i32: 0, 1>} : vector<16xf32>, vector<16xf32> -> vector<32xbf16>
      %broadcast_in_dim3A_1070 = vector.broadcast %squeeze3A_1007 : f32 to vector<16xf32>
      %pack3A_1071 = tpu.pack_subelements %broadcast_in_dim3A_1070, %broadcast_in_dim3A_1070 {pack_format = #tpu.pack_format<interleaved>, positions = array<i32: 0, 1>} : vector<16xf32>, vector<16xf32> -> vector<32xbf16>
      %broadcast_in_dim3A_1072 = vector.broadcast %squeeze3A_1009 : f32 to vector<16xf32>
      %pack3A_1073 = tpu.pack_subelements %broadcast_in_dim3A_1072, %broadcast_in_dim3A_1072 {pack_format = #tpu.pack_format<interleaved>, positions = array<i32: 0, 1>} : vector<16xf32>, vector<16xf32> -> vector<32xbf16>
      %broadcast_in_dim3A_1074 = vector.broadcast %squeeze3A_1011 : f32 to vector<16xf32>
      %pack3A_1075 = tpu.pack_subelements %broadcast_in_dim3A_1074, %broadcast_in_dim3A_1074 {pack_format = #tpu.pack_format<interleaved>, positions = array<i32: 0, 1>} : vector<16xf32>, vector<16xf32> -> vector<32xbf16>
      %broadcast_in_dim3A_1076 = vector.broadcast %squeeze3A_1013 : f32 to vector<16xf32>
      %pack3A_1077 = tpu.pack_subelements %broadcast_in_dim3A_1076, %broadcast_in_dim3A_1076 {pack_format = #tpu.pack_format<interleaved>, positions = array<i32: 0, 1>} : vector<16xf32>, vector<16xf32> -> vector<32xbf16>
      %broadcast_in_dim3A_1078 = vector.broadcast %squeeze3A_1015 : f32 to vector<16xf32>
      %pack3A_1079 = tpu.pack_subelements %broadcast_in_dim3A_1078, %broadcast_in_dim3A_1078 {pack_format = #tpu.pack_format<interleaved>, positions = array<i32: 0, 1>} : vector<16xf32>, vector<16xf32> -> vector<32xbf16>
      %broadcast_in_dim3A_1080 = vector.broadcast %squeeze3A_1017 : f32 to vector<16xf32>
      %pack3A_1081 = tpu.pack_subelements %broadcast_in_dim3A_1080, %broadcast_in_dim3A_1080 {pack_format = #tpu.pack_format<interleaved>, positions = array<i32: 0, 1>} : vector<16xf32>, vector<16xf32> -> vector<32xbf16>
      %broadcast_in_dim3A_1082 = vector.broadcast %squeeze3A_1019 : f32 to vector<16xf32>
      %pack3A_1083 = tpu.pack_subelements %broadcast_in_dim3A_1082, %broadcast_in_dim3A_1082 {pack_format = #tpu.pack_format<interleaved>, positions = array<i32: 0, 1>} : vector<16xf32>, vector<16xf32> -> vector<32xbf16>
      %broadcast_in_dim3A_1084 = vector.broadcast %squeeze3A_1021 : f32 to vector<16xf32>
      %pack3A_1085 = tpu.pack_subelements %broadcast_in_dim3A_1084, %broadcast_in_dim3A_1084 {pack_format = #tpu.pack_format<interleaved>, positions = array<i32: 0, 1>} : vector<16xf32>, vector<16xf32> -> vector<32xbf16>
      %broadcast_in_dim3A_1086 = vector.broadcast %squeeze3A_1023 : f32 to vector<16xf32>
      %pack3A_1087 = tpu.pack_subelements %broadcast_in_dim3A_1086, %broadcast_in_dim3A_1086 {pack_format = #tpu.pack_format<interleaved>, positions = array<i32: 0, 1>} : vector<16xf32>, vector<16xf32> -> vector<32xbf16>
      %broadcast_in_dim3A_1088 = vector.broadcast %squeeze3A_1025 : f32 to vector<16xf32>
      %pack3A_1089 = tpu.pack_subelements %broadcast_in_dim3A_1088, %broadcast_in_dim3A_1088 {pack_format = #tpu.pack_format<interleaved>, positions = array<i32: 0, 1>} : vector<16xf32>, vector<16xf32> -> vector<32xbf16>
      %broadcast_in_dim3A_1090 = vector.broadcast %squeeze3A_1027 : f32 to vector<16xf32>
      %pack3A_1091 = tpu.pack_subelements %broadcast_in_dim3A_1090, %broadcast_in_dim3A_1090 {pack_format = #tpu.pack_format<interleaved>, positions = array<i32: 0, 1>} : vector<16xf32>, vector<16xf32> -> vector<32xbf16>
      %broadcast_in_dim3A_1092 = vector.broadcast %squeeze3A_1029 : f32 to vector<16xf32>
      %pack3A_1093 = tpu.pack_subelements %broadcast_in_dim3A_1092, %broadcast_in_dim3A_1092 {pack_format = #tpu.pack_format<interleaved>, positions = array<i32: 0, 1>} : vector<16xf32>, vector<16xf32> -> vector<32xbf16>
      %broadcast_in_dim3A_1094 = vector.broadcast %squeeze3A_1031 : f32 to vector<16xf32>
      %pack3A_1095 = tpu.pack_subelements %broadcast_in_dim3A_1094, %broadcast_in_dim3A_1094 {pack_format = #tpu.pack_format<interleaved>, positions = array<i32: 0, 1>} : vector<16xf32>, vector<16xf32> -> vector<32xbf16>
      %broadcast_in_dim3A_1096 = vector.broadcast %squeeze3A_1033 : f32 to vector<16xf32>
      %pack3A_1097 = tpu.pack_subelements %broadcast_in_dim3A_1096, %broadcast_in_dim3A_1096 {pack_format = #tpu.pack_format<interleaved>, positions = array<i32: 0, 1>} : vector<16xf32>, vector<16xf32> -> vector<32xbf16>
      %broadcast_in_dim3A_1098 = vector.broadcast %squeeze3A_1035 : f32 to vector<16xf32>
      %pack3A_1099 = tpu.pack_subelements %broadcast_in_dim3A_1098, %broadcast_in_dim3A_1098 {pack_format = #tpu.pack_format<interleaved>, positions = array<i32: 0, 1>} : vector<16xf32>, vector<16xf32> -> vector<32xbf16>
      %broadcast_in_dim3A_1100 = vector.broadcast %squeeze3A_1037 : f32 to vector<16xf32>
      %pack3A_1101 = tpu.pack_subelements %broadcast_in_dim3A_1100, %broadcast_in_dim3A_1100 {pack_format = #tpu.pack_format<interleaved>, positions = array<i32: 0, 1>} : vector<16xf32>, vector<16xf32> -> vector<32xbf16>
      %broadcast_in_dim3A_1102 = vector.broadcast %squeeze3A_1039 : f32 to vector<16xf32>
      %pack3A_1103 = tpu.pack_subelements %broadcast_in_dim3A_1102, %broadcast_in_dim3A_1102 {pack_format = #tpu.pack_format<interleaved>, positions = array<i32: 0, 1>} : vector<16xf32>, vector<16xf32> -> vector<32xbf16>
      %broadcast_in_dim3A_1104 = vector.broadcast %squeeze3A_1041 : f32 to vector<16xf32>
      %pack3A_1105 = tpu.pack_subelements %broadcast_in_dim3A_1104, %broadcast_in_dim3A_1104 {pack_format = #tpu.pack_format<interleaved>, positions = array<i32: 0, 1>} : vector<16xf32>, vector<16xf32> -> vector<32xbf16>
      %broadcast_in_dim3A_1106 = vector.broadcast %squeeze3A_1043 : f32 to vector<16xf32>
      %pack3A_1107 = tpu.pack_subelements %broadcast_in_dim3A_1106, %broadcast_in_dim3A_1106 {pack_format = #tpu.pack_format<interleaved>, positions = array<i32: 0, 1>} : vector<16xf32>, vector<16xf32> -> vector<32xbf16>
      %broadcast_in_dim3A_1108 = vector.broadcast %squeeze3A_1045 : f32 to vector<16xf32>
      %pack3A_1109 = tpu.pack_subelements %broadcast_in_dim3A_1108, %broadcast_in_dim3A_1108 {pack_format = #tpu.pack_format<interleaved>, positions = array<i32: 0, 1>} : vector<16xf32>, vector<16xf32> -> vector<32xbf16>
      %broadcast_in_dim3A_1110 = vector.broadcast %squeeze3A_1047 : f32 to vector<16xf32>
      %pack3A_1111 = tpu.pack_subelements %broadcast_in_dim3A_1110, %broadcast_in_dim3A_1110 {pack_format = #tpu.pack_format<interleaved>, positions = array<i32: 0, 1>} : vector<16xf32>, vector<16xf32> -> vector<32xbf16>
      %broadcast_in_dim3A_1112 = vector.broadcast %squeeze3A_1049 : f32 to vector<16xf32>
      %pack3A_1113 = tpu.pack_subelements %broadcast_in_dim3A_1112, %broadcast_in_dim3A_1112 {pack_format = #tpu.pack_format<interleaved>, positions = array<i32: 0, 1>} : vector<16xf32>, vector<16xf32> -> vector<32xbf16>
      %broadcast_in_dim3A_1114 = vector.broadcast %squeeze3A_1051 : f32 to vector<16xf32>
      %pack3A_1115 = tpu.pack_subelements %broadcast_in_dim3A_1114, %broadcast_in_dim3A_1114 {pack_format = #tpu.pack_format<interleaved>, positions = array<i32: 0, 1>} : vector<16xf32>, vector<16xf32> -> vector<32xbf16>
      %broadcast_in_dim3A_1116 = vector.broadcast %squeeze3A_1053 : f32 to vector<16xf32>
      %pack3A_1117 = tpu.pack_subelements %broadcast_in_dim3A_1116, %broadcast_in_dim3A_1116 {pack_format = #tpu.pack_format<interleaved>, positions = array<i32: 0, 1>} : vector<16xf32>, vector<16xf32> -> vector<32xbf16>
      %broadcast_in_dim3A_1118 = vector.broadcast %squeeze3A_1055 : f32 to vector<16xf32>
      %pack3A_1119 = tpu.pack_subelements %broadcast_in_dim3A_1118, %broadcast_in_dim3A_1118 {pack_format = #tpu.pack_format<interleaved>, positions = array<i32: 0, 1>} : vector<16xf32>, vector<16xf32> -> vector<32xbf16>
      %broadcast_in_dim3A_1120 = vector.broadcast %squeeze3A_1057 : f32 to vector<16xf32>
      %pack3A_1121 = tpu.pack_subelements %broadcast_in_dim3A_1120, %broadcast_in_dim3A_1120 {pack_format = #tpu.pack_format<interleaved>, positions = array<i32: 0, 1>} : vector<16xf32>, vector<16xf32> -> vector<32xbf16>
      %broadcast_in_dim3A_1122 = arith.constant 0.000000e+00 : bf16
      %broadcast_in_dim3A_1123 = vector.broadcast %broadcast_in_dim3A_1122 : bf16 to vector<32xbf16>
      %broadcast_in_dim3A_1124 = arith.constant 1.000000e+00 : bf16
      %broadcast_in_dim3A_1125 = vector.broadcast %broadcast_in_dim3A_1124 : bf16 to vector<32xbf16>
      %scan3A_1126 = arith.constant 0 : i32
      %scan3A_1127 = arith.constant 16 : i32
      %scan3A_1128 = arith.addi %scan3A_1126, %scan3A_1127 : i32
      %scan3A_1129 = arith.constant 1 : i32
      %scan3A_1130 = scf.for %scan3A_1486 = %scan3A_1126 to %scan3A_1128 step %scan3A_1129 iter_args(%scan3A_1487 = %broadcast_in_dim3A_1123) -> (vector<32xbf16>)  : i32 {
        %mul3A_1488 = arith.constant 16 : i32
        %mul3A_1489 = arith.muli %scan3A_1486, %mul3A_1488 : i32
        %get3A_1490 = arith.index_cast %mul3A_1489 : i32 to index
        %get3A_1491 = tpu.vector_load %arg12[%get3A_1490] {strides = array<i32>} : memref<768xi32, #tpu.memory_space<vmem>>, vector<16xi32>,
        %bitcast3A = vector.bitcast %get3A_1491 : vector<16xi32> to vector<32xbf16>
        %get3A_1492 = arith.constant 0 : i32
        %get3A_1493 = arith.index_cast %get3A_1492 : i32 to index
        %get3A_1494 = arith.index_cast %mul3A_1489 : i32 to index
        %get3A_1495 = tpu.vector_load %arg15[%get3A_1493, %get3A_1494] {strides = array<i32>} : memref<64x256xi32, #tpu.memory_space<vmem>>, vector<16xi32>,
        %bitcast3A_1496 = vector.bitcast %get3A_1495 : vector<16xi32> to vector<32xbf16>
        %mul3A_1497 = arith.mulf %pack3A_1059, %bitcast3A_1496 : vector<32xbf16>
        %add3A_1498 = arith.addf %bitcast3A, %mul3A_1497 : vector<32xbf16>
        %get3A_1499 = arith.constant 32 : i32
        %get3A_1500 = arith.index_cast %get3A_1499 : i32 to index
        %get3A_1501 = arith.index_cast %mul3A_1489 : i32 to index
        %get3A_1502 = tpu.vector_load %arg15[%get3A_1500, %get3A_1501] {strides = array<i32>} : memref<64x256xi32, #tpu.memory_space<vmem>>, vector<16xi32>,
        %bitcast3A_1503 = vector.bitcast %get3A_1502 : vector<16xi32> to vector<32xbf16>
        %mul3A_1504 = arith.mulf %pack3A_1059, %bitcast3A_1503 : vector<32xbf16>
        %add3A_1505 = arith.addf %bitcast3A, %mul3A_1504 : vector<32xbf16>
        %get3A_1506 = arith.constant 1 : i32
        %get3A_1507 = arith.index_cast %get3A_1506 : i32 to index
        %get3A_1508 = arith.index_cast %mul3A_1489 : i32 to index
        %get3A_1509 = tpu.vector_load %arg15[%get3A_1507, %get3A_1508] {strides = array<i32>} : memref<64x256xi32, #tpu.memory_space<vmem>>, vector<16xi32>,
        %bitcast3A_1510 = vector.bitcast %get3A_1509 : vector<16xi32> to vector<32xbf16>
        %mul3A_1511 = arith.mulf %pack3A_1061, %bitcast3A_1510 : vector<32xbf16>
        %add3A_1512 = arith.addf %add3A_1498, %mul3A_1511 : vector<32xbf16>
        %get3A_1513 = arith.constant 33 : i32
        %get3A_1514 = arith.index_cast %get3A_1513 : i32 to index
        %get3A_1515 = arith.index_cast %mul3A_1489 : i32 to index
        %get3A_1516 = tpu.vector_load %arg15[%get3A_1514, %get3A_1515] {strides = array<i32>} : memref<64x256xi32, #tpu.memory_space<vmem>>, vector<16xi32>,
        %bitcast3A_1517 = vector.bitcast %get3A_1516 : vector<16xi32> to vector<32xbf16>
        %mul3A_1518 = arith.mulf %pack3A_1061, %bitcast3A_1517 : vector<32xbf16>
        %add3A_1519 = arith.addf %add3A_1505, %mul3A_1518 : vector<32xbf16>
        %get3A_1520 = arith.constant 2 : i32
        %get3A_1521 = arith.index_cast %get3A_1520 : i32 to index
        %get3A_1522 = arith.index_cast %mul3A_1489 : i32 to index
        %get3A_1523 = tpu.vector_load %arg15[%get3A_1521, %get3A_1522] {strides = array<i32>} : memref<64x256xi32, #tpu.memory_space<vmem>>, vector<16xi32>,
        %bitcast3A_1524 = vector.bitcast %get3A_1523 : vector<16xi32> to vector<32xbf16>
        %mul3A_1525 = arith.mulf %pack3A_1063, %bitcast3A_1524 : vector<32xbf16>
        %add3A_1526 = arith.addf %add3A_1512, %mul3A_1525 : vector<32xbf16>
        %get3A_1527 = arith.constant 34 : i32
        %get3A_1528 = arith.index_cast %get3A_1527 : i32 to index
        %get3A_1529 = arith.index_cast %mul3A_1489 : i32 to index
        %get3A_1530 = tpu.vector_load %arg15[%get3A_1528, %get3A_1529] {strides = array<i32>} : memref<64x256xi32, #tpu.memory_space<vmem>>, vector<16xi32>,
        %bitcast3A_1531 = vector.bitcast %get3A_1530 : vector<16xi32> to vector<32xbf16>
        %mul3A_1532 = arith.mulf %pack3A_1063, %bitcast3A_1531 : vector<32xbf16>
        %add3A_1533 = arith.addf %add3A_1519, %mul3A_1532 : vector<32xbf16>
        %get3A_1534 = arith.constant 3 : i32
        %get3A_1535 = arith.index_cast %get3A_1534 : i32 to index
        %get3A_1536 = arith.index_cast %mul3A_1489 : i32 to index
        %get3A_1537 = tpu.vector_load %arg15[%get3A_1535, %get3A_1536] {strides = array<i32>} : memref<64x256xi32, #tpu.memory_space<vmem>>, vector<16xi32>,
        %bitcast3A_1538 = vector.bitcast %get3A_1537 : vector<16xi32> to vector<32xbf16>
        %mul3A_1539 = arith.mulf %pack3A_1065, %bitcast3A_1538 : vector<32xbf16>
        %add3A_1540 = arith.addf %add3A_1526, %mul3A_1539 : vector<32xbf16>
        %get3A_1541 = arith.constant 35 : i32
        %get3A_1542 = arith.index_cast %get3A_1541 : i32 to index
        %get3A_1543 = arith.index_cast %mul3A_1489 : i32 to index
        %get3A_1544 = tpu.vector_load %arg15[%get3A_1542, %get3A_1543] {strides = array<i32>} : memref<64x256xi32, #tpu.memory_space<vmem>>, vector<16xi32>,
        %bitcast3A_1545 = vector.bitcast %get3A_1544 : vector<16xi32> to vector<32xbf16>
        %mul3A_1546 = arith.mulf %pack3A_1065, %bitcast3A_1545 : vector<32xbf16>
        %add3A_1547 = arith.addf %add3A_1533, %mul3A_1546 : vector<32xbf16>
        %get3A_1548 = arith.constant 4 : i32
        %get3A_1549 = arith.index_cast %get3A_1548 : i32 to index
        %get3A_1550 = arith.index_cast %mul3A_1489 : i32 to index
        %get3A_1551 = tpu.vector_load %arg15[%get3A_1549, %get3A_1550] {strides = array<i32>} : memref<64x256xi32, #tpu.memory_space<vmem>>, vector<16xi32>,
        %bitcast3A_1552 = vector.bitcast %get3A_1551 : vector<16xi32> to vector<32xbf16>
        %mul3A_1553 = arith.mulf %pack3A_1067, %bitcast3A_1552 : vector<32xbf16>
        %add3A_1554 = arith.addf %add3A_1540, %mul3A_1553 : vector<32xbf16>
        %get3A_1555 = arith.constant 36 : i32
        %get3A_1556 = arith.index_cast %get3A_1555 : i32 to index
        %get3A_1557 = arith.index_cast %mul3A_1489 : i32 to index
        %get3A_1558 = tpu.vector_load %arg15[%get3A_1556, %get3A_1557] {strides = array<i32>} : memref<64x256xi32, #tpu.memory_space<vmem>>, vector<16xi32>,
        %bitcast3A_1559 = vector.bitcast %get3A_1558 : vector<16xi32> to vector<32xbf16>
        %mul3A_1560 = arith.mulf %pack3A_1067, %bitcast3A_1559 : vector<32xbf16>
        %add3A_1561 = arith.addf %add3A_1547, %mul3A_1560 : vector<32xbf16>
        %get3A_1562 = arith.constant 5 : i32
        %get3A_1563 = arith.index_cast %get3A_1562 : i32 to index
        %get3A_1564 = arith.index_cast %mul3A_1489 : i32 to index
        %get3A_1565 = tpu.vector_load %arg15[%get3A_1563, %get3A_1564] {strides = array<i32>} : memref<64x256xi32, #tpu.memory_space<vmem>>, vector<16xi32>,
        %bitcast3A_1566 = vector.bitcast %get3A_1565 : vector<16xi32> to vector<32xbf16>
        %mul3A_1567 = arith.mulf %pack3A_1069, %bitcast3A_1566 : vector<32xbf16>
        %add3A_1568 = arith.addf %add3A_1554, %mul3A_1567 : vector<32xbf16>
        %get3A_1569 = arith.constant 37 : i32
        %get3A_1570 = arith.index_cast %get3A_1569 : i32 to index
        %get3A_1571 = arith.index_cast %mul3A_1489 : i32 to index
        %get3A_1572 = tpu.vector_load %arg15[%get3A_1570, %get3A_1571] {strides = array<i32>} : memref<64x256xi32, #tpu.memory_space<vmem>>, vector<16xi32>,
        %bitcast3A_1573 = vector.bitcast %get3A_1572 : vector<16xi32> to vector<32xbf16>
        %mul3A_1574 = arith.mulf %pack3A_1069, %bitcast3A_1573 : vector<32xbf16>
        %add3A_1575 = arith.addf %add3A_1561, %mul3A_1574 : vector<32xbf16>
        %get3A_1576 = arith.constant 6 : i32
        %get3A_1577 = arith.index_cast %get3A_1576 : i32 to index
        %get3A_1578 = arith.index_cast %mul3A_1489 : i32 to index
        %get3A_1579 = tpu.vector_load %arg15[%get3A_1577, %get3A_1578] {strides = array<i32>} : memref<64x256xi32, #tpu.memory_space<vmem>>, vector<16xi32>,
        %bitcast3A_1580 = vector.bitcast %get3A_1579 : vector<16xi32> to vector<32xbf16>
        %mul3A_1581 = arith.mulf %pack3A_1071, %bitcast3A_1580 : vector<32xbf16>
        %add3A_1582 = arith.addf %add3A_1568, %mul3A_1581 : vector<32xbf16>
        %get3A_1583 = arith.constant 38 : i32
        %get3A_1584 = arith.index_cast %get3A_1583 : i32 to index
        %get3A_1585 = arith.index_cast %mul3A_1489 : i32 to index
        %get3A_1586 = tpu.vector_load %arg15[%get3A_1584, %get3A_1585] {strides = array<i32>} : memref<64x256xi32, #tpu.memory_space<vmem>>, vector<16xi32>,
        %bitcast3A_1587 = vector.bitcast %get3A_1586 : vector<16xi32> to vector<32xbf16>
        %mul3A_1588 = arith.mulf %pack3A_1071, %bitcast3A_1587 : vector<32xbf16>
        %add3A_1589 = arith.addf %add3A_1575, %mul3A_1588 : vector<32xbf16>
        %get3A_1590 = arith.constant 7 : i32
        %get3A_1591 = arith.index_cast %get3A_1590 : i32 to index
        %get3A_1592 = arith.index_cast %mul3A_1489 : i32 to index
        %get3A_1593 = tpu.vector_load %arg15[%get3A_1591, %get3A_1592] {strides = array<i32>} : memref<64x256xi32, #tpu.memory_space<vmem>>, vector<16xi32>,
        %bitcast3A_1594 = vector.bitcast %get3A_1593 : vector<16xi32> to vector<32xbf16>
        %mul3A_1595 = arith.mulf %pack3A_1073, %bitcast3A_1594 : vector<32xbf16>
        %add3A_1596 = arith.addf %add3A_1582, %mul3A_1595 : vector<32xbf16>
        %get3A_1597 = arith.constant 39 : i32
        %get3A_1598 = arith.index_cast %get3A_1597 : i32 to index
        %get3A_1599 = arith.index_cast %mul3A_1489 : i32 to index
        %get3A_1600 = tpu.vector_load %arg15[%get3A_1598, %get3A_1599] {strides = array<i32>} : memref<64x256xi32, #tpu.memory_space<vmem>>, vector<16xi32>,
        %bitcast3A_1601 = vector.bitcast %get3A_1600 : vector<16xi32> to vector<32xbf16>
        %mul3A_1602 = arith.mulf %pack3A_1073, %bitcast3A_1601 : vector<32xbf16>
        %add3A_1603 = arith.addf %add3A_1589, %mul3A_1602 : vector<32xbf16>
        %get3A_1604 = arith.constant 8 : i32
        %get3A_1605 = arith.index_cast %get3A_1604 : i32 to index
        %get3A_1606 = arith.index_cast %mul3A_1489 : i32 to index
        %get3A_1607 = tpu.vector_load %arg15[%get3A_1605, %get3A_1606] {strides = array<i32>} : memref<64x256xi32, #tpu.memory_space<vmem>>, vector<16xi32>,
        %bitcast3A_1608 = vector.bitcast %get3A_1607 : vector<16xi32> to vector<32xbf16>
        %mul3A_1609 = arith.mulf %pack3A_1075, %bitcast3A_1608 : vector<32xbf16>
        %add3A_1610 = arith.addf %add3A_1596, %mul3A_1609 : vector<32xbf16>
        %get3A_1611 = arith.constant 40 : i32
        %get3A_1612 = arith.index_cast %get3A_1611 : i32 to index
        %get3A_1613 = arith.index_cast %mul3A_1489 : i32 to index
        %get3A_1614 = tpu.vector_load %arg15[%get3A_1612, %get3A_1613] {strides = array<i32>} : memref<64x256xi32, #tpu.memory_space<vmem>>, vector<16xi32>,
        %bitcast3A_1615 = vector.bitcast %get3A_1614 : vector<16xi32> to vector<32xbf16>
        %mul3A_1616 = arith.mulf %pack3A_1075, %bitcast3A_1615 : vector<32xbf16>
        %add3A_1617 = arith.addf %add3A_1603, %mul3A_1616 : vector<32xbf16>
        %get3A_1618 = arith.constant 9 : i32
        %get3A_1619 = arith.index_cast %get3A_1618 : i32 to index
        %get3A_1620 = arith.index_cast %mul3A_1489 : i32 to index
        %get3A_1621 = tpu.vector_load %arg15[%get3A_1619, %get3A_1620] {strides = array<i32>} : memref<64x256xi32, #tpu.memory_space<vmem>>, vector<16xi32>,
        %bitcast3A_1622 = vector.bitcast %get3A_1621 : vector<16xi32> to vector<32xbf16>
        %mul3A_1623 = arith.mulf %pack3A_1077, %bitcast3A_1622 : vector<32xbf16>
        %add3A_1624 = arith.addf %add3A_1610, %mul3A_1623 : vector<32xbf16>
        %get3A_1625 = arith.constant 41 : i32
        %get3A_1626 = arith.index_cast %get3A_1625 : i32 to index
        %get3A_1627 = arith.index_cast %mul3A_1489 : i32 to index
        %get3A_1628 = tpu.vector_load %arg15[%get3A_1626, %get3A_1627] {strides = array<i32>} : memref<64x256xi32, #tpu.memory_space<vmem>>, vector<16xi32>,
        %bitcast3A_1629 = vector.bitcast %get3A_1628 : vector<16xi32> to vector<32xbf16>
        %mul3A_1630 = arith.mulf %pack3A_1077, %bitcast3A_1629 : vector<32xbf16>
        %add3A_1631 = arith.addf %add3A_1617, %mul3A_1630 : vector<32xbf16>
        %get3A_1632 = arith.constant 10 : i32
        %get3A_1633 = arith.index_cast %get3A_1632 : i32 to index
        %get3A_1634 = arith.index_cast %mul3A_1489 : i32 to index
        %get3A_1635 = tpu.vector_load %arg15[%get3A_1633, %get3A_1634] {strides = array<i32>} : memref<64x256xi32, #tpu.memory_space<vmem>>, vector<16xi32>,
        %bitcast3A_1636 = vector.bitcast %get3A_1635 : vector<16xi32> to vector<32xbf16>
        %mul3A_1637 = arith.mulf %pack3A_1079, %bitcast3A_1636 : vector<32xbf16>
        %add3A_1638 = arith.addf %add3A_1624, %mul3A_1637 : vector<32xbf16>
        %get3A_1639 = arith.constant 42 : i32
        %get3A_1640 = arith.index_cast %get3A_1639 : i32 to index
        %get3A_1641 = arith.index_cast %mul3A_1489 : i32 to index
        %get3A_1642 = tpu.vector_load %arg15[%get3A_1640, %get3A_1641] {strides = array<i32>} : memref<64x256xi32, #tpu.memory_space<vmem>>, vector<16xi32>,
        %bitcast3A_1643 = vector.bitcast %get3A_1642 : vector<16xi32> to vector<32xbf16>
        %mul3A_1644 = arith.mulf %pack3A_1079, %bitcast3A_1643 : vector<32xbf16>
        %add3A_1645 = arith.addf %add3A_1631, %mul3A_1644 : vector<32xbf16>
        %get3A_1646 = arith.constant 11 : i32
        %get3A_1647 = arith.index_cast %get3A_1646 : i32 to index
        %get3A_1648 = arith.index_cast %mul3A_1489 : i32 to index
        %get3A_1649 = tpu.vector_load %arg15[%get3A_1647, %get3A_1648] {strides = array<i32>} : memref<64x256xi32, #tpu.memory_space<vmem>>, vector<16xi32>,
        %bitcast3A_1650 = vector.bitcast %get3A_1649 : vector<16xi32> to vector<32xbf16>
        %mul3A_1651 = arith.mulf %pack3A_1081, %bitcast3A_1650 : vector<32xbf16>
        %add3A_1652 = arith.addf %add3A_1638, %mul3A_1651 : vector<32xbf16>
        %get3A_1653 = arith.constant 43 : i32
        %get3A_1654 = arith.index_cast %get3A_1653 : i32 to index
        %get3A_1655 = arith.index_cast %mul3A_1489 : i32 to index
        %get3A_1656 = tpu.vector_load %arg15[%get3A_1654, %get3A_1655] {strides = array<i32>} : memref<64x256xi32, #tpu.memory_space<vmem>>, vector<16xi32>,
        %bitcast3A_1657 = vector.bitcast %get3A_1656 : vector<16xi32> to vector<32xbf16>
        %mul3A_1658 = arith.mulf %pack3A_1081, %bitcast3A_1657 : vector<32xbf16>
        %add3A_1659 = arith.addf %add3A_1645, %mul3A_1658 : vector<32xbf16>
        %get3A_1660 = arith.constant 12 : i32
        %get3A_1661 = arith.index_cast %get3A_1660 : i32 to index
        %get3A_1662 = arith.index_cast %mul3A_1489 : i32 to index
        %get3A_1663 = tpu.vector_load %arg15[%get3A_1661, %get3A_1662] {strides = array<i32>} : memref<64x256xi32, #tpu.memory_space<vmem>>, vector<16xi32>,
        %bitcast3A_1664 = vector.bitcast %get3A_1663 : vector<16xi32> to vector<32xbf16>
        %mul3A_1665 = arith.mulf %pack3A_1083, %bitcast3A_1664 : vector<32xbf16>
        %add3A_1666 = arith.addf %add3A_1652, %mul3A_1665 : vector<32xbf16>
        %get3A_1667 = arith.constant 44 : i32
        %get3A_1668 = arith.index_cast %get3A_1667 : i32 to index
        %get3A_1669 = arith.index_cast %mul3A_1489 : i32 to index
        %get3A_1670 = tpu.vector_load %arg15[%get3A_1668, %get3A_1669] {strides = array<i32>} : memref<64x256xi32, #tpu.memory_space<vmem>>, vector<16xi32>,
        %bitcast3A_1671 = vector.bitcast %get3A_1670 : vector<16xi32> to vector<32xbf16>
        %mul3A_1672 = arith.mulf %pack3A_1083, %bitcast3A_1671 : vector<32xbf16>
        %add3A_1673 = arith.addf %add3A_1659, %mul3A_1672 : vector<32xbf16>
        %get3A_1674 = arith.constant 13 : i32
        %get3A_1675 = arith.index_cast %get3A_1674 : i32 to index
        %get3A_1676 = arith.index_cast %mul3A_1489 : i32 to index
        %get3A_1677 = tpu.vector_load %arg15[%get3A_1675, %get3A_1676] {strides = array<i32>} : memref<64x256xi32, #tpu.memory_space<vmem>>, vector<16xi32>,
        %bitcast3A_1678 = vector.bitcast %get3A_1677 : vector<16xi32> to vector<32xbf16>
        %mul3A_1679 = arith.mulf %pack3A_1085, %bitcast3A_1678 : vector<32xbf16>
        %add3A_1680 = arith.addf %add3A_1666, %mul3A_1679 : vector<32xbf16>
        %get3A_1681 = arith.constant 45 : i32
        %get3A_1682 = arith.index_cast %get3A_1681 : i32 to index
        %get3A_1683 = arith.index_cast %mul3A_1489 : i32 to index
        %get3A_1684 = tpu.vector_load %arg15[%get3A_1682, %get3A_1683] {strides = array<i32>} : memref<64x256xi32, #tpu.memory_space<vmem>>, vector<16xi32>,
        %bitcast3A_1685 = vector.bitcast %get3A_1684 : vector<16xi32> to vector<32xbf16>
        %mul3A_1686 = arith.mulf %pack3A_1085, %bitcast3A_1685 : vector<32xbf16>
        %add3A_1687 = arith.addf %add3A_1673, %mul3A_1686 : vector<32xbf16>
        %get3A_1688 = arith.constant 14 : i32
        %get3A_1689 = arith.index_cast %get3A_1688 : i32 to index
        %get3A_1690 = arith.index_cast %mul3A_1489 : i32 to index
        %get3A_1691 = tpu.vector_load %arg15[%get3A_1689, %get3A_1690] {strides = array<i32>} : memref<64x256xi32, #tpu.memory_space<vmem>>, vector<16xi32>,
        %bitcast3A_1692 = vector.bitcast %get3A_1691 : vector<16xi32> to vector<32xbf16>
        %mul3A_1693 = arith.mulf %pack3A_1087, %bitcast3A_1692 : vector<32xbf16>
        %add3A_1694 = arith.addf %add3A_1680, %mul3A_1693 : vector<32xbf16>
        %get3A_1695 = arith.constant 46 : i32
        %get3A_1696 = arith.index_cast %get3A_1695 : i32 to index
        %get3A_1697 = arith.index_cast %mul3A_1489 : i32 to index
        %get3A_1698 = tpu.vector_load %arg15[%get3A_1696, %get3A_1697] {strides = array<i32>} : memref<64x256xi32, #tpu.memory_space<vmem>>, vector<16xi32>,
        %bitcast3A_1699 = vector.bitcast %get3A_1698 : vector<16xi32> to vector<32xbf16>
        %mul3A_1700 = arith.mulf %pack3A_1087, %bitcast3A_1699 : vector<32xbf16>
        %add3A_1701 = arith.addf %add3A_1687, %mul3A_1700 : vector<32xbf16>
        %get3A_1702 = arith.constant 15 : i32
        %get3A_1703 = arith.index_cast %get3A_1702 : i32 to index
        %get3A_1704 = arith.index_cast %mul3A_1489 : i32 to index
        %get3A_1705 = tpu.vector_load %arg15[%get3A_1703, %get3A_1704] {strides = array<i32>} : memref<64x256xi32, #tpu.memory_space<vmem>>, vector<16xi32>,
        %bitcast3A_1706 = vector.bitcast %get3A_1705 : vector<16xi32> to vector<32xbf16>
        %mul3A_1707 = arith.mulf %pack3A_1089, %bitcast3A_1706 : vector<32xbf16>
        %add3A_1708 = arith.addf %add3A_1694, %mul3A_1707 : vector<32xbf16>
        %get3A_1709 = arith.constant 47 : i32
        %get3A_1710 = arith.index_cast %get3A_1709 : i32 to index
        %get3A_1711 = arith.index_cast %mul3A_1489 : i32 to index
        %get3A_1712 = tpu.vector_load %arg15[%get3A_1710, %get3A_1711] {strides = array<i32>} : memref<64x256xi32, #tpu.memory_space<vmem>>, vector<16xi32>,
        %bitcast3A_1713 = vector.bitcast %get3A_1712 : vector<16xi32> to vector<32xbf16>
        %mul3A_1714 = arith.mulf %pack3A_1089, %bitcast3A_1713 : vector<32xbf16>
        %add3A_1715 = arith.addf %add3A_1701, %mul3A_1714 : vector<32xbf16>
        %get3A_1716 = arith.constant 16 : i32
        %get3A_1717 = arith.index_cast %get3A_1716 : i32 to index
        %get3A_1718 = arith.index_cast %mul3A_1489 : i32 to index
        %get3A_1719 = tpu.vector_load %arg15[%get3A_1717, %get3A_1718] {strides = array<i32>} : memref<64x256xi32, #tpu.memory_space<vmem>>, vector<16xi32>,
        %bitcast3A_1720 = vector.bitcast %get3A_1719 : vector<16xi32> to vector<32xbf16>
        %mul3A_1721 = arith.mulf %pack3A_1091, %bitcast3A_1720 : vector<32xbf16>
        %add3A_1722 = arith.addf %add3A_1708, %mul3A_1721 : vector<32xbf16>
        %get3A_1723 = arith.constant 48 : i32
        %get3A_1724 = arith.index_cast %get3A_1723 : i32 to index
        %get3A_1725 = arith.index_cast %mul3A_1489 : i32 to index
        %get3A_1726 = tpu.vector_load %arg15[%get3A_1724, %get3A_1725] {strides = array<i32>} : memref<64x256xi32, #tpu.memory_space<vmem>>, vector<16xi32>,
        %bitcast3A_1727 = vector.bitcast %get3A_1726 : vector<16xi32> to vector<32xbf16>
        %mul3A_1728 = arith.mulf %pack3A_1091, %bitcast3A_1727 : vector<32xbf16>
        %add3A_1729 = arith.addf %add3A_1715, %mul3A_1728 : vector<32xbf16>
        %get3A_1730 = arith.constant 17 : i32
        %get3A_1731 = arith.index_cast %get3A_1730 : i32 to index
        %get3A_1732 = arith.index_cast %mul3A_1489 : i32 to index
        %get3A_1733 = tpu.vector_load %arg15[%get3A_1731, %get3A_1732] {strides = array<i32>} : memref<64x256xi32, #tpu.memory_space<vmem>>, vector<16xi32>,
        %bitcast3A_1734 = vector.bitcast %get3A_1733 : vector<16xi32> to vector<32xbf16>
        %mul3A_1735 = arith.mulf %pack3A_1093, %bitcast3A_1734 : vector<32xbf16>
        %add3A_1736 = arith.addf %add3A_1722, %mul3A_1735 : vector<32xbf16>
        %get3A_1737 = arith.constant 49 : i32
        %get3A_1738 = arith.index_cast %get3A_1737 : i32 to index
        %get3A_1739 = arith.index_cast %mul3A_1489 : i32 to index
        %get3A_1740 = tpu.vector_load %arg15[%get3A_1738, %get3A_1739] {strides = array<i32>} : memref<64x256xi32, #tpu.memory_space<vmem>>, vector<16xi32>,
        %bitcast3A_1741 = vector.bitcast %get3A_1740 : vector<16xi32> to vector<32xbf16>
        %mul3A_1742 = arith.mulf %pack3A_1093, %bitcast3A_1741 : vector<32xbf16>
        %add3A_1743 = arith.addf %add3A_1729, %mul3A_1742 : vector<32xbf16>
        %get3A_1744 = arith.constant 18 : i32
        %get3A_1745 = arith.index_cast %get3A_1744 : i32 to index
        %get3A_1746 = arith.index_cast %mul3A_1489 : i32 to index
        %get3A_1747 = tpu.vector_load %arg15[%get3A_1745, %get3A_1746] {strides = array<i32>} : memref<64x256xi32, #tpu.memory_space<vmem>>, vector<16xi32>,
        %bitcast3A_1748 = vector.bitcast %get3A_1747 : vector<16xi32> to vector<32xbf16>
        %mul3A_1749 = arith.mulf %pack3A_1095, %bitcast3A_1748 : vector<32xbf16>
        %add3A_1750 = arith.addf %add3A_1736, %mul3A_1749 : vector<32xbf16>
        %get3A_1751 = arith.constant 50 : i32
        %get3A_1752 = arith.index_cast %get3A_1751 : i32 to index
        %get3A_1753 = arith.index_cast %mul3A_1489 : i32 to index
        %get3A_1754 = tpu.vector_load %arg15[%get3A_1752, %get3A_1753] {strides = array<i32>} : memref<64x256xi32, #tpu.memory_space<vmem>>, vector<16xi32>,
        %bitcast3A_1755 = vector.bitcast %get3A_1754 : vector<16xi32> to vector<32xbf16>
        %mul3A_1756 = arith.mulf %pack3A_1095, %bitcast3A_1755 : vector<32xbf16>
        %add3A_1757 = arith.addf %add3A_1743, %mul3A_1756 : vector<32xbf16>
        %get3A_1758 = arith.constant 19 : i32
        %get3A_1759 = arith.index_cast %get3A_1758 : i32 to index
        %get3A_1760 = arith.index_cast %mul3A_1489 : i32 to index
        %get3A_1761 = tpu.vector_load %arg15[%get3A_1759, %get3A_1760] {strides = array<i32>} : memref<64x256xi32, #tpu.memory_space<vmem>>, vector<16xi32>,
        %bitcast3A_1762 = vector.bitcast %get3A_1761 : vector<16xi32> to vector<32xbf16>
        %mul3A_1763 = arith.mulf %pack3A_1097, %bitcast3A_1762 : vector<32xbf16>
        %add3A_1764 = arith.addf %add3A_1750, %mul3A_1763 : vector<32xbf16>
        %get3A_1765 = arith.constant 51 : i32
        %get3A_1766 = arith.index_cast %get3A_1765 : i32 to index
        %get3A_1767 = arith.index_cast %mul3A_1489 : i32 to index
        %get3A_1768 = tpu.vector_load %arg15[%get3A_1766, %get3A_1767] {strides = array<i32>} : memref<64x256xi32, #tpu.memory_space<vmem>>, vector<16xi32>,
        %bitcast3A_1769 = vector.bitcast %get3A_1768 : vector<16xi32> to vector<32xbf16>
        %mul3A_1770 = arith.mulf %pack3A_1097, %bitcast3A_1769 : vector<32xbf16>
        %add3A_1771 = arith.addf %add3A_1757, %mul3A_1770 : vector<32xbf16>
        %get3A_1772 = arith.constant 20 : i32
        %get3A_1773 = arith.index_cast %get3A_1772 : i32 to index
        %get3A_1774 = arith.index_cast %mul3A_1489 : i32 to index
        %get3A_1775 = tpu.vector_load %arg15[%get3A_1773, %get3A_1774] {strides = array<i32>} : memref<64x256xi32, #tpu.memory_space<vmem>>, vector<16xi32>,
        %bitcast3A_1776 = vector.bitcast %get3A_1775 : vector<16xi32> to vector<32xbf16>
        %mul3A_1777 = arith.mulf %pack3A_1099, %bitcast3A_1776 : vector<32xbf16>
        %add3A_1778 = arith.addf %add3A_1764, %mul3A_1777 : vector<32xbf16>
        %get3A_1779 = arith.constant 52 : i32
        %get3A_1780 = arith.index_cast %get3A_1779 : i32 to index
        %get3A_1781 = arith.index_cast %mul3A_1489 : i32 to index
        %get3A_1782 = tpu.vector_load %arg15[%get3A_1780, %get3A_1781] {strides = array<i32>} : memref<64x256xi32, #tpu.memory_space<vmem>>, vector<16xi32>,
        %bitcast3A_1783 = vector.bitcast %get3A_1782 : vector<16xi32> to vector<32xbf16>
        %mul3A_1784 = arith.mulf %pack3A_1099, %bitcast3A_1783 : vector<32xbf16>
        %add3A_1785 = arith.addf %add3A_1771, %mul3A_1784 : vector<32xbf16>
        %get3A_1786 = arith.constant 21 : i32
        %get3A_1787 = arith.index_cast %get3A_1786 : i32 to index
        %get3A_1788 = arith.index_cast %mul3A_1489 : i32 to index
        %get3A_1789 = tpu.vector_load %arg15[%get3A_1787, %get3A_1788] {strides = array<i32>} : memref<64x256xi32, #tpu.memory_space<vmem>>, vector<16xi32>,
        %bitcast3A_1790 = vector.bitcast %get3A_1789 : vector<16xi32> to vector<32xbf16>
        %mul3A_1791 = arith.mulf %pack3A_1101, %bitcast3A_1790 : vector<32xbf16>
        %add3A_1792 = arith.addf %add3A_1778, %mul3A_1791 : vector<32xbf16>
        %get3A_1793 = arith.constant 53 : i32
        %get3A_1794 = arith.index_cast %get3A_1793 : i32 to index
        %get3A_1795 = arith.index_cast %mul3A_1489 : i32 to index
        %get3A_1796 = tpu.vector_load %arg15[%get3A_1794, %get3A_1795] {strides = array<i32>} : memref<64x256xi32, #tpu.memory_space<vmem>>, vector<16xi32>,
        %bitcast3A_1797 = vector.bitcast %get3A_1796 : vector<16xi32> to vector<32xbf16>
        %mul3A_1798 = arith.mulf %pack3A_1101, %bitcast3A_1797 : vector<32xbf16>
        %add3A_1799 = arith.addf %add3A_1785, %mul3A_1798 : vector<32xbf16>
        %get3A_1800 = arith.constant 22 : i32
        %get3A_1801 = arith.index_cast %get3A_1800 : i32 to index
        %get3A_1802 = arith.index_cast %mul3A_1489 : i32 to index
        %get3A_1803 = tpu.vector_load %arg15[%get3A_1801, %get3A_1802] {strides = array<i32>} : memref<64x256xi32, #tpu.memory_space<vmem>>, vector<16xi32>,
        %bitcast3A_1804 = vector.bitcast %get3A_1803 : vector<16xi32> to vector<32xbf16>
        %mul3A_1805 = arith.mulf %pack3A_1103, %bitcast3A_1804 : vector<32xbf16>
        %add3A_1806 = arith.addf %add3A_1792, %mul3A_1805 : vector<32xbf16>
        %get3A_1807 = arith.constant 54 : i32
        %get3A_1808 = arith.index_cast %get3A_1807 : i32 to index
        %get3A_1809 = arith.index_cast %mul3A_1489 : i32 to index
        %get3A_1810 = tpu.vector_load %arg15[%get3A_1808, %get3A_1809] {strides = array<i32>} : memref<64x256xi32, #tpu.memory_space<vmem>>, vector<16xi32>,
        %bitcast3A_1811 = vector.bitcast %get3A_1810 : vector<16xi32> to vector<32xbf16>
        %mul3A_1812 = arith.mulf %pack3A_1103, %bitcast3A_1811 : vector<32xbf16>
        %add3A_1813 = arith.addf %add3A_1799, %mul3A_1812 : vector<32xbf16>
        %get3A_1814 = arith.constant 23 : i32
        %get3A_1815 = arith.index_cast %get3A_1814 : i32 to index
        %get3A_1816 = arith.index_cast %mul3A_1489 : i32 to index
        %get3A_1817 = tpu.vector_load %arg15[%get3A_1815, %get3A_1816] {strides = array<i32>} : memref<64x256xi32, #tpu.memory_space<vmem>>, vector<16xi32>,
        %bitcast3A_1818 = vector.bitcast %get3A_1817 : vector<16xi32> to vector<32xbf16>
        %mul3A_1819 = arith.mulf %pack3A_1105, %bitcast3A_1818 : vector<32xbf16>
        %add3A_1820 = arith.addf %add3A_1806, %mul3A_1819 : vector<32xbf16>
        %get3A_1821 = arith.constant 55 : i32
        %get3A_1822 = arith.index_cast %get3A_1821 : i32 to index
        %get3A_1823 = arith.index_cast %mul3A_1489 : i32 to index
        %get3A_1824 = tpu.vector_load %arg15[%get3A_1822, %get3A_1823] {strides = array<i32>} : memref<64x256xi32, #tpu.memory_space<vmem>>, vector<16xi32>,
        %bitcast3A_1825 = vector.bitcast %get3A_1824 : vector<16xi32> to vector<32xbf16>
        %mul3A_1826 = arith.mulf %pack3A_1105, %bitcast3A_1825 : vector<32xbf16>
        %add3A_1827 = arith.addf %add3A_1813, %mul3A_1826 : vector<32xbf16>
        %get3A_1828 = arith.constant 24 : i32
        %get3A_1829 = arith.index_cast %get3A_1828 : i32 to index
        %get3A_1830 = arith.index_cast %mul3A_1489 : i32 to index
        %get3A_1831 = tpu.vector_load %arg15[%get3A_1829, %get3A_1830] {strides = array<i32>} : memref<64x256xi32, #tpu.memory_space<vmem>>, vector<16xi32>,
        %bitcast3A_1832 = vector.bitcast %get3A_1831 : vector<16xi32> to vector<32xbf16>
        %mul3A_1833 = arith.mulf %pack3A_1107, %bitcast3A_1832 : vector<32xbf16>
        %add3A_1834 = arith.addf %add3A_1820, %mul3A_1833 : vector<32xbf16>
        %get3A_1835 = arith.constant 56 : i32
        %get3A_1836 = arith.index_cast %get3A_1835 : i32 to index
        %get3A_1837 = arith.index_cast %mul3A_1489 : i32 to index
        %get3A_1838 = tpu.vector_load %arg15[%get3A_1836, %get3A_1837] {strides = array<i32>} : memref<64x256xi32, #tpu.memory_space<vmem>>, vector<16xi32>,
        %bitcast3A_1839 = vector.bitcast %get3A_1838 : vector<16xi32> to vector<32xbf16>
        %mul3A_1840 = arith.mulf %pack3A_1107, %bitcast3A_1839 : vector<32xbf16>
        %add3A_1841 = arith.addf %add3A_1827, %mul3A_1840 : vector<32xbf16>
        %get3A_1842 = arith.constant 25 : i32
        %get3A_1843 = arith.index_cast %get3A_1842 : i32 to index
        %get3A_1844 = arith.index_cast %mul3A_1489 : i32 to index
        %get3A_1845 = tpu.vector_load %arg15[%get3A_1843, %get3A_1844] {strides = array<i32>} : memref<64x256xi32, #tpu.memory_space<vmem>>, vector<16xi32>,
        %bitcast3A_1846 = vector.bitcast %get3A_1845 : vector<16xi32> to vector<32xbf16>
        %mul3A_1847 = arith.mulf %pack3A_1109, %bitcast3A_1846 : vector<32xbf16>
        %add3A_1848 = arith.addf %add3A_1834, %mul3A_1847 : vector<32xbf16>
        %get3A_1849 = arith.constant 57 : i32
        %get3A_1850 = arith.index_cast %get3A_1849 : i32 to index
        %get3A_1851 = arith.index_cast %mul3A_1489 : i32 to index
        %get3A_1852 = tpu.vector_load %arg15[%get3A_1850, %get3A_1851] {strides = array<i32>} : memref<64x256xi32, #tpu.memory_space<vmem>>, vector<16xi32>,
        %bitcast3A_1853 = vector.bitcast %get3A_1852 : vector<16xi32> to vector<32xbf16>
        %mul3A_1854 = arith.mulf %pack3A_1109, %bitcast3A_1853 : vector<32xbf16>
        %add3A_1855 = arith.addf %add3A_1841, %mul3A_1854 : vector<32xbf16>
        %get3A_1856 = arith.constant 26 : i32
        %get3A_1857 = arith.index_cast %get3A_1856 : i32 to index
        %get3A_1858 = arith.index_cast %mul3A_1489 : i32 to index
        %get3A_1859 = tpu.vector_load %arg15[%get3A_1857, %get3A_1858] {strides = array<i32>} : memref<64x256xi32, #tpu.memory_space<vmem>>, vector<16xi32>,
        %bitcast3A_1860 = vector.bitcast %get3A_1859 : vector<16xi32> to vector<32xbf16>
        %mul3A_1861 = arith.mulf %pack3A_1111, %bitcast3A_1860 : vector<32xbf16>
        %add3A_1862 = arith.addf %add3A_1848, %mul3A_1861 : vector<32xbf16>
        %get3A_1863 = arith.constant 58 : i32
        %get3A_1864 = arith.index_cast %get3A_1863 : i32 to index
        %get3A_1865 = arith.index_cast %mul3A_1489 : i32 to index
        %get3A_1866 = tpu.vector_load %arg15[%get3A_1864, %get3A_1865] {strides = array<i32>} : memref<64x256xi32, #tpu.memory_space<vmem>>, vector<16xi32>,
        %bitcast3A_1867 = vector.bitcast %get3A_1866 : vector<16xi32> to vector<32xbf16>
        %mul3A_1868 = arith.mulf %pack3A_1111, %bitcast3A_1867 : vector<32xbf16>
        %add3A_1869 = arith.addf %add3A_1855, %mul3A_1868 : vector<32xbf16>
        %get3A_1870 = arith.constant 27 : i32
        %get3A_1871 = arith.index_cast %get3A_1870 : i32 to index
        %get3A_1872 = arith.index_cast %mul3A_1489 : i32 to index
        %get3A_1873 = tpu.vector_load %arg15[%get3A_1871, %get3A_1872] {strides = array<i32>} : memref<64x256xi32, #tpu.memory_space<vmem>>, vector<16xi32>,
        %bitcast3A_1874 = vector.bitcast %get3A_1873 : vector<16xi32> to vector<32xbf16>
        %mul3A_1875 = arith.mulf %pack3A_1113, %bitcast3A_1874 : vector<32xbf16>
        %add3A_1876 = arith.addf %add3A_1862, %mul3A_1875 : vector<32xbf16>
        %get3A_1877 = arith.constant 59 : i32
        %get3A_1878 = arith.index_cast %get3A_1877 : i32 to index
        %get3A_1879 = arith.index_cast %mul3A_1489 : i32 to index
        %get3A_1880 = tpu.vector_load %arg15[%get3A_1878, %get3A_1879] {strides = array<i32>} : memref<64x256xi32, #tpu.memory_space<vmem>>, vector<16xi32>,
        %bitcast3A_1881 = vector.bitcast %get3A_1880 : vector<16xi32> to vector<32xbf16>
        %mul3A_1882 = arith.mulf %pack3A_1113, %bitcast3A_1881 : vector<32xbf16>
        %add3A_1883 = arith.addf %add3A_1869, %mul3A_1882 : vector<32xbf16>
        %get3A_1884 = arith.constant 28 : i32
        %get3A_1885 = arith.index_cast %get3A_1884 : i32 to index
        %get3A_1886 = arith.index_cast %mul3A_1489 : i32 to index
        %get3A_1887 = tpu.vector_load %arg15[%get3A_1885, %get3A_1886] {strides = array<i32>} : memref<64x256xi32, #tpu.memory_space<vmem>>, vector<16xi32>,
        %bitcast3A_1888 = vector.bitcast %get3A_1887 : vector<16xi32> to vector<32xbf16>
        %mul3A_1889 = arith.mulf %pack3A_1115, %bitcast3A_1888 : vector<32xbf16>
        %add3A_1890 = arith.addf %add3A_1876, %mul3A_1889 : vector<32xbf16>
        %get3A_1891 = arith.constant 60 : i32
        %get3A_1892 = arith.index_cast %get3A_1891 : i32 to index
        %get3A_1893 = arith.index_cast %mul3A_1489 : i32 to index
        %get3A_1894 = tpu.vector_load %arg15[%get3A_1892, %get3A_1893] {strides = array<i32>} : memref<64x256xi32, #tpu.memory_space<vmem>>, vector<16xi32>,
        %bitcast3A_1895 = vector.bitcast %get3A_1894 : vector<16xi32> to vector<32xbf16>
        %mul3A_1896 = arith.mulf %pack3A_1115, %bitcast3A_1895 : vector<32xbf16>
        %add3A_1897 = arith.addf %add3A_1883, %mul3A_1896 : vector<32xbf16>
        %get3A_1898 = arith.constant 29 : i32
        %get3A_1899 = arith.index_cast %get3A_1898 : i32 to index
        %get3A_1900 = arith.index_cast %mul3A_1489 : i32 to index
        %get3A_1901 = tpu.vector_load %arg15[%get3A_1899, %get3A_1900] {strides = array<i32>} : memref<64x256xi32, #tpu.memory_space<vmem>>, vector<16xi32>,
        %bitcast3A_1902 = vector.bitcast %get3A_1901 : vector<16xi32> to vector<32xbf16>
        %mul3A_1903 = arith.mulf %pack3A_1117, %bitcast3A_1902 : vector<32xbf16>
        %add3A_1904 = arith.addf %add3A_1890, %mul3A_1903 : vector<32xbf16>
        %get3A_1905 = arith.constant 61 : i32
        %get3A_1906 = arith.index_cast %get3A_1905 : i32 to index
        %get3A_1907 = arith.index_cast %mul3A_1489 : i32 to index
        %get3A_1908 = tpu.vector_load %arg15[%get3A_1906, %get3A_1907] {strides = array<i32>} : memref<64x256xi32, #tpu.memory_space<vmem>>, vector<16xi32>,
        %bitcast3A_1909 = vector.bitcast %get3A_1908 : vector<16xi32> to vector<32xbf16>
        %mul3A_1910 = arith.mulf %pack3A_1117, %bitcast3A_1909 : vector<32xbf16>
        %add3A_1911 = arith.addf %add3A_1897, %mul3A_1910 : vector<32xbf16>
        %get3A_1912 = arith.constant 30 : i32
        %get3A_1913 = arith.index_cast %get3A_1912 : i32 to index
        %get3A_1914 = arith.index_cast %mul3A_1489 : i32 to index
        %get3A_1915 = tpu.vector_load %arg15[%get3A_1913, %get3A_1914] {strides = array<i32>} : memref<64x256xi32, #tpu.memory_space<vmem>>, vector<16xi32>,
        %bitcast3A_1916 = vector.bitcast %get3A_1915 : vector<16xi32> to vector<32xbf16>
        %mul3A_1917 = arith.mulf %pack3A_1119, %bitcast3A_1916 : vector<32xbf16>
        %add3A_1918 = arith.addf %add3A_1904, %mul3A_1917 : vector<32xbf16>
        %get3A_1919 = arith.constant 62 : i32
        %get3A_1920 = arith.index_cast %get3A_1919 : i32 to index
        %get3A_1921 = arith.index_cast %mul3A_1489 : i32 to index
        %get3A_1922 = tpu.vector_load %arg15[%get3A_1920, %get3A_1921] {strides = array<i32>} : memref<64x256xi32, #tpu.memory_space<vmem>>, vector<16xi32>,
        %bitcast3A_1923 = vector.bitcast %get3A_1922 : vector<16xi32> to vector<32xbf16>
        %mul3A_1924 = arith.mulf %pack3A_1119, %bitcast3A_1923 : vector<32xbf16>
        %add3A_1925 = arith.addf %add3A_1911, %mul3A_1924 : vector<32xbf16>
        %get3A_1926 = arith.constant 31 : i32
        %get3A_1927 = arith.index_cast %get3A_1926 : i32 to index
        %get3A_1928 = arith.index_cast %mul3A_1489 : i32 to index
        %get3A_1929 = tpu.vector_load %arg15[%get3A_1927, %get3A_1928] {strides = array<i32>} : memref<64x256xi32, #tpu.memory_space<vmem>>, vector<16xi32>,
        %bitcast3A_1930 = vector.bitcast %get3A_1929 : vector<16xi32> to vector<32xbf16>
        %mul3A_1931 = arith.mulf %pack3A_1121, %bitcast3A_1930 : vector<32xbf16>
        %add3A_1932 = arith.addf %add3A_1918, %mul3A_1931 : vector<32xbf16>
        %get3A_1933 = arith.constant 63 : i32
        %get3A_1934 = arith.index_cast %get3A_1933 : i32 to index
        %get3A_1935 = arith.index_cast %mul3A_1489 : i32 to index
        %get3A_1936 = tpu.vector_load %arg15[%get3A_1934, %get3A_1935] {strides = array<i32>} : memref<64x256xi32, #tpu.memory_space<vmem>>, vector<16xi32>,
        %bitcast3A_1937 = vector.bitcast %get3A_1936 : vector<16xi32> to vector<32xbf16>
        %mul3A_1938 = arith.mulf %pack3A_1121, %bitcast3A_1937 : vector<32xbf16>
        %add3A_1939 = arith.addf %add3A_1925, %mul3A_1938 : vector<32xbf16>
        %max3A = arith.maximumf %add3A_1932, %broadcast_in_dim3A_1123 : vector<32xbf16>
        %min3A = arith.minimumf %max3A, %broadcast_in_dim3A_1125 : vector<32xbf16>
        %max3A_1940 = arith.maximumf %add3A_1939, %broadcast_in_dim3A_1123 : vector<32xbf16>
        %min3A_1941 = arith.minimumf %max3A_1940, %broadcast_in_dim3A_1125 : vector<32xbf16>
        %add3A_1942 = arith.constant 256 : i32
        %add3A_1943 = arith.addi %add3A_1942, %mul3A_1489 : i32
        %get3A_1944 = arith.index_cast %add3A_1943 : i32 to index
        %get3A_1945 = tpu.vector_load %arg12[%get3A_1944] {strides = array<i32>} : memref<768xi32, #tpu.memory_space<vmem>>, vector<16xi32>,
        %bitcast3A_1946 = vector.bitcast %get3A_1945 : vector<16xi32> to vector<32xbf16>
        %mul3A_1947 = arith.mulf %min3A, %bitcast3A_1946 : vector<32xbf16>
        %add3A_1948 = arith.addf %scan3A_1487, %mul3A_1947 : vector<32xbf16>
        %add3A_1949 = arith.constant 512 : i32
        %add3A_1950 = arith.addi %add3A_1949, %mul3A_1489 : i32
        %get3A_1951 = arith.index_cast %add3A_1950 : i32 to index
        %get3A_1952 = tpu.vector_load %arg12[%get3A_1951] {strides = array<i32>} : memref<768xi32, #tpu.memory_space<vmem>>, vector<16xi32>,
        %bitcast3A_1953 = vector.bitcast %get3A_1952 : vector<16xi32> to vector<32xbf16>
        %mul3A_1954 = arith.mulf %min3A_1941, %bitcast3A_1953 : vector<32xbf16>
        %add3A_1955 = arith.addf %add3A_1948, %mul3A_1954 : vector<32xbf16>
        scf.yield %add3A_1955 : vector<32xbf16>
      }
      %scan3A_1131 = arith.constant 16 : i32
      %unpack3A_1132 = tpu.unpack_subelements %scan3A_1130, 0 {pack_format = #tpu.pack_format<interleaved>} : vector<32xbf16> -> vector<16xf32>
      %unpack3A_1133 = tpu.unpack_subelements %scan3A_1130, 1 {pack_format = #tpu.pack_format<interleaved>} : vector<32xbf16> -> vector<16xf32>
      %add3A_1134 = arith.addf %unpack3A_1132, %unpack3A_1133 : vector<16xf32>
      %mul3A_1135 = arith.constant 16 : i32
      %mul3A_1136 = arith.muli %add3A_977, %mul3A_1135 : i32
      %swap3A_1137 = arith.index_cast %mul3A_1136 : i32 to index
      %swap3A_1138 = tpu.vector_load %arg18[%swap3A_1137] {strides = array<i32>} : memref<2048xf32, #tpu.memory_space<vmem>>, vector<16xf32>,
      tpu.vector_store %arg18[%swap3A_1137], %add3A_1134 {strides = array<i32>} : memref<2048xf32, #tpu.memory_space<vmem>>, vector<16xf32>,
      %add3A_1139 = arith.constant 4 : i32
      %add3A_1140 = arith.addi %add3A_977, %add3A_1139 : i32
      %lt3A_1141 = arith.constant 128 : i32
      %lt3A_1142 = arith.cmpi slt, %add3A_1140, %lt3A_1141 : i32
      %convert_element_type3A_1143 = arith.extui %lt3A_1142 : i1 to i32
      %cond3A_1144 = arith.constant 0 : i32
      %cond3A_1145 = arith.cmpi ne, %convert_element_type3A_1143, %cond3A_1144 : i32
      scf.if %cond3A_1145 {
        %add3A_1486 = arith.constant 4 : i32
        %add3A_1487 = arith.addi %add3A_977, %add3A_1486 : i32
        %mul3A_1488 = arith.constant 32 : i32
        %mul3A_1489 = arith.muli %add3A_1487, %mul3A_1488 : i32
        %dma_start3A_1490 = arith.constant 0 : i32
        %dma_start3A_1491 = arith.constant 0 : i32
        %dma_start3A_1492 = tpu.memref_slice %arg15[%dma_start3A_1490, %dma_start3A_1491] : memref<64x256xi32, #tpu.memory_space<vmem>> -> memref<32x256xi32, #tpu.memory_space<vmem>>
        %dma_start3A_1493 = tpu.memref_slice %arg9[%mul3A_1489] : memref<4096xi32, #tpu.memory_space<vmem>> -> memref<32xi32, #tpu.memory_space<vmem>>
        %dma_start3A_1494 = arith.constant 0 : i32
        %dma_start3A_1495 = arith.constant 0 : i32
        %dma_start3A_1496 = tpu.memref_slice %arg2[%dma_start3A_1494, %dma_start3A_1495] : memref<49152x256xi32, #tpu.memory_space<hbm>> -> memref<49152x256xi32, #tpu.memory_space<hbm>>
        tpu.enqueue_indirect_dma source(%dma_start3A_1496 : memref<49152x256xi32, #tpu.memory_space<hbm>>) target(%dma_start3A_1492 : memref<32x256xi32, #tpu.memory_space<vmem>>) offsets(%dma_start3A_1493 : memref<32xi32, #tpu.memory_space<vmem>>) semaphore(%arg21 : memref<!tpu.dma_semaphore, #tpu.memory_space<semaphore_mem>>)
        %dma_start3A_1497 = arith.constant 32 : i32
        %dma_start3A_1498 = arith.constant 0 : i32
        %dma_start3A_1499 = tpu.memref_slice %arg15[%dma_start3A_1497, %dma_start3A_1498] : memref<64x256xi32, #tpu.memory_space<vmem>> -> memref<32x256xi32, #tpu.memory_space<vmem>>
        %dma_start3A_1500 = tpu.memref_slice %arg10[%mul3A_1489] : memref<4096xi32, #tpu.memory_space<vmem>> -> memref<32xi32, #tpu.memory_space<vmem>>
        %dma_start3A_1501 = arith.constant 0 : i32
        %dma_start3A_1502 = arith.constant 0 : i32
        %dma_start3A_1503 = tpu.memref_slice %arg2[%dma_start3A_1501, %dma_start3A_1502] : memref<49152x256xi32, #tpu.memory_space<hbm>> -> memref<49152x256xi32, #tpu.memory_space<hbm>>
        tpu.enqueue_indirect_dma source(%dma_start3A_1503 : memref<49152x256xi32, #tpu.memory_space<hbm>>) target(%dma_start3A_1499 : memref<32x256xi32, #tpu.memory_space<vmem>>) offsets(%dma_start3A_1500 : memref<32xi32, #tpu.memory_space<vmem>>) semaphore(%arg21 : memref<!tpu.dma_semaphore, #tpu.memory_space<semaphore_mem>>)
      } else {
      }
      %add3A_1146 = arith.constant 2 : i32
      %add3A_1147 = arith.addi %mul3A_814, %add3A_1146 : i32
      %dma_wait3A_1148 = arith.constant 0 : i32
      %dma_wait3A_1149 = arith.constant 0 : i32
      %dma_wait3A_1150 = tpu.memref_slice %arg2[%dma_wait3A_1148, %dma_wait3A_1149] : memref<49152x256xi32, #tpu.memory_space<hbm>> -> memref<64x256xi32, #tpu.memory_space<hbm>>
      %dma_wait3A_1151 = arith.constant 0 : i32
      %dma_wait3A_1152 = arith.constant 0 : i32
      %dma_wait3A_1153 = tpu.memref_slice %arg2[%dma_wait3A_1151, %dma_wait3A_1152] : memref<49152x256xi32, #tpu.memory_space<hbm>> -> memref<64x256xi32, #tpu.memory_space<hbm>>
      tpu.wait_dma2 semaphore(%arg22 : memref<!tpu.dma_semaphore, #tpu.memory_space<semaphore_mem>>) src(%dma_wait3A_1153 : memref<64x256xi32, #tpu.memory_space<hbm>>) dst(%arg16 : memref<64x256xi32, #tpu.memory_space<vmem>>)
      %mul3A_1154 = arith.constant 32 : i32
      %mul3A_1155 = arith.muli %add3A_1147, %mul3A_1154 : i32
      %get3A_1156 = arith.index_cast %mul3A_1155 : i32 to index
      %get3A_1157 = tpu.vector_load %arg11[%get3A_1156] {strides = array<i32>} : memref<4096xf32, #tpu.memory_space<vmem>>, vector<16xf32>,
      %mul3A_1158 = arith.constant 32 : i32
      %mul3A_1159 = arith.muli %add3A_1147, %mul3A_1158 : i32
      %add3A_1160 = arith.constant 16 : i32
      %add3A_1161 = arith.addi %mul3A_1159, %add3A_1160 : i32
      %get3A_1162 = arith.index_cast %add3A_1161 : i32 to index
      %get3A_1163 = tpu.vector_load %arg11[%get3A_1162] {strides = array<i32>} : memref<4096xf32, #tpu.memory_space<vmem>>, vector<16xf32>,
      %slice3A_1164 = vector.extract_strided_slice %get3A_1157 {offsets = [0], sizes = [1], strides = [1]} : vector<16xf32> to vector<1xf32>
      %squeeze3A_1165 = vector.extract %slice3A_1164[0] : f32 from vector<1xf32>
      %slice3A_1166 = vector.extract_strided_slice %get3A_1157 {offsets = [1], sizes = [1], strides = [1]} : vector<16xf32> to vector<1xf32>
      %squeeze3A_1167 = vector.extract %slice3A_1166[0] : f32 from vector<1xf32>
      %slice3A_1168 = vector.extract_strided_slice %get3A_1157 {offsets = [2], sizes = [1], strides = [1]} : vector<16xf32> to vector<1xf32>
      %squeeze3A_1169 = vector.extract %slice3A_1168[0] : f32 from vector<1xf32>
      %slice3A_1170 = vector.extract_strided_slice %get3A_1157 {offsets = [3], sizes = [1], strides = [1]} : vector<16xf32> to vector<1xf32>
      %squeeze3A_1171 = vector.extract %slice3A_1170[0] : f32 from vector<1xf32>
      %slice3A_1172 = vector.extract_strided_slice %get3A_1157 {offsets = [4], sizes = [1], strides = [1]} : vector<16xf32> to vector<1xf32>
      %squeeze3A_1173 = vector.extract %slice3A_1172[0] : f32 from vector<1xf32>
      %slice3A_1174 = vector.extract_strided_slice %get3A_1157 {offsets = [5], sizes = [1], strides = [1]} : vector<16xf32> to vector<1xf32>
      %squeeze3A_1175 = vector.extract %slice3A_1174[0] : f32 from vector<1xf32>
      %slice3A_1176 = vector.extract_strided_slice %get3A_1157 {offsets = [6], sizes = [1], strides = [1]} : vector<16xf32> to vector<1xf32>
      %squeeze3A_1177 = vector.extract %slice3A_1176[0] : f32 from vector<1xf32>
      %slice3A_1178 = vector.extract_strided_slice %get3A_1157 {offsets = [7], sizes = [1], strides = [1]} : vector<16xf32> to vector<1xf32>
      %squeeze3A_1179 = vector.extract %slice3A_1178[0] : f32 from vector<1xf32>
      %slice3A_1180 = vector.extract_strided_slice %get3A_1157 {offsets = [8], sizes = [1], strides = [1]} : vector<16xf32> to vector<1xf32>
      %squeeze3A_1181 = vector.extract %slice3A_1180[0] : f32 from vector<1xf32>
      %slice3A_1182 = vector.extract_strided_slice %get3A_1157 {offsets = [9], sizes = [1], strides = [1]} : vector<16xf32> to vector<1xf32>
      %squeeze3A_1183 = vector.extract %slice3A_1182[0] : f32 from vector<1xf32>
      %slice3A_1184 = vector.extract_strided_slice %get3A_1157 {offsets = [10], sizes = [1], strides = [1]} : vector<16xf32> to vector<1xf32>
      %squeeze3A_1185 = vector.extract %slice3A_1184[0] : f32 from vector<1xf32>
      %slice3A_1186 = vector.extract_strided_slice %get3A_1157 {offsets = [11], sizes = [1], strides = [1]} : vector<16xf32> to vector<1xf32>
      %squeeze3A_1187 = vector.extract %slice3A_1186[0] : f32 from vector<1xf32>
      %slice3A_1188 = vector.extract_strided_slice %get3A_1157 {offsets = [12], sizes = [1], strides = [1]} : vector<16xf32> to vector<1xf32>
      %squeeze3A_1189 = vector.extract %slice3A_1188[0] : f32 from vector<1xf32>
      %slice3A_1190 = vector.extract_strided_slice %get3A_1157 {offsets = [13], sizes = [1], strides = [1]} : vector<16xf32> to vector<1xf32>
      %squeeze3A_1191 = vector.extract %slice3A_1190[0] : f32 from vector<1xf32>
      %slice3A_1192 = vector.extract_strided_slice %get3A_1157 {offsets = [14], sizes = [1], strides = [1]} : vector<16xf32> to vector<1xf32>
      %squeeze3A_1193 = vector.extract %slice3A_1192[0] : f32 from vector<1xf32>
      %slice3A_1194 = vector.extract_strided_slice %get3A_1157 {offsets = [15], sizes = [1], strides = [1]} : vector<16xf32> to vector<1xf32>
      %squeeze3A_1195 = vector.extract %slice3A_1194[0] : f32 from vector<1xf32>
      %slice3A_1196 = vector.extract_strided_slice %get3A_1163 {offsets = [0], sizes = [1], strides = [1]} : vector<16xf32> to vector<1xf32>
      %squeeze3A_1197 = vector.extract %slice3A_1196[0] : f32 from vector<1xf32>
      %slice3A_1198 = vector.extract_strided_slice %get3A_1163 {offsets = [1], sizes = [1], strides = [1]} : vector<16xf32> to vector<1xf32>
      %squeeze3A_1199 = vector.extract %slice3A_1198[0] : f32 from vector<1xf32>
      %slice3A_1200 = vector.extract_strided_slice %get3A_1163 {offsets = [2], sizes = [1], strides = [1]} : vector<16xf32> to vector<1xf32>
      %squeeze3A_1201 = vector.extract %slice3A_1200[0] : f32 from vector<1xf32>
      %slice3A_1202 = vector.extract_strided_slice %get3A_1163 {offsets = [3], sizes = [1], strides = [1]} : vector<16xf32> to vector<1xf32>
      %squeeze3A_1203 = vector.extract %slice3A_1202[0] : f32 from vector<1xf32>
      %slice3A_1204 = vector.extract_strided_slice %get3A_1163 {offsets = [4], sizes = [1], strides = [1]} : vector<16xf32> to vector<1xf32>
      %squeeze3A_1205 = vector.extract %slice3A_1204[0] : f32 from vector<1xf32>
      %slice3A_1206 = vector.extract_strided_slice %get3A_1163 {offsets = [5], sizes = [1], strides = [1]} : vector<16xf32> to vector<1xf32>
      %squeeze3A_1207 = vector.extract %slice3A_1206[0] : f32 from vector<1xf32>
      %slice3A_1208 = vector.extract_strided_slice %get3A_1163 {offsets = [6], sizes = [1], strides = [1]} : vector<16xf32> to vector<1xf32>
      %squeeze3A_1209 = vector.extract %slice3A_1208[0] : f32 from vector<1xf32>
      %slice3A_1210 = vector.extract_strided_slice %get3A_1163 {offsets = [7], sizes = [1], strides = [1]} : vector<16xf32> to vector<1xf32>
      %squeeze3A_1211 = vector.extract %slice3A_1210[0] : f32 from vector<1xf32>
      %slice3A_1212 = vector.extract_strided_slice %get3A_1163 {offsets = [8], sizes = [1], strides = [1]} : vector<16xf32> to vector<1xf32>
      %squeeze3A_1213 = vector.extract %slice3A_1212[0] : f32 from vector<1xf32>
      %slice3A_1214 = vector.extract_strided_slice %get3A_1163 {offsets = [9], sizes = [1], strides = [1]} : vector<16xf32> to vector<1xf32>
      %squeeze3A_1215 = vector.extract %slice3A_1214[0] : f32 from vector<1xf32>
      %slice3A_1216 = vector.extract_strided_slice %get3A_1163 {offsets = [10], sizes = [1], strides = [1]} : vector<16xf32> to vector<1xf32>
      %squeeze3A_1217 = vector.extract %slice3A_1216[0] : f32 from vector<1xf32>
      %slice3A_1218 = vector.extract_strided_slice %get3A_1163 {offsets = [11], sizes = [1], strides = [1]} : vector<16xf32> to vector<1xf32>
      %squeeze3A_1219 = vector.extract %slice3A_1218[0] : f32 from vector<1xf32>
      %slice3A_1220 = vector.extract_strided_slice %get3A_1163 {offsets = [12], sizes = [1], strides = [1]} : vector<16xf32> to vector<1xf32>
      %squeeze3A_1221 = vector.extract %slice3A_1220[0] : f32 from vector<1xf32>
      %slice3A_1222 = vector.extract_strided_slice %get3A_1163 {offsets = [13], sizes = [1], strides = [1]} : vector<16xf32> to vector<1xf32>
      %squeeze3A_1223 = vector.extract %slice3A_1222[0] : f32 from vector<1xf32>
      %slice3A_1224 = vector.extract_strided_slice %get3A_1163 {offsets = [14], sizes = [1], strides = [1]} : vector<16xf32> to vector<1xf32>
      %squeeze3A_1225 = vector.extract %slice3A_1224[0] : f32 from vector<1xf32>
      %slice3A_1226 = vector.extract_strided_slice %get3A_1163 {offsets = [15], sizes = [1], strides = [1]} : vector<16xf32> to vector<1xf32>
      %squeeze3A_1227 = vector.extract %slice3A_1226[0] : f32 from vector<1xf32>
      %broadcast_in_dim3A_1228 = vector.broadcast %squeeze3A_1165 : f32 to vector<16xf32>
      %pack3A_1229 = tpu.pack_subelements %broadcast_in_dim3A_1228, %broadcast_in_dim3A_1228 {pack_format = #tpu.pack_format<interleaved>, positions = array<i32: 0, 1>} : vector<16xf32>, vector<16xf32> -> vector<32xbf16>
      %broadcast_in_dim3A_1230 = vector.broadcast %squeeze3A_1167 : f32 to vector<16xf32>
      %pack3A_1231 = tpu.pack_subelements %broadcast_in_dim3A_1230, %broadcast_in_dim3A_1230 {pack_format = #tpu.pack_format<interleaved>, positions = array<i32: 0, 1>} : vector<16xf32>, vector<16xf32> -> vector<32xbf16>
      %broadcast_in_dim3A_1232 = vector.broadcast %squeeze3A_1169 : f32 to vector<16xf32>
      %pack3A_1233 = tpu.pack_subelements %broadcast_in_dim3A_1232, %broadcast_in_dim3A_1232 {pack_format = #tpu.pack_format<interleaved>, positions = array<i32: 0, 1>} : vector<16xf32>, vector<16xf32> -> vector<32xbf16>
      %broadcast_in_dim3A_1234 = vector.broadcast %squeeze3A_1171 : f32 to vector<16xf32>
      %pack3A_1235 = tpu.pack_subelements %broadcast_in_dim3A_1234, %broadcast_in_dim3A_1234 {pack_format = #tpu.pack_format<interleaved>, positions = array<i32: 0, 1>} : vector<16xf32>, vector<16xf32> -> vector<32xbf16>
      %broadcast_in_dim3A_1236 = vector.broadcast %squeeze3A_1173 : f32 to vector<16xf32>
      %pack3A_1237 = tpu.pack_subelements %broadcast_in_dim3A_1236, %broadcast_in_dim3A_1236 {pack_format = #tpu.pack_format<interleaved>, positions = array<i32: 0, 1>} : vector<16xf32>, vector<16xf32> -> vector<32xbf16>
      %broadcast_in_dim3A_1238 = vector.broadcast %squeeze3A_1175 : f32 to vector<16xf32>
      %pack3A_1239 = tpu.pack_subelements %broadcast_in_dim3A_1238, %broadcast_in_dim3A_1238 {pack_format = #tpu.pack_format<interleaved>, positions = array<i32: 0, 1>} : vector<16xf32>, vector<16xf32> -> vector<32xbf16>
      %broadcast_in_dim3A_1240 = vector.broadcast %squeeze3A_1177 : f32 to vector<16xf32>
      %pack3A_1241 = tpu.pack_subelements %broadcast_in_dim3A_1240, %broadcast_in_dim3A_1240 {pack_format = #tpu.pack_format<interleaved>, positions = array<i32: 0, 1>} : vector<16xf32>, vector<16xf32> -> vector<32xbf16>
      %broadcast_in_dim3A_1242 = vector.broadcast %squeeze3A_1179 : f32 to vector<16xf32>
      %pack3A_1243 = tpu.pack_subelements %broadcast_in_dim3A_1242, %broadcast_in_dim3A_1242 {pack_format = #tpu.pack_format<interleaved>, positions = array<i32: 0, 1>} : vector<16xf32>, vector<16xf32> -> vector<32xbf16>
      %broadcast_in_dim3A_1244 = vector.broadcast %squeeze3A_1181 : f32 to vector<16xf32>
      %pack3A_1245 = tpu.pack_subelements %broadcast_in_dim3A_1244, %broadcast_in_dim3A_1244 {pack_format = #tpu.pack_format<interleaved>, positions = array<i32: 0, 1>} : vector<16xf32>, vector<16xf32> -> vector<32xbf16>
      %broadcast_in_dim3A_1246 = vector.broadcast %squeeze3A_1183 : f32 to vector<16xf32>
      %pack3A_1247 = tpu.pack_subelements %broadcast_in_dim3A_1246, %broadcast_in_dim3A_1246 {pack_format = #tpu.pack_format<interleaved>, positions = array<i32: 0, 1>} : vector<16xf32>, vector<16xf32> -> vector<32xbf16>
      %broadcast_in_dim3A_1248 = vector.broadcast %squeeze3A_1185 : f32 to vector<16xf32>
      %pack3A_1249 = tpu.pack_subelements %broadcast_in_dim3A_1248, %broadcast_in_dim3A_1248 {pack_format = #tpu.pack_format<interleaved>, positions = array<i32: 0, 1>} : vector<16xf32>, vector<16xf32> -> vector<32xbf16>
      %broadcast_in_dim3A_1250 = vector.broadcast %squeeze3A_1187 : f32 to vector<16xf32>
      %pack3A_1251 = tpu.pack_subelements %broadcast_in_dim3A_1250, %broadcast_in_dim3A_1250 {pack_format = #tpu.pack_format<interleaved>, positions = array<i32: 0, 1>} : vector<16xf32>, vector<16xf32> -> vector<32xbf16>
      %broadcast_in_dim3A_1252 = vector.broadcast %squeeze3A_1189 : f32 to vector<16xf32>
      %pack3A_1253 = tpu.pack_subelements %broadcast_in_dim3A_1252, %broadcast_in_dim3A_1252 {pack_format = #tpu.pack_format<interleaved>, positions = array<i32: 0, 1>} : vector<16xf32>, vector<16xf32> -> vector<32xbf16>
      %broadcast_in_dim3A_1254 = vector.broadcast %squeeze3A_1191 : f32 to vector<16xf32>
      %pack3A_1255 = tpu.pack_subelements %broadcast_in_dim3A_1254, %broadcast_in_dim3A_1254 {pack_format = #tpu.pack_format<interleaved>, positions = array<i32: 0, 1>} : vector<16xf32>, vector<16xf32> -> vector<32xbf16>
      %broadcast_in_dim3A_1256 = vector.broadcast %squeeze3A_1193 : f32 to vector<16xf32>
      %pack3A_1257 = tpu.pack_subelements %broadcast_in_dim3A_1256, %broadcast_in_dim3A_1256 {pack_format = #tpu.pack_format<interleaved>, positions = array<i32: 0, 1>} : vector<16xf32>, vector<16xf32> -> vector<32xbf16>
      %broadcast_in_dim3A_1258 = vector.broadcast %squeeze3A_1195 : f32 to vector<16xf32>
      %pack3A_1259 = tpu.pack_subelements %broadcast_in_dim3A_1258, %broadcast_in_dim3A_1258 {pack_format = #tpu.pack_format<interleaved>, positions = array<i32: 0, 1>} : vector<16xf32>, vector<16xf32> -> vector<32xbf16>
      %broadcast_in_dim3A_1260 = vector.broadcast %squeeze3A_1197 : f32 to vector<16xf32>
      %pack3A_1261 = tpu.pack_subelements %broadcast_in_dim3A_1260, %broadcast_in_dim3A_1260 {pack_format = #tpu.pack_format<interleaved>, positions = array<i32: 0, 1>} : vector<16xf32>, vector<16xf32> -> vector<32xbf16>
      %broadcast_in_dim3A_1262 = vector.broadcast %squeeze3A_1199 : f32 to vector<16xf32>
      %pack3A_1263 = tpu.pack_subelements %broadcast_in_dim3A_1262, %broadcast_in_dim3A_1262 {pack_format = #tpu.pack_format<interleaved>, positions = array<i32: 0, 1>} : vector<16xf32>, vector<16xf32> -> vector<32xbf16>
      %broadcast_in_dim3A_1264 = vector.broadcast %squeeze3A_1201 : f32 to vector<16xf32>
      %pack3A_1265 = tpu.pack_subelements %broadcast_in_dim3A_1264, %broadcast_in_dim3A_1264 {pack_format = #tpu.pack_format<interleaved>, positions = array<i32: 0, 1>} : vector<16xf32>, vector<16xf32> -> vector<32xbf16>
      %broadcast_in_dim3A_1266 = vector.broadcast %squeeze3A_1203 : f32 to vector<16xf32>
      %pack3A_1267 = tpu.pack_subelements %broadcast_in_dim3A_1266, %broadcast_in_dim3A_1266 {pack_format = #tpu.pack_format<interleaved>, positions = array<i32: 0, 1>} : vector<16xf32>, vector<16xf32> -> vector<32xbf16>
      %broadcast_in_dim3A_1268 = vector.broadcast %squeeze3A_1205 : f32 to vector<16xf32>
      %pack3A_1269 = tpu.pack_subelements %broadcast_in_dim3A_1268, %broadcast_in_dim3A_1268 {pack_format = #tpu.pack_format<interleaved>, positions = array<i32: 0, 1>} : vector<16xf32>, vector<16xf32> -> vector<32xbf16>
      %broadcast_in_dim3A_1270 = vector.broadcast %squeeze3A_1207 : f32 to vector<16xf32>
      %pack3A_1271 = tpu.pack_subelements %broadcast_in_dim3A_1270, %broadcast_in_dim3A_1270 {pack_format = #tpu.pack_format<interleaved>, positions = array<i32: 0, 1>} : vector<16xf32>, vector<16xf32> -> vector<32xbf16>
      %broadcast_in_dim3A_1272 = vector.broadcast %squeeze3A_1209 : f32 to vector<16xf32>
      %pack3A_1273 = tpu.pack_subelements %broadcast_in_dim3A_1272, %broadcast_in_dim3A_1272 {pack_format = #tpu.pack_format<interleaved>, positions = array<i32: 0, 1>} : vector<16xf32>, vector<16xf32> -> vector<32xbf16>
      %broadcast_in_dim3A_1274 = vector.broadcast %squeeze3A_1211 : f32 to vector<16xf32>
      %pack3A_1275 = tpu.pack_subelements %broadcast_in_dim3A_1274, %broadcast_in_dim3A_1274 {pack_format = #tpu.pack_format<interleaved>, positions = array<i32: 0, 1>} : vector<16xf32>, vector<16xf32> -> vector<32xbf16>
      %broadcast_in_dim3A_1276 = vector.broadcast %squeeze3A_1213 : f32 to vector<16xf32>
      %pack3A_1277 = tpu.pack_subelements %broadcast_in_dim3A_1276, %broadcast_in_dim3A_1276 {pack_format = #tpu.pack_format<interleaved>, positions = array<i32: 0, 1>} : vector<16xf32>, vector<16xf32> -> vector<32xbf16>
      %broadcast_in_dim3A_1278 = vector.broadcast %squeeze3A_1215 : f32 to vector<16xf32>
      %pack3A_1279 = tpu.pack_subelements %broadcast_in_dim3A_1278, %broadcast_in_dim3A_1278 {pack_format = #tpu.pack_format<interleaved>, positions = array<i32: 0, 1>} : vector<16xf32>, vector<16xf32> -> vector<32xbf16>
      %broadcast_in_dim3A_1280 = vector.broadcast %squeeze3A_1217 : f32 to vector<16xf32>
      %pack3A_1281 = tpu.pack_subelements %broadcast_in_dim3A_1280, %broadcast_in_dim3A_1280 {pack_format = #tpu.pack_format<interleaved>, positions = array<i32: 0, 1>} : vector<16xf32>, vector<16xf32> -> vector<32xbf16>
      %broadcast_in_dim3A_1282 = vector.broadcast %squeeze3A_1219 : f32 to vector<16xf32>
      %pack3A_1283 = tpu.pack_subelements %broadcast_in_dim3A_1282, %broadcast_in_dim3A_1282 {pack_format = #tpu.pack_format<interleaved>, positions = array<i32: 0, 1>} : vector<16xf32>, vector<16xf32> -> vector<32xbf16>
      %broadcast_in_dim3A_1284 = vector.broadcast %squeeze3A_1221 : f32 to vector<16xf32>
      %pack3A_1285 = tpu.pack_subelements %broadcast_in_dim3A_1284, %broadcast_in_dim3A_1284 {pack_format = #tpu.pack_format<interleaved>, positions = array<i32: 0, 1>} : vector<16xf32>, vector<16xf32> -> vector<32xbf16>
      %broadcast_in_dim3A_1286 = vector.broadcast %squeeze3A_1223 : f32 to vector<16xf32>
      %pack3A_1287 = tpu.pack_subelements %broadcast_in_dim3A_1286, %broadcast_in_dim3A_1286 {pack_format = #tpu.pack_format<interleaved>, positions = array<i32: 0, 1>} : vector<16xf32>, vector<16xf32> -> vector<32xbf16>
      %broadcast_in_dim3A_1288 = vector.broadcast %squeeze3A_1225 : f32 to vector<16xf32>
      %pack3A_1289 = tpu.pack_subelements %broadcast_in_dim3A_1288, %broadcast_in_dim3A_1288 {pack_format = #tpu.pack_format<interleaved>, positions = array<i32: 0, 1>} : vector<16xf32>, vector<16xf32> -> vector<32xbf16>
      %broadcast_in_dim3A_1290 = vector.broadcast %squeeze3A_1227 : f32 to vector<16xf32>
      %pack3A_1291 = tpu.pack_subelements %broadcast_in_dim3A_1290, %broadcast_in_dim3A_1290 {pack_format = #tpu.pack_format<interleaved>, positions = array<i32: 0, 1>} : vector<16xf32>, vector<16xf32> -> vector<32xbf16>
      %broadcast_in_dim3A_1292 = arith.constant 0.000000e+00 : bf16
      %broadcast_in_dim3A_1293 = vector.broadcast %broadcast_in_dim3A_1292 : bf16 to vector<32xbf16>
      %broadcast_in_dim3A_1294 = arith.constant 1.000000e+00 : bf16
      %broadcast_in_dim3A_1295 = vector.broadcast %broadcast_in_dim3A_1294 : bf16 to vector<32xbf16>
      %scan3A_1296 = arith.constant 0 : i32
      %scan3A_1297 = arith.constant 16 : i32
      %scan3A_1298 = arith.addi %scan3A_1296, %scan3A_1297 : i32
      %scan3A_1299 = arith.constant 1 : i32
      %scan3A_1300 = scf.for %scan3A_1486 = %scan3A_1296 to %scan3A_1298 step %scan3A_1299 iter_args(%scan3A_1487 = %broadcast_in_dim3A_1293) -> (vector<32xbf16>)  : i32 {
        %mul3A_1488 = arith.constant 16 : i32
        %mul3A_1489 = arith.muli %scan3A_1486, %mul3A_1488 : i32
        %get3A_1490 = arith.index_cast %mul3A_1489 : i32 to index
        %get3A_1491 = tpu.vector_load %arg12[%get3A_1490] {strides = array<i32>} : memref<768xi32, #tpu.memory_space<vmem>>, vector<16xi32>,
        %bitcast3A = vector.bitcast %get3A_1491 : vector<16xi32> to vector<32xbf16>
        %get3A_1492 = arith.constant 0 : i32
        %get3A_1493 = arith.index_cast %get3A_1492 : i32 to index
        %get3A_1494 = arith.index_cast %mul3A_1489 : i32 to index
        %get3A_1495 = tpu.vector_load %arg16[%get3A_1493, %get3A_1494] {strides = array<i32>} : memref<64x256xi32, #tpu.memory_space<vmem>>, vector<16xi32>,
        %bitcast3A_1496 = vector.bitcast %get3A_1495 : vector<16xi32> to vector<32xbf16>
        %mul3A_1497 = arith.mulf %pack3A_1229, %bitcast3A_1496 : vector<32xbf16>
        %add3A_1498 = arith.addf %bitcast3A, %mul3A_1497 : vector<32xbf16>
        %get3A_1499 = arith.constant 32 : i32
        %get3A_1500 = arith.index_cast %get3A_1499 : i32 to index
        %get3A_1501 = arith.index_cast %mul3A_1489 : i32 to index
        %get3A_1502 = tpu.vector_load %arg16[%get3A_1500, %get3A_1501] {strides = array<i32>} : memref<64x256xi32, #tpu.memory_space<vmem>>, vector<16xi32>,
        %bitcast3A_1503 = vector.bitcast %get3A_1502 : vector<16xi32> to vector<32xbf16>
        %mul3A_1504 = arith.mulf %pack3A_1229, %bitcast3A_1503 : vector<32xbf16>
        %add3A_1505 = arith.addf %bitcast3A, %mul3A_1504 : vector<32xbf16>
        %get3A_1506 = arith.constant 1 : i32
        %get3A_1507 = arith.index_cast %get3A_1506 : i32 to index
        %get3A_1508 = arith.index_cast %mul3A_1489 : i32 to index
        %get3A_1509 = tpu.vector_load %arg16[%get3A_1507, %get3A_1508] {strides = array<i32>} : memref<64x256xi32, #tpu.memory_space<vmem>>, vector<16xi32>,
        %bitcast3A_1510 = vector.bitcast %get3A_1509 : vector<16xi32> to vector<32xbf16>
        %mul3A_1511 = arith.mulf %pack3A_1231, %bitcast3A_1510 : vector<32xbf16>
        %add3A_1512 = arith.addf %add3A_1498, %mul3A_1511 : vector<32xbf16>
        %get3A_1513 = arith.constant 33 : i32
        %get3A_1514 = arith.index_cast %get3A_1513 : i32 to index
        %get3A_1515 = arith.index_cast %mul3A_1489 : i32 to index
        %get3A_1516 = tpu.vector_load %arg16[%get3A_1514, %get3A_1515] {strides = array<i32>} : memref<64x256xi32, #tpu.memory_space<vmem>>, vector<16xi32>,
        %bitcast3A_1517 = vector.bitcast %get3A_1516 : vector<16xi32> to vector<32xbf16>
        %mul3A_1518 = arith.mulf %pack3A_1231, %bitcast3A_1517 : vector<32xbf16>
        %add3A_1519 = arith.addf %add3A_1505, %mul3A_1518 : vector<32xbf16>
        %get3A_1520 = arith.constant 2 : i32
        %get3A_1521 = arith.index_cast %get3A_1520 : i32 to index
        %get3A_1522 = arith.index_cast %mul3A_1489 : i32 to index
        %get3A_1523 = tpu.vector_load %arg16[%get3A_1521, %get3A_1522] {strides = array<i32>} : memref<64x256xi32, #tpu.memory_space<vmem>>, vector<16xi32>,
        %bitcast3A_1524 = vector.bitcast %get3A_1523 : vector<16xi32> to vector<32xbf16>
        %mul3A_1525 = arith.mulf %pack3A_1233, %bitcast3A_1524 : vector<32xbf16>
        %add3A_1526 = arith.addf %add3A_1512, %mul3A_1525 : vector<32xbf16>
        %get3A_1527 = arith.constant 34 : i32
        %get3A_1528 = arith.index_cast %get3A_1527 : i32 to index
        %get3A_1529 = arith.index_cast %mul3A_1489 : i32 to index
        %get3A_1530 = tpu.vector_load %arg16[%get3A_1528, %get3A_1529] {strides = array<i32>} : memref<64x256xi32, #tpu.memory_space<vmem>>, vector<16xi32>,
        %bitcast3A_1531 = vector.bitcast %get3A_1530 : vector<16xi32> to vector<32xbf16>
        %mul3A_1532 = arith.mulf %pack3A_1233, %bitcast3A_1531 : vector<32xbf16>
        %add3A_1533 = arith.addf %add3A_1519, %mul3A_1532 : vector<32xbf16>
        %get3A_1534 = arith.constant 3 : i32
        %get3A_1535 = arith.index_cast %get3A_1534 : i32 to index
        %get3A_1536 = arith.index_cast %mul3A_1489 : i32 to index
        %get3A_1537 = tpu.vector_load %arg16[%get3A_1535, %get3A_1536] {strides = array<i32>} : memref<64x256xi32, #tpu.memory_space<vmem>>, vector<16xi32>,
        %bitcast3A_1538 = vector.bitcast %get3A_1537 : vector<16xi32> to vector<32xbf16>
        %mul3A_1539 = arith.mulf %pack3A_1235, %bitcast3A_1538 : vector<32xbf16>
        %add3A_1540 = arith.addf %add3A_1526, %mul3A_1539 : vector<32xbf16>
        %get3A_1541 = arith.constant 35 : i32
        %get3A_1542 = arith.index_cast %get3A_1541 : i32 to index
        %get3A_1543 = arith.index_cast %mul3A_1489 : i32 to index
        %get3A_1544 = tpu.vector_load %arg16[%get3A_1542, %get3A_1543] {strides = array<i32>} : memref<64x256xi32, #tpu.memory_space<vmem>>, vector<16xi32>,
        %bitcast3A_1545 = vector.bitcast %get3A_1544 : vector<16xi32> to vector<32xbf16>
        %mul3A_1546 = arith.mulf %pack3A_1235, %bitcast3A_1545 : vector<32xbf16>
        %add3A_1547 = arith.addf %add3A_1533, %mul3A_1546 : vector<32xbf16>
        %get3A_1548 = arith.constant 4 : i32
        %get3A_1549 = arith.index_cast %get3A_1548 : i32 to index
        %get3A_1550 = arith.index_cast %mul3A_1489 : i32 to index
        %get3A_1551 = tpu.vector_load %arg16[%get3A_1549, %get3A_1550] {strides = array<i32>} : memref<64x256xi32, #tpu.memory_space<vmem>>, vector<16xi32>,
        %bitcast3A_1552 = vector.bitcast %get3A_1551 : vector<16xi32> to vector<32xbf16>
        %mul3A_1553 = arith.mulf %pack3A_1237, %bitcast3A_1552 : vector<32xbf16>
        %add3A_1554 = arith.addf %add3A_1540, %mul3A_1553 : vector<32xbf16>
        %get3A_1555 = arith.constant 36 : i32
        %get3A_1556 = arith.index_cast %get3A_1555 : i32 to index
        %get3A_1557 = arith.index_cast %mul3A_1489 : i32 to index
        %get3A_1558 = tpu.vector_load %arg16[%get3A_1556, %get3A_1557] {strides = array<i32>} : memref<64x256xi32, #tpu.memory_space<vmem>>, vector<16xi32>,
        %bitcast3A_1559 = vector.bitcast %get3A_1558 : vector<16xi32> to vector<32xbf16>
        %mul3A_1560 = arith.mulf %pack3A_1237, %bitcast3A_1559 : vector<32xbf16>
        %add3A_1561 = arith.addf %add3A_1547, %mul3A_1560 : vector<32xbf16>
        %get3A_1562 = arith.constant 5 : i32
        %get3A_1563 = arith.index_cast %get3A_1562 : i32 to index
        %get3A_1564 = arith.index_cast %mul3A_1489 : i32 to index
        %get3A_1565 = tpu.vector_load %arg16[%get3A_1563, %get3A_1564] {strides = array<i32>} : memref<64x256xi32, #tpu.memory_space<vmem>>, vector<16xi32>,
        %bitcast3A_1566 = vector.bitcast %get3A_1565 : vector<16xi32> to vector<32xbf16>
        %mul3A_1567 = arith.mulf %pack3A_1239, %bitcast3A_1566 : vector<32xbf16>
        %add3A_1568 = arith.addf %add3A_1554, %mul3A_1567 : vector<32xbf16>
        %get3A_1569 = arith.constant 37 : i32
        %get3A_1570 = arith.index_cast %get3A_1569 : i32 to index
        %get3A_1571 = arith.index_cast %mul3A_1489 : i32 to index
        %get3A_1572 = tpu.vector_load %arg16[%get3A_1570, %get3A_1571] {strides = array<i32>} : memref<64x256xi32, #tpu.memory_space<vmem>>, vector<16xi32>,
        %bitcast3A_1573 = vector.bitcast %get3A_1572 : vector<16xi32> to vector<32xbf16>
        %mul3A_1574 = arith.mulf %pack3A_1239, %bitcast3A_1573 : vector<32xbf16>
        %add3A_1575 = arith.addf %add3A_1561, %mul3A_1574 : vector<32xbf16>
        %get3A_1576 = arith.constant 6 : i32
        %get3A_1577 = arith.index_cast %get3A_1576 : i32 to index
        %get3A_1578 = arith.index_cast %mul3A_1489 : i32 to index
        %get3A_1579 = tpu.vector_load %arg16[%get3A_1577, %get3A_1578] {strides = array<i32>} : memref<64x256xi32, #tpu.memory_space<vmem>>, vector<16xi32>,
        %bitcast3A_1580 = vector.bitcast %get3A_1579 : vector<16xi32> to vector<32xbf16>
        %mul3A_1581 = arith.mulf %pack3A_1241, %bitcast3A_1580 : vector<32xbf16>
        %add3A_1582 = arith.addf %add3A_1568, %mul3A_1581 : vector<32xbf16>
        %get3A_1583 = arith.constant 38 : i32
        %get3A_1584 = arith.index_cast %get3A_1583 : i32 to index
        %get3A_1585 = arith.index_cast %mul3A_1489 : i32 to index
        %get3A_1586 = tpu.vector_load %arg16[%get3A_1584, %get3A_1585] {strides = array<i32>} : memref<64x256xi32, #tpu.memory_space<vmem>>, vector<16xi32>,
        %bitcast3A_1587 = vector.bitcast %get3A_1586 : vector<16xi32> to vector<32xbf16>
        %mul3A_1588 = arith.mulf %pack3A_1241, %bitcast3A_1587 : vector<32xbf16>
        %add3A_1589 = arith.addf %add3A_1575, %mul3A_1588 : vector<32xbf16>
        %get3A_1590 = arith.constant 7 : i32
        %get3A_1591 = arith.index_cast %get3A_1590 : i32 to index
        %get3A_1592 = arith.index_cast %mul3A_1489 : i32 to index
        %get3A_1593 = tpu.vector_load %arg16[%get3A_1591, %get3A_1592] {strides = array<i32>} : memref<64x256xi32, #tpu.memory_space<vmem>>, vector<16xi32>,
        %bitcast3A_1594 = vector.bitcast %get3A_1593 : vector<16xi32> to vector<32xbf16>
        %mul3A_1595 = arith.mulf %pack3A_1243, %bitcast3A_1594 : vector<32xbf16>
        %add3A_1596 = arith.addf %add3A_1582, %mul3A_1595 : vector<32xbf16>
        %get3A_1597 = arith.constant 39 : i32
        %get3A_1598 = arith.index_cast %get3A_1597 : i32 to index
        %get3A_1599 = arith.index_cast %mul3A_1489 : i32 to index
        %get3A_1600 = tpu.vector_load %arg16[%get3A_1598, %get3A_1599] {strides = array<i32>} : memref<64x256xi32, #tpu.memory_space<vmem>>, vector<16xi32>,
        %bitcast3A_1601 = vector.bitcast %get3A_1600 : vector<16xi32> to vector<32xbf16>
        %mul3A_1602 = arith.mulf %pack3A_1243, %bitcast3A_1601 : vector<32xbf16>
        %add3A_1603 = arith.addf %add3A_1589, %mul3A_1602 : vector<32xbf16>
        %get3A_1604 = arith.constant 8 : i32
        %get3A_1605 = arith.index_cast %get3A_1604 : i32 to index
        %get3A_1606 = arith.index_cast %mul3A_1489 : i32 to index
        %get3A_1607 = tpu.vector_load %arg16[%get3A_1605, %get3A_1606] {strides = array<i32>} : memref<64x256xi32, #tpu.memory_space<vmem>>, vector<16xi32>,
        %bitcast3A_1608 = vector.bitcast %get3A_1607 : vector<16xi32> to vector<32xbf16>
        %mul3A_1609 = arith.mulf %pack3A_1245, %bitcast3A_1608 : vector<32xbf16>
        %add3A_1610 = arith.addf %add3A_1596, %mul3A_1609 : vector<32xbf16>
        %get3A_1611 = arith.constant 40 : i32
        %get3A_1612 = arith.index_cast %get3A_1611 : i32 to index
        %get3A_1613 = arith.index_cast %mul3A_1489 : i32 to index
        %get3A_1614 = tpu.vector_load %arg16[%get3A_1612, %get3A_1613] {strides = array<i32>} : memref<64x256xi32, #tpu.memory_space<vmem>>, vector<16xi32>,
        %bitcast3A_1615 = vector.bitcast %get3A_1614 : vector<16xi32> to vector<32xbf16>
        %mul3A_1616 = arith.mulf %pack3A_1245, %bitcast3A_1615 : vector<32xbf16>
        %add3A_1617 = arith.addf %add3A_1603, %mul3A_1616 : vector<32xbf16>
        %get3A_1618 = arith.constant 9 : i32
        %get3A_1619 = arith.index_cast %get3A_1618 : i32 to index
        %get3A_1620 = arith.index_cast %mul3A_1489 : i32 to index
        %get3A_1621 = tpu.vector_load %arg16[%get3A_1619, %get3A_1620] {strides = array<i32>} : memref<64x256xi32, #tpu.memory_space<vmem>>, vector<16xi32>,
        %bitcast3A_1622 = vector.bitcast %get3A_1621 : vector<16xi32> to vector<32xbf16>
        %mul3A_1623 = arith.mulf %pack3A_1247, %bitcast3A_1622 : vector<32xbf16>
        %add3A_1624 = arith.addf %add3A_1610, %mul3A_1623 : vector<32xbf16>
        %get3A_1625 = arith.constant 41 : i32
        %get3A_1626 = arith.index_cast %get3A_1625 : i32 to index
        %get3A_1627 = arith.index_cast %mul3A_1489 : i32 to index
        %get3A_1628 = tpu.vector_load %arg16[%get3A_1626, %get3A_1627] {strides = array<i32>} : memref<64x256xi32, #tpu.memory_space<vmem>>, vector<16xi32>,
        %bitcast3A_1629 = vector.bitcast %get3A_1628 : vector<16xi32> to vector<32xbf16>
        %mul3A_1630 = arith.mulf %pack3A_1247, %bitcast3A_1629 : vector<32xbf16>
        %add3A_1631 = arith.addf %add3A_1617, %mul3A_1630 : vector<32xbf16>
        %get3A_1632 = arith.constant 10 : i32
        %get3A_1633 = arith.index_cast %get3A_1632 : i32 to index
        %get3A_1634 = arith.index_cast %mul3A_1489 : i32 to index
        %get3A_1635 = tpu.vector_load %arg16[%get3A_1633, %get3A_1634] {strides = array<i32>} : memref<64x256xi32, #tpu.memory_space<vmem>>, vector<16xi32>,
        %bitcast3A_1636 = vector.bitcast %get3A_1635 : vector<16xi32> to vector<32xbf16>
        %mul3A_1637 = arith.mulf %pack3A_1249, %bitcast3A_1636 : vector<32xbf16>
        %add3A_1638 = arith.addf %add3A_1624, %mul3A_1637 : vector<32xbf16>
        %get3A_1639 = arith.constant 42 : i32
        %get3A_1640 = arith.index_cast %get3A_1639 : i32 to index
        %get3A_1641 = arith.index_cast %mul3A_1489 : i32 to index
        %get3A_1642 = tpu.vector_load %arg16[%get3A_1640, %get3A_1641] {strides = array<i32>} : memref<64x256xi32, #tpu.memory_space<vmem>>, vector<16xi32>,
        %bitcast3A_1643 = vector.bitcast %get3A_1642 : vector<16xi32> to vector<32xbf16>
        %mul3A_1644 = arith.mulf %pack3A_1249, %bitcast3A_1643 : vector<32xbf16>
        %add3A_1645 = arith.addf %add3A_1631, %mul3A_1644 : vector<32xbf16>
        %get3A_1646 = arith.constant 11 : i32
        %get3A_1647 = arith.index_cast %get3A_1646 : i32 to index
        %get3A_1648 = arith.index_cast %mul3A_1489 : i32 to index
        %get3A_1649 = tpu.vector_load %arg16[%get3A_1647, %get3A_1648] {strides = array<i32>} : memref<64x256xi32, #tpu.memory_space<vmem>>, vector<16xi32>,
        %bitcast3A_1650 = vector.bitcast %get3A_1649 : vector<16xi32> to vector<32xbf16>
        %mul3A_1651 = arith.mulf %pack3A_1251, %bitcast3A_1650 : vector<32xbf16>
        %add3A_1652 = arith.addf %add3A_1638, %mul3A_1651 : vector<32xbf16>
        %get3A_1653 = arith.constant 43 : i32
        %get3A_1654 = arith.index_cast %get3A_1653 : i32 to index
        %get3A_1655 = arith.index_cast %mul3A_1489 : i32 to index
        %get3A_1656 = tpu.vector_load %arg16[%get3A_1654, %get3A_1655] {strides = array<i32>} : memref<64x256xi32, #tpu.memory_space<vmem>>, vector<16xi32>,
        %bitcast3A_1657 = vector.bitcast %get3A_1656 : vector<16xi32> to vector<32xbf16>
        %mul3A_1658 = arith.mulf %pack3A_1251, %bitcast3A_1657 : vector<32xbf16>
        %add3A_1659 = arith.addf %add3A_1645, %mul3A_1658 : vector<32xbf16>
        %get3A_1660 = arith.constant 12 : i32
        %get3A_1661 = arith.index_cast %get3A_1660 : i32 to index
        %get3A_1662 = arith.index_cast %mul3A_1489 : i32 to index
        %get3A_1663 = tpu.vector_load %arg16[%get3A_1661, %get3A_1662] {strides = array<i32>} : memref<64x256xi32, #tpu.memory_space<vmem>>, vector<16xi32>,
        %bitcast3A_1664 = vector.bitcast %get3A_1663 : vector<16xi32> to vector<32xbf16>
        %mul3A_1665 = arith.mulf %pack3A_1253, %bitcast3A_1664 : vector<32xbf16>
        %add3A_1666 = arith.addf %add3A_1652, %mul3A_1665 : vector<32xbf16>
        %get3A_1667 = arith.constant 44 : i32
        %get3A_1668 = arith.index_cast %get3A_1667 : i32 to index
        %get3A_1669 = arith.index_cast %mul3A_1489 : i32 to index
        %get3A_1670 = tpu.vector_load %arg16[%get3A_1668, %get3A_1669] {strides = array<i32>} : memref<64x256xi32, #tpu.memory_space<vmem>>, vector<16xi32>,
        %bitcast3A_1671 = vector.bitcast %get3A_1670 : vector<16xi32> to vector<32xbf16>
        %mul3A_1672 = arith.mulf %pack3A_1253, %bitcast3A_1671 : vector<32xbf16>
        %add3A_1673 = arith.addf %add3A_1659, %mul3A_1672 : vector<32xbf16>
        %get3A_1674 = arith.constant 13 : i32
        %get3A_1675 = arith.index_cast %get3A_1674 : i32 to index
        %get3A_1676 = arith.index_cast %mul3A_1489 : i32 to index
        %get3A_1677 = tpu.vector_load %arg16[%get3A_1675, %get3A_1676] {strides = array<i32>} : memref<64x256xi32, #tpu.memory_space<vmem>>, vector<16xi32>,
        %bitcast3A_1678 = vector.bitcast %get3A_1677 : vector<16xi32> to vector<32xbf16>
        %mul3A_1679 = arith.mulf %pack3A_1255, %bitcast3A_1678 : vector<32xbf16>
        %add3A_1680 = arith.addf %add3A_1666, %mul3A_1679 : vector<32xbf16>
        %get3A_1681 = arith.constant 45 : i32
        %get3A_1682 = arith.index_cast %get3A_1681 : i32 to index
        %get3A_1683 = arith.index_cast %mul3A_1489 : i32 to index
        %get3A_1684 = tpu.vector_load %arg16[%get3A_1682, %get3A_1683] {strides = array<i32>} : memref<64x256xi32, #tpu.memory_space<vmem>>, vector<16xi32>,
        %bitcast3A_1685 = vector.bitcast %get3A_1684 : vector<16xi32> to vector<32xbf16>
        %mul3A_1686 = arith.mulf %pack3A_1255, %bitcast3A_1685 : vector<32xbf16>
        %add3A_1687 = arith.addf %add3A_1673, %mul3A_1686 : vector<32xbf16>
        %get3A_1688 = arith.constant 14 : i32
        %get3A_1689 = arith.index_cast %get3A_1688 : i32 to index
        %get3A_1690 = arith.index_cast %mul3A_1489 : i32 to index
        %get3A_1691 = tpu.vector_load %arg16[%get3A_1689, %get3A_1690] {strides = array<i32>} : memref<64x256xi32, #tpu.memory_space<vmem>>, vector<16xi32>,
        %bitcast3A_1692 = vector.bitcast %get3A_1691 : vector<16xi32> to vector<32xbf16>
        %mul3A_1693 = arith.mulf %pack3A_1257, %bitcast3A_1692 : vector<32xbf16>
        %add3A_1694 = arith.addf %add3A_1680, %mul3A_1693 : vector<32xbf16>
        %get3A_1695 = arith.constant 46 : i32
        %get3A_1696 = arith.index_cast %get3A_1695 : i32 to index
        %get3A_1697 = arith.index_cast %mul3A_1489 : i32 to index
        %get3A_1698 = tpu.vector_load %arg16[%get3A_1696, %get3A_1697] {strides = array<i32>} : memref<64x256xi32, #tpu.memory_space<vmem>>, vector<16xi32>,
        %bitcast3A_1699 = vector.bitcast %get3A_1698 : vector<16xi32> to vector<32xbf16>
        %mul3A_1700 = arith.mulf %pack3A_1257, %bitcast3A_1699 : vector<32xbf16>
        %add3A_1701 = arith.addf %add3A_1687, %mul3A_1700 : vector<32xbf16>
        %get3A_1702 = arith.constant 15 : i32
        %get3A_1703 = arith.index_cast %get3A_1702 : i32 to index
        %get3A_1704 = arith.index_cast %mul3A_1489 : i32 to index
        %get3A_1705 = tpu.vector_load %arg16[%get3A_1703, %get3A_1704] {strides = array<i32>} : memref<64x256xi32, #tpu.memory_space<vmem>>, vector<16xi32>,
        %bitcast3A_1706 = vector.bitcast %get3A_1705 : vector<16xi32> to vector<32xbf16>
        %mul3A_1707 = arith.mulf %pack3A_1259, %bitcast3A_1706 : vector<32xbf16>
        %add3A_1708 = arith.addf %add3A_1694, %mul3A_1707 : vector<32xbf16>
        %get3A_1709 = arith.constant 47 : i32
        %get3A_1710 = arith.index_cast %get3A_1709 : i32 to index
        %get3A_1711 = arith.index_cast %mul3A_1489 : i32 to index
        %get3A_1712 = tpu.vector_load %arg16[%get3A_1710, %get3A_1711] {strides = array<i32>} : memref<64x256xi32, #tpu.memory_space<vmem>>, vector<16xi32>,
        %bitcast3A_1713 = vector.bitcast %get3A_1712 : vector<16xi32> to vector<32xbf16>
        %mul3A_1714 = arith.mulf %pack3A_1259, %bitcast3A_1713 : vector<32xbf16>
        %add3A_1715 = arith.addf %add3A_1701, %mul3A_1714 : vector<32xbf16>
        %get3A_1716 = arith.constant 16 : i32
        %get3A_1717 = arith.index_cast %get3A_1716 : i32 to index
        %get3A_1718 = arith.index_cast %mul3A_1489 : i32 to index
        %get3A_1719 = tpu.vector_load %arg16[%get3A_1717, %get3A_1718] {strides = array<i32>} : memref<64x256xi32, #tpu.memory_space<vmem>>, vector<16xi32>,
        %bitcast3A_1720 = vector.bitcast %get3A_1719 : vector<16xi32> to vector<32xbf16>
        %mul3A_1721 = arith.mulf %pack3A_1261, %bitcast3A_1720 : vector<32xbf16>
        %add3A_1722 = arith.addf %add3A_1708, %mul3A_1721 : vector<32xbf16>
        %get3A_1723 = arith.constant 48 : i32
        %get3A_1724 = arith.index_cast %get3A_1723 : i32 to index
        %get3A_1725 = arith.index_cast %mul3A_1489 : i32 to index
        %get3A_1726 = tpu.vector_load %arg16[%get3A_1724, %get3A_1725] {strides = array<i32>} : memref<64x256xi32, #tpu.memory_space<vmem>>, vector<16xi32>,
        %bitcast3A_1727 = vector.bitcast %get3A_1726 : vector<16xi32> to vector<32xbf16>
        %mul3A_1728 = arith.mulf %pack3A_1261, %bitcast3A_1727 : vector<32xbf16>
        %add3A_1729 = arith.addf %add3A_1715, %mul3A_1728 : vector<32xbf16>
        %get3A_1730 = arith.constant 17 : i32
        %get3A_1731 = arith.index_cast %get3A_1730 : i32 to index
        %get3A_1732 = arith.index_cast %mul3A_1489 : i32 to index
        %get3A_1733 = tpu.vector_load %arg16[%get3A_1731, %get3A_1732] {strides = array<i32>} : memref<64x256xi32, #tpu.memory_space<vmem>>, vector<16xi32>,
        %bitcast3A_1734 = vector.bitcast %get3A_1733 : vector<16xi32> to vector<32xbf16>
        %mul3A_1735 = arith.mulf %pack3A_1263, %bitcast3A_1734 : vector<32xbf16>
        %add3A_1736 = arith.addf %add3A_1722, %mul3A_1735 : vector<32xbf16>
        %get3A_1737 = arith.constant 49 : i32
        %get3A_1738 = arith.index_cast %get3A_1737 : i32 to index
        %get3A_1739 = arith.index_cast %mul3A_1489 : i32 to index
        %get3A_1740 = tpu.vector_load %arg16[%get3A_1738, %get3A_1739] {strides = array<i32>} : memref<64x256xi32, #tpu.memory_space<vmem>>, vector<16xi32>,
        %bitcast3A_1741 = vector.bitcast %get3A_1740 : vector<16xi32> to vector<32xbf16>
        %mul3A_1742 = arith.mulf %pack3A_1263, %bitcast3A_1741 : vector<32xbf16>
        %add3A_1743 = arith.addf %add3A_1729, %mul3A_1742 : vector<32xbf16>
        %get3A_1744 = arith.constant 18 : i32
        %get3A_1745 = arith.index_cast %get3A_1744 : i32 to index
        %get3A_1746 = arith.index_cast %mul3A_1489 : i32 to index
        %get3A_1747 = tpu.vector_load %arg16[%get3A_1745, %get3A_1746] {strides = array<i32>} : memref<64x256xi32, #tpu.memory_space<vmem>>, vector<16xi32>,
        %bitcast3A_1748 = vector.bitcast %get3A_1747 : vector<16xi32> to vector<32xbf16>
        %mul3A_1749 = arith.mulf %pack3A_1265, %bitcast3A_1748 : vector<32xbf16>
        %add3A_1750 = arith.addf %add3A_1736, %mul3A_1749 : vector<32xbf16>
        %get3A_1751 = arith.constant 50 : i32
        %get3A_1752 = arith.index_cast %get3A_1751 : i32 to index
        %get3A_1753 = arith.index_cast %mul3A_1489 : i32 to index
        %get3A_1754 = tpu.vector_load %arg16[%get3A_1752, %get3A_1753] {strides = array<i32>} : memref<64x256xi32, #tpu.memory_space<vmem>>, vector<16xi32>,
        %bitcast3A_1755 = vector.bitcast %get3A_1754 : vector<16xi32> to vector<32xbf16>
        %mul3A_1756 = arith.mulf %pack3A_1265, %bitcast3A_1755 : vector<32xbf16>
        %add3A_1757 = arith.addf %add3A_1743, %mul3A_1756 : vector<32xbf16>
        %get3A_1758 = arith.constant 19 : i32
        %get3A_1759 = arith.index_cast %get3A_1758 : i32 to index
        %get3A_1760 = arith.index_cast %mul3A_1489 : i32 to index
        %get3A_1761 = tpu.vector_load %arg16[%get3A_1759, %get3A_1760] {strides = array<i32>} : memref<64x256xi32, #tpu.memory_space<vmem>>, vector<16xi32>,
        %bitcast3A_1762 = vector.bitcast %get3A_1761 : vector<16xi32> to vector<32xbf16>
        %mul3A_1763 = arith.mulf %pack3A_1267, %bitcast3A_1762 : vector<32xbf16>
        %add3A_1764 = arith.addf %add3A_1750, %mul3A_1763 : vector<32xbf16>
        %get3A_1765 = arith.constant 51 : i32
        %get3A_1766 = arith.index_cast %get3A_1765 : i32 to index
        %get3A_1767 = arith.index_cast %mul3A_1489 : i32 to index
        %get3A_1768 = tpu.vector_load %arg16[%get3A_1766, %get3A_1767] {strides = array<i32>} : memref<64x256xi32, #tpu.memory_space<vmem>>, vector<16xi32>,
        %bitcast3A_1769 = vector.bitcast %get3A_1768 : vector<16xi32> to vector<32xbf16>
        %mul3A_1770 = arith.mulf %pack3A_1267, %bitcast3A_1769 : vector<32xbf16>
        %add3A_1771 = arith.addf %add3A_1757, %mul3A_1770 : vector<32xbf16>
        %get3A_1772 = arith.constant 20 : i32
        %get3A_1773 = arith.index_cast %get3A_1772 : i32 to index
        %get3A_1774 = arith.index_cast %mul3A_1489 : i32 to index
        %get3A_1775 = tpu.vector_load %arg16[%get3A_1773, %get3A_1774] {strides = array<i32>} : memref<64x256xi32, #tpu.memory_space<vmem>>, vector<16xi32>,
        %bitcast3A_1776 = vector.bitcast %get3A_1775 : vector<16xi32> to vector<32xbf16>
        %mul3A_1777 = arith.mulf %pack3A_1269, %bitcast3A_1776 : vector<32xbf16>
        %add3A_1778 = arith.addf %add3A_1764, %mul3A_1777 : vector<32xbf16>
        %get3A_1779 = arith.constant 52 : i32
        %get3A_1780 = arith.index_cast %get3A_1779 : i32 to index
        %get3A_1781 = arith.index_cast %mul3A_1489 : i32 to index
        %get3A_1782 = tpu.vector_load %arg16[%get3A_1780, %get3A_1781] {strides = array<i32>} : memref<64x256xi32, #tpu.memory_space<vmem>>, vector<16xi32>,
        %bitcast3A_1783 = vector.bitcast %get3A_1782 : vector<16xi32> to vector<32xbf16>
        %mul3A_1784 = arith.mulf %pack3A_1269, %bitcast3A_1783 : vector<32xbf16>
        %add3A_1785 = arith.addf %add3A_1771, %mul3A_1784 : vector<32xbf16>
        %get3A_1786 = arith.constant 21 : i32
        %get3A_1787 = arith.index_cast %get3A_1786 : i32 to index
        %get3A_1788 = arith.index_cast %mul3A_1489 : i32 to index
        %get3A_1789 = tpu.vector_load %arg16[%get3A_1787, %get3A_1788] {strides = array<i32>} : memref<64x256xi32, #tpu.memory_space<vmem>>, vector<16xi32>,
        %bitcast3A_1790 = vector.bitcast %get3A_1789 : vector<16xi32> to vector<32xbf16>
        %mul3A_1791 = arith.mulf %pack3A_1271, %bitcast3A_1790 : vector<32xbf16>
        %add3A_1792 = arith.addf %add3A_1778, %mul3A_1791 : vector<32xbf16>
        %get3A_1793 = arith.constant 53 : i32
        %get3A_1794 = arith.index_cast %get3A_1793 : i32 to index
        %get3A_1795 = arith.index_cast %mul3A_1489 : i32 to index
        %get3A_1796 = tpu.vector_load %arg16[%get3A_1794, %get3A_1795] {strides = array<i32>} : memref<64x256xi32, #tpu.memory_space<vmem>>, vector<16xi32>,
        %bitcast3A_1797 = vector.bitcast %get3A_1796 : vector<16xi32> to vector<32xbf16>
        %mul3A_1798 = arith.mulf %pack3A_1271, %bitcast3A_1797 : vector<32xbf16>
        %add3A_1799 = arith.addf %add3A_1785, %mul3A_1798 : vector<32xbf16>
        %get3A_1800 = arith.constant 22 : i32
        %get3A_1801 = arith.index_cast %get3A_1800 : i32 to index
        %get3A_1802 = arith.index_cast %mul3A_1489 : i32 to index
        %get3A_1803 = tpu.vector_load %arg16[%get3A_1801, %get3A_1802] {strides = array<i32>} : memref<64x256xi32, #tpu.memory_space<vmem>>, vector<16xi32>,
        %bitcast3A_1804 = vector.bitcast %get3A_1803 : vector<16xi32> to vector<32xbf16>
        %mul3A_1805 = arith.mulf %pack3A_1273, %bitcast3A_1804 : vector<32xbf16>
        %add3A_1806 = arith.addf %add3A_1792, %mul3A_1805 : vector<32xbf16>
        %get3A_1807 = arith.constant 54 : i32
        %get3A_1808 = arith.index_cast %get3A_1807 : i32 to index
        %get3A_1809 = arith.index_cast %mul3A_1489 : i32 to index
        %get3A_1810 = tpu.vector_load %arg16[%get3A_1808, %get3A_1809] {strides = array<i32>} : memref<64x256xi32, #tpu.memory_space<vmem>>, vector<16xi32>,
        %bitcast3A_1811 = vector.bitcast %get3A_1810 : vector<16xi32> to vector<32xbf16>
        %mul3A_1812 = arith.mulf %pack3A_1273, %bitcast3A_1811 : vector<32xbf16>
        %add3A_1813 = arith.addf %add3A_1799, %mul3A_1812 : vector<32xbf16>
        %get3A_1814 = arith.constant 23 : i32
        %get3A_1815 = arith.index_cast %get3A_1814 : i32 to index
        %get3A_1816 = arith.index_cast %mul3A_1489 : i32 to index
        %get3A_1817 = tpu.vector_load %arg16[%get3A_1815, %get3A_1816] {strides = array<i32>} : memref<64x256xi32, #tpu.memory_space<vmem>>, vector<16xi32>,
        %bitcast3A_1818 = vector.bitcast %get3A_1817 : vector<16xi32> to vector<32xbf16>
        %mul3A_1819 = arith.mulf %pack3A_1275, %bitcast3A_1818 : vector<32xbf16>
        %add3A_1820 = arith.addf %add3A_1806, %mul3A_1819 : vector<32xbf16>
        %get3A_1821 = arith.constant 55 : i32
        %get3A_1822 = arith.index_cast %get3A_1821 : i32 to index
        %get3A_1823 = arith.index_cast %mul3A_1489 : i32 to index
        %get3A_1824 = tpu.vector_load %arg16[%get3A_1822, %get3A_1823] {strides = array<i32>} : memref<64x256xi32, #tpu.memory_space<vmem>>, vector<16xi32>,
        %bitcast3A_1825 = vector.bitcast %get3A_1824 : vector<16xi32> to vector<32xbf16>
        %mul3A_1826 = arith.mulf %pack3A_1275, %bitcast3A_1825 : vector<32xbf16>
        %add3A_1827 = arith.addf %add3A_1813, %mul3A_1826 : vector<32xbf16>
        %get3A_1828 = arith.constant 24 : i32
        %get3A_1829 = arith.index_cast %get3A_1828 : i32 to index
        %get3A_1830 = arith.index_cast %mul3A_1489 : i32 to index
        %get3A_1831 = tpu.vector_load %arg16[%get3A_1829, %get3A_1830] {strides = array<i32>} : memref<64x256xi32, #tpu.memory_space<vmem>>, vector<16xi32>,
        %bitcast3A_1832 = vector.bitcast %get3A_1831 : vector<16xi32> to vector<32xbf16>
        %mul3A_1833 = arith.mulf %pack3A_1277, %bitcast3A_1832 : vector<32xbf16>
        %add3A_1834 = arith.addf %add3A_1820, %mul3A_1833 : vector<32xbf16>
        %get3A_1835 = arith.constant 56 : i32
        %get3A_1836 = arith.index_cast %get3A_1835 : i32 to index
        %get3A_1837 = arith.index_cast %mul3A_1489 : i32 to index
        %get3A_1838 = tpu.vector_load %arg16[%get3A_1836, %get3A_1837] {strides = array<i32>} : memref<64x256xi32, #tpu.memory_space<vmem>>, vector<16xi32>,
        %bitcast3A_1839 = vector.bitcast %get3A_1838 : vector<16xi32> to vector<32xbf16>
        %mul3A_1840 = arith.mulf %pack3A_1277, %bitcast3A_1839 : vector<32xbf16>
        %add3A_1841 = arith.addf %add3A_1827, %mul3A_1840 : vector<32xbf16>
        %get3A_1842 = arith.constant 25 : i32
        %get3A_1843 = arith.index_cast %get3A_1842 : i32 to index
        %get3A_1844 = arith.index_cast %mul3A_1489 : i32 to index
        %get3A_1845 = tpu.vector_load %arg16[%get3A_1843, %get3A_1844] {strides = array<i32>} : memref<64x256xi32, #tpu.memory_space<vmem>>, vector<16xi32>,
        %bitcast3A_1846 = vector.bitcast %get3A_1845 : vector<16xi32> to vector<32xbf16>
        %mul3A_1847 = arith.mulf %pack3A_1279, %bitcast3A_1846 : vector<32xbf16>
        %add3A_1848 = arith.addf %add3A_1834, %mul3A_1847 : vector<32xbf16>
        %get3A_1849 = arith.constant 57 : i32
        %get3A_1850 = arith.index_cast %get3A_1849 : i32 to index
        %get3A_1851 = arith.index_cast %mul3A_1489 : i32 to index
        %get3A_1852 = tpu.vector_load %arg16[%get3A_1850, %get3A_1851] {strides = array<i32>} : memref<64x256xi32, #tpu.memory_space<vmem>>, vector<16xi32>,
        %bitcast3A_1853 = vector.bitcast %get3A_1852 : vector<16xi32> to vector<32xbf16>
        %mul3A_1854 = arith.mulf %pack3A_1279, %bitcast3A_1853 : vector<32xbf16>
        %add3A_1855 = arith.addf %add3A_1841, %mul3A_1854 : vector<32xbf16>
        %get3A_1856 = arith.constant 26 : i32
        %get3A_1857 = arith.index_cast %get3A_1856 : i32 to index
        %get3A_1858 = arith.index_cast %mul3A_1489 : i32 to index
        %get3A_1859 = tpu.vector_load %arg16[%get3A_1857, %get3A_1858] {strides = array<i32>} : memref<64x256xi32, #tpu.memory_space<vmem>>, vector<16xi32>,
        %bitcast3A_1860 = vector.bitcast %get3A_1859 : vector<16xi32> to vector<32xbf16>
        %mul3A_1861 = arith.mulf %pack3A_1281, %bitcast3A_1860 : vector<32xbf16>
        %add3A_1862 = arith.addf %add3A_1848, %mul3A_1861 : vector<32xbf16>
        %get3A_1863 = arith.constant 58 : i32
        %get3A_1864 = arith.index_cast %get3A_1863 : i32 to index
        %get3A_1865 = arith.index_cast %mul3A_1489 : i32 to index
        %get3A_1866 = tpu.vector_load %arg16[%get3A_1864, %get3A_1865] {strides = array<i32>} : memref<64x256xi32, #tpu.memory_space<vmem>>, vector<16xi32>,
        %bitcast3A_1867 = vector.bitcast %get3A_1866 : vector<16xi32> to vector<32xbf16>
        %mul3A_1868 = arith.mulf %pack3A_1281, %bitcast3A_1867 : vector<32xbf16>
        %add3A_1869 = arith.addf %add3A_1855, %mul3A_1868 : vector<32xbf16>
        %get3A_1870 = arith.constant 27 : i32
        %get3A_1871 = arith.index_cast %get3A_1870 : i32 to index
        %get3A_1872 = arith.index_cast %mul3A_1489 : i32 to index
        %get3A_1873 = tpu.vector_load %arg16[%get3A_1871, %get3A_1872] {strides = array<i32>} : memref<64x256xi32, #tpu.memory_space<vmem>>, vector<16xi32>,
        %bitcast3A_1874 = vector.bitcast %get3A_1873 : vector<16xi32> to vector<32xbf16>
        %mul3A_1875 = arith.mulf %pack3A_1283, %bitcast3A_1874 : vector<32xbf16>
        %add3A_1876 = arith.addf %add3A_1862, %mul3A_1875 : vector<32xbf16>
        %get3A_1877 = arith.constant 59 : i32
        %get3A_1878 = arith.index_cast %get3A_1877 : i32 to index
        %get3A_1879 = arith.index_cast %mul3A_1489 : i32 to index
        %get3A_1880 = tpu.vector_load %arg16[%get3A_1878, %get3A_1879] {strides = array<i32>} : memref<64x256xi32, #tpu.memory_space<vmem>>, vector<16xi32>,
        %bitcast3A_1881 = vector.bitcast %get3A_1880 : vector<16xi32> to vector<32xbf16>
        %mul3A_1882 = arith.mulf %pack3A_1283, %bitcast3A_1881 : vector<32xbf16>
        %add3A_1883 = arith.addf %add3A_1869, %mul3A_1882 : vector<32xbf16>
        %get3A_1884 = arith.constant 28 : i32
        %get3A_1885 = arith.index_cast %get3A_1884 : i32 to index
        %get3A_1886 = arith.index_cast %mul3A_1489 : i32 to index
        %get3A_1887 = tpu.vector_load %arg16[%get3A_1885, %get3A_1886] {strides = array<i32>} : memref<64x256xi32, #tpu.memory_space<vmem>>, vector<16xi32>,
        %bitcast3A_1888 = vector.bitcast %get3A_1887 : vector<16xi32> to vector<32xbf16>
        %mul3A_1889 = arith.mulf %pack3A_1285, %bitcast3A_1888 : vector<32xbf16>
        %add3A_1890 = arith.addf %add3A_1876, %mul3A_1889 : vector<32xbf16>
        %get3A_1891 = arith.constant 60 : i32
        %get3A_1892 = arith.index_cast %get3A_1891 : i32 to index
        %get3A_1893 = arith.index_cast %mul3A_1489 : i32 to index
        %get3A_1894 = tpu.vector_load %arg16[%get3A_1892, %get3A_1893] {strides = array<i32>} : memref<64x256xi32, #tpu.memory_space<vmem>>, vector<16xi32>,
        %bitcast3A_1895 = vector.bitcast %get3A_1894 : vector<16xi32> to vector<32xbf16>
        %mul3A_1896 = arith.mulf %pack3A_1285, %bitcast3A_1895 : vector<32xbf16>
        %add3A_1897 = arith.addf %add3A_1883, %mul3A_1896 : vector<32xbf16>
        %get3A_1898 = arith.constant 29 : i32
        %get3A_1899 = arith.index_cast %get3A_1898 : i32 to index
        %get3A_1900 = arith.index_cast %mul3A_1489 : i32 to index
        %get3A_1901 = tpu.vector_load %arg16[%get3A_1899, %get3A_1900] {strides = array<i32>} : memref<64x256xi32, #tpu.memory_space<vmem>>, vector<16xi32>,
        %bitcast3A_1902 = vector.bitcast %get3A_1901 : vector<16xi32> to vector<32xbf16>
        %mul3A_1903 = arith.mulf %pack3A_1287, %bitcast3A_1902 : vector<32xbf16>
        %add3A_1904 = arith.addf %add3A_1890, %mul3A_1903 : vector<32xbf16>
        %get3A_1905 = arith.constant 61 : i32
        %get3A_1906 = arith.index_cast %get3A_1905 : i32 to index
        %get3A_1907 = arith.index_cast %mul3A_1489 : i32 to index
        %get3A_1908 = tpu.vector_load %arg16[%get3A_1906, %get3A_1907] {strides = array<i32>} : memref<64x256xi32, #tpu.memory_space<vmem>>, vector<16xi32>,
        %bitcast3A_1909 = vector.bitcast %get3A_1908 : vector<16xi32> to vector<32xbf16>
        %mul3A_1910 = arith.mulf %pack3A_1287, %bitcast3A_1909 : vector<32xbf16>
        %add3A_1911 = arith.addf %add3A_1897, %mul3A_1910 : vector<32xbf16>
        %get3A_1912 = arith.constant 30 : i32
        %get3A_1913 = arith.index_cast %get3A_1912 : i32 to index
        %get3A_1914 = arith.index_cast %mul3A_1489 : i32 to index
        %get3A_1915 = tpu.vector_load %arg16[%get3A_1913, %get3A_1914] {strides = array<i32>} : memref<64x256xi32, #tpu.memory_space<vmem>>, vector<16xi32>,
        %bitcast3A_1916 = vector.bitcast %get3A_1915 : vector<16xi32> to vector<32xbf16>
        %mul3A_1917 = arith.mulf %pack3A_1289, %bitcast3A_1916 : vector<32xbf16>
        %add3A_1918 = arith.addf %add3A_1904, %mul3A_1917 : vector<32xbf16>
        %get3A_1919 = arith.constant 62 : i32
        %get3A_1920 = arith.index_cast %get3A_1919 : i32 to index
        %get3A_1921 = arith.index_cast %mul3A_1489 : i32 to index
        %get3A_1922 = tpu.vector_load %arg16[%get3A_1920, %get3A_1921] {strides = array<i32>} : memref<64x256xi32, #tpu.memory_space<vmem>>, vector<16xi32>,
        %bitcast3A_1923 = vector.bitcast %get3A_1922 : vector<16xi32> to vector<32xbf16>
        %mul3A_1924 = arith.mulf %pack3A_1289, %bitcast3A_1923 : vector<32xbf16>
        %add3A_1925 = arith.addf %add3A_1911, %mul3A_1924 : vector<32xbf16>
        %get3A_1926 = arith.constant 31 : i32
        %get3A_1927 = arith.index_cast %get3A_1926 : i32 to index
        %get3A_1928 = arith.index_cast %mul3A_1489 : i32 to index
        %get3A_1929 = tpu.vector_load %arg16[%get3A_1927, %get3A_1928] {strides = array<i32>} : memref<64x256xi32, #tpu.memory_space<vmem>>, vector<16xi32>,
        %bitcast3A_1930 = vector.bitcast %get3A_1929 : vector<16xi32> to vector<32xbf16>
        %mul3A_1931 = arith.mulf %pack3A_1291, %bitcast3A_1930 : vector<32xbf16>
        %add3A_1932 = arith.addf %add3A_1918, %mul3A_1931 : vector<32xbf16>
        %get3A_1933 = arith.constant 63 : i32
        %get3A_1934 = arith.index_cast %get3A_1933 : i32 to index
        %get3A_1935 = arith.index_cast %mul3A_1489 : i32 to index
        %get3A_1936 = tpu.vector_load %arg16[%get3A_1934, %get3A_1935] {strides = array<i32>} : memref<64x256xi32, #tpu.memory_space<vmem>>, vector<16xi32>,
        %bitcast3A_1937 = vector.bitcast %get3A_1936 : vector<16xi32> to vector<32xbf16>
        %mul3A_1938 = arith.mulf %pack3A_1291, %bitcast3A_1937 : vector<32xbf16>
        %add3A_1939 = arith.addf %add3A_1925, %mul3A_1938 : vector<32xbf16>
        %max3A = arith.maximumf %add3A_1932, %broadcast_in_dim3A_1293 : vector<32xbf16>
        %min3A = arith.minimumf %max3A, %broadcast_in_dim3A_1295 : vector<32xbf16>
        %max3A_1940 = arith.maximumf %add3A_1939, %broadcast_in_dim3A_1293 : vector<32xbf16>
        %min3A_1941 = arith.minimumf %max3A_1940, %broadcast_in_dim3A_1295 : vector<32xbf16>
        %add3A_1942 = arith.constant 256 : i32
        %add3A_1943 = arith.addi %add3A_1942, %mul3A_1489 : i32
        %get3A_1944 = arith.index_cast %add3A_1943 : i32 to index
        %get3A_1945 = tpu.vector_load %arg12[%get3A_1944] {strides = array<i32>} : memref<768xi32, #tpu.memory_space<vmem>>, vector<16xi32>,
        %bitcast3A_1946 = vector.bitcast %get3A_1945 : vector<16xi32> to vector<32xbf16>
        %mul3A_1947 = arith.mulf %min3A, %bitcast3A_1946 : vector<32xbf16>
        %add3A_1948 = arith.addf %scan3A_1487, %mul3A_1947 : vector<32xbf16>
        %add3A_1949 = arith.constant 512 : i32
        %add3A_1950 = arith.addi %add3A_1949, %mul3A_1489 : i32
        %get3A_1951 = arith.index_cast %add3A_1950 : i32 to index
        %get3A_1952 = tpu.vector_load %arg12[%get3A_1951] {strides = array<i32>} : memref<768xi32, #tpu.memory_space<vmem>>, vector<16xi32>,
        %bitcast3A_1953 = vector.bitcast %get3A_1952 : vector<16xi32> to vector<32xbf16>
        %mul3A_1954 = arith.mulf %min3A_1941, %bitcast3A_1953 : vector<32xbf16>
        %add3A_1955 = arith.addf %add3A_1948, %mul3A_1954 : vector<32xbf16>
        scf.yield %add3A_1955 : vector<32xbf16>
      }
      %scan3A_1301 = arith.constant 16 : i32
      %unpack3A_1302 = tpu.unpack_subelements %scan3A_1300, 0 {pack_format = #tpu.pack_format<interleaved>} : vector<32xbf16> -> vector<16xf32>
      %unpack3A_1303 = tpu.unpack_subelements %scan3A_1300, 1 {pack_format = #tpu.pack_format<interleaved>} : vector<32xbf16> -> vector<16xf32>
      %add3A_1304 = arith.addf %unpack3A_1302, %unpack3A_1303 : vector<16xf32>
      %mul3A_1305 = arith.constant 16 : i32
      %mul3A_1306 = arith.muli %add3A_1147, %mul3A_1305 : i32
      %swap3A_1307 = arith.index_cast %mul3A_1306 : i32 to index
      %swap3A_1308 = tpu.vector_load %arg18[%swap3A_1307] {strides = array<i32>} : memref<2048xf32, #tpu.memory_space<vmem>>, vector<16xf32>,
      tpu.vector_store %arg18[%swap3A_1307], %add3A_1304 {strides = array<i32>} : memref<2048xf32, #tpu.memory_space<vmem>>, vector<16xf32>,
      %add3A_1309 = arith.constant 4 : i32
      %add3A_1310 = arith.addi %add3A_1147, %add3A_1309 : i32
      %lt3A_1311 = arith.constant 128 : i32
      %lt3A_1312 = arith.cmpi slt, %add3A_1310, %lt3A_1311 : i32
      %convert_element_type3A_1313 = arith.extui %lt3A_1312 : i1 to i32
      %cond3A_1314 = arith.constant 0 : i32
      %cond3A_1315 = arith.cmpi ne, %convert_element_type3A_1313, %cond3A_1314 : i32
      scf.if %cond3A_1315 {
        %add3A_1486 = arith.constant 4 : i32
        %add3A_1487 = arith.addi %add3A_1147, %add3A_1486 : i32
        %mul3A_1488 = arith.constant 32 : i32
        %mul3A_1489 = arith.muli %add3A_1487, %mul3A_1488 : i32
        %dma_start3A_1490 = arith.constant 0 : i32
        %dma_start3A_1491 = arith.constant 0 : i32
        %dma_start3A_1492 = tpu.memref_slice %arg16[%dma_start3A_1490, %dma_start3A_1491] : memref<64x256xi32, #tpu.memory_space<vmem>> -> memref<32x256xi32, #tpu.memory_space<vmem>>
        %dma_start3A_1493 = tpu.memref_slice %arg9[%mul3A_1489] : memref<4096xi32, #tpu.memory_space<vmem>> -> memref<32xi32, #tpu.memory_space<vmem>>
        %dma_start3A_1494 = arith.constant 0 : i32
        %dma_start3A_1495 = arith.constant 0 : i32
        %dma_start3A_1496 = tpu.memref_slice %arg2[%dma_start3A_1494, %dma_start3A_1495] : memref<49152x256xi32, #tpu.memory_space<hbm>> -> memref<49152x256xi32, #tpu.memory_space<hbm>>
        tpu.enqueue_indirect_dma source(%dma_start3A_1496 : memref<49152x256xi32, #tpu.memory_space<hbm>>) target(%dma_start3A_1492 : memref<32x256xi32, #tpu.memory_space<vmem>>) offsets(%dma_start3A_1493 : memref<32xi32, #tpu.memory_space<vmem>>) semaphore(%arg22 : memref<!tpu.dma_semaphore, #tpu.memory_space<semaphore_mem>>)
        %dma_start3A_1497 = arith.constant 32 : i32
        %dma_start3A_1498 = arith.constant 0 : i32
        %dma_start3A_1499 = tpu.memref_slice %arg16[%dma_start3A_1497, %dma_start3A_1498] : memref<64x256xi32, #tpu.memory_space<vmem>> -> memref<32x256xi32, #tpu.memory_space<vmem>>
        %dma_start3A_1500 = tpu.memref_slice %arg10[%mul3A_1489] : memref<4096xi32, #tpu.memory_space<vmem>> -> memref<32xi32, #tpu.memory_space<vmem>>
        %dma_start3A_1501 = arith.constant 0 : i32
        %dma_start3A_1502 = arith.constant 0 : i32
        %dma_start3A_1503 = tpu.memref_slice %arg2[%dma_start3A_1501, %dma_start3A_1502] : memref<49152x256xi32, #tpu.memory_space<hbm>> -> memref<49152x256xi32, #tpu.memory_space<hbm>>
        tpu.enqueue_indirect_dma source(%dma_start3A_1503 : memref<49152x256xi32, #tpu.memory_space<hbm>>) target(%dma_start3A_1499 : memref<32x256xi32, #tpu.memory_space<vmem>>) offsets(%dma_start3A_1500 : memref<32xi32, #tpu.memory_space<vmem>>) semaphore(%arg22 : memref<!tpu.dma_semaphore, #tpu.memory_space<semaphore_mem>>)
      } else {
      }
      %add3A_1316 = arith.constant 3 : i32
      %add3A_1317 = arith.addi %mul3A_814, %add3A_1316 : i32
      %dma_wait3A_1318 = arith.constant 0 : i32
      %dma_wait3A_1319 = arith.constant 0 : i32
      %dma_wait3A_1320 = tpu.memref_slice %arg2[%dma_wait3A_1318, %dma_wait3A_1319] : memref<49152x256xi32, #tpu.memory_space<hbm>> -> memref<64x256xi32, #tpu.memory_space<hbm>>
      %dma_wait3A_1321 = arith.constant 0 : i32
      %dma_wait3A_1322 = arith.constant 0 : i32
      %dma_wait3A_1323 = tpu.memref_slice %arg2[%dma_wait3A_1321, %dma_wait3A_1322] : memref<49152x256xi32, #tpu.memory_space<hbm>> -> memref<64x256xi32, #tpu.memory_space<hbm>>
      tpu.wait_dma2 semaphore(%arg23 : memref<!tpu.dma_semaphore, #tpu.memory_space<semaphore_mem>>) src(%dma_wait3A_1323 : memref<64x256xi32, #tpu.memory_space<hbm>>) dst(%arg17 : memref<64x256xi32, #tpu.memory_space<vmem>>)
      %mul3A_1324 = arith.constant 32 : i32
      %mul3A_1325 = arith.muli %add3A_1317, %mul3A_1324 : i32
      %get3A_1326 = arith.index_cast %mul3A_1325 : i32 to index
      %get3A_1327 = tpu.vector_load %arg11[%get3A_1326] {strides = array<i32>} : memref<4096xf32, #tpu.memory_space<vmem>>, vector<16xf32>,
      %mul3A_1328 = arith.constant 32 : i32
      %mul3A_1329 = arith.muli %add3A_1317, %mul3A_1328 : i32
      %add3A_1330 = arith.constant 16 : i32
      %add3A_1331 = arith.addi %mul3A_1329, %add3A_1330 : i32
      %get3A_1332 = arith.index_cast %add3A_1331 : i32 to index
      %get3A_1333 = tpu.vector_load %arg11[%get3A_1332] {strides = array<i32>} : memref<4096xf32, #tpu.memory_space<vmem>>, vector<16xf32>,
      %slice3A_1334 = vector.extract_strided_slice %get3A_1327 {offsets = [0], sizes = [1], strides = [1]} : vector<16xf32> to vector<1xf32>
      %squeeze3A_1335 = vector.extract %slice3A_1334[0] : f32 from vector<1xf32>
      %slice3A_1336 = vector.extract_strided_slice %get3A_1327 {offsets = [1], sizes = [1], strides = [1]} : vector<16xf32> to vector<1xf32>
      %squeeze3A_1337 = vector.extract %slice3A_1336[0] : f32 from vector<1xf32>
      %slice3A_1338 = vector.extract_strided_slice %get3A_1327 {offsets = [2], sizes = [1], strides = [1]} : vector<16xf32> to vector<1xf32>
      %squeeze3A_1339 = vector.extract %slice3A_1338[0] : f32 from vector<1xf32>
      %slice3A_1340 = vector.extract_strided_slice %get3A_1327 {offsets = [3], sizes = [1], strides = [1]} : vector<16xf32> to vector<1xf32>
      %squeeze3A_1341 = vector.extract %slice3A_1340[0] : f32 from vector<1xf32>
      %slice3A_1342 = vector.extract_strided_slice %get3A_1327 {offsets = [4], sizes = [1], strides = [1]} : vector<16xf32> to vector<1xf32>
      %squeeze3A_1343 = vector.extract %slice3A_1342[0] : f32 from vector<1xf32>
      %slice3A_1344 = vector.extract_strided_slice %get3A_1327 {offsets = [5], sizes = [1], strides = [1]} : vector<16xf32> to vector<1xf32>
      %squeeze3A_1345 = vector.extract %slice3A_1344[0] : f32 from vector<1xf32>
      %slice3A_1346 = vector.extract_strided_slice %get3A_1327 {offsets = [6], sizes = [1], strides = [1]} : vector<16xf32> to vector<1xf32>
      %squeeze3A_1347 = vector.extract %slice3A_1346[0] : f32 from vector<1xf32>
      %slice3A_1348 = vector.extract_strided_slice %get3A_1327 {offsets = [7], sizes = [1], strides = [1]} : vector<16xf32> to vector<1xf32>
      %squeeze3A_1349 = vector.extract %slice3A_1348[0] : f32 from vector<1xf32>
      %slice3A_1350 = vector.extract_strided_slice %get3A_1327 {offsets = [8], sizes = [1], strides = [1]} : vector<16xf32> to vector<1xf32>
      %squeeze3A_1351 = vector.extract %slice3A_1350[0] : f32 from vector<1xf32>
      %slice3A_1352 = vector.extract_strided_slice %get3A_1327 {offsets = [9], sizes = [1], strides = [1]} : vector<16xf32> to vector<1xf32>
      %squeeze3A_1353 = vector.extract %slice3A_1352[0] : f32 from vector<1xf32>
      %slice3A_1354 = vector.extract_strided_slice %get3A_1327 {offsets = [10], sizes = [1], strides = [1]} : vector<16xf32> to vector<1xf32>
      %squeeze3A_1355 = vector.extract %slice3A_1354[0] : f32 from vector<1xf32>
      %slice3A_1356 = vector.extract_strided_slice %get3A_1327 {offsets = [11], sizes = [1], strides = [1]} : vector<16xf32> to vector<1xf32>
      %squeeze3A_1357 = vector.extract %slice3A_1356[0] : f32 from vector<1xf32>
      %slice3A_1358 = vector.extract_strided_slice %get3A_1327 {offsets = [12], sizes = [1], strides = [1]} : vector<16xf32> to vector<1xf32>
      %squeeze3A_1359 = vector.extract %slice3A_1358[0] : f32 from vector<1xf32>
      %slice3A_1360 = vector.extract_strided_slice %get3A_1327 {offsets = [13], sizes = [1], strides = [1]} : vector<16xf32> to vector<1xf32>
      %squeeze3A_1361 = vector.extract %slice3A_1360[0] : f32 from vector<1xf32>
      %slice3A_1362 = vector.extract_strided_slice %get3A_1327 {offsets = [14], sizes = [1], strides = [1]} : vector<16xf32> to vector<1xf32>
      %squeeze3A_1363 = vector.extract %slice3A_1362[0] : f32 from vector<1xf32>
      %slice3A_1364 = vector.extract_strided_slice %get3A_1327 {offsets = [15], sizes = [1], strides = [1]} : vector<16xf32> to vector<1xf32>
      %squeeze3A_1365 = vector.extract %slice3A_1364[0] : f32 from vector<1xf32>
      %slice3A_1366 = vector.extract_strided_slice %get3A_1333 {offsets = [0], sizes = [1], strides = [1]} : vector<16xf32> to vector<1xf32>
      %squeeze3A_1367 = vector.extract %slice3A_1366[0] : f32 from vector<1xf32>
      %slice3A_1368 = vector.extract_strided_slice %get3A_1333 {offsets = [1], sizes = [1], strides = [1]} : vector<16xf32> to vector<1xf32>
      %squeeze3A_1369 = vector.extract %slice3A_1368[0] : f32 from vector<1xf32>
      %slice3A_1370 = vector.extract_strided_slice %get3A_1333 {offsets = [2], sizes = [1], strides = [1]} : vector<16xf32> to vector<1xf32>
      %squeeze3A_1371 = vector.extract %slice3A_1370[0] : f32 from vector<1xf32>
      %slice3A_1372 = vector.extract_strided_slice %get3A_1333 {offsets = [3], sizes = [1], strides = [1]} : vector<16xf32> to vector<1xf32>
      %squeeze3A_1373 = vector.extract %slice3A_1372[0] : f32 from vector<1xf32>
      %slice3A_1374 = vector.extract_strided_slice %get3A_1333 {offsets = [4], sizes = [1], strides = [1]} : vector<16xf32> to vector<1xf32>
      %squeeze3A_1375 = vector.extract %slice3A_1374[0] : f32 from vector<1xf32>
      %slice3A_1376 = vector.extract_strided_slice %get3A_1333 {offsets = [5], sizes = [1], strides = [1]} : vector<16xf32> to vector<1xf32>
      %squeeze3A_1377 = vector.extract %slice3A_1376[0] : f32 from vector<1xf32>
      %slice3A_1378 = vector.extract_strided_slice %get3A_1333 {offsets = [6], sizes = [1], strides = [1]} : vector<16xf32> to vector<1xf32>
      %squeeze3A_1379 = vector.extract %slice3A_1378[0] : f32 from vector<1xf32>
      %slice3A_1380 = vector.extract_strided_slice %get3A_1333 {offsets = [7], sizes = [1], strides = [1]} : vector<16xf32> to vector<1xf32>
      %squeeze3A_1381 = vector.extract %slice3A_1380[0] : f32 from vector<1xf32>
      %slice3A_1382 = vector.extract_strided_slice %get3A_1333 {offsets = [8], sizes = [1], strides = [1]} : vector<16xf32> to vector<1xf32>
      %squeeze3A_1383 = vector.extract %slice3A_1382[0] : f32 from vector<1xf32>
      %slice3A_1384 = vector.extract_strided_slice %get3A_1333 {offsets = [9], sizes = [1], strides = [1]} : vector<16xf32> to vector<1xf32>
      %squeeze3A_1385 = vector.extract %slice3A_1384[0] : f32 from vector<1xf32>
      %slice3A_1386 = vector.extract_strided_slice %get3A_1333 {offsets = [10], sizes = [1], strides = [1]} : vector<16xf32> to vector<1xf32>
      %squeeze3A_1387 = vector.extract %slice3A_1386[0] : f32 from vector<1xf32>
      %slice3A_1388 = vector.extract_strided_slice %get3A_1333 {offsets = [11], sizes = [1], strides = [1]} : vector<16xf32> to vector<1xf32>
      %squeeze3A_1389 = vector.extract %slice3A_1388[0] : f32 from vector<1xf32>
      %slice3A_1390 = vector.extract_strided_slice %get3A_1333 {offsets = [12], sizes = [1], strides = [1]} : vector<16xf32> to vector<1xf32>
      %squeeze3A_1391 = vector.extract %slice3A_1390[0] : f32 from vector<1xf32>
      %slice3A_1392 = vector.extract_strided_slice %get3A_1333 {offsets = [13], sizes = [1], strides = [1]} : vector<16xf32> to vector<1xf32>
      %squeeze3A_1393 = vector.extract %slice3A_1392[0] : f32 from vector<1xf32>
      %slice3A_1394 = vector.extract_strided_slice %get3A_1333 {offsets = [14], sizes = [1], strides = [1]} : vector<16xf32> to vector<1xf32>
      %squeeze3A_1395 = vector.extract %slice3A_1394[0] : f32 from vector<1xf32>
      %slice3A_1396 = vector.extract_strided_slice %get3A_1333 {offsets = [15], sizes = [1], strides = [1]} : vector<16xf32> to vector<1xf32>
      %squeeze3A_1397 = vector.extract %slice3A_1396[0] : f32 from vector<1xf32>
      %broadcast_in_dim3A_1398 = vector.broadcast %squeeze3A_1335 : f32 to vector<16xf32>
      %pack3A_1399 = tpu.pack_subelements %broadcast_in_dim3A_1398, %broadcast_in_dim3A_1398 {pack_format = #tpu.pack_format<interleaved>, positions = array<i32: 0, 1>} : vector<16xf32>, vector<16xf32> -> vector<32xbf16>
      %broadcast_in_dim3A_1400 = vector.broadcast %squeeze3A_1337 : f32 to vector<16xf32>
      %pack3A_1401 = tpu.pack_subelements %broadcast_in_dim3A_1400, %broadcast_in_dim3A_1400 {pack_format = #tpu.pack_format<interleaved>, positions = array<i32: 0, 1>} : vector<16xf32>, vector<16xf32> -> vector<32xbf16>
      %broadcast_in_dim3A_1402 = vector.broadcast %squeeze3A_1339 : f32 to vector<16xf32>
      %pack3A_1403 = tpu.pack_subelements %broadcast_in_dim3A_1402, %broadcast_in_dim3A_1402 {pack_format = #tpu.pack_format<interleaved>, positions = array<i32: 0, 1>} : vector<16xf32>, vector<16xf32> -> vector<32xbf16>
      %broadcast_in_dim3A_1404 = vector.broadcast %squeeze3A_1341 : f32 to vector<16xf32>
      %pack3A_1405 = tpu.pack_subelements %broadcast_in_dim3A_1404, %broadcast_in_dim3A_1404 {pack_format = #tpu.pack_format<interleaved>, positions = array<i32: 0, 1>} : vector<16xf32>, vector<16xf32> -> vector<32xbf16>
      %broadcast_in_dim3A_1406 = vector.broadcast %squeeze3A_1343 : f32 to vector<16xf32>
      %pack3A_1407 = tpu.pack_subelements %broadcast_in_dim3A_1406, %broadcast_in_dim3A_1406 {pack_format = #tpu.pack_format<interleaved>, positions = array<i32: 0, 1>} : vector<16xf32>, vector<16xf32> -> vector<32xbf16>
      %broadcast_in_dim3A_1408 = vector.broadcast %squeeze3A_1345 : f32 to vector<16xf32>
      %pack3A_1409 = tpu.pack_subelements %broadcast_in_dim3A_1408, %broadcast_in_dim3A_1408 {pack_format = #tpu.pack_format<interleaved>, positions = array<i32: 0, 1>} : vector<16xf32>, vector<16xf32> -> vector<32xbf16>
      %broadcast_in_dim3A_1410 = vector.broadcast %squeeze3A_1347 : f32 to vector<16xf32>
      %pack3A_1411 = tpu.pack_subelements %broadcast_in_dim3A_1410, %broadcast_in_dim3A_1410 {pack_format = #tpu.pack_format<interleaved>, positions = array<i32: 0, 1>} : vector<16xf32>, vector<16xf32> -> vector<32xbf16>
      %broadcast_in_dim3A_1412 = vector.broadcast %squeeze3A_1349 : f32 to vector<16xf32>
      %pack3A_1413 = tpu.pack_subelements %broadcast_in_dim3A_1412, %broadcast_in_dim3A_1412 {pack_format = #tpu.pack_format<interleaved>, positions = array<i32: 0, 1>} : vector<16xf32>, vector<16xf32> -> vector<32xbf16>
      %broadcast_in_dim3A_1414 = vector.broadcast %squeeze3A_1351 : f32 to vector<16xf32>
      %pack3A_1415 = tpu.pack_subelements %broadcast_in_dim3A_1414, %broadcast_in_dim3A_1414 {pack_format = #tpu.pack_format<interleaved>, positions = array<i32: 0, 1>} : vector<16xf32>, vector<16xf32> -> vector<32xbf16>
      %broadcast_in_dim3A_1416 = vector.broadcast %squeeze3A_1353 : f32 to vector<16xf32>
      %pack3A_1417 = tpu.pack_subelements %broadcast_in_dim3A_1416, %broadcast_in_dim3A_1416 {pack_format = #tpu.pack_format<interleaved>, positions = array<i32: 0, 1>} : vector<16xf32>, vector<16xf32> -> vector<32xbf16>
      %broadcast_in_dim3A_1418 = vector.broadcast %squeeze3A_1355 : f32 to vector<16xf32>
      %pack3A_1419 = tpu.pack_subelements %broadcast_in_dim3A_1418, %broadcast_in_dim3A_1418 {pack_format = #tpu.pack_format<interleaved>, positions = array<i32: 0, 1>} : vector<16xf32>, vector<16xf32> -> vector<32xbf16>
      %broadcast_in_dim3A_1420 = vector.broadcast %squeeze3A_1357 : f32 to vector<16xf32>
      %pack3A_1421 = tpu.pack_subelements %broadcast_in_dim3A_1420, %broadcast_in_dim3A_1420 {pack_format = #tpu.pack_format<interleaved>, positions = array<i32: 0, 1>} : vector<16xf32>, vector<16xf32> -> vector<32xbf16>
      %broadcast_in_dim3A_1422 = vector.broadcast %squeeze3A_1359 : f32 to vector<16xf32>
      %pack3A_1423 = tpu.pack_subelements %broadcast_in_dim3A_1422, %broadcast_in_dim3A_1422 {pack_format = #tpu.pack_format<interleaved>, positions = array<i32: 0, 1>} : vector<16xf32>, vector<16xf32> -> vector<32xbf16>
      %broadcast_in_dim3A_1424 = vector.broadcast %squeeze3A_1361 : f32 to vector<16xf32>
      %pack3A_1425 = tpu.pack_subelements %broadcast_in_dim3A_1424, %broadcast_in_dim3A_1424 {pack_format = #tpu.pack_format<interleaved>, positions = array<i32: 0, 1>} : vector<16xf32>, vector<16xf32> -> vector<32xbf16>
      %broadcast_in_dim3A_1426 = vector.broadcast %squeeze3A_1363 : f32 to vector<16xf32>
      %pack3A_1427 = tpu.pack_subelements %broadcast_in_dim3A_1426, %broadcast_in_dim3A_1426 {pack_format = #tpu.pack_format<interleaved>, positions = array<i32: 0, 1>} : vector<16xf32>, vector<16xf32> -> vector<32xbf16>
      %broadcast_in_dim3A_1428 = vector.broadcast %squeeze3A_1365 : f32 to vector<16xf32>
      %pack3A_1429 = tpu.pack_subelements %broadcast_in_dim3A_1428, %broadcast_in_dim3A_1428 {pack_format = #tpu.pack_format<interleaved>, positions = array<i32: 0, 1>} : vector<16xf32>, vector<16xf32> -> vector<32xbf16>
      %broadcast_in_dim3A_1430 = vector.broadcast %squeeze3A_1367 : f32 to vector<16xf32>
      %pack3A_1431 = tpu.pack_subelements %broadcast_in_dim3A_1430, %broadcast_in_dim3A_1430 {pack_format = #tpu.pack_format<interleaved>, positions = array<i32: 0, 1>} : vector<16xf32>, vector<16xf32> -> vector<32xbf16>
      %broadcast_in_dim3A_1432 = vector.broadcast %squeeze3A_1369 : f32 to vector<16xf32>
      %pack3A_1433 = tpu.pack_subelements %broadcast_in_dim3A_1432, %broadcast_in_dim3A_1432 {pack_format = #tpu.pack_format<interleaved>, positions = array<i32: 0, 1>} : vector<16xf32>, vector<16xf32> -> vector<32xbf16>
      %broadcast_in_dim3A_1434 = vector.broadcast %squeeze3A_1371 : f32 to vector<16xf32>
      %pack3A_1435 = tpu.pack_subelements %broadcast_in_dim3A_1434, %broadcast_in_dim3A_1434 {pack_format = #tpu.pack_format<interleaved>, positions = array<i32: 0, 1>} : vector<16xf32>, vector<16xf32> -> vector<32xbf16>
      %broadcast_in_dim3A_1436 = vector.broadcast %squeeze3A_1373 : f32 to vector<16xf32>
      %pack3A_1437 = tpu.pack_subelements %broadcast_in_dim3A_1436, %broadcast_in_dim3A_1436 {pack_format = #tpu.pack_format<interleaved>, positions = array<i32: 0, 1>} : vector<16xf32>, vector<16xf32> -> vector<32xbf16>
      %broadcast_in_dim3A_1438 = vector.broadcast %squeeze3A_1375 : f32 to vector<16xf32>
      %pack3A_1439 = tpu.pack_subelements %broadcast_in_dim3A_1438, %broadcast_in_dim3A_1438 {pack_format = #tpu.pack_format<interleaved>, positions = array<i32: 0, 1>} : vector<16xf32>, vector<16xf32> -> vector<32xbf16>
      %broadcast_in_dim3A_1440 = vector.broadcast %squeeze3A_1377 : f32 to vector<16xf32>
      %pack3A_1441 = tpu.pack_subelements %broadcast_in_dim3A_1440, %broadcast_in_dim3A_1440 {pack_format = #tpu.pack_format<interleaved>, positions = array<i32: 0, 1>} : vector<16xf32>, vector<16xf32> -> vector<32xbf16>
      %broadcast_in_dim3A_1442 = vector.broadcast %squeeze3A_1379 : f32 to vector<16xf32>
      %pack3A_1443 = tpu.pack_subelements %broadcast_in_dim3A_1442, %broadcast_in_dim3A_1442 {pack_format = #tpu.pack_format<interleaved>, positions = array<i32: 0, 1>} : vector<16xf32>, vector<16xf32> -> vector<32xbf16>
      %broadcast_in_dim3A_1444 = vector.broadcast %squeeze3A_1381 : f32 to vector<16xf32>
      %pack3A_1445 = tpu.pack_subelements %broadcast_in_dim3A_1444, %broadcast_in_dim3A_1444 {pack_format = #tpu.pack_format<interleaved>, positions = array<i32: 0, 1>} : vector<16xf32>, vector<16xf32> -> vector<32xbf16>
      %broadcast_in_dim3A_1446 = vector.broadcast %squeeze3A_1383 : f32 to vector<16xf32>
      %pack3A_1447 = tpu.pack_subelements %broadcast_in_dim3A_1446, %broadcast_in_dim3A_1446 {pack_format = #tpu.pack_format<interleaved>, positions = array<i32: 0, 1>} : vector<16xf32>, vector<16xf32> -> vector<32xbf16>
      %broadcast_in_dim3A_1448 = vector.broadcast %squeeze3A_1385 : f32 to vector<16xf32>
      %pack3A_1449 = tpu.pack_subelements %broadcast_in_dim3A_1448, %broadcast_in_dim3A_1448 {pack_format = #tpu.pack_format<interleaved>, positions = array<i32: 0, 1>} : vector<16xf32>, vector<16xf32> -> vector<32xbf16>
      %broadcast_in_dim3A_1450 = vector.broadcast %squeeze3A_1387 : f32 to vector<16xf32>
      %pack3A_1451 = tpu.pack_subelements %broadcast_in_dim3A_1450, %broadcast_in_dim3A_1450 {pack_format = #tpu.pack_format<interleaved>, positions = array<i32: 0, 1>} : vector<16xf32>, vector<16xf32> -> vector<32xbf16>
      %broadcast_in_dim3A_1452 = vector.broadcast %squeeze3A_1389 : f32 to vector<16xf32>
      %pack3A_1453 = tpu.pack_subelements %broadcast_in_dim3A_1452, %broadcast_in_dim3A_1452 {pack_format = #tpu.pack_format<interleaved>, positions = array<i32: 0, 1>} : vector<16xf32>, vector<16xf32> -> vector<32xbf16>
      %broadcast_in_dim3A_1454 = vector.broadcast %squeeze3A_1391 : f32 to vector<16xf32>
      %pack3A_1455 = tpu.pack_subelements %broadcast_in_dim3A_1454, %broadcast_in_dim3A_1454 {pack_format = #tpu.pack_format<interleaved>, positions = array<i32: 0, 1>} : vector<16xf32>, vector<16xf32> -> vector<32xbf16>
      %broadcast_in_dim3A_1456 = vector.broadcast %squeeze3A_1393 : f32 to vector<16xf32>
      %pack3A_1457 = tpu.pack_subelements %broadcast_in_dim3A_1456, %broadcast_in_dim3A_1456 {pack_format = #tpu.pack_format<interleaved>, positions = array<i32: 0, 1>} : vector<16xf32>, vector<16xf32> -> vector<32xbf16>
      %broadcast_in_dim3A_1458 = vector.broadcast %squeeze3A_1395 : f32 to vector<16xf32>
      %pack3A_1459 = tpu.pack_subelements %broadcast_in_dim3A_1458, %broadcast_in_dim3A_1458 {pack_format = #tpu.pack_format<interleaved>, positions = array<i32: 0, 1>} : vector<16xf32>, vector<16xf32> -> vector<32xbf16>
      %broadcast_in_dim3A_1460 = vector.broadcast %squeeze3A_1397 : f32 to vector<16xf32>
      %pack3A_1461 = tpu.pack_subelements %broadcast_in_dim3A_1460, %broadcast_in_dim3A_1460 {pack_format = #tpu.pack_format<interleaved>, positions = array<i32: 0, 1>} : vector<16xf32>, vector<16xf32> -> vector<32xbf16>
      %broadcast_in_dim3A_1462 = arith.constant 0.000000e+00 : bf16
      %broadcast_in_dim3A_1463 = vector.broadcast %broadcast_in_dim3A_1462 : bf16 to vector<32xbf16>
      %broadcast_in_dim3A_1464 = arith.constant 1.000000e+00 : bf16
      %broadcast_in_dim3A_1465 = vector.broadcast %broadcast_in_dim3A_1464 : bf16 to vector<32xbf16>
      %scan3A_1466 = arith.constant 0 : i32
      %scan3A_1467 = arith.constant 16 : i32
      %scan3A_1468 = arith.addi %scan3A_1466, %scan3A_1467 : i32
      %scan3A_1469 = arith.constant 1 : i32
      %scan3A_1470 = scf.for %scan3A_1486 = %scan3A_1466 to %scan3A_1468 step %scan3A_1469 iter_args(%scan3A_1487 = %broadcast_in_dim3A_1463) -> (vector<32xbf16>)  : i32 {
        %mul3A_1488 = arith.constant 16 : i32
        %mul3A_1489 = arith.muli %scan3A_1486, %mul3A_1488 : i32
        %get3A_1490 = arith.index_cast %mul3A_1489 : i32 to index
        %get3A_1491 = tpu.vector_load %arg12[%get3A_1490] {strides = array<i32>} : memref<768xi32, #tpu.memory_space<vmem>>, vector<16xi32>,
        %bitcast3A = vector.bitcast %get3A_1491 : vector<16xi32> to vector<32xbf16>
        %get3A_1492 = arith.constant 0 : i32
        %get3A_1493 = arith.index_cast %get3A_1492 : i32 to index
        %get3A_1494 = arith.index_cast %mul3A_1489 : i32 to index
        %get3A_1495 = tpu.vector_load %arg17[%get3A_1493, %get3A_1494] {strides = array<i32>} : memref<64x256xi32, #tpu.memory_space<vmem>>, vector<16xi32>,
        %bitcast3A_1496 = vector.bitcast %get3A_1495 : vector<16xi32> to vector<32xbf16>
        %mul3A_1497 = arith.mulf %pack3A_1399, %bitcast3A_1496 : vector<32xbf16>
        %add3A_1498 = arith.addf %bitcast3A, %mul3A_1497 : vector<32xbf16>
        %get3A_1499 = arith.constant 32 : i32
        %get3A_1500 = arith.index_cast %get3A_1499 : i32 to index
        %get3A_1501 = arith.index_cast %mul3A_1489 : i32 to index
        %get3A_1502 = tpu.vector_load %arg17[%get3A_1500, %get3A_1501] {strides = array<i32>} : memref<64x256xi32, #tpu.memory_space<vmem>>, vector<16xi32>,
        %bitcast3A_1503 = vector.bitcast %get3A_1502 : vector<16xi32> to vector<32xbf16>
        %mul3A_1504 = arith.mulf %pack3A_1399, %bitcast3A_1503 : vector<32xbf16>
        %add3A_1505 = arith.addf %bitcast3A, %mul3A_1504 : vector<32xbf16>
        %get3A_1506 = arith.constant 1 : i32
        %get3A_1507 = arith.index_cast %get3A_1506 : i32 to index
        %get3A_1508 = arith.index_cast %mul3A_1489 : i32 to index
        %get3A_1509 = tpu.vector_load %arg17[%get3A_1507, %get3A_1508] {strides = array<i32>} : memref<64x256xi32, #tpu.memory_space<vmem>>, vector<16xi32>,
        %bitcast3A_1510 = vector.bitcast %get3A_1509 : vector<16xi32> to vector<32xbf16>
        %mul3A_1511 = arith.mulf %pack3A_1401, %bitcast3A_1510 : vector<32xbf16>
        %add3A_1512 = arith.addf %add3A_1498, %mul3A_1511 : vector<32xbf16>
        %get3A_1513 = arith.constant 33 : i32
        %get3A_1514 = arith.index_cast %get3A_1513 : i32 to index
        %get3A_1515 = arith.index_cast %mul3A_1489 : i32 to index
        %get3A_1516 = tpu.vector_load %arg17[%get3A_1514, %get3A_1515] {strides = array<i32>} : memref<64x256xi32, #tpu.memory_space<vmem>>, vector<16xi32>,
        %bitcast3A_1517 = vector.bitcast %get3A_1516 : vector<16xi32> to vector<32xbf16>
        %mul3A_1518 = arith.mulf %pack3A_1401, %bitcast3A_1517 : vector<32xbf16>
        %add3A_1519 = arith.addf %add3A_1505, %mul3A_1518 : vector<32xbf16>
        %get3A_1520 = arith.constant 2 : i32
        %get3A_1521 = arith.index_cast %get3A_1520 : i32 to index
        %get3A_1522 = arith.index_cast %mul3A_1489 : i32 to index
        %get3A_1523 = tpu.vector_load %arg17[%get3A_1521, %get3A_1522] {strides = array<i32>} : memref<64x256xi32, #tpu.memory_space<vmem>>, vector<16xi32>,
        %bitcast3A_1524 = vector.bitcast %get3A_1523 : vector<16xi32> to vector<32xbf16>
        %mul3A_1525 = arith.mulf %pack3A_1403, %bitcast3A_1524 : vector<32xbf16>
        %add3A_1526 = arith.addf %add3A_1512, %mul3A_1525 : vector<32xbf16>
        %get3A_1527 = arith.constant 34 : i32
        %get3A_1528 = arith.index_cast %get3A_1527 : i32 to index
        %get3A_1529 = arith.index_cast %mul3A_1489 : i32 to index
        %get3A_1530 = tpu.vector_load %arg17[%get3A_1528, %get3A_1529] {strides = array<i32>} : memref<64x256xi32, #tpu.memory_space<vmem>>, vector<16xi32>,
        %bitcast3A_1531 = vector.bitcast %get3A_1530 : vector<16xi32> to vector<32xbf16>
        %mul3A_1532 = arith.mulf %pack3A_1403, %bitcast3A_1531 : vector<32xbf16>
        %add3A_1533 = arith.addf %add3A_1519, %mul3A_1532 : vector<32xbf16>
        %get3A_1534 = arith.constant 3 : i32
        %get3A_1535 = arith.index_cast %get3A_1534 : i32 to index
        %get3A_1536 = arith.index_cast %mul3A_1489 : i32 to index
        %get3A_1537 = tpu.vector_load %arg17[%get3A_1535, %get3A_1536] {strides = array<i32>} : memref<64x256xi32, #tpu.memory_space<vmem>>, vector<16xi32>,
        %bitcast3A_1538 = vector.bitcast %get3A_1537 : vector<16xi32> to vector<32xbf16>
        %mul3A_1539 = arith.mulf %pack3A_1405, %bitcast3A_1538 : vector<32xbf16>
        %add3A_1540 = arith.addf %add3A_1526, %mul3A_1539 : vector<32xbf16>
        %get3A_1541 = arith.constant 35 : i32
        %get3A_1542 = arith.index_cast %get3A_1541 : i32 to index
        %get3A_1543 = arith.index_cast %mul3A_1489 : i32 to index
        %get3A_1544 = tpu.vector_load %arg17[%get3A_1542, %get3A_1543] {strides = array<i32>} : memref<64x256xi32, #tpu.memory_space<vmem>>, vector<16xi32>,
        %bitcast3A_1545 = vector.bitcast %get3A_1544 : vector<16xi32> to vector<32xbf16>
        %mul3A_1546 = arith.mulf %pack3A_1405, %bitcast3A_1545 : vector<32xbf16>
        %add3A_1547 = arith.addf %add3A_1533, %mul3A_1546 : vector<32xbf16>
        %get3A_1548 = arith.constant 4 : i32
        %get3A_1549 = arith.index_cast %get3A_1548 : i32 to index
        %get3A_1550 = arith.index_cast %mul3A_1489 : i32 to index
        %get3A_1551 = tpu.vector_load %arg17[%get3A_1549, %get3A_1550] {strides = array<i32>} : memref<64x256xi32, #tpu.memory_space<vmem>>, vector<16xi32>,
        %bitcast3A_1552 = vector.bitcast %get3A_1551 : vector<16xi32> to vector<32xbf16>
        %mul3A_1553 = arith.mulf %pack3A_1407, %bitcast3A_1552 : vector<32xbf16>
        %add3A_1554 = arith.addf %add3A_1540, %mul3A_1553 : vector<32xbf16>
        %get3A_1555 = arith.constant 36 : i32
        %get3A_1556 = arith.index_cast %get3A_1555 : i32 to index
        %get3A_1557 = arith.index_cast %mul3A_1489 : i32 to index
        %get3A_1558 = tpu.vector_load %arg17[%get3A_1556, %get3A_1557] {strides = array<i32>} : memref<64x256xi32, #tpu.memory_space<vmem>>, vector<16xi32>,
        %bitcast3A_1559 = vector.bitcast %get3A_1558 : vector<16xi32> to vector<32xbf16>
        %mul3A_1560 = arith.mulf %pack3A_1407, %bitcast3A_1559 : vector<32xbf16>
        %add3A_1561 = arith.addf %add3A_1547, %mul3A_1560 : vector<32xbf16>
        %get3A_1562 = arith.constant 5 : i32
        %get3A_1563 = arith.index_cast %get3A_1562 : i32 to index
        %get3A_1564 = arith.index_cast %mul3A_1489 : i32 to index
        %get3A_1565 = tpu.vector_load %arg17[%get3A_1563, %get3A_1564] {strides = array<i32>} : memref<64x256xi32, #tpu.memory_space<vmem>>, vector<16xi32>,
        %bitcast3A_1566 = vector.bitcast %get3A_1565 : vector<16xi32> to vector<32xbf16>
        %mul3A_1567 = arith.mulf %pack3A_1409, %bitcast3A_1566 : vector<32xbf16>
        %add3A_1568 = arith.addf %add3A_1554, %mul3A_1567 : vector<32xbf16>
        %get3A_1569 = arith.constant 37 : i32
        %get3A_1570 = arith.index_cast %get3A_1569 : i32 to index
        %get3A_1571 = arith.index_cast %mul3A_1489 : i32 to index
        %get3A_1572 = tpu.vector_load %arg17[%get3A_1570, %get3A_1571] {strides = array<i32>} : memref<64x256xi32, #tpu.memory_space<vmem>>, vector<16xi32>,
        %bitcast3A_1573 = vector.bitcast %get3A_1572 : vector<16xi32> to vector<32xbf16>
        %mul3A_1574 = arith.mulf %pack3A_1409, %bitcast3A_1573 : vector<32xbf16>
        %add3A_1575 = arith.addf %add3A_1561, %mul3A_1574 : vector<32xbf16>
        %get3A_1576 = arith.constant 6 : i32
        %get3A_1577 = arith.index_cast %get3A_1576 : i32 to index
        %get3A_1578 = arith.index_cast %mul3A_1489 : i32 to index
        %get3A_1579 = tpu.vector_load %arg17[%get3A_1577, %get3A_1578] {strides = array<i32>} : memref<64x256xi32, #tpu.memory_space<vmem>>, vector<16xi32>,
        %bitcast3A_1580 = vector.bitcast %get3A_1579 : vector<16xi32> to vector<32xbf16>
        %mul3A_1581 = arith.mulf %pack3A_1411, %bitcast3A_1580 : vector<32xbf16>
        %add3A_1582 = arith.addf %add3A_1568, %mul3A_1581 : vector<32xbf16>
        %get3A_1583 = arith.constant 38 : i32
        %get3A_1584 = arith.index_cast %get3A_1583 : i32 to index
        %get3A_1585 = arith.index_cast %mul3A_1489 : i32 to index
        %get3A_1586 = tpu.vector_load %arg17[%get3A_1584, %get3A_1585] {strides = array<i32>} : memref<64x256xi32, #tpu.memory_space<vmem>>, vector<16xi32>,
        %bitcast3A_1587 = vector.bitcast %get3A_1586 : vector<16xi32> to vector<32xbf16>
        %mul3A_1588 = arith.mulf %pack3A_1411, %bitcast3A_1587 : vector<32xbf16>
        %add3A_1589 = arith.addf %add3A_1575, %mul3A_1588 : vector<32xbf16>
        %get3A_1590 = arith.constant 7 : i32
        %get3A_1591 = arith.index_cast %get3A_1590 : i32 to index
        %get3A_1592 = arith.index_cast %mul3A_1489 : i32 to index
        %get3A_1593 = tpu.vector_load %arg17[%get3A_1591, %get3A_1592] {strides = array<i32>} : memref<64x256xi32, #tpu.memory_space<vmem>>, vector<16xi32>,
        %bitcast3A_1594 = vector.bitcast %get3A_1593 : vector<16xi32> to vector<32xbf16>
        %mul3A_1595 = arith.mulf %pack3A_1413, %bitcast3A_1594 : vector<32xbf16>
        %add3A_1596 = arith.addf %add3A_1582, %mul3A_1595 : vector<32xbf16>
        %get3A_1597 = arith.constant 39 : i32
        %get3A_1598 = arith.index_cast %get3A_1597 : i32 to index
        %get3A_1599 = arith.index_cast %mul3A_1489 : i32 to index
        %get3A_1600 = tpu.vector_load %arg17[%get3A_1598, %get3A_1599] {strides = array<i32>} : memref<64x256xi32, #tpu.memory_space<vmem>>, vector<16xi32>,
        %bitcast3A_1601 = vector.bitcast %get3A_1600 : vector<16xi32> to vector<32xbf16>
        %mul3A_1602 = arith.mulf %pack3A_1413, %bitcast3A_1601 : vector<32xbf16>
        %add3A_1603 = arith.addf %add3A_1589, %mul3A_1602 : vector<32xbf16>
        %get3A_1604 = arith.constant 8 : i32
        %get3A_1605 = arith.index_cast %get3A_1604 : i32 to index
        %get3A_1606 = arith.index_cast %mul3A_1489 : i32 to index
        %get3A_1607 = tpu.vector_load %arg17[%get3A_1605, %get3A_1606] {strides = array<i32>} : memref<64x256xi32, #tpu.memory_space<vmem>>, vector<16xi32>,
        %bitcast3A_1608 = vector.bitcast %get3A_1607 : vector<16xi32> to vector<32xbf16>
        %mul3A_1609 = arith.mulf %pack3A_1415, %bitcast3A_1608 : vector<32xbf16>
        %add3A_1610 = arith.addf %add3A_1596, %mul3A_1609 : vector<32xbf16>
        %get3A_1611 = arith.constant 40 : i32
        %get3A_1612 = arith.index_cast %get3A_1611 : i32 to index
        %get3A_1613 = arith.index_cast %mul3A_1489 : i32 to index
        %get3A_1614 = tpu.vector_load %arg17[%get3A_1612, %get3A_1613] {strides = array<i32>} : memref<64x256xi32, #tpu.memory_space<vmem>>, vector<16xi32>,
        %bitcast3A_1615 = vector.bitcast %get3A_1614 : vector<16xi32> to vector<32xbf16>
        %mul3A_1616 = arith.mulf %pack3A_1415, %bitcast3A_1615 : vector<32xbf16>
        %add3A_1617 = arith.addf %add3A_1603, %mul3A_1616 : vector<32xbf16>
        %get3A_1618 = arith.constant 9 : i32
        %get3A_1619 = arith.index_cast %get3A_1618 : i32 to index
        %get3A_1620 = arith.index_cast %mul3A_1489 : i32 to index
        %get3A_1621 = tpu.vector_load %arg17[%get3A_1619, %get3A_1620] {strides = array<i32>} : memref<64x256xi32, #tpu.memory_space<vmem>>, vector<16xi32>,
        %bitcast3A_1622 = vector.bitcast %get3A_1621 : vector<16xi32> to vector<32xbf16>
        %mul3A_1623 = arith.mulf %pack3A_1417, %bitcast3A_1622 : vector<32xbf16>
        %add3A_1624 = arith.addf %add3A_1610, %mul3A_1623 : vector<32xbf16>
        %get3A_1625 = arith.constant 41 : i32
        %get3A_1626 = arith.index_cast %get3A_1625 : i32 to index
        %get3A_1627 = arith.index_cast %mul3A_1489 : i32 to index
        %get3A_1628 = tpu.vector_load %arg17[%get3A_1626, %get3A_1627] {strides = array<i32>} : memref<64x256xi32, #tpu.memory_space<vmem>>, vector<16xi32>,
        %bitcast3A_1629 = vector.bitcast %get3A_1628 : vector<16xi32> to vector<32xbf16>
        %mul3A_1630 = arith.mulf %pack3A_1417, %bitcast3A_1629 : vector<32xbf16>
        %add3A_1631 = arith.addf %add3A_1617, %mul3A_1630 : vector<32xbf16>
        %get3A_1632 = arith.constant 10 : i32
        %get3A_1633 = arith.index_cast %get3A_1632 : i32 to index
        %get3A_1634 = arith.index_cast %mul3A_1489 : i32 to index
        %get3A_1635 = tpu.vector_load %arg17[%get3A_1633, %get3A_1634] {strides = array<i32>} : memref<64x256xi32, #tpu.memory_space<vmem>>, vector<16xi32>,
        %bitcast3A_1636 = vector.bitcast %get3A_1635 : vector<16xi32> to vector<32xbf16>
        %mul3A_1637 = arith.mulf %pack3A_1419, %bitcast3A_1636 : vector<32xbf16>
        %add3A_1638 = arith.addf %add3A_1624, %mul3A_1637 : vector<32xbf16>
        %get3A_1639 = arith.constant 42 : i32
        %get3A_1640 = arith.index_cast %get3A_1639 : i32 to index
        %get3A_1641 = arith.index_cast %mul3A_1489 : i32 to index
        %get3A_1642 = tpu.vector_load %arg17[%get3A_1640, %get3A_1641] {strides = array<i32>} : memref<64x256xi32, #tpu.memory_space<vmem>>, vector<16xi32>,
        %bitcast3A_1643 = vector.bitcast %get3A_1642 : vector<16xi32> to vector<32xbf16>
        %mul3A_1644 = arith.mulf %pack3A_1419, %bitcast3A_1643 : vector<32xbf16>
        %add3A_1645 = arith.addf %add3A_1631, %mul3A_1644 : vector<32xbf16>
        %get3A_1646 = arith.constant 11 : i32
        %get3A_1647 = arith.index_cast %get3A_1646 : i32 to index
        %get3A_1648 = arith.index_cast %mul3A_1489 : i32 to index
        %get3A_1649 = tpu.vector_load %arg17[%get3A_1647, %get3A_1648] {strides = array<i32>} : memref<64x256xi32, #tpu.memory_space<vmem>>, vector<16xi32>,
        %bitcast3A_1650 = vector.bitcast %get3A_1649 : vector<16xi32> to vector<32xbf16>
        %mul3A_1651 = arith.mulf %pack3A_1421, %bitcast3A_1650 : vector<32xbf16>
        %add3A_1652 = arith.addf %add3A_1638, %mul3A_1651 : vector<32xbf16>
        %get3A_1653 = arith.constant 43 : i32
        %get3A_1654 = arith.index_cast %get3A_1653 : i32 to index
        %get3A_1655 = arith.index_cast %mul3A_1489 : i32 to index
        %get3A_1656 = tpu.vector_load %arg17[%get3A_1654, %get3A_1655] {strides = array<i32>} : memref<64x256xi32, #tpu.memory_space<vmem>>, vector<16xi32>,
        %bitcast3A_1657 = vector.bitcast %get3A_1656 : vector<16xi32> to vector<32xbf16>
        %mul3A_1658 = arith.mulf %pack3A_1421, %bitcast3A_1657 : vector<32xbf16>
        %add3A_1659 = arith.addf %add3A_1645, %mul3A_1658 : vector<32xbf16>
        %get3A_1660 = arith.constant 12 : i32
        %get3A_1661 = arith.index_cast %get3A_1660 : i32 to index
        %get3A_1662 = arith.index_cast %mul3A_1489 : i32 to index
        %get3A_1663 = tpu.vector_load %arg17[%get3A_1661, %get3A_1662] {strides = array<i32>} : memref<64x256xi32, #tpu.memory_space<vmem>>, vector<16xi32>,
        %bitcast3A_1664 = vector.bitcast %get3A_1663 : vector<16xi32> to vector<32xbf16>
        %mul3A_1665 = arith.mulf %pack3A_1423, %bitcast3A_1664 : vector<32xbf16>
        %add3A_1666 = arith.addf %add3A_1652, %mul3A_1665 : vector<32xbf16>
        %get3A_1667 = arith.constant 44 : i32
        %get3A_1668 = arith.index_cast %get3A_1667 : i32 to index
        %get3A_1669 = arith.index_cast %mul3A_1489 : i32 to index
        %get3A_1670 = tpu.vector_load %arg17[%get3A_1668, %get3A_1669] {strides = array<i32>} : memref<64x256xi32, #tpu.memory_space<vmem>>, vector<16xi32>,
        %bitcast3A_1671 = vector.bitcast %get3A_1670 : vector<16xi32> to vector<32xbf16>
        %mul3A_1672 = arith.mulf %pack3A_1423, %bitcast3A_1671 : vector<32xbf16>
        %add3A_1673 = arith.addf %add3A_1659, %mul3A_1672 : vector<32xbf16>
        %get3A_1674 = arith.constant 13 : i32
        %get3A_1675 = arith.index_cast %get3A_1674 : i32 to index
        %get3A_1676 = arith.index_cast %mul3A_1489 : i32 to index
        %get3A_1677 = tpu.vector_load %arg17[%get3A_1675, %get3A_1676] {strides = array<i32>} : memref<64x256xi32, #tpu.memory_space<vmem>>, vector<16xi32>,
        %bitcast3A_1678 = vector.bitcast %get3A_1677 : vector<16xi32> to vector<32xbf16>
        %mul3A_1679 = arith.mulf %pack3A_1425, %bitcast3A_1678 : vector<32xbf16>
        %add3A_1680 = arith.addf %add3A_1666, %mul3A_1679 : vector<32xbf16>
        %get3A_1681 = arith.constant 45 : i32
        %get3A_1682 = arith.index_cast %get3A_1681 : i32 to index
        %get3A_1683 = arith.index_cast %mul3A_1489 : i32 to index
        %get3A_1684 = tpu.vector_load %arg17[%get3A_1682, %get3A_1683] {strides = array<i32>} : memref<64x256xi32, #tpu.memory_space<vmem>>, vector<16xi32>,
        %bitcast3A_1685 = vector.bitcast %get3A_1684 : vector<16xi32> to vector<32xbf16>
        %mul3A_1686 = arith.mulf %pack3A_1425, %bitcast3A_1685 : vector<32xbf16>
        %add3A_1687 = arith.addf %add3A_1673, %mul3A_1686 : vector<32xbf16>
        %get3A_1688 = arith.constant 14 : i32
        %get3A_1689 = arith.index_cast %get3A_1688 : i32 to index
        %get3A_1690 = arith.index_cast %mul3A_1489 : i32 to index
        %get3A_1691 = tpu.vector_load %arg17[%get3A_1689, %get3A_1690] {strides = array<i32>} : memref<64x256xi32, #tpu.memory_space<vmem>>, vector<16xi32>,
        %bitcast3A_1692 = vector.bitcast %get3A_1691 : vector<16xi32> to vector<32xbf16>
        %mul3A_1693 = arith.mulf %pack3A_1427, %bitcast3A_1692 : vector<32xbf16>
        %add3A_1694 = arith.addf %add3A_1680, %mul3A_1693 : vector<32xbf16>
        %get3A_1695 = arith.constant 46 : i32
        %get3A_1696 = arith.index_cast %get3A_1695 : i32 to index
        %get3A_1697 = arith.index_cast %mul3A_1489 : i32 to index
        %get3A_1698 = tpu.vector_load %arg17[%get3A_1696, %get3A_1697] {strides = array<i32>} : memref<64x256xi32, #tpu.memory_space<vmem>>, vector<16xi32>,
        %bitcast3A_1699 = vector.bitcast %get3A_1698 : vector<16xi32> to vector<32xbf16>
        %mul3A_1700 = arith.mulf %pack3A_1427, %bitcast3A_1699 : vector<32xbf16>
        %add3A_1701 = arith.addf %add3A_1687, %mul3A_1700 : vector<32xbf16>
        %get3A_1702 = arith.constant 15 : i32
        %get3A_1703 = arith.index_cast %get3A_1702 : i32 to index
        %get3A_1704 = arith.index_cast %mul3A_1489 : i32 to index
        %get3A_1705 = tpu.vector_load %arg17[%get3A_1703, %get3A_1704] {strides = array<i32>} : memref<64x256xi32, #tpu.memory_space<vmem>>, vector<16xi32>,
        %bitcast3A_1706 = vector.bitcast %get3A_1705 : vector<16xi32> to vector<32xbf16>
        %mul3A_1707 = arith.mulf %pack3A_1429, %bitcast3A_1706 : vector<32xbf16>
        %add3A_1708 = arith.addf %add3A_1694, %mul3A_1707 : vector<32xbf16>
        %get3A_1709 = arith.constant 47 : i32
        %get3A_1710 = arith.index_cast %get3A_1709 : i32 to index
        %get3A_1711 = arith.index_cast %mul3A_1489 : i32 to index
        %get3A_1712 = tpu.vector_load %arg17[%get3A_1710, %get3A_1711] {strides = array<i32>} : memref<64x256xi32, #tpu.memory_space<vmem>>, vector<16xi32>,
        %bitcast3A_1713 = vector.bitcast %get3A_1712 : vector<16xi32> to vector<32xbf16>
        %mul3A_1714 = arith.mulf %pack3A_1429, %bitcast3A_1713 : vector<32xbf16>
        %add3A_1715 = arith.addf %add3A_1701, %mul3A_1714 : vector<32xbf16>
        %get3A_1716 = arith.constant 16 : i32
        %get3A_1717 = arith.index_cast %get3A_1716 : i32 to index
        %get3A_1718 = arith.index_cast %mul3A_1489 : i32 to index
        %get3A_1719 = tpu.vector_load %arg17[%get3A_1717, %get3A_1718] {strides = array<i32>} : memref<64x256xi32, #tpu.memory_space<vmem>>, vector<16xi32>,
        %bitcast3A_1720 = vector.bitcast %get3A_1719 : vector<16xi32> to vector<32xbf16>
        %mul3A_1721 = arith.mulf %pack3A_1431, %bitcast3A_1720 : vector<32xbf16>
        %add3A_1722 = arith.addf %add3A_1708, %mul3A_1721 : vector<32xbf16>
        %get3A_1723 = arith.constant 48 : i32
        %get3A_1724 = arith.index_cast %get3A_1723 : i32 to index
        %get3A_1725 = arith.index_cast %mul3A_1489 : i32 to index
        %get3A_1726 = tpu.vector_load %arg17[%get3A_1724, %get3A_1725] {strides = array<i32>} : memref<64x256xi32, #tpu.memory_space<vmem>>, vector<16xi32>,
        %bitcast3A_1727 = vector.bitcast %get3A_1726 : vector<16xi32> to vector<32xbf16>
        %mul3A_1728 = arith.mulf %pack3A_1431, %bitcast3A_1727 : vector<32xbf16>
        %add3A_1729 = arith.addf %add3A_1715, %mul3A_1728 : vector<32xbf16>
        %get3A_1730 = arith.constant 17 : i32
        %get3A_1731 = arith.index_cast %get3A_1730 : i32 to index
        %get3A_1732 = arith.index_cast %mul3A_1489 : i32 to index
        %get3A_1733 = tpu.vector_load %arg17[%get3A_1731, %get3A_1732] {strides = array<i32>} : memref<64x256xi32, #tpu.memory_space<vmem>>, vector<16xi32>,
        %bitcast3A_1734 = vector.bitcast %get3A_1733 : vector<16xi32> to vector<32xbf16>
        %mul3A_1735 = arith.mulf %pack3A_1433, %bitcast3A_1734 : vector<32xbf16>
        %add3A_1736 = arith.addf %add3A_1722, %mul3A_1735 : vector<32xbf16>
        %get3A_1737 = arith.constant 49 : i32
        %get3A_1738 = arith.index_cast %get3A_1737 : i32 to index
        %get3A_1739 = arith.index_cast %mul3A_1489 : i32 to index
        %get3A_1740 = tpu.vector_load %arg17[%get3A_1738, %get3A_1739] {strides = array<i32>} : memref<64x256xi32, #tpu.memory_space<vmem>>, vector<16xi32>,
        %bitcast3A_1741 = vector.bitcast %get3A_1740 : vector<16xi32> to vector<32xbf16>
        %mul3A_1742 = arith.mulf %pack3A_1433, %bitcast3A_1741 : vector<32xbf16>
        %add3A_1743 = arith.addf %add3A_1729, %mul3A_1742 : vector<32xbf16>
        %get3A_1744 = arith.constant 18 : i32
        %get3A_1745 = arith.index_cast %get3A_1744 : i32 to index
        %get3A_1746 = arith.index_cast %mul3A_1489 : i32 to index
        %get3A_1747 = tpu.vector_load %arg17[%get3A_1745, %get3A_1746] {strides = array<i32>} : memref<64x256xi32, #tpu.memory_space<vmem>>, vector<16xi32>,
        %bitcast3A_1748 = vector.bitcast %get3A_1747 : vector<16xi32> to vector<32xbf16>
        %mul3A_1749 = arith.mulf %pack3A_1435, %bitcast3A_1748 : vector<32xbf16>
        %add3A_1750 = arith.addf %add3A_1736, %mul3A_1749 : vector<32xbf16>
        %get3A_1751 = arith.constant 50 : i32
        %get3A_1752 = arith.index_cast %get3A_1751 : i32 to index
        %get3A_1753 = arith.index_cast %mul3A_1489 : i32 to index
        %get3A_1754 = tpu.vector_load %arg17[%get3A_1752, %get3A_1753] {strides = array<i32>} : memref<64x256xi32, #tpu.memory_space<vmem>>, vector<16xi32>,
        %bitcast3A_1755 = vector.bitcast %get3A_1754 : vector<16xi32> to vector<32xbf16>
        %mul3A_1756 = arith.mulf %pack3A_1435, %bitcast3A_1755 : vector<32xbf16>
        %add3A_1757 = arith.addf %add3A_1743, %mul3A_1756 : vector<32xbf16>
        %get3A_1758 = arith.constant 19 : i32
        %get3A_1759 = arith.index_cast %get3A_1758 : i32 to index
        %get3A_1760 = arith.index_cast %mul3A_1489 : i32 to index
        %get3A_1761 = tpu.vector_load %arg17[%get3A_1759, %get3A_1760] {strides = array<i32>} : memref<64x256xi32, #tpu.memory_space<vmem>>, vector<16xi32>,
        %bitcast3A_1762 = vector.bitcast %get3A_1761 : vector<16xi32> to vector<32xbf16>
        %mul3A_1763 = arith.mulf %pack3A_1437, %bitcast3A_1762 : vector<32xbf16>
        %add3A_1764 = arith.addf %add3A_1750, %mul3A_1763 : vector<32xbf16>
        %get3A_1765 = arith.constant 51 : i32
        %get3A_1766 = arith.index_cast %get3A_1765 : i32 to index
        %get3A_1767 = arith.index_cast %mul3A_1489 : i32 to index
        %get3A_1768 = tpu.vector_load %arg17[%get3A_1766, %get3A_1767] {strides = array<i32>} : memref<64x256xi32, #tpu.memory_space<vmem>>, vector<16xi32>,
        %bitcast3A_1769 = vector.bitcast %get3A_1768 : vector<16xi32> to vector<32xbf16>
        %mul3A_1770 = arith.mulf %pack3A_1437, %bitcast3A_1769 : vector<32xbf16>
        %add3A_1771 = arith.addf %add3A_1757, %mul3A_1770 : vector<32xbf16>
        %get3A_1772 = arith.constant 20 : i32
        %get3A_1773 = arith.index_cast %get3A_1772 : i32 to index
        %get3A_1774 = arith.index_cast %mul3A_1489 : i32 to index
        %get3A_1775 = tpu.vector_load %arg17[%get3A_1773, %get3A_1774] {strides = array<i32>} : memref<64x256xi32, #tpu.memory_space<vmem>>, vector<16xi32>,
        %bitcast3A_1776 = vector.bitcast %get3A_1775 : vector<16xi32> to vector<32xbf16>
        %mul3A_1777 = arith.mulf %pack3A_1439, %bitcast3A_1776 : vector<32xbf16>
        %add3A_1778 = arith.addf %add3A_1764, %mul3A_1777 : vector<32xbf16>
        %get3A_1779 = arith.constant 52 : i32
        %get3A_1780 = arith.index_cast %get3A_1779 : i32 to index
        %get3A_1781 = arith.index_cast %mul3A_1489 : i32 to index
        %get3A_1782 = tpu.vector_load %arg17[%get3A_1780, %get3A_1781] {strides = array<i32>} : memref<64x256xi32, #tpu.memory_space<vmem>>, vector<16xi32>,
        %bitcast3A_1783 = vector.bitcast %get3A_1782 : vector<16xi32> to vector<32xbf16>
        %mul3A_1784 = arith.mulf %pack3A_1439, %bitcast3A_1783 : vector<32xbf16>
        %add3A_1785 = arith.addf %add3A_1771, %mul3A_1784 : vector<32xbf16>
        %get3A_1786 = arith.constant 21 : i32
        %get3A_1787 = arith.index_cast %get3A_1786 : i32 to index
        %get3A_1788 = arith.index_cast %mul3A_1489 : i32 to index
        %get3A_1789 = tpu.vector_load %arg17[%get3A_1787, %get3A_1788] {strides = array<i32>} : memref<64x256xi32, #tpu.memory_space<vmem>>, vector<16xi32>,
        %bitcast3A_1790 = vector.bitcast %get3A_1789 : vector<16xi32> to vector<32xbf16>
        %mul3A_1791 = arith.mulf %pack3A_1441, %bitcast3A_1790 : vector<32xbf16>
        %add3A_1792 = arith.addf %add3A_1778, %mul3A_1791 : vector<32xbf16>
        %get3A_1793 = arith.constant 53 : i32
        %get3A_1794 = arith.index_cast %get3A_1793 : i32 to index
        %get3A_1795 = arith.index_cast %mul3A_1489 : i32 to index
        %get3A_1796 = tpu.vector_load %arg17[%get3A_1794, %get3A_1795] {strides = array<i32>} : memref<64x256xi32, #tpu.memory_space<vmem>>, vector<16xi32>,
        %bitcast3A_1797 = vector.bitcast %get3A_1796 : vector<16xi32> to vector<32xbf16>
        %mul3A_1798 = arith.mulf %pack3A_1441, %bitcast3A_1797 : vector<32xbf16>
        %add3A_1799 = arith.addf %add3A_1785, %mul3A_1798 : vector<32xbf16>
        %get3A_1800 = arith.constant 22 : i32
        %get3A_1801 = arith.index_cast %get3A_1800 : i32 to index
        %get3A_1802 = arith.index_cast %mul3A_1489 : i32 to index
        %get3A_1803 = tpu.vector_load %arg17[%get3A_1801, %get3A_1802] {strides = array<i32>} : memref<64x256xi32, #tpu.memory_space<vmem>>, vector<16xi32>,
        %bitcast3A_1804 = vector.bitcast %get3A_1803 : vector<16xi32> to vector<32xbf16>
        %mul3A_1805 = arith.mulf %pack3A_1443, %bitcast3A_1804 : vector<32xbf16>
        %add3A_1806 = arith.addf %add3A_1792, %mul3A_1805 : vector<32xbf16>
        %get3A_1807 = arith.constant 54 : i32
        %get3A_1808 = arith.index_cast %get3A_1807 : i32 to index
        %get3A_1809 = arith.index_cast %mul3A_1489 : i32 to index
        %get3A_1810 = tpu.vector_load %arg17[%get3A_1808, %get3A_1809] {strides = array<i32>} : memref<64x256xi32, #tpu.memory_space<vmem>>, vector<16xi32>,
        %bitcast3A_1811 = vector.bitcast %get3A_1810 : vector<16xi32> to vector<32xbf16>
        %mul3A_1812 = arith.mulf %pack3A_1443, %bitcast3A_1811 : vector<32xbf16>
        %add3A_1813 = arith.addf %add3A_1799, %mul3A_1812 : vector<32xbf16>
        %get3A_1814 = arith.constant 23 : i32
        %get3A_1815 = arith.index_cast %get3A_1814 : i32 to index
        %get3A_1816 = arith.index_cast %mul3A_1489 : i32 to index
        %get3A_1817 = tpu.vector_load %arg17[%get3A_1815, %get3A_1816] {strides = array<i32>} : memref<64x256xi32, #tpu.memory_space<vmem>>, vector<16xi32>,
        %bitcast3A_1818 = vector.bitcast %get3A_1817 : vector<16xi32> to vector<32xbf16>
        %mul3A_1819 = arith.mulf %pack3A_1445, %bitcast3A_1818 : vector<32xbf16>
        %add3A_1820 = arith.addf %add3A_1806, %mul3A_1819 : vector<32xbf16>
        %get3A_1821 = arith.constant 55 : i32
        %get3A_1822 = arith.index_cast %get3A_1821 : i32 to index
        %get3A_1823 = arith.index_cast %mul3A_1489 : i32 to index
        %get3A_1824 = tpu.vector_load %arg17[%get3A_1822, %get3A_1823] {strides = array<i32>} : memref<64x256xi32, #tpu.memory_space<vmem>>, vector<16xi32>,
        %bitcast3A_1825 = vector.bitcast %get3A_1824 : vector<16xi32> to vector<32xbf16>
        %mul3A_1826 = arith.mulf %pack3A_1445, %bitcast3A_1825 : vector<32xbf16>
        %add3A_1827 = arith.addf %add3A_1813, %mul3A_1826 : vector<32xbf16>
        %get3A_1828 = arith.constant 24 : i32
        %get3A_1829 = arith.index_cast %get3A_1828 : i32 to index
        %get3A_1830 = arith.index_cast %mul3A_1489 : i32 to index
        %get3A_1831 = tpu.vector_load %arg17[%get3A_1829, %get3A_1830] {strides = array<i32>} : memref<64x256xi32, #tpu.memory_space<vmem>>, vector<16xi32>,
        %bitcast3A_1832 = vector.bitcast %get3A_1831 : vector<16xi32> to vector<32xbf16>
        %mul3A_1833 = arith.mulf %pack3A_1447, %bitcast3A_1832 : vector<32xbf16>
        %add3A_1834 = arith.addf %add3A_1820, %mul3A_1833 : vector<32xbf16>
        %get3A_1835 = arith.constant 56 : i32
        %get3A_1836 = arith.index_cast %get3A_1835 : i32 to index
        %get3A_1837 = arith.index_cast %mul3A_1489 : i32 to index
        %get3A_1838 = tpu.vector_load %arg17[%get3A_1836, %get3A_1837] {strides = array<i32>} : memref<64x256xi32, #tpu.memory_space<vmem>>, vector<16xi32>,
        %bitcast3A_1839 = vector.bitcast %get3A_1838 : vector<16xi32> to vector<32xbf16>
        %mul3A_1840 = arith.mulf %pack3A_1447, %bitcast3A_1839 : vector<32xbf16>
        %add3A_1841 = arith.addf %add3A_1827, %mul3A_1840 : vector<32xbf16>
        %get3A_1842 = arith.constant 25 : i32
        %get3A_1843 = arith.index_cast %get3A_1842 : i32 to index
        %get3A_1844 = arith.index_cast %mul3A_1489 : i32 to index
        %get3A_1845 = tpu.vector_load %arg17[%get3A_1843, %get3A_1844] {strides = array<i32>} : memref<64x256xi32, #tpu.memory_space<vmem>>, vector<16xi32>,
        %bitcast3A_1846 = vector.bitcast %get3A_1845 : vector<16xi32> to vector<32xbf16>
        %mul3A_1847 = arith.mulf %pack3A_1449, %bitcast3A_1846 : vector<32xbf16>
        %add3A_1848 = arith.addf %add3A_1834, %mul3A_1847 : vector<32xbf16>
        %get3A_1849 = arith.constant 57 : i32
        %get3A_1850 = arith.index_cast %get3A_1849 : i32 to index
        %get3A_1851 = arith.index_cast %mul3A_1489 : i32 to index
        %get3A_1852 = tpu.vector_load %arg17[%get3A_1850, %get3A_1851] {strides = array<i32>} : memref<64x256xi32, #tpu.memory_space<vmem>>, vector<16xi32>,
        %bitcast3A_1853 = vector.bitcast %get3A_1852 : vector<16xi32> to vector<32xbf16>
        %mul3A_1854 = arith.mulf %pack3A_1449, %bitcast3A_1853 : vector<32xbf16>
        %add3A_1855 = arith.addf %add3A_1841, %mul3A_1854 : vector<32xbf16>
        %get3A_1856 = arith.constant 26 : i32
        %get3A_1857 = arith.index_cast %get3A_1856 : i32 to index
        %get3A_1858 = arith.index_cast %mul3A_1489 : i32 to index
        %get3A_1859 = tpu.vector_load %arg17[%get3A_1857, %get3A_1858] {strides = array<i32>} : memref<64x256xi32, #tpu.memory_space<vmem>>, vector<16xi32>,
        %bitcast3A_1860 = vector.bitcast %get3A_1859 : vector<16xi32> to vector<32xbf16>
        %mul3A_1861 = arith.mulf %pack3A_1451, %bitcast3A_1860 : vector<32xbf16>
        %add3A_1862 = arith.addf %add3A_1848, %mul3A_1861 : vector<32xbf16>
        %get3A_1863 = arith.constant 58 : i32
        %get3A_1864 = arith.index_cast %get3A_1863 : i32 to index
        %get3A_1865 = arith.index_cast %mul3A_1489 : i32 to index
        %get3A_1866 = tpu.vector_load %arg17[%get3A_1864, %get3A_1865] {strides = array<i32>} : memref<64x256xi32, #tpu.memory_space<vmem>>, vector<16xi32>,
        %bitcast3A_1867 = vector.bitcast %get3A_1866 : vector<16xi32> to vector<32xbf16>
        %mul3A_1868 = arith.mulf %pack3A_1451, %bitcast3A_1867 : vector<32xbf16>
        %add3A_1869 = arith.addf %add3A_1855, %mul3A_1868 : vector<32xbf16>
        %get3A_1870 = arith.constant 27 : i32
        %get3A_1871 = arith.index_cast %get3A_1870 : i32 to index
        %get3A_1872 = arith.index_cast %mul3A_1489 : i32 to index
        %get3A_1873 = tpu.vector_load %arg17[%get3A_1871, %get3A_1872] {strides = array<i32>} : memref<64x256xi32, #tpu.memory_space<vmem>>, vector<16xi32>,
        %bitcast3A_1874 = vector.bitcast %get3A_1873 : vector<16xi32> to vector<32xbf16>
        %mul3A_1875 = arith.mulf %pack3A_1453, %bitcast3A_1874 : vector<32xbf16>
        %add3A_1876 = arith.addf %add3A_1862, %mul3A_1875 : vector<32xbf16>
        %get3A_1877 = arith.constant 59 : i32
        %get3A_1878 = arith.index_cast %get3A_1877 : i32 to index
        %get3A_1879 = arith.index_cast %mul3A_1489 : i32 to index
        %get3A_1880 = tpu.vector_load %arg17[%get3A_1878, %get3A_1879] {strides = array<i32>} : memref<64x256xi32, #tpu.memory_space<vmem>>, vector<16xi32>,
        %bitcast3A_1881 = vector.bitcast %get3A_1880 : vector<16xi32> to vector<32xbf16>
        %mul3A_1882 = arith.mulf %pack3A_1453, %bitcast3A_1881 : vector<32xbf16>
        %add3A_1883 = arith.addf %add3A_1869, %mul3A_1882 : vector<32xbf16>
        %get3A_1884 = arith.constant 28 : i32
        %get3A_1885 = arith.index_cast %get3A_1884 : i32 to index
        %get3A_1886 = arith.index_cast %mul3A_1489 : i32 to index
        %get3A_1887 = tpu.vector_load %arg17[%get3A_1885, %get3A_1886] {strides = array<i32>} : memref<64x256xi32, #tpu.memory_space<vmem>>, vector<16xi32>,
        %bitcast3A_1888 = vector.bitcast %get3A_1887 : vector<16xi32> to vector<32xbf16>
        %mul3A_1889 = arith.mulf %pack3A_1455, %bitcast3A_1888 : vector<32xbf16>
        %add3A_1890 = arith.addf %add3A_1876, %mul3A_1889 : vector<32xbf16>
        %get3A_1891 = arith.constant 60 : i32
        %get3A_1892 = arith.index_cast %get3A_1891 : i32 to index
        %get3A_1893 = arith.index_cast %mul3A_1489 : i32 to index
        %get3A_1894 = tpu.vector_load %arg17[%get3A_1892, %get3A_1893] {strides = array<i32>} : memref<64x256xi32, #tpu.memory_space<vmem>>, vector<16xi32>,
        %bitcast3A_1895 = vector.bitcast %get3A_1894 : vector<16xi32> to vector<32xbf16>
        %mul3A_1896 = arith.mulf %pack3A_1455, %bitcast3A_1895 : vector<32xbf16>
        %add3A_1897 = arith.addf %add3A_1883, %mul3A_1896 : vector<32xbf16>
        %get3A_1898 = arith.constant 29 : i32
        %get3A_1899 = arith.index_cast %get3A_1898 : i32 to index
        %get3A_1900 = arith.index_cast %mul3A_1489 : i32 to index
        %get3A_1901 = tpu.vector_load %arg17[%get3A_1899, %get3A_1900] {strides = array<i32>} : memref<64x256xi32, #tpu.memory_space<vmem>>, vector<16xi32>,
        %bitcast3A_1902 = vector.bitcast %get3A_1901 : vector<16xi32> to vector<32xbf16>
        %mul3A_1903 = arith.mulf %pack3A_1457, %bitcast3A_1902 : vector<32xbf16>
        %add3A_1904 = arith.addf %add3A_1890, %mul3A_1903 : vector<32xbf16>
        %get3A_1905 = arith.constant 61 : i32
        %get3A_1906 = arith.index_cast %get3A_1905 : i32 to index
        %get3A_1907 = arith.index_cast %mul3A_1489 : i32 to index
        %get3A_1908 = tpu.vector_load %arg17[%get3A_1906, %get3A_1907] {strides = array<i32>} : memref<64x256xi32, #tpu.memory_space<vmem>>, vector<16xi32>,
        %bitcast3A_1909 = vector.bitcast %get3A_1908 : vector<16xi32> to vector<32xbf16>
        %mul3A_1910 = arith.mulf %pack3A_1457, %bitcast3A_1909 : vector<32xbf16>
        %add3A_1911 = arith.addf %add3A_1897, %mul3A_1910 : vector<32xbf16>
        %get3A_1912 = arith.constant 30 : i32
        %get3A_1913 = arith.index_cast %get3A_1912 : i32 to index
        %get3A_1914 = arith.index_cast %mul3A_1489 : i32 to index
        %get3A_1915 = tpu.vector_load %arg17[%get3A_1913, %get3A_1914] {strides = array<i32>} : memref<64x256xi32, #tpu.memory_space<vmem>>, vector<16xi32>,
        %bitcast3A_1916 = vector.bitcast %get3A_1915 : vector<16xi32> to vector<32xbf16>
        %mul3A_1917 = arith.mulf %pack3A_1459, %bitcast3A_1916 : vector<32xbf16>
        %add3A_1918 = arith.addf %add3A_1904, %mul3A_1917 : vector<32xbf16>
        %get3A_1919 = arith.constant 62 : i32
        %get3A_1920 = arith.index_cast %get3A_1919 : i32 to index
        %get3A_1921 = arith.index_cast %mul3A_1489 : i32 to index
        %get3A_1922 = tpu.vector_load %arg17[%get3A_1920, %get3A_1921] {strides = array<i32>} : memref<64x256xi32, #tpu.memory_space<vmem>>, vector<16xi32>,
        %bitcast3A_1923 = vector.bitcast %get3A_1922 : vector<16xi32> to vector<32xbf16>
        %mul3A_1924 = arith.mulf %pack3A_1459, %bitcast3A_1923 : vector<32xbf16>
        %add3A_1925 = arith.addf %add3A_1911, %mul3A_1924 : vector<32xbf16>
        %get3A_1926 = arith.constant 31 : i32
        %get3A_1927 = arith.index_cast %get3A_1926 : i32 to index
        %get3A_1928 = arith.index_cast %mul3A_1489 : i32 to index
        %get3A_1929 = tpu.vector_load %arg17[%get3A_1927, %get3A_1928] {strides = array<i32>} : memref<64x256xi32, #tpu.memory_space<vmem>>, vector<16xi32>,
        %bitcast3A_1930 = vector.bitcast %get3A_1929 : vector<16xi32> to vector<32xbf16>
        %mul3A_1931 = arith.mulf %pack3A_1461, %bitcast3A_1930 : vector<32xbf16>
        %add3A_1932 = arith.addf %add3A_1918, %mul3A_1931 : vector<32xbf16>
        %get3A_1933 = arith.constant 63 : i32
        %get3A_1934 = arith.index_cast %get3A_1933 : i32 to index
        %get3A_1935 = arith.index_cast %mul3A_1489 : i32 to index
        %get3A_1936 = tpu.vector_load %arg17[%get3A_1934, %get3A_1935] {strides = array<i32>} : memref<64x256xi32, #tpu.memory_space<vmem>>, vector<16xi32>,
        %bitcast3A_1937 = vector.bitcast %get3A_1936 : vector<16xi32> to vector<32xbf16>
        %mul3A_1938 = arith.mulf %pack3A_1461, %bitcast3A_1937 : vector<32xbf16>
        %add3A_1939 = arith.addf %add3A_1925, %mul3A_1938 : vector<32xbf16>
        %max3A = arith.maximumf %add3A_1932, %broadcast_in_dim3A_1463 : vector<32xbf16>
        %min3A = arith.minimumf %max3A, %broadcast_in_dim3A_1465 : vector<32xbf16>
        %max3A_1940 = arith.maximumf %add3A_1939, %broadcast_in_dim3A_1463 : vector<32xbf16>
        %min3A_1941 = arith.minimumf %max3A_1940, %broadcast_in_dim3A_1465 : vector<32xbf16>
        %add3A_1942 = arith.constant 256 : i32
        %add3A_1943 = arith.addi %add3A_1942, %mul3A_1489 : i32
        %get3A_1944 = arith.index_cast %add3A_1943 : i32 to index
        %get3A_1945 = tpu.vector_load %arg12[%get3A_1944] {strides = array<i32>} : memref<768xi32, #tpu.memory_space<vmem>>, vector<16xi32>,
        %bitcast3A_1946 = vector.bitcast %get3A_1945 : vector<16xi32> to vector<32xbf16>
        %mul3A_1947 = arith.mulf %min3A, %bitcast3A_1946 : vector<32xbf16>
        %add3A_1948 = arith.addf %scan3A_1487, %mul3A_1947 : vector<32xbf16>
        %add3A_1949 = arith.constant 512 : i32
        %add3A_1950 = arith.addi %add3A_1949, %mul3A_1489 : i32
        %get3A_1951 = arith.index_cast %add3A_1950 : i32 to index
        %get3A_1952 = tpu.vector_load %arg12[%get3A_1951] {strides = array<i32>} : memref<768xi32, #tpu.memory_space<vmem>>, vector<16xi32>,
        %bitcast3A_1953 = vector.bitcast %get3A_1952 : vector<16xi32> to vector<32xbf16>
        %mul3A_1954 = arith.mulf %min3A_1941, %bitcast3A_1953 : vector<32xbf16>
        %add3A_1955 = arith.addf %add3A_1948, %mul3A_1954 : vector<32xbf16>
        scf.yield %add3A_1955 : vector<32xbf16>
      }
      %scan3A_1471 = arith.constant 16 : i32
      %unpack3A_1472 = tpu.unpack_subelements %scan3A_1470, 0 {pack_format = #tpu.pack_format<interleaved>} : vector<32xbf16> -> vector<16xf32>
      %unpack3A_1473 = tpu.unpack_subelements %scan3A_1470, 1 {pack_format = #tpu.pack_format<interleaved>} : vector<32xbf16> -> vector<16xf32>
      %add3A_1474 = arith.addf %unpack3A_1472, %unpack3A_1473 : vector<16xf32>
      %mul3A_1475 = arith.constant 16 : i32
      %mul3A_1476 = arith.muli %add3A_1317, %mul3A_1475 : i32
      %swap3A_1477 = arith.index_cast %mul3A_1476 : i32 to index
      %swap3A_1478 = tpu.vector_load %arg18[%swap3A_1477] {strides = array<i32>} : memref<2048xf32, #tpu.memory_space<vmem>>, vector<16xf32>,
      tpu.vector_store %arg18[%swap3A_1477], %add3A_1474 {strides = array<i32>} : memref<2048xf32, #tpu.memory_space<vmem>>, vector<16xf32>,
      %add3A_1479 = arith.constant 4 : i32
      %add3A_1480 = arith.addi %add3A_1317, %add3A_1479 : i32
      %lt3A_1481 = arith.constant 128 : i32
      %lt3A_1482 = arith.cmpi slt, %add3A_1480, %lt3A_1481 : i32
      %convert_element_type3A_1483 = arith.extui %lt3A_1482 : i1 to i32
      %cond3A_1484 = arith.constant 0 : i32
      %cond3A_1485 = arith.cmpi ne, %convert_element_type3A_1483, %cond3A_1484 : i32
      scf.if %cond3A_1485 {
        %add3A_1486 = arith.constant 4 : i32
        %add3A_1487 = arith.addi %add3A_1317, %add3A_1486 : i32
        %mul3A_1488 = arith.constant 32 : i32
        %mul3A_1489 = arith.muli %add3A_1487, %mul3A_1488 : i32
        %dma_start3A_1490 = arith.constant 0 : i32
        %dma_start3A_1491 = arith.constant 0 : i32
        %dma_start3A_1492 = tpu.memref_slice %arg17[%dma_start3A_1490, %dma_start3A_1491] : memref<64x256xi32, #tpu.memory_space<vmem>> -> memref<32x256xi32, #tpu.memory_space<vmem>>
        %dma_start3A_1493 = tpu.memref_slice %arg9[%mul3A_1489] : memref<4096xi32, #tpu.memory_space<vmem>> -> memref<32xi32, #tpu.memory_space<vmem>>
        %dma_start3A_1494 = arith.constant 0 : i32
        %dma_start3A_1495 = arith.constant 0 : i32
        %dma_start3A_1496 = tpu.memref_slice %arg2[%dma_start3A_1494, %dma_start3A_1495] : memref<49152x256xi32, #tpu.memory_space<hbm>> -> memref<49152x256xi32, #tpu.memory_space<hbm>>
        tpu.enqueue_indirect_dma source(%dma_start3A_1496 : memref<49152x256xi32, #tpu.memory_space<hbm>>) target(%dma_start3A_1492 : memref<32x256xi32, #tpu.memory_space<vmem>>) offsets(%dma_start3A_1493 : memref<32xi32, #tpu.memory_space<vmem>>) semaphore(%arg23 : memref<!tpu.dma_semaphore, #tpu.memory_space<semaphore_mem>>)
        %dma_start3A_1497 = arith.constant 32 : i32
        %dma_start3A_1498 = arith.constant 0 : i32
        %dma_start3A_1499 = tpu.memref_slice %arg17[%dma_start3A_1497, %dma_start3A_1498] : memref<64x256xi32, #tpu.memory_space<vmem>> -> memref<32x256xi32, #tpu.memory_space<vmem>>
        %dma_start3A_1500 = tpu.memref_slice %arg10[%mul3A_1489] : memref<4096xi32, #tpu.memory_space<vmem>> -> memref<32xi32, #tpu.memory_space<vmem>>
        %dma_start3A_1501 = arith.constant 0 : i32
        %dma_start3A_1502 = arith.constant 0 : i32
        %dma_start3A_1503 = tpu.memref_slice %arg2[%dma_start3A_1501, %dma_start3A_1502] : memref<49152x256xi32, #tpu.memory_space<hbm>> -> memref<49152x256xi32, #tpu.memory_space<hbm>>
        tpu.enqueue_indirect_dma source(%dma_start3A_1503 : memref<49152x256xi32, #tpu.memory_space<hbm>>) target(%dma_start3A_1499 : memref<32x256xi32, #tpu.memory_space<vmem>>) offsets(%dma_start3A_1500 : memref<32xi32, #tpu.memory_space<vmem>>) semaphore(%arg23 : memref<!tpu.dma_semaphore, #tpu.memory_space<semaphore_mem>>)
      } else {
      }
    }
    %scan3A_76 = arith.constant 32 : i32
    %get3A = arith.constant 0 : index
    %get3A_77 = tpu.vector_load %arg13[%get3A] {strides = array<i32>} : memref<16xf32, #tpu.memory_space<vmem>>, vector<16xf32>,
    %iota3A = tpu.iota {dimensions = array<i32: 0>} : vector<16xi32>
    %mul3A_78 = arith.constant 16 : i32
    %mul3A_79 = vector.broadcast %mul3A_78 : i32 to vector<16xi32>
    %mul3A_80 = arith.muli %iota3A, %mul3A_79 : vector<16xi32>
    %add3A_81 = arith.constant 0 : i32
    %add3A_82 = vector.broadcast %add3A_81 : i32 to vector<16xi32>
    %add3A_83 = arith.addi %mul3A_80, %add3A_82 : vector<16xi32>
    %gather3A = tpu.vector_load_idx %arg18[%add3A_83] : memref<2048xf32, #tpu.memory_space<vmem>>[vector<16xi32>], vector<16xf32>,
    %add3A_84 = arith.addf %get3A_77, %gather3A : vector<16xf32>
    %add3A_85 = arith.constant 1 : i32
    %add3A_86 = vector.broadcast %add3A_85 : i32 to vector<16xi32>
    %add3A_87 = arith.addi %mul3A_80, %add3A_86 : vector<16xi32>
    %gather3A_88 = tpu.vector_load_idx %arg18[%add3A_87] : memref<2048xf32, #tpu.memory_space<vmem>>[vector<16xi32>], vector<16xf32>,
    %add3A_89 = arith.addf %add3A_84, %gather3A_88 : vector<16xf32>
    %add3A_90 = arith.constant 2 : i32
    %add3A_91 = vector.broadcast %add3A_90 : i32 to vector<16xi32>
    %add3A_92 = arith.addi %mul3A_80, %add3A_91 : vector<16xi32>
    %gather3A_93 = tpu.vector_load_idx %arg18[%add3A_92] : memref<2048xf32, #tpu.memory_space<vmem>>[vector<16xi32>], vector<16xf32>,
    %add3A_94 = arith.addf %add3A_89, %gather3A_93 : vector<16xf32>
    %add3A_95 = arith.constant 3 : i32
    %add3A_96 = vector.broadcast %add3A_95 : i32 to vector<16xi32>
    %add3A_97 = arith.addi %mul3A_80, %add3A_96 : vector<16xi32>
    %gather3A_98 = tpu.vector_load_idx %arg18[%add3A_97] : memref<2048xf32, #tpu.memory_space<vmem>>[vector<16xi32>], vector<16xf32>,
    %add3A_99 = arith.addf %add3A_94, %gather3A_98 : vector<16xf32>
    %add3A_100 = arith.constant 4 : i32
    %add3A_101 = vector.broadcast %add3A_100 : i32 to vector<16xi32>
    %add3A_102 = arith.addi %mul3A_80, %add3A_101 : vector<16xi32>
    %gather3A_103 = tpu.vector_load_idx %arg18[%add3A_102] : memref<2048xf32, #tpu.memory_space<vmem>>[vector<16xi32>], vector<16xf32>,
    %add3A_104 = arith.addf %add3A_99, %gather3A_103 : vector<16xf32>
    %add3A_105 = arith.constant 5 : i32
    %add3A_106 = vector.broadcast %add3A_105 : i32 to vector<16xi32>
    %add3A_107 = arith.addi %mul3A_80, %add3A_106 : vector<16xi32>
    %gather3A_108 = tpu.vector_load_idx %arg18[%add3A_107] : memref<2048xf32, #tpu.memory_space<vmem>>[vector<16xi32>], vector<16xf32>,
    %add3A_109 = arith.addf %add3A_104, %gather3A_108 : vector<16xf32>
    %add3A_110 = arith.constant 6 : i32
    %add3A_111 = vector.broadcast %add3A_110 : i32 to vector<16xi32>
    %add3A_112 = arith.addi %mul3A_80, %add3A_111 : vector<16xi32>
    %gather3A_113 = tpu.vector_load_idx %arg18[%add3A_112] : memref<2048xf32, #tpu.memory_space<vmem>>[vector<16xi32>], vector<16xf32>,
    %add3A_114 = arith.addf %add3A_109, %gather3A_113 : vector<16xf32>
    %add3A_115 = arith.constant 7 : i32
    %add3A_116 = vector.broadcast %add3A_115 : i32 to vector<16xi32>
    %add3A_117 = arith.addi %mul3A_80, %add3A_116 : vector<16xi32>
    %gather3A_118 = tpu.vector_load_idx %arg18[%add3A_117] : memref<2048xf32, #tpu.memory_space<vmem>>[vector<16xi32>], vector<16xf32>,
    %add3A_119 = arith.addf %add3A_114, %gather3A_118 : vector<16xf32>
    %add3A_120 = arith.constant 8 : i32
    %add3A_121 = vector.broadcast %add3A_120 : i32 to vector<16xi32>
    %add3A_122 = arith.addi %mul3A_80, %add3A_121 : vector<16xi32>
    %gather3A_123 = tpu.vector_load_idx %arg18[%add3A_122] : memref<2048xf32, #tpu.memory_space<vmem>>[vector<16xi32>], vector<16xf32>,
    %add3A_124 = arith.addf %add3A_119, %gather3A_123 : vector<16xf32>
    %add3A_125 = arith.constant 9 : i32
    %add3A_126 = vector.broadcast %add3A_125 : i32 to vector<16xi32>
    %add3A_127 = arith.addi %mul3A_80, %add3A_126 : vector<16xi32>
    %gather3A_128 = tpu.vector_load_idx %arg18[%add3A_127] : memref<2048xf32, #tpu.memory_space<vmem>>[vector<16xi32>], vector<16xf32>,
    %add3A_129 = arith.addf %add3A_124, %gather3A_128 : vector<16xf32>
    %add3A_130 = arith.constant 10 : i32
    %add3A_131 = vector.broadcast %add3A_130 : i32 to vector<16xi32>
    %add3A_132 = arith.addi %mul3A_80, %add3A_131 : vector<16xi32>
    %gather3A_133 = tpu.vector_load_idx %arg18[%add3A_132] : memref<2048xf32, #tpu.memory_space<vmem>>[vector<16xi32>], vector<16xf32>,
    %add3A_134 = arith.addf %add3A_129, %gather3A_133 : vector<16xf32>
    %add3A_135 = arith.constant 11 : i32
    %add3A_136 = vector.broadcast %add3A_135 : i32 to vector<16xi32>
    %add3A_137 = arith.addi %mul3A_80, %add3A_136 : vector<16xi32>
    %gather3A_138 = tpu.vector_load_idx %arg18[%add3A_137] : memref<2048xf32, #tpu.memory_space<vmem>>[vector<16xi32>], vector<16xf32>,
    %add3A_139 = arith.addf %add3A_134, %gather3A_138 : vector<16xf32>
    %add3A_140 = arith.constant 12 : i32
    %add3A_141 = vector.broadcast %add3A_140 : i32 to vector<16xi32>
    %add3A_142 = arith.addi %mul3A_80, %add3A_141 : vector<16xi32>
    %gather3A_143 = tpu.vector_load_idx %arg18[%add3A_142] : memref<2048xf32, #tpu.memory_space<vmem>>[vector<16xi32>], vector<16xf32>,
    %add3A_144 = arith.addf %add3A_139, %gather3A_143 : vector<16xf32>
    %add3A_145 = arith.constant 13 : i32
    %add3A_146 = vector.broadcast %add3A_145 : i32 to vector<16xi32>
    %add3A_147 = arith.addi %mul3A_80, %add3A_146 : vector<16xi32>
    %gather3A_148 = tpu.vector_load_idx %arg18[%add3A_147] : memref<2048xf32, #tpu.memory_space<vmem>>[vector<16xi32>], vector<16xf32>,
    %add3A_149 = arith.addf %add3A_144, %gather3A_148 : vector<16xf32>
    %add3A_150 = arith.constant 14 : i32
    %add3A_151 = vector.broadcast %add3A_150 : i32 to vector<16xi32>
    %add3A_152 = arith.addi %mul3A_80, %add3A_151 : vector<16xi32>
    %gather3A_153 = tpu.vector_load_idx %arg18[%add3A_152] : memref<2048xf32, #tpu.memory_space<vmem>>[vector<16xi32>], vector<16xf32>,
    %add3A_154 = arith.addf %add3A_149, %gather3A_153 : vector<16xf32>
    %add3A_155 = arith.constant 15 : i32
    %add3A_156 = vector.broadcast %add3A_155 : i32 to vector<16xi32>
    %add3A_157 = arith.addi %mul3A_80, %add3A_156 : vector<16xi32>
    %gather3A_158 = tpu.vector_load_idx %arg18[%add3A_157] : memref<2048xf32, #tpu.memory_space<vmem>>[vector<16xi32>], vector<16xf32>,
    %add3A_159 = arith.addf %add3A_154, %gather3A_158 : vector<16xf32>
    %neg3A = arith.constant 0.000000e+00 : f32
    %neg3A_160 = vector.broadcast %neg3A : f32 to vector<16xf32>
    %neg3A_161 = arith.subf %neg3A_160, %add3A_159 : vector<16xf32>
    %exp3A = math.exp %neg3A_161 : vector<16xf32>
    %add3A_162 = arith.constant 1.000000e+00 : f32
    %add3A_163 = vector.broadcast %add3A_162 : f32 to vector<16xf32>
    %add3A_164 = arith.addf %add3A_163, %exp3A : vector<16xf32>
    %div3A = arith.constant 1.000000e+00 : f32
    %div3A_165 = vector.broadcast %div3A : f32 to vector<16xf32>
    %div3A_166 = arith.divf %div3A_165, %add3A_164 : vector<16xf32>
    %swap3A = arith.constant 0 : index
    %swap3A_167 = tpu.vector_load %arg19[%swap3A] {strides = array<i32>} : memref<128xf32, #tpu.memory_space<vmem>>, vector<16xf32>,
    tpu.vector_store %arg19[%swap3A], %div3A_166 {strides = array<i32>} : memref<128xf32, #tpu.memory_space<vmem>>, vector<16xf32>,
    %add3A_168 = arith.constant 256 : i32
    %add3A_169 = vector.broadcast %add3A_168 : i32 to vector<16xi32>
    %add3A_170 = arith.addi %mul3A_80, %add3A_169 : vector<16xi32>
    %gather3A_171 = tpu.vector_load_idx %arg18[%add3A_170] : memref<2048xf32, #tpu.memory_space<vmem>>[vector<16xi32>], vector<16xf32>,
    %add3A_172 = arith.addf %get3A_77, %gather3A_171 : vector<16xf32>
    %add3A_173 = arith.constant 257 : i32
    %add3A_174 = vector.broadcast %add3A_173 : i32 to vector<16xi32>
    %add3A_175 = arith.addi %mul3A_80, %add3A_174 : vector<16xi32>
    %gather3A_176 = tpu.vector_load_idx %arg18[%add3A_175] : memref<2048xf32, #tpu.memory_space<vmem>>[vector<16xi32>], vector<16xf32>,
    %add3A_177 = arith.addf %add3A_172, %gather3A_176 : vector<16xf32>
    %add3A_178 = arith.constant 258 : i32
    %add3A_179 = vector.broadcast %add3A_178 : i32 to vector<16xi32>
    %add3A_180 = arith.addi %mul3A_80, %add3A_179 : vector<16xi32>
    %gather3A_181 = tpu.vector_load_idx %arg18[%add3A_180] : memref<2048xf32, #tpu.memory_space<vmem>>[vector<16xi32>], vector<16xf32>,
    %add3A_182 = arith.addf %add3A_177, %gather3A_181 : vector<16xf32>
    %add3A_183 = arith.constant 259 : i32
    %add3A_184 = vector.broadcast %add3A_183 : i32 to vector<16xi32>
    %add3A_185 = arith.addi %mul3A_80, %add3A_184 : vector<16xi32>
    %gather3A_186 = tpu.vector_load_idx %arg18[%add3A_185] : memref<2048xf32, #tpu.memory_space<vmem>>[vector<16xi32>], vector<16xf32>,
    %add3A_187 = arith.addf %add3A_182, %gather3A_186 : vector<16xf32>
    %add3A_188 = arith.constant 260 : i32
    %add3A_189 = vector.broadcast %add3A_188 : i32 to vector<16xi32>
    %add3A_190 = arith.addi %mul3A_80, %add3A_189 : vector<16xi32>
    %gather3A_191 = tpu.vector_load_idx %arg18[%add3A_190] : memref<2048xf32, #tpu.memory_space<vmem>>[vector<16xi32>], vector<16xf32>,
    %add3A_192 = arith.addf %add3A_187, %gather3A_191 : vector<16xf32>
    %add3A_193 = arith.constant 261 : i32
    %add3A_194 = vector.broadcast %add3A_193 : i32 to vector<16xi32>
    %add3A_195 = arith.addi %mul3A_80, %add3A_194 : vector<16xi32>
    %gather3A_196 = tpu.vector_load_idx %arg18[%add3A_195] : memref<2048xf32, #tpu.memory_space<vmem>>[vector<16xi32>], vector<16xf32>,
    %add3A_197 = arith.addf %add3A_192, %gather3A_196 : vector<16xf32>
    %add3A_198 = arith.constant 262 : i32
    %add3A_199 = vector.broadcast %add3A_198 : i32 to vector<16xi32>
    %add3A_200 = arith.addi %mul3A_80, %add3A_199 : vector<16xi32>
    %gather3A_201 = tpu.vector_load_idx %arg18[%add3A_200] : memref<2048xf32, #tpu.memory_space<vmem>>[vector<16xi32>], vector<16xf32>,
    %add3A_202 = arith.addf %add3A_197, %gather3A_201 : vector<16xf32>
    %add3A_203 = arith.constant 263 : i32
    %add3A_204 = vector.broadcast %add3A_203 : i32 to vector<16xi32>
    %add3A_205 = arith.addi %mul3A_80, %add3A_204 : vector<16xi32>
    %gather3A_206 = tpu.vector_load_idx %arg18[%add3A_205] : memref<2048xf32, #tpu.memory_space<vmem>>[vector<16xi32>], vector<16xf32>,
    %add3A_207 = arith.addf %add3A_202, %gather3A_206 : vector<16xf32>
    %add3A_208 = arith.constant 264 : i32
    %add3A_209 = vector.broadcast %add3A_208 : i32 to vector<16xi32>
    %add3A_210 = arith.addi %mul3A_80, %add3A_209 : vector<16xi32>
    %gather3A_211 = tpu.vector_load_idx %arg18[%add3A_210] : memref<2048xf32, #tpu.memory_space<vmem>>[vector<16xi32>], vector<16xf32>,
    %add3A_212 = arith.addf %add3A_207, %gather3A_211 : vector<16xf32>
    %add3A_213 = arith.constant 265 : i32
    %add3A_214 = vector.broadcast %add3A_213 : i32 to vector<16xi32>
    %add3A_215 = arith.addi %mul3A_80, %add3A_214 : vector<16xi32>
    %gather3A_216 = tpu.vector_load_idx %arg18[%add3A_215] : memref<2048xf32, #tpu.memory_space<vmem>>[vector<16xi32>], vector<16xf32>,
    %add3A_217 = arith.addf %add3A_212, %gather3A_216 : vector<16xf32>
    %add3A_218 = arith.constant 266 : i32
    %add3A_219 = vector.broadcast %add3A_218 : i32 to vector<16xi32>
    %add3A_220 = arith.addi %mul3A_80, %add3A_219 : vector<16xi32>
    %gather3A_221 = tpu.vector_load_idx %arg18[%add3A_220] : memref<2048xf32, #tpu.memory_space<vmem>>[vector<16xi32>], vector<16xf32>,
    %add3A_222 = arith.addf %add3A_217, %gather3A_221 : vector<16xf32>
    %add3A_223 = arith.constant 267 : i32
    %add3A_224 = vector.broadcast %add3A_223 : i32 to vector<16xi32>
    %add3A_225 = arith.addi %mul3A_80, %add3A_224 : vector<16xi32>
    %gather3A_226 = tpu.vector_load_idx %arg18[%add3A_225] : memref<2048xf32, #tpu.memory_space<vmem>>[vector<16xi32>], vector<16xf32>,
    %add3A_227 = arith.addf %add3A_222, %gather3A_226 : vector<16xf32>
    %add3A_228 = arith.constant 268 : i32
    %add3A_229 = vector.broadcast %add3A_228 : i32 to vector<16xi32>
    %add3A_230 = arith.addi %mul3A_80, %add3A_229 : vector<16xi32>
    %gather3A_231 = tpu.vector_load_idx %arg18[%add3A_230] : memref<2048xf32, #tpu.memory_space<vmem>>[vector<16xi32>], vector<16xf32>,
    %add3A_232 = arith.addf %add3A_227, %gather3A_231 : vector<16xf32>
    %add3A_233 = arith.constant 269 : i32
    %add3A_234 = vector.broadcast %add3A_233 : i32 to vector<16xi32>
    %add3A_235 = arith.addi %mul3A_80, %add3A_234 : vector<16xi32>
    %gather3A_236 = tpu.vector_load_idx %arg18[%add3A_235] : memref<2048xf32, #tpu.memory_space<vmem>>[vector<16xi32>], vector<16xf32>,
    %add3A_237 = arith.addf %add3A_232, %gather3A_236 : vector<16xf32>
    %add3A_238 = arith.constant 270 : i32
    %add3A_239 = vector.broadcast %add3A_238 : i32 to vector<16xi32>
    %add3A_240 = arith.addi %mul3A_80, %add3A_239 : vector<16xi32>
    %gather3A_241 = tpu.vector_load_idx %arg18[%add3A_240] : memref<2048xf32, #tpu.memory_space<vmem>>[vector<16xi32>], vector<16xf32>,
    %add3A_242 = arith.addf %add3A_237, %gather3A_241 : vector<16xf32>
    %add3A_243 = arith.constant 271 : i32
    %add3A_244 = vector.broadcast %add3A_243 : i32 to vector<16xi32>
    %add3A_245 = arith.addi %mul3A_80, %add3A_244 : vector<16xi32>
    %gather3A_246 = tpu.vector_load_idx %arg18[%add3A_245] : memref<2048xf32, #tpu.memory_space<vmem>>[vector<16xi32>], vector<16xf32>,
    %add3A_247 = arith.addf %add3A_242, %gather3A_246 : vector<16xf32>
    %neg3A_248 = arith.constant 0.000000e+00 : f32
    %neg3A_249 = vector.broadcast %neg3A_248 : f32 to vector<16xf32>
    %neg3A_250 = arith.subf %neg3A_249, %add3A_247 : vector<16xf32>
    %exp3A_251 = math.exp %neg3A_250 : vector<16xf32>
    %add3A_252 = arith.constant 1.000000e+00 : f32
    %add3A_253 = vector.broadcast %add3A_252 : f32 to vector<16xf32>
    %add3A_254 = arith.addf %add3A_253, %exp3A_251 : vector<16xf32>
    %div3A_255 = arith.constant 1.000000e+00 : f32
    %div3A_256 = vector.broadcast %div3A_255 : f32 to vector<16xf32>
    %div3A_257 = arith.divf %div3A_256, %add3A_254 : vector<16xf32>
    %swap3A_258 = arith.constant 16 : index
    %swap3A_259 = tpu.vector_load %arg19[%swap3A_258] {strides = array<i32>} : memref<128xf32, #tpu.memory_space<vmem>>, vector<16xf32>,
    tpu.vector_store %arg19[%swap3A_258], %div3A_257 {strides = array<i32>} : memref<128xf32, #tpu.memory_space<vmem>>, vector<16xf32>,
    %add3A_260 = arith.constant 512 : i32
    %add3A_261 = vector.broadcast %add3A_260 : i32 to vector<16xi32>
    %add3A_262 = arith.addi %mul3A_80, %add3A_261 : vector<16xi32>
    %gather3A_263 = tpu.vector_load_idx %arg18[%add3A_262] : memref<2048xf32, #tpu.memory_space<vmem>>[vector<16xi32>], vector<16xf32>,
    %add3A_264 = arith.addf %get3A_77, %gather3A_263 : vector<16xf32>
    %add3A_265 = arith.constant 513 : i32
    %add3A_266 = vector.broadcast %add3A_265 : i32 to vector<16xi32>
    %add3A_267 = arith.addi %mul3A_80, %add3A_266 : vector<16xi32>
    %gather3A_268 = tpu.vector_load_idx %arg18[%add3A_267] : memref<2048xf32, #tpu.memory_space<vmem>>[vector<16xi32>], vector<16xf32>,
    %add3A_269 = arith.addf %add3A_264, %gather3A_268 : vector<16xf32>
    %add3A_270 = arith.constant 514 : i32
    %add3A_271 = vector.broadcast %add3A_270 : i32 to vector<16xi32>
    %add3A_272 = arith.addi %mul3A_80, %add3A_271 : vector<16xi32>
    %gather3A_273 = tpu.vector_load_idx %arg18[%add3A_272] : memref<2048xf32, #tpu.memory_space<vmem>>[vector<16xi32>], vector<16xf32>,
    %add3A_274 = arith.addf %add3A_269, %gather3A_273 : vector<16xf32>
    %add3A_275 = arith.constant 515 : i32
    %add3A_276 = vector.broadcast %add3A_275 : i32 to vector<16xi32>
    %add3A_277 = arith.addi %mul3A_80, %add3A_276 : vector<16xi32>
    %gather3A_278 = tpu.vector_load_idx %arg18[%add3A_277] : memref<2048xf32, #tpu.memory_space<vmem>>[vector<16xi32>], vector<16xf32>,
    %add3A_279 = arith.addf %add3A_274, %gather3A_278 : vector<16xf32>
    %add3A_280 = arith.constant 516 : i32
    %add3A_281 = vector.broadcast %add3A_280 : i32 to vector<16xi32>
    %add3A_282 = arith.addi %mul3A_80, %add3A_281 : vector<16xi32>
    %gather3A_283 = tpu.vector_load_idx %arg18[%add3A_282] : memref<2048xf32, #tpu.memory_space<vmem>>[vector<16xi32>], vector<16xf32>,
    %add3A_284 = arith.addf %add3A_279, %gather3A_283 : vector<16xf32>
    %add3A_285 = arith.constant 517 : i32
    %add3A_286 = vector.broadcast %add3A_285 : i32 to vector<16xi32>
    %add3A_287 = arith.addi %mul3A_80, %add3A_286 : vector<16xi32>
    %gather3A_288 = tpu.vector_load_idx %arg18[%add3A_287] : memref<2048xf32, #tpu.memory_space<vmem>>[vector<16xi32>], vector<16xf32>,
    %add3A_289 = arith.addf %add3A_284, %gather3A_288 : vector<16xf32>
    %add3A_290 = arith.constant 518 : i32
    %add3A_291 = vector.broadcast %add3A_290 : i32 to vector<16xi32>
    %add3A_292 = arith.addi %mul3A_80, %add3A_291 : vector<16xi32>
    %gather3A_293 = tpu.vector_load_idx %arg18[%add3A_292] : memref<2048xf32, #tpu.memory_space<vmem>>[vector<16xi32>], vector<16xf32>,
    %add3A_294 = arith.addf %add3A_289, %gather3A_293 : vector<16xf32>
    %add3A_295 = arith.constant 519 : i32
    %add3A_296 = vector.broadcast %add3A_295 : i32 to vector<16xi32>
    %add3A_297 = arith.addi %mul3A_80, %add3A_296 : vector<16xi32>
    %gather3A_298 = tpu.vector_load_idx %arg18[%add3A_297] : memref<2048xf32, #tpu.memory_space<vmem>>[vector<16xi32>], vector<16xf32>,
    %add3A_299 = arith.addf %add3A_294, %gather3A_298 : vector<16xf32>
    %add3A_300 = arith.constant 520 : i32
    %add3A_301 = vector.broadcast %add3A_300 : i32 to vector<16xi32>
    %add3A_302 = arith.addi %mul3A_80, %add3A_301 : vector<16xi32>
    %gather3A_303 = tpu.vector_load_idx %arg18[%add3A_302] : memref<2048xf32, #tpu.memory_space<vmem>>[vector<16xi32>], vector<16xf32>,
    %add3A_304 = arith.addf %add3A_299, %gather3A_303 : vector<16xf32>
    %add3A_305 = arith.constant 521 : i32
    %add3A_306 = vector.broadcast %add3A_305 : i32 to vector<16xi32>
    %add3A_307 = arith.addi %mul3A_80, %add3A_306 : vector<16xi32>
    %gather3A_308 = tpu.vector_load_idx %arg18[%add3A_307] : memref<2048xf32, #tpu.memory_space<vmem>>[vector<16xi32>], vector<16xf32>,
    %add3A_309 = arith.addf %add3A_304, %gather3A_308 : vector<16xf32>
    %add3A_310 = arith.constant 522 : i32
    %add3A_311 = vector.broadcast %add3A_310 : i32 to vector<16xi32>
    %add3A_312 = arith.addi %mul3A_80, %add3A_311 : vector<16xi32>
    %gather3A_313 = tpu.vector_load_idx %arg18[%add3A_312] : memref<2048xf32, #tpu.memory_space<vmem>>[vector<16xi32>], vector<16xf32>,
    %add3A_314 = arith.addf %add3A_309, %gather3A_313 : vector<16xf32>
    %add3A_315 = arith.constant 523 : i32
    %add3A_316 = vector.broadcast %add3A_315 : i32 to vector<16xi32>
    %add3A_317 = arith.addi %mul3A_80, %add3A_316 : vector<16xi32>
    %gather3A_318 = tpu.vector_load_idx %arg18[%add3A_317] : memref<2048xf32, #tpu.memory_space<vmem>>[vector<16xi32>], vector<16xf32>,
    %add3A_319 = arith.addf %add3A_314, %gather3A_318 : vector<16xf32>
    %add3A_320 = arith.constant 524 : i32
    %add3A_321 = vector.broadcast %add3A_320 : i32 to vector<16xi32>
    %add3A_322 = arith.addi %mul3A_80, %add3A_321 : vector<16xi32>
    %gather3A_323 = tpu.vector_load_idx %arg18[%add3A_322] : memref<2048xf32, #tpu.memory_space<vmem>>[vector<16xi32>], vector<16xf32>,
    %add3A_324 = arith.addf %add3A_319, %gather3A_323 : vector<16xf32>
    %add3A_325 = arith.constant 525 : i32
    %add3A_326 = vector.broadcast %add3A_325 : i32 to vector<16xi32>
    %add3A_327 = arith.addi %mul3A_80, %add3A_326 : vector<16xi32>
    %gather3A_328 = tpu.vector_load_idx %arg18[%add3A_327] : memref<2048xf32, #tpu.memory_space<vmem>>[vector<16xi32>], vector<16xf32>,
    %add3A_329 = arith.addf %add3A_324, %gather3A_328 : vector<16xf32>
    %add3A_330 = arith.constant 526 : i32
    %add3A_331 = vector.broadcast %add3A_330 : i32 to vector<16xi32>
    %add3A_332 = arith.addi %mul3A_80, %add3A_331 : vector<16xi32>
    %gather3A_333 = tpu.vector_load_idx %arg18[%add3A_332] : memref<2048xf32, #tpu.memory_space<vmem>>[vector<16xi32>], vector<16xf32>,
    %add3A_334 = arith.addf %add3A_329, %gather3A_333 : vector<16xf32>
    %add3A_335 = arith.constant 527 : i32
    %add3A_336 = vector.broadcast %add3A_335 : i32 to vector<16xi32>
    %add3A_337 = arith.addi %mul3A_80, %add3A_336 : vector<16xi32>
    %gather3A_338 = tpu.vector_load_idx %arg18[%add3A_337] : memref<2048xf32, #tpu.memory_space<vmem>>[vector<16xi32>], vector<16xf32>,
    %add3A_339 = arith.addf %add3A_334, %gather3A_338 : vector<16xf32>
    %neg3A_340 = arith.constant 0.000000e+00 : f32
    %neg3A_341 = vector.broadcast %neg3A_340 : f32 to vector<16xf32>
    %neg3A_342 = arith.subf %neg3A_341, %add3A_339 : vector<16xf32>
    %exp3A_343 = math.exp %neg3A_342 : vector<16xf32>
    %add3A_344 = arith.constant 1.000000e+00 : f32
    %add3A_345 = vector.broadcast %add3A_344 : f32 to vector<16xf32>
    %add3A_346 = arith.addf %add3A_345, %exp3A_343 : vector<16xf32>
    %div3A_347 = arith.constant 1.000000e+00 : f32
    %div3A_348 = vector.broadcast %div3A_347 : f32 to vector<16xf32>
    %div3A_349 = arith.divf %div3A_348, %add3A_346 : vector<16xf32>
    %swap3A_350 = arith.constant 32 : index
    %swap3A_351 = tpu.vector_load %arg19[%swap3A_350] {strides = array<i32>} : memref<128xf32, #tpu.memory_space<vmem>>, vector<16xf32>,
    tpu.vector_store %arg19[%swap3A_350], %div3A_349 {strides = array<i32>} : memref<128xf32, #tpu.memory_space<vmem>>, vector<16xf32>,
    %add3A_352 = arith.constant 768 : i32
    %add3A_353 = vector.broadcast %add3A_352 : i32 to vector<16xi32>
    %add3A_354 = arith.addi %mul3A_80, %add3A_353 : vector<16xi32>
    %gather3A_355 = tpu.vector_load_idx %arg18[%add3A_354] : memref<2048xf32, #tpu.memory_space<vmem>>[vector<16xi32>], vector<16xf32>,
    %add3A_356 = arith.addf %get3A_77, %gather3A_355 : vector<16xf32>
    %add3A_357 = arith.constant 769 : i32
    %add3A_358 = vector.broadcast %add3A_357 : i32 to vector<16xi32>
    %add3A_359 = arith.addi %mul3A_80, %add3A_358 : vector<16xi32>
    %gather3A_360 = tpu.vector_load_idx %arg18[%add3A_359] : memref<2048xf32, #tpu.memory_space<vmem>>[vector<16xi32>], vector<16xf32>,
    %add3A_361 = arith.addf %add3A_356, %gather3A_360 : vector<16xf32>
    %add3A_362 = arith.constant 770 : i32
    %add3A_363 = vector.broadcast %add3A_362 : i32 to vector<16xi32>
    %add3A_364 = arith.addi %mul3A_80, %add3A_363 : vector<16xi32>
    %gather3A_365 = tpu.vector_load_idx %arg18[%add3A_364] : memref<2048xf32, #tpu.memory_space<vmem>>[vector<16xi32>], vector<16xf32>,
    %add3A_366 = arith.addf %add3A_361, %gather3A_365 : vector<16xf32>
    %add3A_367 = arith.constant 771 : i32
    %add3A_368 = vector.broadcast %add3A_367 : i32 to vector<16xi32>
    %add3A_369 = arith.addi %mul3A_80, %add3A_368 : vector<16xi32>
    %gather3A_370 = tpu.vector_load_idx %arg18[%add3A_369] : memref<2048xf32, #tpu.memory_space<vmem>>[vector<16xi32>], vector<16xf32>,
    %add3A_371 = arith.addf %add3A_366, %gather3A_370 : vector<16xf32>
    %add3A_372 = arith.constant 772 : i32
    %add3A_373 = vector.broadcast %add3A_372 : i32 to vector<16xi32>
    %add3A_374 = arith.addi %mul3A_80, %add3A_373 : vector<16xi32>
    %gather3A_375 = tpu.vector_load_idx %arg18[%add3A_374] : memref<2048xf32, #tpu.memory_space<vmem>>[vector<16xi32>], vector<16xf32>,
    %add3A_376 = arith.addf %add3A_371, %gather3A_375 : vector<16xf32>
    %add3A_377 = arith.constant 773 : i32
    %add3A_378 = vector.broadcast %add3A_377 : i32 to vector<16xi32>
    %add3A_379 = arith.addi %mul3A_80, %add3A_378 : vector<16xi32>
    %gather3A_380 = tpu.vector_load_idx %arg18[%add3A_379] : memref<2048xf32, #tpu.memory_space<vmem>>[vector<16xi32>], vector<16xf32>,
    %add3A_381 = arith.addf %add3A_376, %gather3A_380 : vector<16xf32>
    %add3A_382 = arith.constant 774 : i32
    %add3A_383 = vector.broadcast %add3A_382 : i32 to vector<16xi32>
    %add3A_384 = arith.addi %mul3A_80, %add3A_383 : vector<16xi32>
    %gather3A_385 = tpu.vector_load_idx %arg18[%add3A_384] : memref<2048xf32, #tpu.memory_space<vmem>>[vector<16xi32>], vector<16xf32>,
    %add3A_386 = arith.addf %add3A_381, %gather3A_385 : vector<16xf32>
    %add3A_387 = arith.constant 775 : i32
    %add3A_388 = vector.broadcast %add3A_387 : i32 to vector<16xi32>
    %add3A_389 = arith.addi %mul3A_80, %add3A_388 : vector<16xi32>
    %gather3A_390 = tpu.vector_load_idx %arg18[%add3A_389] : memref<2048xf32, #tpu.memory_space<vmem>>[vector<16xi32>], vector<16xf32>,
    %add3A_391 = arith.addf %add3A_386, %gather3A_390 : vector<16xf32>
    %add3A_392 = arith.constant 776 : i32
    %add3A_393 = vector.broadcast %add3A_392 : i32 to vector<16xi32>
    %add3A_394 = arith.addi %mul3A_80, %add3A_393 : vector<16xi32>
    %gather3A_395 = tpu.vector_load_idx %arg18[%add3A_394] : memref<2048xf32, #tpu.memory_space<vmem>>[vector<16xi32>], vector<16xf32>,
    %add3A_396 = arith.addf %add3A_391, %gather3A_395 : vector<16xf32>
    %add3A_397 = arith.constant 777 : i32
    %add3A_398 = vector.broadcast %add3A_397 : i32 to vector<16xi32>
    %add3A_399 = arith.addi %mul3A_80, %add3A_398 : vector<16xi32>
    %gather3A_400 = tpu.vector_load_idx %arg18[%add3A_399] : memref<2048xf32, #tpu.memory_space<vmem>>[vector<16xi32>], vector<16xf32>,
    %add3A_401 = arith.addf %add3A_396, %gather3A_400 : vector<16xf32>
    %add3A_402 = arith.constant 778 : i32
    %add3A_403 = vector.broadcast %add3A_402 : i32 to vector<16xi32>
    %add3A_404 = arith.addi %mul3A_80, %add3A_403 : vector<16xi32>
    %gather3A_405 = tpu.vector_load_idx %arg18[%add3A_404] : memref<2048xf32, #tpu.memory_space<vmem>>[vector<16xi32>], vector<16xf32>,
    %add3A_406 = arith.addf %add3A_401, %gather3A_405 : vector<16xf32>
    %add3A_407 = arith.constant 779 : i32
    %add3A_408 = vector.broadcast %add3A_407 : i32 to vector<16xi32>
    %add3A_409 = arith.addi %mul3A_80, %add3A_408 : vector<16xi32>
    %gather3A_410 = tpu.vector_load_idx %arg18[%add3A_409] : memref<2048xf32, #tpu.memory_space<vmem>>[vector<16xi32>], vector<16xf32>,
    %add3A_411 = arith.addf %add3A_406, %gather3A_410 : vector<16xf32>
    %add3A_412 = arith.constant 780 : i32
    %add3A_413 = vector.broadcast %add3A_412 : i32 to vector<16xi32>
    %add3A_414 = arith.addi %mul3A_80, %add3A_413 : vector<16xi32>
    %gather3A_415 = tpu.vector_load_idx %arg18[%add3A_414] : memref<2048xf32, #tpu.memory_space<vmem>>[vector<16xi32>], vector<16xf32>,
    %add3A_416 = arith.addf %add3A_411, %gather3A_415 : vector<16xf32>
    %add3A_417 = arith.constant 781 : i32
    %add3A_418 = vector.broadcast %add3A_417 : i32 to vector<16xi32>
    %add3A_419 = arith.addi %mul3A_80, %add3A_418 : vector<16xi32>
    %gather3A_420 = tpu.vector_load_idx %arg18[%add3A_419] : memref<2048xf32, #tpu.memory_space<vmem>>[vector<16xi32>], vector<16xf32>,
    %add3A_421 = arith.addf %add3A_416, %gather3A_420 : vector<16xf32>
    %add3A_422 = arith.constant 782 : i32
    %add3A_423 = vector.broadcast %add3A_422 : i32 to vector<16xi32>
    %add3A_424 = arith.addi %mul3A_80, %add3A_423 : vector<16xi32>
    %gather3A_425 = tpu.vector_load_idx %arg18[%add3A_424] : memref<2048xf32, #tpu.memory_space<vmem>>[vector<16xi32>], vector<16xf32>,
    %add3A_426 = arith.addf %add3A_421, %gather3A_425 : vector<16xf32>
    %add3A_427 = arith.constant 783 : i32
    %add3A_428 = vector.broadcast %add3A_427 : i32 to vector<16xi32>
    %add3A_429 = arith.addi %mul3A_80, %add3A_428 : vector<16xi32>
    %gather3A_430 = tpu.vector_load_idx %arg18[%add3A_429] : memref<2048xf32, #tpu.memory_space<vmem>>[vector<16xi32>], vector<16xf32>,
    %add3A_431 = arith.addf %add3A_426, %gather3A_430 : vector<16xf32>
    %neg3A_432 = arith.constant 0.000000e+00 : f32
    %neg3A_433 = vector.broadcast %neg3A_432 : f32 to vector<16xf32>
    %neg3A_434 = arith.subf %neg3A_433, %add3A_431 : vector<16xf32>
    %exp3A_435 = math.exp %neg3A_434 : vector<16xf32>
    %add3A_436 = arith.constant 1.000000e+00 : f32
    %add3A_437 = vector.broadcast %add3A_436 : f32 to vector<16xf32>
    %add3A_438 = arith.addf %add3A_437, %exp3A_435 : vector<16xf32>
    %div3A_439 = arith.constant 1.000000e+00 : f32
    %div3A_440 = vector.broadcast %div3A_439 : f32 to vector<16xf32>
    %div3A_441 = arith.divf %div3A_440, %add3A_438 : vector<16xf32>
    %swap3A_442 = arith.constant 48 : index
    %swap3A_443 = tpu.vector_load %arg19[%swap3A_442] {strides = array<i32>} : memref<128xf32, #tpu.memory_space<vmem>>, vector<16xf32>,
    tpu.vector_store %arg19[%swap3A_442], %div3A_441 {strides = array<i32>} : memref<128xf32, #tpu.memory_space<vmem>>, vector<16xf32>,
    %add3A_444 = arith.constant 1024 : i32
    %add3A_445 = vector.broadcast %add3A_444 : i32 to vector<16xi32>
    %add3A_446 = arith.addi %mul3A_80, %add3A_445 : vector<16xi32>
    %gather3A_447 = tpu.vector_load_idx %arg18[%add3A_446] : memref<2048xf32, #tpu.memory_space<vmem>>[vector<16xi32>], vector<16xf32>,
    %add3A_448 = arith.addf %get3A_77, %gather3A_447 : vector<16xf32>
    %add3A_449 = arith.constant 1025 : i32
    %add3A_450 = vector.broadcast %add3A_449 : i32 to vector<16xi32>
    %add3A_451 = arith.addi %mul3A_80, %add3A_450 : vector<16xi32>
    %gather3A_452 = tpu.vector_load_idx %arg18[%add3A_451] : memref<2048xf32, #tpu.memory_space<vmem>>[vector<16xi32>], vector<16xf32>,
    %add3A_453 = arith.addf %add3A_448, %gather3A_452 : vector<16xf32>
    %add3A_454 = arith.constant 1026 : i32
    %add3A_455 = vector.broadcast %add3A_454 : i32 to vector<16xi32>
    %add3A_456 = arith.addi %mul3A_80, %add3A_455 : vector<16xi32>
    %gather3A_457 = tpu.vector_load_idx %arg18[%add3A_456] : memref<2048xf32, #tpu.memory_space<vmem>>[vector<16xi32>], vector<16xf32>,
    %add3A_458 = arith.addf %add3A_453, %gather3A_457 : vector<16xf32>
    %add3A_459 = arith.constant 1027 : i32
    %add3A_460 = vector.broadcast %add3A_459 : i32 to vector<16xi32>
    %add3A_461 = arith.addi %mul3A_80, %add3A_460 : vector<16xi32>
    %gather3A_462 = tpu.vector_load_idx %arg18[%add3A_461] : memref<2048xf32, #tpu.memory_space<vmem>>[vector<16xi32>], vector<16xf32>,
    %add3A_463 = arith.addf %add3A_458, %gather3A_462 : vector<16xf32>
    %add3A_464 = arith.constant 1028 : i32
    %add3A_465 = vector.broadcast %add3A_464 : i32 to vector<16xi32>
    %add3A_466 = arith.addi %mul3A_80, %add3A_465 : vector<16xi32>
    %gather3A_467 = tpu.vector_load_idx %arg18[%add3A_466] : memref<2048xf32, #tpu.memory_space<vmem>>[vector<16xi32>], vector<16xf32>,
    %add3A_468 = arith.addf %add3A_463, %gather3A_467 : vector<16xf32>
    %add3A_469 = arith.constant 1029 : i32
    %add3A_470 = vector.broadcast %add3A_469 : i32 to vector<16xi32>
    %add3A_471 = arith.addi %mul3A_80, %add3A_470 : vector<16xi32>
    %gather3A_472 = tpu.vector_load_idx %arg18[%add3A_471] : memref<2048xf32, #tpu.memory_space<vmem>>[vector<16xi32>], vector<16xf32>,
    %add3A_473 = arith.addf %add3A_468, %gather3A_472 : vector<16xf32>
    %add3A_474 = arith.constant 1030 : i32
    %add3A_475 = vector.broadcast %add3A_474 : i32 to vector<16xi32>
    %add3A_476 = arith.addi %mul3A_80, %add3A_475 : vector<16xi32>
    %gather3A_477 = tpu.vector_load_idx %arg18[%add3A_476] : memref<2048xf32, #tpu.memory_space<vmem>>[vector<16xi32>], vector<16xf32>,
    %add3A_478 = arith.addf %add3A_473, %gather3A_477 : vector<16xf32>
    %add3A_479 = arith.constant 1031 : i32
    %add3A_480 = vector.broadcast %add3A_479 : i32 to vector<16xi32>
    %add3A_481 = arith.addi %mul3A_80, %add3A_480 : vector<16xi32>
    %gather3A_482 = tpu.vector_load_idx %arg18[%add3A_481] : memref<2048xf32, #tpu.memory_space<vmem>>[vector<16xi32>], vector<16xf32>,
    %add3A_483 = arith.addf %add3A_478, %gather3A_482 : vector<16xf32>
    %add3A_484 = arith.constant 1032 : i32
    %add3A_485 = vector.broadcast %add3A_484 : i32 to vector<16xi32>
    %add3A_486 = arith.addi %mul3A_80, %add3A_485 : vector<16xi32>
    %gather3A_487 = tpu.vector_load_idx %arg18[%add3A_486] : memref<2048xf32, #tpu.memory_space<vmem>>[vector<16xi32>], vector<16xf32>,
    %add3A_488 = arith.addf %add3A_483, %gather3A_487 : vector<16xf32>
    %add3A_489 = arith.constant 1033 : i32
    %add3A_490 = vector.broadcast %add3A_489 : i32 to vector<16xi32>
    %add3A_491 = arith.addi %mul3A_80, %add3A_490 : vector<16xi32>
    %gather3A_492 = tpu.vector_load_idx %arg18[%add3A_491] : memref<2048xf32, #tpu.memory_space<vmem>>[vector<16xi32>], vector<16xf32>,
    %add3A_493 = arith.addf %add3A_488, %gather3A_492 : vector<16xf32>
    %add3A_494 = arith.constant 1034 : i32
    %add3A_495 = vector.broadcast %add3A_494 : i32 to vector<16xi32>
    %add3A_496 = arith.addi %mul3A_80, %add3A_495 : vector<16xi32>
    %gather3A_497 = tpu.vector_load_idx %arg18[%add3A_496] : memref<2048xf32, #tpu.memory_space<vmem>>[vector<16xi32>], vector<16xf32>,
    %add3A_498 = arith.addf %add3A_493, %gather3A_497 : vector<16xf32>
    %add3A_499 = arith.constant 1035 : i32
    %add3A_500 = vector.broadcast %add3A_499 : i32 to vector<16xi32>
    %add3A_501 = arith.addi %mul3A_80, %add3A_500 : vector<16xi32>
    %gather3A_502 = tpu.vector_load_idx %arg18[%add3A_501] : memref<2048xf32, #tpu.memory_space<vmem>>[vector<16xi32>], vector<16xf32>,
    %add3A_503 = arith.addf %add3A_498, %gather3A_502 : vector<16xf32>
    %add3A_504 = arith.constant 1036 : i32
    %add3A_505 = vector.broadcast %add3A_504 : i32 to vector<16xi32>
    %add3A_506 = arith.addi %mul3A_80, %add3A_505 : vector<16xi32>
    %gather3A_507 = tpu.vector_load_idx %arg18[%add3A_506] : memref<2048xf32, #tpu.memory_space<vmem>>[vector<16xi32>], vector<16xf32>,
    %add3A_508 = arith.addf %add3A_503, %gather3A_507 : vector<16xf32>
    %add3A_509 = arith.constant 1037 : i32
    %add3A_510 = vector.broadcast %add3A_509 : i32 to vector<16xi32>
    %add3A_511 = arith.addi %mul3A_80, %add3A_510 : vector<16xi32>
    %gather3A_512 = tpu.vector_load_idx %arg18[%add3A_511] : memref<2048xf32, #tpu.memory_space<vmem>>[vector<16xi32>], vector<16xf32>,
    %add3A_513 = arith.addf %add3A_508, %gather3A_512 : vector<16xf32>
    %add3A_514 = arith.constant 1038 : i32
    %add3A_515 = vector.broadcast %add3A_514 : i32 to vector<16xi32>
    %add3A_516 = arith.addi %mul3A_80, %add3A_515 : vector<16xi32>
    %gather3A_517 = tpu.vector_load_idx %arg18[%add3A_516] : memref<2048xf32, #tpu.memory_space<vmem>>[vector<16xi32>], vector<16xf32>,
    %add3A_518 = arith.addf %add3A_513, %gather3A_517 : vector<16xf32>
    %add3A_519 = arith.constant 1039 : i32
    %add3A_520 = vector.broadcast %add3A_519 : i32 to vector<16xi32>
    %add3A_521 = arith.addi %mul3A_80, %add3A_520 : vector<16xi32>
    %gather3A_522 = tpu.vector_load_idx %arg18[%add3A_521] : memref<2048xf32, #tpu.memory_space<vmem>>[vector<16xi32>], vector<16xf32>,
    %add3A_523 = arith.addf %add3A_518, %gather3A_522 : vector<16xf32>
    %neg3A_524 = arith.constant 0.000000e+00 : f32
    %neg3A_525 = vector.broadcast %neg3A_524 : f32 to vector<16xf32>
    %neg3A_526 = arith.subf %neg3A_525, %add3A_523 : vector<16xf32>
    %exp3A_527 = math.exp %neg3A_526 : vector<16xf32>
    %add3A_528 = arith.constant 1.000000e+00 : f32
    %add3A_529 = vector.broadcast %add3A_528 : f32 to vector<16xf32>
    %add3A_530 = arith.addf %add3A_529, %exp3A_527 : vector<16xf32>
    %div3A_531 = arith.constant 1.000000e+00 : f32
    %div3A_532 = vector.broadcast %div3A_531 : f32 to vector<16xf32>
    %div3A_533 = arith.divf %div3A_532, %add3A_530 : vector<16xf32>
    %swap3A_534 = arith.constant 64 : index
    %swap3A_535 = tpu.vector_load %arg19[%swap3A_534] {strides = array<i32>} : memref<128xf32, #tpu.memory_space<vmem>>, vector<16xf32>,
    tpu.vector_store %arg19[%swap3A_534], %div3A_533 {strides = array<i32>} : memref<128xf32, #tpu.memory_space<vmem>>, vector<16xf32>,
    %add3A_536 = arith.constant 1280 : i32
    %add3A_537 = vector.broadcast %add3A_536 : i32 to vector<16xi32>
    %add3A_538 = arith.addi %mul3A_80, %add3A_537 : vector<16xi32>
    %gather3A_539 = tpu.vector_load_idx %arg18[%add3A_538] : memref<2048xf32, #tpu.memory_space<vmem>>[vector<16xi32>], vector<16xf32>,
    %add3A_540 = arith.addf %get3A_77, %gather3A_539 : vector<16xf32>
    %add3A_541 = arith.constant 1281 : i32
    %add3A_542 = vector.broadcast %add3A_541 : i32 to vector<16xi32>
    %add3A_543 = arith.addi %mul3A_80, %add3A_542 : vector<16xi32>
    %gather3A_544 = tpu.vector_load_idx %arg18[%add3A_543] : memref<2048xf32, #tpu.memory_space<vmem>>[vector<16xi32>], vector<16xf32>,
    %add3A_545 = arith.addf %add3A_540, %gather3A_544 : vector<16xf32>
    %add3A_546 = arith.constant 1282 : i32
    %add3A_547 = vector.broadcast %add3A_546 : i32 to vector<16xi32>
    %add3A_548 = arith.addi %mul3A_80, %add3A_547 : vector<16xi32>
    %gather3A_549 = tpu.vector_load_idx %arg18[%add3A_548] : memref<2048xf32, #tpu.memory_space<vmem>>[vector<16xi32>], vector<16xf32>,
    %add3A_550 = arith.addf %add3A_545, %gather3A_549 : vector<16xf32>
    %add3A_551 = arith.constant 1283 : i32
    %add3A_552 = vector.broadcast %add3A_551 : i32 to vector<16xi32>
    %add3A_553 = arith.addi %mul3A_80, %add3A_552 : vector<16xi32>
    %gather3A_554 = tpu.vector_load_idx %arg18[%add3A_553] : memref<2048xf32, #tpu.memory_space<vmem>>[vector<16xi32>], vector<16xf32>,
    %add3A_555 = arith.addf %add3A_550, %gather3A_554 : vector<16xf32>
    %add3A_556 = arith.constant 1284 : i32
    %add3A_557 = vector.broadcast %add3A_556 : i32 to vector<16xi32>
    %add3A_558 = arith.addi %mul3A_80, %add3A_557 : vector<16xi32>
    %gather3A_559 = tpu.vector_load_idx %arg18[%add3A_558] : memref<2048xf32, #tpu.memory_space<vmem>>[vector<16xi32>], vector<16xf32>,
    %add3A_560 = arith.addf %add3A_555, %gather3A_559 : vector<16xf32>
    %add3A_561 = arith.constant 1285 : i32
    %add3A_562 = vector.broadcast %add3A_561 : i32 to vector<16xi32>
    %add3A_563 = arith.addi %mul3A_80, %add3A_562 : vector<16xi32>
    %gather3A_564 = tpu.vector_load_idx %arg18[%add3A_563] : memref<2048xf32, #tpu.memory_space<vmem>>[vector<16xi32>], vector<16xf32>,
    %add3A_565 = arith.addf %add3A_560, %gather3A_564 : vector<16xf32>
    %add3A_566 = arith.constant 1286 : i32
    %add3A_567 = vector.broadcast %add3A_566 : i32 to vector<16xi32>
    %add3A_568 = arith.addi %mul3A_80, %add3A_567 : vector<16xi32>
    %gather3A_569 = tpu.vector_load_idx %arg18[%add3A_568] : memref<2048xf32, #tpu.memory_space<vmem>>[vector<16xi32>], vector<16xf32>,
    %add3A_570 = arith.addf %add3A_565, %gather3A_569 : vector<16xf32>
    %add3A_571 = arith.constant 1287 : i32
    %add3A_572 = vector.broadcast %add3A_571 : i32 to vector<16xi32>
    %add3A_573 = arith.addi %mul3A_80, %add3A_572 : vector<16xi32>
    %gather3A_574 = tpu.vector_load_idx %arg18[%add3A_573] : memref<2048xf32, #tpu.memory_space<vmem>>[vector<16xi32>], vector<16xf32>,
    %add3A_575 = arith.addf %add3A_570, %gather3A_574 : vector<16xf32>
    %add3A_576 = arith.constant 1288 : i32
    %add3A_577 = vector.broadcast %add3A_576 : i32 to vector<16xi32>
    %add3A_578 = arith.addi %mul3A_80, %add3A_577 : vector<16xi32>
    %gather3A_579 = tpu.vector_load_idx %arg18[%add3A_578] : memref<2048xf32, #tpu.memory_space<vmem>>[vector<16xi32>], vector<16xf32>,
    %add3A_580 = arith.addf %add3A_575, %gather3A_579 : vector<16xf32>
    %add3A_581 = arith.constant 1289 : i32
    %add3A_582 = vector.broadcast %add3A_581 : i32 to vector<16xi32>
    %add3A_583 = arith.addi %mul3A_80, %add3A_582 : vector<16xi32>
    %gather3A_584 = tpu.vector_load_idx %arg18[%add3A_583] : memref<2048xf32, #tpu.memory_space<vmem>>[vector<16xi32>], vector<16xf32>,
    %add3A_585 = arith.addf %add3A_580, %gather3A_584 : vector<16xf32>
    %add3A_586 = arith.constant 1290 : i32
    %add3A_587 = vector.broadcast %add3A_586 : i32 to vector<16xi32>
    %add3A_588 = arith.addi %mul3A_80, %add3A_587 : vector<16xi32>
    %gather3A_589 = tpu.vector_load_idx %arg18[%add3A_588] : memref<2048xf32, #tpu.memory_space<vmem>>[vector<16xi32>], vector<16xf32>,
    %add3A_590 = arith.addf %add3A_585, %gather3A_589 : vector<16xf32>
    %add3A_591 = arith.constant 1291 : i32
    %add3A_592 = vector.broadcast %add3A_591 : i32 to vector<16xi32>
    %add3A_593 = arith.addi %mul3A_80, %add3A_592 : vector<16xi32>
    %gather3A_594 = tpu.vector_load_idx %arg18[%add3A_593] : memref<2048xf32, #tpu.memory_space<vmem>>[vector<16xi32>], vector<16xf32>,
    %add3A_595 = arith.addf %add3A_590, %gather3A_594 : vector<16xf32>
    %add3A_596 = arith.constant 1292 : i32
    %add3A_597 = vector.broadcast %add3A_596 : i32 to vector<16xi32>
    %add3A_598 = arith.addi %mul3A_80, %add3A_597 : vector<16xi32>
    %gather3A_599 = tpu.vector_load_idx %arg18[%add3A_598] : memref<2048xf32, #tpu.memory_space<vmem>>[vector<16xi32>], vector<16xf32>,
    %add3A_600 = arith.addf %add3A_595, %gather3A_599 : vector<16xf32>
    %add3A_601 = arith.constant 1293 : i32
    %add3A_602 = vector.broadcast %add3A_601 : i32 to vector<16xi32>
    %add3A_603 = arith.addi %mul3A_80, %add3A_602 : vector<16xi32>
    %gather3A_604 = tpu.vector_load_idx %arg18[%add3A_603] : memref<2048xf32, #tpu.memory_space<vmem>>[vector<16xi32>], vector<16xf32>,
    %add3A_605 = arith.addf %add3A_600, %gather3A_604 : vector<16xf32>
    %add3A_606 = arith.constant 1294 : i32
    %add3A_607 = vector.broadcast %add3A_606 : i32 to vector<16xi32>
    %add3A_608 = arith.addi %mul3A_80, %add3A_607 : vector<16xi32>
    %gather3A_609 = tpu.vector_load_idx %arg18[%add3A_608] : memref<2048xf32, #tpu.memory_space<vmem>>[vector<16xi32>], vector<16xf32>,
    %add3A_610 = arith.addf %add3A_605, %gather3A_609 : vector<16xf32>
    %add3A_611 = arith.constant 1295 : i32
    %add3A_612 = vector.broadcast %add3A_611 : i32 to vector<16xi32>
    %add3A_613 = arith.addi %mul3A_80, %add3A_612 : vector<16xi32>
    %gather3A_614 = tpu.vector_load_idx %arg18[%add3A_613] : memref<2048xf32, #tpu.memory_space<vmem>>[vector<16xi32>], vector<16xf32>,
    %add3A_615 = arith.addf %add3A_610, %gather3A_614 : vector<16xf32>
    %neg3A_616 = arith.constant 0.000000e+00 : f32
    %neg3A_617 = vector.broadcast %neg3A_616 : f32 to vector<16xf32>
    %neg3A_618 = arith.subf %neg3A_617, %add3A_615 : vector<16xf32>
    %exp3A_619 = math.exp %neg3A_618 : vector<16xf32>
    %add3A_620 = arith.constant 1.000000e+00 : f32
    %add3A_621 = vector.broadcast %add3A_620 : f32 to vector<16xf32>
    %add3A_622 = arith.addf %add3A_621, %exp3A_619 : vector<16xf32>
    %div3A_623 = arith.constant 1.000000e+00 : f32
    %div3A_624 = vector.broadcast %div3A_623 : f32 to vector<16xf32>
    %div3A_625 = arith.divf %div3A_624, %add3A_622 : vector<16xf32>
    %swap3A_626 = arith.constant 80 : index
    %swap3A_627 = tpu.vector_load %arg19[%swap3A_626] {strides = array<i32>} : memref<128xf32, #tpu.memory_space<vmem>>, vector<16xf32>,
    tpu.vector_store %arg19[%swap3A_626], %div3A_625 {strides = array<i32>} : memref<128xf32, #tpu.memory_space<vmem>>, vector<16xf32>,
    %add3A_628 = arith.constant 1536 : i32
    %add3A_629 = vector.broadcast %add3A_628 : i32 to vector<16xi32>
    %add3A_630 = arith.addi %mul3A_80, %add3A_629 : vector<16xi32>
    %gather3A_631 = tpu.vector_load_idx %arg18[%add3A_630] : memref<2048xf32, #tpu.memory_space<vmem>>[vector<16xi32>], vector<16xf32>,
    %add3A_632 = arith.addf %get3A_77, %gather3A_631 : vector<16xf32>
    %add3A_633 = arith.constant 1537 : i32
    %add3A_634 = vector.broadcast %add3A_633 : i32 to vector<16xi32>
    %add3A_635 = arith.addi %mul3A_80, %add3A_634 : vector<16xi32>
    %gather3A_636 = tpu.vector_load_idx %arg18[%add3A_635] : memref<2048xf32, #tpu.memory_space<vmem>>[vector<16xi32>], vector<16xf32>,
    %add3A_637 = arith.addf %add3A_632, %gather3A_636 : vector<16xf32>
    %add3A_638 = arith.constant 1538 : i32
    %add3A_639 = vector.broadcast %add3A_638 : i32 to vector<16xi32>
    %add3A_640 = arith.addi %mul3A_80, %add3A_639 : vector<16xi32>
    %gather3A_641 = tpu.vector_load_idx %arg18[%add3A_640] : memref<2048xf32, #tpu.memory_space<vmem>>[vector<16xi32>], vector<16xf32>,
    %add3A_642 = arith.addf %add3A_637, %gather3A_641 : vector<16xf32>
    %add3A_643 = arith.constant 1539 : i32
    %add3A_644 = vector.broadcast %add3A_643 : i32 to vector<16xi32>
    %add3A_645 = arith.addi %mul3A_80, %add3A_644 : vector<16xi32>
    %gather3A_646 = tpu.vector_load_idx %arg18[%add3A_645] : memref<2048xf32, #tpu.memory_space<vmem>>[vector<16xi32>], vector<16xf32>,
    %add3A_647 = arith.addf %add3A_642, %gather3A_646 : vector<16xf32>
    %add3A_648 = arith.constant 1540 : i32
    %add3A_649 = vector.broadcast %add3A_648 : i32 to vector<16xi32>
    %add3A_650 = arith.addi %mul3A_80, %add3A_649 : vector<16xi32>
    %gather3A_651 = tpu.vector_load_idx %arg18[%add3A_650] : memref<2048xf32, #tpu.memory_space<vmem>>[vector<16xi32>], vector<16xf32>,
    %add3A_652 = arith.addf %add3A_647, %gather3A_651 : vector<16xf32>
    %add3A_653 = arith.constant 1541 : i32
    %add3A_654 = vector.broadcast %add3A_653 : i32 to vector<16xi32>
    %add3A_655 = arith.addi %mul3A_80, %add3A_654 : vector<16xi32>
    %gather3A_656 = tpu.vector_load_idx %arg18[%add3A_655] : memref<2048xf32, #tpu.memory_space<vmem>>[vector<16xi32>], vector<16xf32>,
    %add3A_657 = arith.addf %add3A_652, %gather3A_656 : vector<16xf32>
    %add3A_658 = arith.constant 1542 : i32
    %add3A_659 = vector.broadcast %add3A_658 : i32 to vector<16xi32>
    %add3A_660 = arith.addi %mul3A_80, %add3A_659 : vector<16xi32>
    %gather3A_661 = tpu.vector_load_idx %arg18[%add3A_660] : memref<2048xf32, #tpu.memory_space<vmem>>[vector<16xi32>], vector<16xf32>,
    %add3A_662 = arith.addf %add3A_657, %gather3A_661 : vector<16xf32>
    %add3A_663 = arith.constant 1543 : i32
    %add3A_664 = vector.broadcast %add3A_663 : i32 to vector<16xi32>
    %add3A_665 = arith.addi %mul3A_80, %add3A_664 : vector<16xi32>
    %gather3A_666 = tpu.vector_load_idx %arg18[%add3A_665] : memref<2048xf32, #tpu.memory_space<vmem>>[vector<16xi32>], vector<16xf32>,
    %add3A_667 = arith.addf %add3A_662, %gather3A_666 : vector<16xf32>
    %add3A_668 = arith.constant 1544 : i32
    %add3A_669 = vector.broadcast %add3A_668 : i32 to vector<16xi32>
    %add3A_670 = arith.addi %mul3A_80, %add3A_669 : vector<16xi32>
    %gather3A_671 = tpu.vector_load_idx %arg18[%add3A_670] : memref<2048xf32, #tpu.memory_space<vmem>>[vector<16xi32>], vector<16xf32>,
    %add3A_672 = arith.addf %add3A_667, %gather3A_671 : vector<16xf32>
    %add3A_673 = arith.constant 1545 : i32
    %add3A_674 = vector.broadcast %add3A_673 : i32 to vector<16xi32>
    %add3A_675 = arith.addi %mul3A_80, %add3A_674 : vector<16xi32>
    %gather3A_676 = tpu.vector_load_idx %arg18[%add3A_675] : memref<2048xf32, #tpu.memory_space<vmem>>[vector<16xi32>], vector<16xf32>,
    %add3A_677 = arith.addf %add3A_672, %gather3A_676 : vector<16xf32>
    %add3A_678 = arith.constant 1546 : i32
    %add3A_679 = vector.broadcast %add3A_678 : i32 to vector<16xi32>
    %add3A_680 = arith.addi %mul3A_80, %add3A_679 : vector<16xi32>
    %gather3A_681 = tpu.vector_load_idx %arg18[%add3A_680] : memref<2048xf32, #tpu.memory_space<vmem>>[vector<16xi32>], vector<16xf32>,
    %add3A_682 = arith.addf %add3A_677, %gather3A_681 : vector<16xf32>
    %add3A_683 = arith.constant 1547 : i32
    %add3A_684 = vector.broadcast %add3A_683 : i32 to vector<16xi32>
    %add3A_685 = arith.addi %mul3A_80, %add3A_684 : vector<16xi32>
    %gather3A_686 = tpu.vector_load_idx %arg18[%add3A_685] : memref<2048xf32, #tpu.memory_space<vmem>>[vector<16xi32>], vector<16xf32>,
    %add3A_687 = arith.addf %add3A_682, %gather3A_686 : vector<16xf32>
    %add3A_688 = arith.constant 1548 : i32
    %add3A_689 = vector.broadcast %add3A_688 : i32 to vector<16xi32>
    %add3A_690 = arith.addi %mul3A_80, %add3A_689 : vector<16xi32>
    %gather3A_691 = tpu.vector_load_idx %arg18[%add3A_690] : memref<2048xf32, #tpu.memory_space<vmem>>[vector<16xi32>], vector<16xf32>,
    %add3A_692 = arith.addf %add3A_687, %gather3A_691 : vector<16xf32>
    %add3A_693 = arith.constant 1549 : i32
    %add3A_694 = vector.broadcast %add3A_693 : i32 to vector<16xi32>
    %add3A_695 = arith.addi %mul3A_80, %add3A_694 : vector<16xi32>
    %gather3A_696 = tpu.vector_load_idx %arg18[%add3A_695] : memref<2048xf32, #tpu.memory_space<vmem>>[vector<16xi32>], vector<16xf32>,
    %add3A_697 = arith.addf %add3A_692, %gather3A_696 : vector<16xf32>
    %add3A_698 = arith.constant 1550 : i32
    %add3A_699 = vector.broadcast %add3A_698 : i32 to vector<16xi32>
    %add3A_700 = arith.addi %mul3A_80, %add3A_699 : vector<16xi32>
    %gather3A_701 = tpu.vector_load_idx %arg18[%add3A_700] : memref<2048xf32, #tpu.memory_space<vmem>>[vector<16xi32>], vector<16xf32>,
    %add3A_702 = arith.addf %add3A_697, %gather3A_701 : vector<16xf32>
    %add3A_703 = arith.constant 1551 : i32
    %add3A_704 = vector.broadcast %add3A_703 : i32 to vector<16xi32>
    %add3A_705 = arith.addi %mul3A_80, %add3A_704 : vector<16xi32>
    %gather3A_706 = tpu.vector_load_idx %arg18[%add3A_705] : memref<2048xf32, #tpu.memory_space<vmem>>[vector<16xi32>], vector<16xf32>,
    %add3A_707 = arith.addf %add3A_702, %gather3A_706 : vector<16xf32>
    %neg3A_708 = arith.constant 0.000000e+00 : f32
    %neg3A_709 = vector.broadcast %neg3A_708 : f32 to vector<16xf32>
    %neg3A_710 = arith.subf %neg3A_709, %add3A_707 : vector<16xf32>
    %exp3A_711 = math.exp %neg3A_710 : vector<16xf32>
    %add3A_712 = arith.constant 1.000000e+00 : f32
    %add3A_713 = vector.broadcast %add3A_712 : f32 to vector<16xf32>
    %add3A_714 = arith.addf %add3A_713, %exp3A_711 : vector<16xf32>
    %div3A_715 = arith.constant 1.000000e+00 : f32
    %div3A_716 = vector.broadcast %div3A_715 : f32 to vector<16xf32>
    %div3A_717 = arith.divf %div3A_716, %add3A_714 : vector<16xf32>
    %swap3A_718 = arith.constant 96 : index
    %swap3A_719 = tpu.vector_load %arg19[%swap3A_718] {strides = array<i32>} : memref<128xf32, #tpu.memory_space<vmem>>, vector<16xf32>,
    tpu.vector_store %arg19[%swap3A_718], %div3A_717 {strides = array<i32>} : memref<128xf32, #tpu.memory_space<vmem>>, vector<16xf32>,
    %add3A_720 = arith.constant 1792 : i32
    %add3A_721 = vector.broadcast %add3A_720 : i32 to vector<16xi32>
    %add3A_722 = arith.addi %mul3A_80, %add3A_721 : vector<16xi32>
    %gather3A_723 = tpu.vector_load_idx %arg18[%add3A_722] : memref<2048xf32, #tpu.memory_space<vmem>>[vector<16xi32>], vector<16xf32>,
    %add3A_724 = arith.addf %get3A_77, %gather3A_723 : vector<16xf32>
    %add3A_725 = arith.constant 1793 : i32
    %add3A_726 = vector.broadcast %add3A_725 : i32 to vector<16xi32>
    %add3A_727 = arith.addi %mul3A_80, %add3A_726 : vector<16xi32>
    %gather3A_728 = tpu.vector_load_idx %arg18[%add3A_727] : memref<2048xf32, #tpu.memory_space<vmem>>[vector<16xi32>], vector<16xf32>,
    %add3A_729 = arith.addf %add3A_724, %gather3A_728 : vector<16xf32>
    %add3A_730 = arith.constant 1794 : i32
    %add3A_731 = vector.broadcast %add3A_730 : i32 to vector<16xi32>
    %add3A_732 = arith.addi %mul3A_80, %add3A_731 : vector<16xi32>
    %gather3A_733 = tpu.vector_load_idx %arg18[%add3A_732] : memref<2048xf32, #tpu.memory_space<vmem>>[vector<16xi32>], vector<16xf32>,
    %add3A_734 = arith.addf %add3A_729, %gather3A_733 : vector<16xf32>
    %add3A_735 = arith.constant 1795 : i32
    %add3A_736 = vector.broadcast %add3A_735 : i32 to vector<16xi32>
    %add3A_737 = arith.addi %mul3A_80, %add3A_736 : vector<16xi32>
    %gather3A_738 = tpu.vector_load_idx %arg18[%add3A_737] : memref<2048xf32, #tpu.memory_space<vmem>>[vector<16xi32>], vector<16xf32>,
    %add3A_739 = arith.addf %add3A_734, %gather3A_738 : vector<16xf32>
    %add3A_740 = arith.constant 1796 : i32
    %add3A_741 = vector.broadcast %add3A_740 : i32 to vector<16xi32>
    %add3A_742 = arith.addi %mul3A_80, %add3A_741 : vector<16xi32>
    %gather3A_743 = tpu.vector_load_idx %arg18[%add3A_742] : memref<2048xf32, #tpu.memory_space<vmem>>[vector<16xi32>], vector<16xf32>,
    %add3A_744 = arith.addf %add3A_739, %gather3A_743 : vector<16xf32>
    %add3A_745 = arith.constant 1797 : i32
    %add3A_746 = vector.broadcast %add3A_745 : i32 to vector<16xi32>
    %add3A_747 = arith.addi %mul3A_80, %add3A_746 : vector<16xi32>
    %gather3A_748 = tpu.vector_load_idx %arg18[%add3A_747] : memref<2048xf32, #tpu.memory_space<vmem>>[vector<16xi32>], vector<16xf32>,
    %add3A_749 = arith.addf %add3A_744, %gather3A_748 : vector<16xf32>
    %add3A_750 = arith.constant 1798 : i32
    %add3A_751 = vector.broadcast %add3A_750 : i32 to vector<16xi32>
    %add3A_752 = arith.addi %mul3A_80, %add3A_751 : vector<16xi32>
    %gather3A_753 = tpu.vector_load_idx %arg18[%add3A_752] : memref<2048xf32, #tpu.memory_space<vmem>>[vector<16xi32>], vector<16xf32>,
    %add3A_754 = arith.addf %add3A_749, %gather3A_753 : vector<16xf32>
    %add3A_755 = arith.constant 1799 : i32
    %add3A_756 = vector.broadcast %add3A_755 : i32 to vector<16xi32>
    %add3A_757 = arith.addi %mul3A_80, %add3A_756 : vector<16xi32>
    %gather3A_758 = tpu.vector_load_idx %arg18[%add3A_757] : memref<2048xf32, #tpu.memory_space<vmem>>[vector<16xi32>], vector<16xf32>,
    %add3A_759 = arith.addf %add3A_754, %gather3A_758 : vector<16xf32>
    %add3A_760 = arith.constant 1800 : i32
    %add3A_761 = vector.broadcast %add3A_760 : i32 to vector<16xi32>
    %add3A_762 = arith.addi %mul3A_80, %add3A_761 : vector<16xi32>
    %gather3A_763 = tpu.vector_load_idx %arg18[%add3A_762] : memref<2048xf32, #tpu.memory_space<vmem>>[vector<16xi32>], vector<16xf32>,
    %add3A_764 = arith.addf %add3A_759, %gather3A_763 : vector<16xf32>
    %add3A_765 = arith.constant 1801 : i32
    %add3A_766 = vector.broadcast %add3A_765 : i32 to vector<16xi32>
    %add3A_767 = arith.addi %mul3A_80, %add3A_766 : vector<16xi32>
    %gather3A_768 = tpu.vector_load_idx %arg18[%add3A_767] : memref<2048xf32, #tpu.memory_space<vmem>>[vector<16xi32>], vector<16xf32>,
    %add3A_769 = arith.addf %add3A_764, %gather3A_768 : vector<16xf32>
    %add3A_770 = arith.constant 1802 : i32
    %add3A_771 = vector.broadcast %add3A_770 : i32 to vector<16xi32>
    %add3A_772 = arith.addi %mul3A_80, %add3A_771 : vector<16xi32>
    %gather3A_773 = tpu.vector_load_idx %arg18[%add3A_772] : memref<2048xf32, #tpu.memory_space<vmem>>[vector<16xi32>], vector<16xf32>,
    %add3A_774 = arith.addf %add3A_769, %gather3A_773 : vector<16xf32>
    %add3A_775 = arith.constant 1803 : i32
    %add3A_776 = vector.broadcast %add3A_775 : i32 to vector<16xi32>
    %add3A_777 = arith.addi %mul3A_80, %add3A_776 : vector<16xi32>
    %gather3A_778 = tpu.vector_load_idx %arg18[%add3A_777] : memref<2048xf32, #tpu.memory_space<vmem>>[vector<16xi32>], vector<16xf32>,
    %add3A_779 = arith.addf %add3A_774, %gather3A_778 : vector<16xf32>
    %add3A_780 = arith.constant 1804 : i32
    %add3A_781 = vector.broadcast %add3A_780 : i32 to vector<16xi32>
    %add3A_782 = arith.addi %mul3A_80, %add3A_781 : vector<16xi32>
    %gather3A_783 = tpu.vector_load_idx %arg18[%add3A_782] : memref<2048xf32, #tpu.memory_space<vmem>>[vector<16xi32>], vector<16xf32>,
    %add3A_784 = arith.addf %add3A_779, %gather3A_783 : vector<16xf32>
    %add3A_785 = arith.constant 1805 : i32
    %add3A_786 = vector.broadcast %add3A_785 : i32 to vector<16xi32>
    %add3A_787 = arith.addi %mul3A_80, %add3A_786 : vector<16xi32>
    %gather3A_788 = tpu.vector_load_idx %arg18[%add3A_787] : memref<2048xf32, #tpu.memory_space<vmem>>[vector<16xi32>], vector<16xf32>,
    %add3A_789 = arith.addf %add3A_784, %gather3A_788 : vector<16xf32>
    %add3A_790 = arith.constant 1806 : i32
    %add3A_791 = vector.broadcast %add3A_790 : i32 to vector<16xi32>
    %add3A_792 = arith.addi %mul3A_80, %add3A_791 : vector<16xi32>
    %gather3A_793 = tpu.vector_load_idx %arg18[%add3A_792] : memref<2048xf32, #tpu.memory_space<vmem>>[vector<16xi32>], vector<16xf32>,
    %add3A_794 = arith.addf %add3A_789, %gather3A_793 : vector<16xf32>
    %add3A_795 = arith.constant 1807 : i32
    %add3A_796 = vector.broadcast %add3A_795 : i32 to vector<16xi32>
    %add3A_797 = arith.addi %mul3A_80, %add3A_796 : vector<16xi32>
    %gather3A_798 = tpu.vector_load_idx %arg18[%add3A_797] : memref<2048xf32, #tpu.memory_space<vmem>>[vector<16xi32>], vector<16xf32>,
    %add3A_799 = arith.addf %add3A_794, %gather3A_798 : vector<16xf32>
    %neg3A_800 = arith.constant 0.000000e+00 : f32
    %neg3A_801 = vector.broadcast %neg3A_800 : f32 to vector<16xf32>
    %neg3A_802 = arith.subf %neg3A_801, %add3A_799 : vector<16xf32>
    %exp3A_803 = math.exp %neg3A_802 : vector<16xf32>
    %add3A_804 = arith.constant 1.000000e+00 : f32
    %add3A_805 = vector.broadcast %add3A_804 : f32 to vector<16xf32>
    %add3A_806 = arith.addf %add3A_805, %exp3A_803 : vector<16xf32>
    %div3A_807 = arith.constant 1.000000e+00 : f32
    %div3A_808 = vector.broadcast %div3A_807 : f32 to vector<16xf32>
    %div3A_809 = arith.divf %div3A_808, %add3A_806 : vector<16xf32>
    %swap3A_810 = arith.constant 112 : index
    %swap3A_811 = tpu.vector_load %arg19[%swap3A_810] {strides = array<i32>} : memref<128xf32, #tpu.memory_space<vmem>>, vector<16xf32>,
    tpu.vector_store %arg19[%swap3A_810], %div3A_809 {strides = array<i32>} : memref<128xf32, #tpu.memory_space<vmem>>, vector<16xf32>,
    "tpu.region"() ({
      %run_scoped3A = tpu.sem_alloc : memref<!tpu.dma_semaphore, #tpu.memory_space<semaphore_mem>>
      %dma_start3A_812 = tpu.memref_slice %arg8[%mul3A_2] : memref<4096xf32, #tpu.memory_space<hbm>> -> memref<128xf32, #tpu.memory_space<hbm>>
      %dma_start3A_813 = tpu.memref_slice %arg8[%mul3A_2] : memref<4096xf32, #tpu.memory_space<hbm>> -> memref<128xf32, #tpu.memory_space<hbm>>
      tpu.enqueue_dma source(%arg19 : memref<128xf32, #tpu.memory_space<vmem>>) target(%dma_start3A_813 : memref<128xf32, #tpu.memory_space<hbm>>) target_semaphore(%run_scoped3A : memref<!tpu.dma_semaphore, #tpu.memory_space<semaphore_mem>>)
      %dma_wait3A = tpu.memref_slice %arg8[%mul3A_2] : memref<4096xf32, #tpu.memory_space<hbm>> -> memref<128xf32, #tpu.memory_space<hbm>>
      %dma_wait3A_814 = tpu.memref_slice %arg8[%mul3A_2] : memref<4096xf32, #tpu.memory_space<hbm>> -> memref<128xf32, #tpu.memory_space<hbm>>
      tpu.wait_dma2 semaphore(%run_scoped3A : memref<!tpu.dma_semaphore, #tpu.memory_space<semaphore_mem>>) src(%arg19 : memref<128xf32, #tpu.memory_space<vmem>>) dst(%dma_wait3A_814 : memref<128xf32, #tpu.memory_space<hbm>>)
      tpu.yield
    }) : () -> ()
    return
  }
}

</mosaic_0001>

<sc_bundles>
// kernel: _sc_bag.3.cloned.1.call-start
scs
__scs_entry_jumppad:
0x0: {  	(pc) =	sbr.rel $0x88, $3  }
0x1: {  	(tag) =	ssettag $0x0;
	lr =	simm.s32 $0x1  }
0x2: {  	[smem:$0x3F9B] =	sst lr;
	_ =	strace $0xD0000000  }
0x3: {  	_ = 	snop  }
0x4: {  	_ = 	snop  }
0x5: {  	_ = 	snop  }
0x6: {  	_ = 	snop  }
0x7: {  	_ = 	snop  }
__scs_overlays_trampoline_lowered:
0x8: {  	[smem:$0x3FAA] =	sst s0  }
0x9: {  	[smem:$0x3FAB] =	sst s1  }
0xa: {  	[smem:$0x3FAC] =	sst s2  }
0xb: {  	[smem:$0x3FAD] =	sst s3  }
0xc: {  	[smem:$0x3FAE] =	sst s4  }
0xd: {  	[smem:$0x3FAF] =	sst s5  }
0xe: {  	[smem:$0x3FB0] =	sst s6  }
0xf: {  	[smem:$0x3FB1] =	sst s7  }
0x10: {  	[smem:$0x3FB2] =	sst s8  }
0x11: {  	[smem:$0x3FB3] =	sst s9;
	s0 =	simm.s32 @!p0 $0x0  }
0x12: {  	s1 =	sld [smem:$0x3F99];
	s0 =	simm.s32 @p0 $0x1  }
0x13: {  	[smem:$0x3FB4] =	sst s0;
	s0 =	simm.s32 @!p1 $0x0  }
0x14: {  	s2 =	sld [smem:$0x3F98];
	s0 =	simm.s32 @p1 $0x1  }
0x15: {  	[smem:$0x3FB5] =	sst s0;
	s0 =	simm.s32 @!p2 $0x0  }
0x16: {  	s3 =	sld [smem:$0x3FDB];
	s0 =	simm.s32 @p2 $0x1  }
0x17: {  	s4 =	simm.s32 $0x1BF5;
	[smem:$0x3FB7] =	sst s0  }
0x18: {  	s0 =	sld [smem:$0x3F9A];
	_ =	swait.ge [sflag:s4], $0x0  }
0x19: {  	s7 =	sld [smem:$0x3F9B]  }
0x1a: {  	s8 =	sadd.s32 $0xFFFFE003, lr  }
0x1b: {  	s9 =	sadd.s32 $0xFFFFFEF7, lr;
	s5 =	simm.s32 $0xFFFFFFFF;
	p2 =	slt.u32 s8, $0xFFFFF086  }
0x1c: {  	p1 =	slt.u32 s9, $0xF7A;
	s5 =	simm.s32 @!p2 $0x0  }
0x1d: {  	s5 =	simm.s32 @p1 $0x1;
	p0 =	seq.s32 s7, s2  }
0x1e: {  	s7 =	smul.u32 @!p0 $0xF7A, s2;
	p2 =	seq.s32 @!p0 s5, $0x0  }
0x1f: {  	s9 =	smul.u32 $0xF7A, s1;
	s8 =	simm.s32 @!p0 $0x1BF5;
	p2 =	por !p2, p0  }
0x20: {  	[sflag:s8] =	ssyncset.s32 @!p0 $0xFFFFF086;
	s6 =	sadd.s32 @!p0 s3, s7;
	s7 =	simm.s32 @!p0 $0x108  }
0x21: {  	s3 =	sadd.s32 s3, s9;
	s6 =	sadd.s32 @!p0 $0x88, s6;
	s7 =	simm.s32 @p2 $0x1082  }
0x22: {  	[simem:s7], [sflag:s8] =	dma.local @!p0 [hbm:s6], $0xF7A  }
0x23: {  	s9 =	sor.u32 $0xD0000000, s2;
	s6 =	simm.s32 $0x108;
	_ =	swait.ge @!p0 [sflag:s8], $0x0  }
0x24: {  	s3 =	sadd.s32 $0x88, s3;
	s6 =	simm.s32 @!p1 $0x1082;
	[sflag:s4] =	ssyncset.s32 $0xFFFFF086  }
0x25: {  	[simem:s6], [sflag:s4] =	dma.local [hbm:s3], $0xF7A  }
0x26: {  	[smem:$0x3F9B] =	sst s1;
	(tag) =	ssettag s2;
	_ =	strace s9  }
0x27: {  	s1 =	sld [smem:$0x3FAB]  }
0x28: {  	s2 =	sld [smem:$0x3FAC]  }
0x29: {  	s4 =	sld [smem:$0x3FAE]  }
0x2a: {  	p0 =	seq.s32 s5, $0x0;
	s5 =	sld [smem:$0x3FAF]  }
0x2b: {  	s6 =	sld [smem:$0x3FB0]  }
0x2c: {  	s7 =	sld [smem:$0x3FB1]  }
0x2d: {  	s3 =	simm.s32 $0x108;
	s8 =	sld [smem:$0x3FB2]  }
0x2e: {  	s3 =	simm.s32 @!p0 $0x1082;
	s9 =	sld [smem:$0x3FB3]  }
0x2f: {  	lr =	sadd.s32 s0, s3;
	s0 =	sld [smem:$0x3FAA]  }
0x30: {  	s3 =	sld [smem:$0x3FAD]  }
0x31: {  	[smem:$0x3FB6] =	sst s10  }
0x32: {  	s10 =	sld [smem:$0x3FB4];
	_ =	sdelay $0x3  }
0x33: {  	p0 =	seq.s32 s10, $0x1;
	s10 =	sld [smem:$0x3FB6];
	_ =	sdelay $0x3  }
0x34: {  	[smem:$0x3FB6] =	sst s10  }
0x35: {  	s10 =	sld [smem:$0x3FB5];
	_ =	sdelay $0x3  }
0x36: {  	p1 =	seq.s32 s10, $0x1;
	s10 =	sld [smem:$0x3FB6];
	_ =	sdelay $0x3  }
0x37: {  	[smem:$0x3FB6] =	sst s10  }
0x38: {  	s10 =	sld [smem:$0x3FB7]  }
0x39: {  	_ = 	snop;
	(pc) =	sbr.ind lr, $3  }
0x3a: {  	_ = 	snop  }
0x3b: {  	_ = 	snop  }
0x3c: {  	p2 =	seq.s32 s10, $0x1;
	s10 =	sld [smem:$0x3FB6]  }
0x3d: {  	_ =	shalt  }
0x3e: {  	_ =	shalt  }
0x3f: {  	_ =	shalt  }
0x40: {  	_ =	shalt  }
0x41: {  	_ =	shalt  }
0x42: {  	_ =	shalt  }
0x43: {  	_ =	shalt  }
0x44: {  	_ =	shalt  }
0x45: {  	_ =	shalt  }
0x46: {  	_ =	shalt  }
0x47: {  	_ =	shalt  }
0x48: {  	_ =	shalt  }
0x49: {  	_ =	shalt  }
0x4a: {  	_ =	shalt  }
0x4b: {  	_ =	shalt  }
0x4c: {  	_ =	shalt  }
0x4d: {  	_ =	shalt  }
0x4e: {  	_ =	shalt  }
0x4f: {  	_ =	shalt  }
0x50: {  	_ =	shalt  }
0x51: {  	_ =	shalt  }
0x52: {  	_ =	shalt  }
0x53: {  	_ =	shalt  }
0x54: {  	_ =	shalt  }
0x55: {  	_ =	shalt  }
0x56: {  	_ =	shalt  }
0x57: {  	_ =	shalt  }
0x58: {  	_ =	shalt  }
0x59: {  	_ =	shalt  }
0x5a: {  	_ =	shalt  }
0x5b: {  	_ =	shalt  }
0x5c: {  	_ =	shalt  }
0x5d: {  	_ =	shalt  }
0x5e: {  	_ =	shalt  }
0x5f: {  	_ =	shalt  }
0x60: {  	_ =	shalt  }
0x61: {  	_ =	shalt  }
0x62: {  	_ =	shalt  }
0x63: {  	_ =	shalt  }
0x64: {  	_ =	shalt  }
0x65: {  	_ =	shalt  }
0x66: {  	_ =	shalt  }
0x67: {  	_ =	shalt  }
0x68: {  	_ =	shalt  }
0x69: {  	_ =	shalt  }
0x6a: {  	_ =	shalt  }
0x6b: {  	_ =	shalt  }
0x6c: {  	_ =	shalt  }
0x6d: {  	_ =	shalt  }
0x6e: {  	_ =	shalt  }
0x6f: {  	_ =	shalt  }
0x70: {  	_ =	shalt  }
0x71: {  	_ =	shalt  }
0x72: {  	_ =	shalt  }
0x73: {  	_ =	shalt  }
0x74: {  	_ =	shalt  }
0x75: {  	_ =	shalt  }
0x76: {  	_ =	shalt  }
0x77: {  	_ =	shalt  }
0x78: {  	_ =	shalt  }
0x79: {  	_ =	shalt  }
0x7a: {  	_ =	shalt  }
0x7b: {  	_ =	shalt  }
0x7c: {  	_ =	shalt  }
0x7d: {  	_ =	shalt  }
0x7e: {  	_ =	shalt  }
0x7f: {  	_ =	shalt  }
0x80: {  	_ =	shalt  }
0x81: {  	_ =	shalt  }
0x82: {  	_ =	shalt  }
0x83: {  	_ =	shalt  }
0x84: {  	_ =	shalt  }
0x85: {  	_ =	shalt  }
0x86: {  	_ =	shalt  }
0x87: {  	_ =	shalt  }
.Lfunc_end0:
.L_simem_size_0:
called_computation_lowered:
.L_overlay_start_0:
0x88: {  	s2 =	sld [smem:$0x3FD9]  }
0x89: {  	s3 =	sld [smem:$0x3FFE];
	_ =	sdelay $0x1  }
0x8a: {  	s1 =	srdreg.scid  }
0x8b: {  	s0 =	sand.u32 $0x1, s1  }
0x8c: {  	s18 =	sshll.u32 s0, $0xA;
	s2 =	sadd.s32 s3, s2  }
0x8d: {  	s2 =	sadd.s32 s2, s18  }
0x8e: {  	[smem:$0x3FC2] =	sst s2  }
0x8f: {  	_ = 	snop  }
0x90: {  	s2 =	sld [smem:$0x3FC9]  }
0x91: {  	s19 =	sld [smem:$0x3FC8]  }
0x92: {  	s4 =	sld [smem:$0x3FC7]  }
0x93: {  	s5 =	sld [smem:$0x3FC6]  }
0x94: {  	s6 =	sld [smem:$0x3FC5]  }
0x95: {  	s7 =	sld [smem:$0x3FC4]  }
0x96: {  	s8 =	sld [smem:$0x3FD0];
	(tm) =	ssettm $0x1  }
0x97: {  	s9 =	sld [smem:$0x3FFB];
	_ =	sdelay $0x3  }
0x98: {  	_ =	strace s9  }
0x99: {  	s9 =	sld [smem:$0x3FFC];
	_ =	sdelay $0x3  }
0x9a: {  	_ =	strace s9  }
0x9b: {  	s9 =	sld [smem:$0x3FFD];
	_ =	sdelay $0x3  }
0x9c: {  	_ =	strace s9  }
0x9d: {  	_ =	strace $0x8FFFFFFF  }
0x9e: {  	s20 =	sld [smem:$0x3FDB];
	_ =	sdelay $0x1  }
0x9f: {  	s10 =	simm.s32 $_scs_section_size  }
0xa0: {  	s11 =	simm.s32 $_size__tile_overlayer_lowered;
	s12 =	simm.s32 $_tile_overlayer_lowered  }
0xa1: {  	s23 =	simm.s32 $0x1BFF;
	s22 =	sshll.u32 s12, $0x1;
	s9 =	sadd.s32 s10, s20  }
0xa2: {  	s13 =	simm.s32 $0x0;
	s21 =	sshll.u32 s11, $0x1;
	s11 =	sadd.s32 s22, s9  }
0xa3: {  	[timem:s13], [sflag:s23] =	dma.local [hbm:s11], s21  }
0xa4: {  	_ =	swait.ge [sflag:s23], s21  }
0xa5: {  	s10 =	ssub.s32 $0x0, s21;
	[sflag:s23] =	ssyncset.done $0x0  }
0xa6: {  	[sflag:s23] =	ssyncadd.s32 s10;
	_ =	sdelay $0x1  }
0xa7: {  	s24 =	simm.s32 $0x1B8B  }
0xa8: {  	_ =	swait.ge [sflag:s24], $0x1  }
0xa9: {  	[sflag:s24] =	ssyncset.done $0x0  }
0xaa: {  	s25 =	simm.s32 $0x1B8E;
	[sflag:s24] =	ssyncadd.s32 $0xFFFFFFFF  }
0xab: {  	s26 =	simm.s32 $execute0_lowered;
	[smem:$0x3FD2] =	sst s25  }
0xac: {  	s10 =	sshll.u32 s26, $0x1;
	_ =	strace $0x80000046;
	[dreg:$0x1] =	wrdreg $0xFFFFFFFF  }
0xad: {  	s28 =	simm.s32 $_size_execute0_lowered;
	s9 =	sadd.s32 s9, s10;
	[dreg:$0x0] =	wrdreg $0x0  }
0xae: {  	s10 =	sshll.u32 s28, $0x1;
	[dreg:$0x2] =	wrdreg s9  }
0xaf: {  	[dreg:$0x3] =	wrdreg s10  }
0xb0: {  	[dreg:$0x4] =	wrdreg $0xC0  }
0xb1: {  	_ =	task [dreg:s13], $0x5FFFF  }
0xb2: {  	[dreg:$0x1] =	wrdreg $0xFFFFFFFF  }
0xb3: {  	[dreg:$0x0] =	wrdreg $0x60  }
0xb4: {  	[dreg:$0x2] =	wrdreg s2  }
0xb5: {  	[dreg:$0x3] =	wrdreg s19  }
0xb6: {  	[dreg:$0x4] =	wrdreg s4  }
0xb7: {  	[dreg:$0x5] =	wrdreg s5  }
0xb8: {  	[dreg:$0x6] =	wrdreg s6  }
0xb9: {  	[dreg:$0x7] =	wrdreg s7  }
0xba: {  	[dreg:$0x8] =	wrdreg s8  }
0xbb: {  	[dreg:$0x9] =	wrdreg $0x9  }
0xbc: {  	_ =	task.clear_ibuf [dreg:s13], $0xAFFFF;
	_ =	strace $0x90000046  }
0xbd: {  	s29 =	simm.s32 $0x9;
	_ =	strace $0x80000048  }
0xbe: {  	_ =	swait.ge [sflag:s29], $0x1  }
0xbf: {  	[sflag:s29] =	ssyncadd.s32 $0xFFFFFFFF  }
0xc0: {  	_ =	strace $0x90000048  }
0xc1: {  	_ =	sfence  }
0xc2: {  	s30 =	sld [smem:$0x0];
	_ =	sdelay $0x2  }
0xc3: {  	s31 =	sshll.u32 s1, $0xD;
	s1 =	sshrl.u32 s1, $0x2  }
0xc4: {  	s3 =	sand.u32 $0x4000, s31;
	s1 =	sadd.s32 s1, s30  }
0xc5: {  	s0 =	sor.u32 s3, s0;
	s1 =	sshll.u32 s1, $0x11  }
0xc6: {  	s0 =	sor.u32 s1, s0  }
0xc7: {  	s0 =	sadd.s32 $0x8F2B, s0  }
0xc8: {  	[sflag:s0] =	ssyncadd.remote.s32 $0x1  }
0xc9: {  	_ =	sfence.sel $0xFFFF  }
0xca: {  	[dreg:$0x0] =	wrdreg $0xFFFFFFFF;
	(pc) =	sbr.abs _section_cstart, $3  }
0xcb: {  	[dreg:$0x1] =	wrdreg $0xFFFFFFFF  }
0xcc: {  	_ =	task.clear_ibuf [dreg:s13], $0x2FFFF;
	_ =	strace $0x9FFFFFFF  }
0xcd: {  	(tm) =	ssettm $0x7FFFFFFF  }
tec
execute0_lowered:
.L_overlay_start_1:
0x0: {  	(tag) =	ssettag $0x1  }
0x1: {  	s0 =	rddreg [dreg:$0x0]  }
0x2: {  	s1 =	rddreg [dreg:$0x1]  }
0x3: {  	s2 =	rddreg [dreg:$0x2]  }
0x4: {  	s3 =	rddreg [dreg:$0x3]  }
0x5: {  	s4 =	rddreg [dreg:$0x6];
	s6 =	srdreg.scid  }
0x6: {  	s7 =	stileid.u32;
	s5 =	simm.s32 $0x0;
	s11 =	simm.s32 $0x5  }
0x7: {  	s17 =	simm.s32 $0xF380;
	s18 =	simm.s32 $0xFB80;
	s19 =	simm.s32 $0x10380  }
0x8: {  	s20 =	simm.s32 $0x10B80;
	s21 =	simm.s32 $0x11380;
	s22 =	simm.s32 $0x11B80  }
0x9: {  	s23 =	simm.s32 $0x12380;
	s24 =	simm.s32 $0x12B80;
	s25 =	simm.s32 $0x1  }
0xa: {  	s28 =	simm.s32 $0x3;
	s29 =	simm.s32 $0x4;
	s30 =	simm.s32 $0x13380  }
0xb: {  	s6 =	sand.u32 $0x1, s6;
	s7 =	sshll.u32 s7, $0x1;
	[smem:$0x7FF] =	sst s5  }
0xc: {  	s8 =	ssub.s32 $0x2, s6;
	s6 =	sor.u32 s6, s7;
	_ =	strace $0x80000047  }
.Ltmp0:
0xd: {  	s26 =	sshrl.u32 s8, $0x1;
	s9 =	sshll.u32 s6, $0x9;
	(pc) =	sbr.rel .LBB2_1-.Ltmp0, $4  }
0xe: {  	s31 =	sshll.u32 s6, $0x4;
	s7 =	ssub.s32 s8, s26;
	s2 =	sadd.s32 s2, s9  }
0xf: {  	v0 =	vlaneseq.u32;
	vm0 =	vmmov $0xffff;
	s3 =	sadd.s32 s3, s9;
	s1 =	sadd.s32 s1, s9;
	[dreg:$0x8] =	wrdreg s2  }
0x10: {  	v4 =	vimm.bf16 $0.0e+00;
	v5 =	vimm.bf16 $1.0000e+00;
	v2 =	vshrl.u32 v0, $0x3;
	s9 =	sadd.s32 s4, s31;
	s26 =	simm.s32 $0x2;
	[dreg:$0x9] =	wrdreg s3  }
0x11: {  	v1 =	vand.u32 $0x7, v0;
	v3 =	vor.u32 $0x8, v0;
	v2 =	vmul.u32 $0x8, v2;
	[dreg:$0xa] =	wrdreg s1;
	s10 =	smax.u32 s7, $0x1;
	s1 =	simm.s32 $0x0  }
.LBB2_12:
0x12: {  	v6 =	vmul.u32 $0x10, v0;
	_ =	sdelay $0x2  }
0x13: {  	v8 =	vor.u32 $0x1, v6;
	_ =	sdelay $0x1  }
0x14: {  	v7 =	vld [tilespmem:$0x3300];
	v9 =	vor.u32 $0x2, v6  }
0x15: {  	v10 =	vld.idx.msk [tilespmem:v6+s30+$0x0], $0xffff  }
0x16: {  	v11 =	vor.u32 $0x3, v6  }
0x17: {  	v8 =	vld.idx.msk [tilespmem:v8+s30+$0x0], $0xffff  }
0x18: {  	v12 =	vor.u32 $0x4, v6  }
0x19: {  	v9 =	vld.idx.msk [tilespmem:v9+s30+$0x0], $0xffff  }
0x1a: {  	v13 =	vor.u32 $0x5, v6;
	v10 =	vadd.f32 v10, v7  }
0x1b: {  	v11 =	vld.idx.msk [tilespmem:v11+s30+$0x0], $0xffff  }
0x1c: {  	v16 =	vor.u32 $0x6, v6;
	v8 =	vadd.f32 v8, v10  }
0x1d: {  	v12 =	vld.idx.msk [tilespmem:v12+s30+$0x0], $0xffff  }
0x1e: {  	v17 =	vor.u32 $0x7, v6;
	v8 =	vadd.f32 v9, v8  }
0x1f: {  	v13 =	vld.idx.msk [tilespmem:v13+s30+$0x0], $0xffff  }
0x20: {  	v18 =	vor.u32 $0x8, v6;
	v8 =	vadd.f32 v11, v8  }
0x21: {  	v10 =	vld.idx.msk [tilespmem:v16+s30+$0x0], $0xffff  }
0x22: {  	v19 =	vor.u32 $0x9, v6;
	v8 =	vadd.f32 v12, v8  }
0x23: {  	v9 =	vld.idx.msk [tilespmem:v17+s30+$0x0], $0xffff  }
0x24: {  	v20 =	vor.u32 $0xA, v6;
	v8 =	vadd.f32 v13, v8  }
0x25: {  	v11 =	vld.idx.msk [tilespmem:v18+s30+$0x0], $0xffff  }
0x26: {  	v21 =	vor.u32 $0xB, v6;
	v8 =	vadd.f32 v10, v8  }
0x27: {  	v12 =	vld.idx.msk [tilespmem:v19+s30+$0x0], $0xffff  }
0x28: {  	v22 =	vor.u32 $0xC, v6;
	v8 =	vadd.f32 v9, v8  }
0x29: {  	v13 =	vld.idx.msk [tilespmem:v20+s30+$0x0], $0xffff  }
0x2a: {  	v23 =	vor.u32 $0xD, v6;
	v8 =	vadd.f32 v11, v8  }
0x2b: {  	v10 =	vld.idx.msk [tilespmem:v21+s30+$0x0], $0xffff  }
0x2c: {  	v24 =	vor.u32 $0xE, v6;
	v8 =	vadd.f32 v12, v8  }
0x2d: {  	v9 =	vld.idx.msk [tilespmem:v22+s30+$0x0], $0xffff  }
0x2e: {  	v25 =	vor.u32 $0xF, v6;
	v8 =	vadd.f32 v13, v8  }
0x2f: {  	v11 =	vld.idx.msk [tilespmem:v23+s30+$0x0], $0xffff  }
0x30: {  	v8 =	vadd.f32 v10, v8  }
0x31: {  	v26 =	vld.idx.msk [tilespmem:v24+s30+$0x0], $0xffff  }
0x32: {  	v8 =	vadd.f32 v9, v8  }
0x33: {  	v27 =	vld.idx.msk [tilespmem:v25+s30+$0x0], $0xffff  }
0x34: {  	v8 =	vadd.f32 v11, v8;
	_ =	sdelay $0x1  }
0x35: {  	v8 =	vadd.f32 v26, v8;
	_ =	sdelay $0x1  }
0x36: {  	v8 =	vadd.f32 v27, v8;
	_ =	sdelay $0x1  }
0x37: {  	v8 =	vsub.f32 $0.0e+00, v8;
	_ =	sdelay $0x1  }
0x38: {  	v8 =	vmul.f32 $1.442695020e+00, v8;
	_ =	sdelay $0x1  }
0x39: {  	(erf) = vpow2.f32 v8;
	_ =	sdelay $0x8  }
0x3a: {  	v8 =	vpop (erf)  }
0x3b: {  	v8 =	vadd.f32 $1.000000000e+00, v8;
	_ =	sdelay $0x1  }
0x3c: {  	(erf) = vrcp.f32 v8;
	_ =	sdelay $0x5  }
0x3d: {  	v28 =	vor.u32 $0x100, v6;
	_ =	sdelay $0x1  }
0x3e: {  	v29 =	vor.u32 $0x101, v6  }
0x3f: {  	v30 =	vpop (erf)  }
0x40: {  	v31 =	vor.u32 $0x102, v6;
	[tilespmem:$0x13B80] =	vst v30  }
0x41: {  	v8 =	vld.idx.msk [tilespmem:v28+s30+$0x0], $0xffff  }
0x42: {  	v32 =	vor.u32 $0x103, v6  }
0x43: {  	v9 =	vld.idx.msk [tilespmem:v29+s30+$0x0], $0xffff  }
0x44: {  	v33 =	vor.u32 $0x104, v6  }
0x45: {  	v10 =	vld.idx.msk [tilespmem:v31+s30+$0x0], $0xffff  }
0x46: {  	v34 =	vor.u32 $0x105, v6;
	v8 =	vadd.f32 v8, v7  }
0x47: {  	v11 =	vld.idx.msk [tilespmem:v32+s30+$0x0], $0xffff  }
0x48: {  	v35 =	vor.u32 $0x106, v6;
	v8 =	vadd.f32 v9, v8  }
0x49: {  	v12 =	vld.idx.msk [tilespmem:v33+s30+$0x0], $0xffff  }
0x4a: {  	v36 =	vor.u32 $0x107, v6;
	v8 =	vadd.f32 v10, v8  }
0x4b: {  	v13 =	vld.idx.msk [tilespmem:v34+s30+$0x0], $0xffff  }
0x4c: {  	v37 =	vor.u32 $0x108, v6;
	v8 =	vadd.f32 v11, v8  }
0x4d: {  	v9 =	vld.idx.msk [tilespmem:v35+s30+$0x0], $0xffff  }
0x4e: {  	v38 =	vor.u32 $0x109, v6;
	v8 =	vadd.f32 v12, v8  }
0x4f: {  	v10 =	vld.idx.msk [tilespmem:v36+s30+$0x0], $0xffff  }
0x50: {  	v39 =	vor.u32 $0x10A, v6;
	v8 =	vadd.f32 v13, v8  }
0x51: {  	v11 =	vld.idx.msk [tilespmem:v37+s30+$0x0], $0xffff  }
0x52: {  	v40 =	vor.u32 $0x10B, v6;
	v8 =	vadd.f32 v9, v8  }
0x53: {  	v12 =	vld.idx.msk [tilespmem:v38+s30+$0x0], $0xffff  }
0x54: {  	v41 =	vor.u32 $0x10C, v6;
	v8 =	vadd.f32 v10, v8  }
0x55: {  	v13 =	vld.idx.msk [tilespmem:v39+s30+$0x0], $0xffff  }
0x56: {  	v42 =	vor.u32 $0x10D, v6;
	v8 =	vadd.f32 v11, v8  }
0x57: {  	v9 =	vld.idx.msk [tilespmem:v40+s30+$0x0], $0xffff  }
0x58: {  	v43 =	vor.u32 $0x10E, v6;
	v8 =	vadd.f32 v12, v8  }
0x59: {  	v10 =	vld.idx.msk [tilespmem:v41+s30+$0x0], $0xffff  }
0x5a: {  	v44 =	vor.u32 $0x10F, v6;
	v8 =	vadd.f32 v13, v8  }
0x5b: {  	v11 =	vld.idx.msk [tilespmem:v42+s30+$0x0], $0xffff  }
0x5c: {  	v8 =	vadd.f32 v9, v8  }
0x5d: {  	v45 =	vld.idx.msk [tilespmem:v43+s30+$0x0], $0xffff  }
0x5e: {  	v8 =	vadd.f32 v10, v8  }
0x5f: {  	v46 =	vld.idx.msk [tilespmem:v44+s30+$0x0], $0xffff  }
0x60: {  	v8 =	vadd.f32 v11, v8;
	_ =	sdelay $0x1  }
0x61: {  	v8 =	vadd.f32 v45, v8;
	_ =	sdelay $0x1  }
0x62: {  	v8 =	vadd.f32 v46, v8;
	_ =	sdelay $0x1  }
0x63: {  	v8 =	vsub.f32 $0.0e+00, v8;
	_ =	sdelay $0x1  }
0x64: {  	v8 =	vmul.f32 $1.442695020e+00, v8;
	_ =	sdelay $0x1  }
0x65: {  	(erf) = vpow2.f32 v8;
	_ =	sdelay $0x8  }
0x66: {  	v8 =	vpop (erf)  }
0x67: {  	v8 =	vadd.f32 $1.000000000e+00, v8;
	_ =	sdelay $0x1  }
0x68: {  	(erf) = vrcp.f32 v8;
	_ =	sdelay $0x5  }
0x69: {  	v47 =	vor.u32 $0x200, v6;
	_ =	sdelay $0x1  }
0x6a: {  	v48 =	vor.u32 $0x201, v6  }
0x6b: {  	v49 =	vpop (erf)  }
0x6c: {  	v50 =	vor.u32 $0x202, v6;
	[tilespmem:$0x13B90] =	vst v49  }
0x6d: {  	v8 =	vld.idx.msk [tilespmem:v47+s30+$0x0], $0xffff  }
0x6e: {  	v51 =	vor.u32 $0x203, v6  }
0x6f: {  	v9 =	vld.idx.msk [tilespmem:v48+s30+$0x0], $0xffff  }
0x70: {  	v52 =	vor.u32 $0x204, v6  }
0x71: {  	v10 =	vld.idx.msk [tilespmem:v50+s30+$0x0], $0xffff  }
0x72: {  	v53 =	vor.u32 $0x205, v6;
	v8 =	vadd.f32 v8, v7  }
0x73: {  	v11 =	vld.idx.msk [tilespmem:v51+s30+$0x0], $0xffff  }
0x74: {  	v54 =	vor.u32 $0x206, v6;
	v8 =	vadd.f32 v9, v8  }
0x75: {  	v12 =	vld.idx.msk [tilespmem:v52+s30+$0x0], $0xffff  }
0x76: {  	v55 =	vor.u32 $0x207, v6;
	v8 =	vadd.f32 v10, v8  }
0x77: {  	v13 =	vld.idx.msk [tilespmem:v53+s30+$0x0], $0xffff  }
0x78: {  	v56 =	vor.u32 $0x208, v6;
	v8 =	vadd.f32 v11, v8  }
0x79: {  	v9 =	vld.idx.msk [tilespmem:v54+s30+$0x0], $0xffff  }
0x7a: {  	v57 =	vor.u32 $0x209, v6;
	v8 =	vadd.f32 v12, v8  }
0x7b: {  	v10 =	vld.idx.msk [tilespmem:v55+s30+$0x0], $0xffff  }
0x7c: {  	v58 =	vor.u32 $0x20A, v6;
	v8 =	vadd.f32 v13, v8  }
0x7d: {  	v11 =	vld.idx.msk [tilespmem:v56+s30+$0x0], $0xffff  }
0x7e: {  	v59 =	vor.u32 $0x20B, v6;
	v8 =	vadd.f32 v9, v8  }
0x7f: {  	v12 =	vld.idx.msk [tilespmem:v57+s30+$0x0], $0xffff  }
0x80: {  	v60 =	vor.u32 $0x20C, v6;
	v8 =	vadd.f32 v10, v8  }
0x81: {  	v13 =	vld.idx.msk [tilespmem:v58+s30+$0x0], $0xffff  }
0x82: {  	v61 =	vor.u32 $0x20D, v6;
	v8 =	vadd.f32 v11, v8  }
0x83: {  	v9 =	vld.idx.msk [tilespmem:v59+s30+$0x0], $0xffff  }
0x84: {  	v62 =	vor.u32 $0x20E, v6;
	v8 =	vadd.f32 v12, v8  }
0x85: {  	v10 =	vld.idx.msk [tilespmem:v60+s30+$0x0], $0xffff  }
0x86: {  	v63 =	vor.u32 $0x20F, v6;
	v8 =	vadd.f32 v13, v8  }
0x87: {  	v11 =	vld.idx.msk [tilespmem:v61+s30+$0x0], $0xffff  }
0x88: {  	v8 =	vadd.f32 v9, v8  }
0x89: {  	v16 =	vld.idx.msk [tilespmem:v62+s30+$0x0], $0xffff  }
0x8a: {  	v8 =	vadd.f32 v10, v8  }
0x8b: {  	v17 =	vld.idx.msk [tilespmem:v63+s30+$0x0], $0xffff  }
0x8c: {  	v8 =	vadd.f32 v11, v8;
	_ =	sdelay $0x1  }
0x8d: {  	v8 =	vadd.f32 v16, v8;
	_ =	sdelay $0x1  }
0x8e: {  	v8 =	vadd.f32 v17, v8;
	_ =	sdelay $0x1  }
0x8f: {  	v8 =	vsub.f32 $0.0e+00, v8;
	_ =	sdelay $0x1  }
0x90: {  	v8 =	vmul.f32 $1.442695020e+00, v8;
	_ =	sdelay $0x1  }
0x91: {  	(erf) = vpow2.f32 v8;
	_ =	sdelay $0x8  }
0x92: {  	v8 =	vpop (erf)  }
0x93: {  	v8 =	vadd.f32 $1.000000000e+00, v8;
	_ =	sdelay $0x1  }
0x94: {  	(erf) = vrcp.f32 v8;
	_ =	sdelay $0x5  }
0x95: {  	v18 =	vor.u32 $0x300, v6;
	_ =	sdelay $0x1  }
0x96: {  	v19 =	vor.u32 $0x301, v6  }
0x97: {  	v20 =	vpop (erf)  }
0x98: {  	v21 =	vor.u32 $0x302, v6;
	[tilespmem:$0x13BA0] =	vst v20  }
0x99: {  	v8 =	vld.idx.msk [tilespmem:v18+s30+$0x0], $0xffff  }
0x9a: {  	v22 =	vor.u32 $0x303, v6  }
0x9b: {  	v9 =	vld.idx.msk [tilespmem:v19+s30+$0x0], $0xffff  }
0x9c: {  	v23 =	vor.u32 $0x304, v6  }
0x9d: {  	v10 =	vld.idx.msk [tilespmem:v21+s30+$0x0], $0xffff  }
0x9e: {  	v24 =	vor.u32 $0x305, v6;
	v8 =	vadd.f32 v8, v7  }
0x9f: {  	v11 =	vld.idx.msk [tilespmem:v22+s30+$0x0], $0xffff  }
0xa0: {  	v25 =	vor.u32 $0x306, v6;
	v8 =	vadd.f32 v9, v8  }
0xa1: {  	v12 =	vld.idx.msk [tilespmem:v23+s30+$0x0], $0xffff  }
0xa2: {  	v26 =	vor.u32 $0x307, v6;
	v8 =	vadd.f32 v10, v8  }
0xa3: {  	v13 =	vld.idx.msk [tilespmem:v24+s30+$0x0], $0xffff  }
0xa4: {  	v27 =	vor.u32 $0x308, v6;
	v8 =	vadd.f32 v11, v8  }
0xa5: {  	v9 =	vld.idx.msk [tilespmem:v25+s30+$0x0], $0xffff  }
0xa6: {  	v28 =	vor.u32 $0x309, v6;
	v8 =	vadd.f32 v12, v8  }
0xa7: {  	v10 =	vld.idx.msk [tilespmem:v26+s30+$0x0], $0xffff  }
0xa8: {  	v29 =	vor.u32 $0x30A, v6;
	v8 =	vadd.f32 v13, v8  }
0xa9: {  	v11 =	vld.idx.msk [tilespmem:v27+s30+$0x0], $0xffff  }
0xaa: {  	v30 =	vor.u32 $0x30B, v6;
	v8 =	vadd.f32 v9, v8  }
0xab: {  	v12 =	vld.idx.msk [tilespmem:v28+s30+$0x0], $0xffff  }
0xac: {  	v31 =	vor.u32 $0x30C, v6;
	v8 =	vadd.f32 v10, v8  }
0xad: {  	v13 =	vld.idx.msk [tilespmem:v29+s30+$0x0], $0xffff  }
0xae: {  	v32 =	vor.u32 $0x30D, v6;
	v8 =	vadd.f32 v11, v8  }
0xaf: {  	v9 =	vld.idx.msk [tilespmem:v30+s30+$0x0], $0xffff  }
0xb0: {  	v33 =	vor.u32 $0x30E, v6;
	v8 =	vadd.f32 v12, v8  }
0xb1: {  	v10 =	vld.idx.msk [tilespmem:v31+s30+$0x0], $0xffff  }
0xb2: {  	v34 =	vor.u32 $0x30F, v6;
	v8 =	vadd.f32 v13, v8  }
0xb3: {  	v11 =	vld.idx.msk [tilespmem:v32+s30+$0x0], $0xffff  }
0xb4: {  	v8 =	vadd.f32 v9, v8  }
0xb5: {  	v35 =	vld.idx.msk [tilespmem:v33+s30+$0x0], $0xffff  }
0xb6: {  	v8 =	vadd.f32 v10, v8  }
0xb7: {  	v36 =	vld.idx.msk [tilespmem:v34+s30+$0x0], $0xffff  }
0xb8: {  	v8 =	vadd.f32 v11, v8;
	_ =	sdelay $0x1  }
0xb9: {  	v8 =	vadd.f32 v35, v8;
	_ =	sdelay $0x1  }
0xba: {  	v8 =	vadd.f32 v36, v8;
	_ =	sdelay $0x1  }
0xbb: {  	v8 =	vsub.f32 $0.0e+00, v8;
	_ =	sdelay $0x1  }
0xbc: {  	v8 =	vmul.f32 $1.442695020e+00, v8;
	_ =	sdelay $0x1  }
0xbd: {  	(erf) = vpow2.f32 v8;
	_ =	sdelay $0x8  }
0xbe: {  	v8 =	vpop (erf)  }
0xbf: {  	v8 =	vadd.f32 $1.000000000e+00, v8;
	_ =	sdelay $0x1  }
0xc0: {  	(erf) = vrcp.f32 v8;
	_ =	sdelay $0x5  }
0xc1: {  	v37 =	vor.u32 $0x400, v6;
	_ =	sdelay $0x1  }
0xc2: {  	v38 =	vor.u32 $0x401, v6  }
0xc3: {  	v39 =	vpop (erf)  }
0xc4: {  	v40 =	vor.u32 $0x402, v6;
	[tilespmem:$0x13BB0] =	vst v39  }
0xc5: {  	v8 =	vld.idx.msk [tilespmem:v37+s30+$0x0], $0xffff  }
0xc6: {  	v41 =	vor.u32 $0x403, v6  }
0xc7: {  	v9 =	vld.idx.msk [tilespmem:v38+s30+$0x0], $0xffff  }
0xc8: {  	v42 =	vor.u32 $0x404, v6  }
0xc9: {  	v10 =	vld.idx.msk [tilespmem:v40+s30+$0x0], $0xffff  }
0xca: {  	v43 =	vor.u32 $0x405, v6;
	v8 =	vadd.f32 v8, v7  }
0xcb: {  	v11 =	vld.idx.msk [tilespmem:v41+s30+$0x0], $0xffff  }
0xcc: {  	v44 =	vor.u32 $0x406, v6;
	v8 =	vadd.f32 v9, v8  }
0xcd: {  	v12 =	vld.idx.msk [tilespmem:v42+s30+$0x0], $0xffff  }
0xce: {  	v45 =	vor.u32 $0x407, v6;
	v8 =	vadd.f32 v10, v8  }
0xcf: {  	v13 =	vld.idx.msk [tilespmem:v43+s30+$0x0], $0xffff  }
0xd0: {  	v46 =	vor.u32 $0x408, v6;
	v8 =	vadd.f32 v11, v8  }
0xd1: {  	v9 =	vld.idx.msk [tilespmem:v44+s30+$0x0], $0xffff  }
0xd2: {  	v47 =	vor.u32 $0x409, v6;
	v8 =	vadd.f32 v12, v8  }
0xd3: {  	v10 =	vld.idx.msk [tilespmem:v45+s30+$0x0], $0xffff  }
0xd4: {  	v48 =	vor.u32 $0x40A, v6;
	v8 =	vadd.f32 v13, v8  }
0xd5: {  	v11 =	vld.idx.msk [tilespmem:v46+s30+$0x0], $0xffff  }
0xd6: {  	v49 =	vor.u32 $0x40B, v6;
	v8 =	vadd.f32 v9, v8  }
0xd7: {  	v12 =	vld.idx.msk [tilespmem:v47+s30+$0x0], $0xffff  }
0xd8: {  	v50 =	vor.u32 $0x40C, v6;
	v8 =	vadd.f32 v10, v8  }
0xd9: {  	v13 =	vld.idx.msk [tilespmem:v48+s30+$0x0], $0xffff  }
0xda: {  	v51 =	vor.u32 $0x40D, v6;
	v8 =	vadd.f32 v11, v8  }
0xdb: {  	v9 =	vld.idx.msk [tilespmem:v49+s30+$0x0], $0xffff  }
0xdc: {  	v52 =	vor.u32 $0x40E, v6;
	v8 =	vadd.f32 v12, v8  }
0xdd: {  	v10 =	vld.idx.msk [tilespmem:v50+s30+$0x0], $0xffff  }
0xde: {  	v53 =	vor.u32 $0x40F, v6;
	v8 =	vadd.f32 v13, v8  }
0xdf: {  	v11 =	vld.idx.msk [tilespmem:v51+s30+$0x0], $0xffff  }
0xe0: {  	v8 =	vadd.f32 v9, v8  }
0xe1: {  	v54 =	vld.idx.msk [tilespmem:v52+s30+$0x0], $0xffff  }
0xe2: {  	v8 =	vadd.f32 v10, v8  }
0xe3: {  	v55 =	vld.idx.msk [tilespmem:v53+s30+$0x0], $0xffff  }
0xe4: {  	v8 =	vadd.f32 v11, v8;
	_ =	sdelay $0x1  }
0xe5: {  	v8 =	vadd.f32 v54, v8;
	_ =	sdelay $0x1  }
0xe6: {  	v8 =	vadd.f32 v55, v8;
	_ =	sdelay $0x1  }
0xe7: {  	v8 =	vsub.f32 $0.0e+00, v8;
	_ =	sdelay $0x1  }
0xe8: {  	v8 =	vmul.f32 $1.442695020e+00, v8;
	_ =	sdelay $0x1  }
0xe9: {  	(erf) = vpow2.f32 v8;
	_ =	sdelay $0x8  }
0xea: {  	v8 =	vpop (erf)  }
0xeb: {  	v8 =	vadd.f32 $1.000000000e+00, v8;
	_ =	sdelay $0x1  }
0xec: {  	(erf) = vrcp.f32 v8;
	_ =	sdelay $0x5  }
0xed: {  	v56 =	vor.u32 $0x500, v6;
	_ =	sdelay $0x1  }
0xee: {  	v57 =	vor.u32 $0x501, v6  }
0xef: {  	v58 =	vpop (erf)  }
0xf0: {  	v59 =	vor.u32 $0x502, v6;
	[tilespmem:$0x13BC0] =	vst v58  }
0xf1: {  	v8 =	vld.idx.msk [tilespmem:v56+s30+$0x0], $0xffff  }
0xf2: {  	v60 =	vor.u32 $0x503, v6  }
0xf3: {  	v9 =	vld.idx.msk [tilespmem:v57+s30+$0x0], $0xffff  }
0xf4: {  	v61 =	vor.u32 $0x504, v6  }
0xf5: {  	v10 =	vld.idx.msk [tilespmem:v59+s30+$0x0], $0xffff  }
0xf6: {  	v62 =	vor.u32 $0x505, v6;
	v8 =	vadd.f32 v8, v7  }
0xf7: {  	v11 =	vld.idx.msk [tilespmem:v60+s30+$0x0], $0xffff  }
0xf8: {  	v63 =	vor.u32 $0x506, v6;
	v8 =	vadd.f32 v9, v8  }
0xf9: {  	v12 =	vld.idx.msk [tilespmem:v61+s30+$0x0], $0xffff  }
0xfa: {  	v16 =	vor.u32 $0x507, v6;
	v8 =	vadd.f32 v10, v8  }
0xfb: {  	v13 =	vld.idx.msk [tilespmem:v62+s30+$0x0], $0xffff  }
0xfc: {  	v17 =	vor.u32 $0x508, v6;
	v8 =	vadd.f32 v11, v8  }
0xfd: {  	v9 =	vld.idx.msk [tilespmem:v63+s30+$0x0], $0xffff  }
0xfe: {  	v18 =	vor.u32 $0x509, v6;
	v8 =	vadd.f32 v12, v8  }
0xff: {  	v10 =	vld.idx.msk [tilespmem:v16+s30+$0x0], $0xffff  }
0x100: {  	v19 =	vor.u32 $0x50A, v6;
	v8 =	vadd.f32 v13, v8  }
0x101: {  	v11 =	vld.idx.msk [tilespmem:v17+s30+$0x0], $0xffff  }
0x102: {  	v20 =	vor.u32 $0x50B, v6;
	v8 =	vadd.f32 v9, v8  }
0x103: {  	v12 =	vld.idx.msk [tilespmem:v18+s30+$0x0], $0xffff  }
0x104: {  	v21 =	vor.u32 $0x50C, v6;
	v8 =	vadd.f32 v10, v8  }
0x105: {  	v13 =	vld.idx.msk [tilespmem:v19+s30+$0x0], $0xffff  }
0x106: {  	v22 =	vor.u32 $0x50D, v6;
	v8 =	vadd.f32 v11, v8  }
0x107: {  	v9 =	vld.idx.msk [tilespmem:v20+s30+$0x0], $0xffff  }
0x108: {  	v23 =	vor.u32 $0x50E, v6;
	v8 =	vadd.f32 v12, v8  }
0x109: {  	v10 =	vld.idx.msk [tilespmem:v21+s30+$0x0], $0xffff  }
0x10a: {  	v24 =	vor.u32 $0x50F, v6;
	v8 =	vadd.f32 v13, v8  }
0x10b: {  	v11 =	vld.idx.msk [tilespmem:v22+s30+$0x0], $0xffff  }
0x10c: {  	v8 =	vadd.f32 v9, v8  }
0x10d: {  	v25 =	vld.idx.msk [tilespmem:v23+s30+$0x0], $0xffff  }
0x10e: {  	v8 =	vadd.f32 v10, v8  }
0x10f: {  	v26 =	vld.idx.msk [tilespmem:v24+s30+$0x0], $0xffff  }
0x110: {  	v8 =	vadd.f32 v11, v8;
	_ =	sdelay $0x1  }
0x111: {  	v8 =	vadd.f32 v25, v8;
	_ =	sdelay $0x1  }
0x112: {  	v8 =	vadd.f32 v26, v8;
	_ =	sdelay $0x1  }
0x113: {  	v8 =	vsub.f32 $0.0e+00, v8;
	_ =	sdelay $0x1  }
0x114: {  	v8 =	vmul.f32 $1.442695020e+00, v8;
	_ =	sdelay $0x1  }
0x115: {  	(erf) = vpow2.f32 v8;
	_ =	sdelay $0x8  }
0x116: {  	v8 =	vpop (erf)  }
0x117: {  	v8 =	vadd.f32 $1.000000000e+00, v8;
	_ =	sdelay $0x1  }
0x118: {  	(erf) = vrcp.f32 v8;
	_ =	sdelay $0x5  }
0x119: {  	v27 =	vor.u32 $0x600, v6;
	_ =	sdelay $0x1  }
0x11a: {  	v28 =	vor.u32 $0x601, v6  }
0x11b: {  	v29 =	vpop (erf)  }
0x11c: {  	v30 =	vor.u32 $0x602, v6;
	[tilespmem:$0x13BD0] =	vst v29  }
0x11d: {  	v8 =	vld.idx.msk [tilespmem:v27+s30+$0x0], $0xffff  }
0x11e: {  	v31 =	vor.u32 $0x603, v6  }
0x11f: {  	v9 =	vld.idx.msk [tilespmem:v28+s30+$0x0], $0xffff  }
0x120: {  	v32 =	vor.u32 $0x604, v6  }
0x121: {  	v10 =	vld.idx.msk [tilespmem:v30+s30+$0x0], $0xffff  }
0x122: {  	v33 =	vor.u32 $0x605, v6;
	v8 =	vadd.f32 v8, v7  }
0x123: {  	v11 =	vld.idx.msk [tilespmem:v31+s30+$0x0], $0xffff  }
0x124: {  	v34 =	vor.u32 $0x606, v6;
	v8 =	vadd.f32 v9, v8  }
0x125: {  	v12 =	vld.idx.msk [tilespmem:v32+s30+$0x0], $0xffff  }
0x126: {  	v35 =	vor.u32 $0x607, v6;
	v8 =	vadd.f32 v10, v8  }
0x127: {  	v13 =	vld.idx.msk [tilespmem:v33+s30+$0x0], $0xffff  }
0x128: {  	v36 =	vor.u32 $0x608, v6;
	v8 =	vadd.f32 v11, v8  }
0x129: {  	v9 =	vld.idx.msk [tilespmem:v34+s30+$0x0], $0xffff  }
0x12a: {  	v37 =	vor.u32 $0x609, v6;
	v8 =	vadd.f32 v12, v8  }
0x12b: {  	v10 =	vld.idx.msk [tilespmem:v35+s30+$0x0], $0xffff  }
0x12c: {  	v38 =	vor.u32 $0x60A, v6;
	v8 =	vadd.f32 v13, v8  }
0x12d: {  	v11 =	vld.idx.msk [tilespmem:v36+s30+$0x0], $0xffff  }
0x12e: {  	v39 =	vor.u32 $0x60B, v6;
	v8 =	vadd.f32 v9, v8  }
0x12f: {  	v12 =	vld.idx.msk [tilespmem:v37+s30+$0x0], $0xffff  }
0x130: {  	v40 =	vor.u32 $0x60C, v6;
	v8 =	vadd.f32 v10, v8  }
0x131: {  	v13 =	vld.idx.msk [tilespmem:v38+s30+$0x0], $0xffff  }
0x132: {  	v41 =	vor.u32 $0x60D, v6;
	v8 =	vadd.f32 v11, v8  }
0x133: {  	v9 =	vld.idx.msk [tilespmem:v39+s30+$0x0], $0xffff  }
0x134: {  	v42 =	vor.u32 $0x60E, v6;
	v8 =	vadd.f32 v12, v8  }
0x135: {  	v10 =	vld.idx.msk [tilespmem:v40+s30+$0x0], $0xffff  }
0x136: {  	v43 =	vor.u32 $0x60F, v6;
	v8 =	vadd.f32 v13, v8  }
0x137: {  	v11 =	vld.idx.msk [tilespmem:v41+s30+$0x0], $0xffff  }
0x138: {  	v8 =	vadd.f32 v9, v8  }
0x139: {  	v44 =	vld.idx.msk [tilespmem:v42+s30+$0x0], $0xffff  }
0x13a: {  	v8 =	vadd.f32 v10, v8  }
0x13b: {  	v45 =	vld.idx.msk [tilespmem:v43+s30+$0x0], $0xffff  }
0x13c: {  	v8 =	vadd.f32 v11, v8;
	_ =	sdelay $0x1  }
0x13d: {  	v8 =	vadd.f32 v44, v8;
	_ =	sdelay $0x1  }
0x13e: {  	v8 =	vadd.f32 v45, v8;
	_ =	sdelay $0x1  }
0x13f: {  	v8 =	vsub.f32 $0.0e+00, v8;
	_ =	sdelay $0x1  }
0x140: {  	v8 =	vmul.f32 $1.442695020e+00, v8;
	_ =	sdelay $0x1  }
0x141: {  	(erf) = vpow2.f32 v8;
	_ =	sdelay $0x8  }
0x142: {  	v8 =	vpop (erf)  }
0x143: {  	v8 =	vadd.f32 $1.000000000e+00, v8;
	_ =	sdelay $0x1  }
0x144: {  	(erf) = vrcp.f32 v8;
	_ =	sdelay $0x5  }
0x145: {  	v46 =	vor.u32 $0x700, v6;
	_ =	sdelay $0x1  }
0x146: {  	v47 =	vor.u32 $0x701, v6  }
0x147: {  	v48 =	vpop (erf)  }
0x148: {  	v49 =	vor.u32 $0x702, v6;
	[tilespmem:$0x13BE0] =	vst v48  }
0x149: {  	v8 =	vld.idx.msk [tilespmem:v46+s30+$0x0], $0xffff  }
0x14a: {  	v50 =	vor.u32 $0x703, v6  }
0x14b: {  	v9 =	vld.idx.msk [tilespmem:v47+s30+$0x0], $0xffff  }
0x14c: {  	v51 =	vor.u32 $0x704, v6  }
0x14d: {  	v10 =	vld.idx.msk [tilespmem:v49+s30+$0x0], $0xffff  }
0x14e: {  	v52 =	vor.u32 $0x705, v6;
	v7 =	vadd.f32 v8, v7  }
0x14f: {  	v11 =	vld.idx.msk [tilespmem:v50+s30+$0x0], $0xffff  }
0x150: {  	v53 =	vor.u32 $0x706, v6;
	v7 =	vadd.f32 v9, v7  }
0x151: {  	v12 =	vld.idx.msk [tilespmem:v51+s30+$0x0], $0xffff  }
0x152: {  	v54 =	vor.u32 $0x707, v6;
	v7 =	vadd.f32 v10, v7  }
0x153: {  	v8 =	vld.idx.msk [tilespmem:v52+s30+$0x0], $0xffff  }
0x154: {  	v55 =	vor.u32 $0x708, v6;
	v7 =	vadd.f32 v11, v7  }
0x155: {  	v9 =	vld.idx.msk [tilespmem:v53+s30+$0x0], $0xffff  }
0x156: {  	v56 =	vor.u32 $0x709, v6;
	v7 =	vadd.f32 v12, v7  }
0x157: {  	v10 =	vld.idx.msk [tilespmem:v54+s30+$0x0], $0xffff  }
0x158: {  	v57 =	vor.u32 $0x70A, v6;
	v7 =	vadd.f32 v8, v7  }
0x159: {  	v11 =	vld.idx.msk [tilespmem:v55+s30+$0x0], $0xffff  }
0x15a: {  	v58 =	vor.u32 $0x70B, v6;
	v7 =	vadd.f32 v9, v7  }
0x15b: {  	v12 =	vld.idx.msk [tilespmem:v56+s30+$0x0], $0xffff  }
0x15c: {  	v59 =	vor.u32 $0x70C, v6;
	v7 =	vadd.f32 v10, v7  }
0x15d: {  	v8 =	vld.idx.msk [tilespmem:v57+s30+$0x0], $0xffff  }
0x15e: {  	v60 =	vor.u32 $0x70D, v6;
	v7 =	vadd.f32 v11, v7  }
0x15f: {  	v9 =	vld.idx.msk [tilespmem:v58+s30+$0x0], $0xffff  }
0x160: {  	v61 =	vor.u32 $0x70E, v6;
	v7 =	vadd.f32 v12, v7  }
0x161: {  	v10 =	vld.idx.msk [tilespmem:v59+s30+$0x0], $0xffff  }
0x162: {  	v6 =	vor.u32 $0x70F, v6;
	v7 =	vadd.f32 v8, v7  }
0x163: {  	v62 =	vld.idx.msk [tilespmem:v60+s30+$0x0], $0xffff  }
0x164: {  	v7 =	vadd.f32 v9, v7  }
0x165: {  	v63 =	vld.idx.msk [tilespmem:v61+s30+$0x0], $0xffff  }
0x166: {  	v7 =	vadd.f32 v10, v7  }
0x167: {  	v6 =	vld.idx.msk [tilespmem:v6+s30+$0x0], $0xffff  }
0x168: {  	v7 =	vadd.f32 v62, v7;
	_ =	sdelay $0x1  }
0x169: {  	v7 =	vadd.f32 v63, v7;
	_ =	sdelay $0x1  }
0x16a: {  	v6 =	vadd.f32 v6, v7;
	_ =	sdelay $0x1  }
0x16b: {  	v6 =	vsub.f32 $0.0e+00, v6;
	_ =	sdelay $0x1  }
0x16c: {  	v6 =	vmul.f32 $1.442695020e+00, v6;
	_ =	sdelay $0x1  }
0x16d: {  	(erf) = vpow2.f32 v6;
	_ =	sdelay $0x8  }
0x16e: {  	v6 =	vpop (erf)  }
0x16f: {  	v6 =	vadd.f32 $1.000000000e+00, v6;
	_ =	sdelay $0x1  }
0x170: {  	(erf) = vrcp.f32 v6;
	_ =	sdelay $0x7  }
0x171: {  	s1 =	sadd.s32 $0x1, s1  }
0x172: {  	p0 =	sne.s32 s1, s10;
	v6 =	vpop (erf)  }
.Ltmp1:
0x173: {  	s2 =	simm.s32 $0x13B80;
	[tilespmem:$0x13BF0] =	vst v6;
	(pc) =	sbr.rel @!p0 .LBB2_13-.Ltmp1, $4  }
0x174: {  	[hbm4b:s9+s5] =	stream.linear.scatter [tilespmem:s2], [sflag:$0x5], $0x80, $0x38;
	[tilespmem:$0x13C00] =	vst v63  }
0x175: {  	_ =	swait.ge [sflag:s11], $0x80  }
0x176: {  	[sflag:s11] =	ssyncset.done $0x0  }
0x177: {  	[sflag:s11] =	ssyncadd.s32 $0xFFFFFF80  }
.LBB2_1:
0x178: {  	s2 =	rddreg [dreg:$0x8]  }
0x179: {  	[tilespmem:s5], [sflag:$0x5] =	stream.linear.gather [hbm4b:s2+s5], $0x1000, $0x38;
	[tilespmem:$0x13C00] =	vst v63  }
0x17a: {  	_ =	swait.ge [sflag:s11], $0x1000  }
0x17b: {  	[sflag:s11] =	ssyncset.done $0x0  }
0x17c: {  	s3 =	simm.s32 $0x1000;
	s6 =	rddreg [dreg:$0x9];
	[sflag:s11] =	ssyncadd.s32 $0xFFFFF000  }
0x17d: {  	[tilespmem:s3], [sflag:$0x5] =	stream.linear.gather [hbm4b:s6+s5], $0x1000, $0x38;
	[tilespmem:$0x13C00] =	vst v63  }
0x17e: {  	_ =	swait.ge [sflag:s11], $0x1000  }
0x17f: {  	[sflag:s11] =	ssyncset.done $0x0  }
0x180: {  	s8 =	simm.s32 $0x2000;
	s7 =	rddreg [dreg:$0xa];
	[sflag:s11] =	ssyncadd.s32 $0xFFFFF000  }
0x181: {  	[tilespmem:s8], [sflag:$0x5] =	stream.linear.gather [hbm4b:s7+s5], $0x1000, $0x38;
	[tilespmem:$0x13C00] =	vst v63  }
0x182: {  	_ =	swait.ge [sflag:s11], $0x1000  }
0x183: {  	[sflag:s11] =	ssyncset.done $0x0  }
0x184: {  	[sflag:s11] =	ssyncadd.s32 $0xFFFFF000  }
0x185: {  	s13 =	simm.s32 $0x3000;
	s12 =	rddreg [dreg:$0x4]  }
0x186: {  	[tilespmem:s13], [sflag:$0x5] =	stream.linear.gather [hbm4b:s12+s5], $0x300, $0x38;
	[tilespmem:$0x13C00] =	vst v63  }
0x187: {  	_ =	swait.ge [sflag:s11], $0x300  }
0x188: {  	[sflag:s11] =	ssyncset.done $0x0  }
0x189: {  	[sflag:s11] =	ssyncadd.s32 $0xFFFFFD00  }
0x18a: {  	s15 =	simm.s32 $0x3300;
	s14 =	rddreg [dreg:$0x5]  }
0x18b: {  	[tilespmem:s15], [sflag:$0x5] =	stream.linear.gather [hbm4b:s14+s5], $0x80, $0x38;
	[tilespmem:$0x13C00] =	vst v63  }
0x18c: {  	_ =	swait.ge [sflag:s11], $0x80  }
0x18d: {  	[sflag:s11] =	ssyncset.done $0x0  }
0x18e: {  	[sflag:s11] =	ssyncadd.s32 $0xFFFFFF80  }
0x18f: {  	v6 =	vld [tilespmem:$0x0];
	_ =	sdelay $0x4  }
0x190: {  	v7 =	vshll.u32 v6, $0x1  }
0x191: {  	v6 =	vand.u32 $0x7, v6;
	v7 =	vand.u32 $0xFFFFFFF0, v7  }
0x192: {  	v6 =	vor.u32 v6, v7  }
0x193: {  	v7 =	vperm.xlane v6, v1;
	_ =	sdelay $0x1  }
0x194: {  	v6 =	vperm.xlane v6, v3;
	v7 =	vadd.s32 v2, v7;
	_ =	sdelay $0x1  }
0x195: {  	v6 =	vadd.s32 v2, v6;
	_ =	sdelay $0x1  }
0x196: {  	s16 =	simm.s32 $0x3380  }
0x197: {  	[tilespmem:s16], [sflag:$0x1] =	stream.indirect_vreg.gather [hbm4b:s0+s5], $0x80, v7, vm0, $0xb8;
	[tilespmem:$0x13C00] =	vst v63  }
0x198: {  	s31 =	simm.s32 $0x3B80  }
0x199: {  	[tilespmem:s31], [sflag:$0x1] =	stream.indirect_vreg.gather [hbm4b:s0+s5], $0x80, v6, vm0, $0xb8;
	[tilespmem:$0x13C00] =	vst v63  }
0x19a: {  	v6 =	vld [tilespmem:$0x10];
	_ =	sdelay $0x4  }
0x19b: {  	v7 =	vshll.u32 v6, $0x1  }
0x19c: {  	v6 =	vand.u32 $0x7, v6;
	v7 =	vand.u32 $0xFFFFFFF0, v7  }
0x19d: {  	v6 =	vor.u32 v6, v7  }
0x19e: {  	v7 =	vperm.xlane v6, v1;
	_ =	sdelay $0x1  }
0x19f: {  	v6 =	vperm.xlane v6, v3;
	v7 =	vadd.s32 v2, v7;
	_ =	sdelay $0x1  }
0x1a0: {  	v6 =	vadd.s32 v2, v6;
	_ =	sdelay $0x1  }
0x1a1: {  	s3 =	simm.s32 $0x4380  }
0x1a2: {  	[tilespmem:s3], [sflag:$0x1] =	stream.indirect_vreg.gather [hbm4b:s0+s5], $0x80, v7, vm0, $0xb8;
	[tilespmem:$0x13C00] =	vst v63  }
0x1a3: {  	s4 =	simm.s32 $0x4B80  }
0x1a4: {  	[tilespmem:s4], [sflag:$0x1] =	stream.indirect_vreg.gather [hbm4b:s0+s5], $0x80, v6, vm0, $0xb8;
	[tilespmem:$0x13C00] =	vst v63  }
0x1a5: {  	v6 =	vld [tilespmem:$0x1000];
	_ =	sdelay $0x4  }
0x1a6: {  	v7 =	vshll.u32 v6, $0x1  }
0x1a7: {  	v6 =	vand.u32 $0x7, v6;
	v7 =	vand.u32 $0xFFFFFFF0, v7  }
0x1a8: {  	v6 =	vor.u32 v6, v7  }
0x1a9: {  	v7 =	vperm.xlane v6, v1;
	_ =	sdelay $0x1  }
0x1aa: {  	v6 =	vperm.xlane v6, v3;
	v7 =	vadd.s32 v2, v7;
	_ =	sdelay $0x1  }
0x1ab: {  	v6 =	vadd.s32 v2, v6;
	_ =	sdelay $0x1  }
0x1ac: {  	s6 =	simm.s32 $0x5380  }
0x1ad: {  	[tilespmem:s6], [sflag:$0x1] =	stream.indirect_vreg.gather [hbm4b:s0+s5], $0x80, v7, vm0, $0xb8;
	[tilespmem:$0x13C00] =	vst v63  }
0x1ae: {  	s7 =	simm.s32 $0x5B80  }
0x1af: {  	[tilespmem:s7], [sflag:$0x1] =	stream.indirect_vreg.gather [hbm4b:s0+s5], $0x80, v6, vm0, $0xb8;
	[tilespmem:$0x13C00] =	vst v63  }
0x1b0: {  	v6 =	vld [tilespmem:$0x1010];
	_ =	sdelay $0x4  }
0x1b1: {  	v7 =	vshll.u32 v6, $0x1  }
0x1b2: {  	v6 =	vand.u32 $0x7, v6;
	v7 =	vand.u32 $0xFFFFFFF0, v7  }
0x1b3: {  	v6 =	vor.u32 v6, v7  }
0x1b4: {  	v7 =	vperm.xlane v6, v1;
	_ =	sdelay $0x1  }
0x1b5: {  	v6 =	vperm.xlane v6, v3;
	v7 =	vadd.s32 v2, v7;
	_ =	sdelay $0x1  }
0x1b6: {  	v6 =	vadd.s32 v2, v6;
	_ =	sdelay $0x1  }
0x1b7: {  	s8 =	simm.s32 $0x6380  }
0x1b8: {  	[tilespmem:s8], [sflag:$0x1] =	stream.indirect_vreg.gather [hbm4b:s0+s5], $0x80, v7, vm0, $0xb8;
	[tilespmem:$0x13C00] =	vst v63  }
0x1b9: {  	s12 =	simm.s32 $0x6B80  }
0x1ba: {  	[tilespmem:s12], [sflag:$0x1] =	stream.indirect_vreg.gather [hbm4b:s0+s5], $0x80, v6, vm0, $0xb8;
	[tilespmem:$0x13C00] =	vst v63  }
0x1bb: {  	v6 =	vld [tilespmem:$0x20];
	_ =	sdelay $0x4  }
0x1bc: {  	v7 =	vshll.u32 v6, $0x1  }
0x1bd: {  	v6 =	vand.u32 $0x7, v6;
	v7 =	vand.u32 $0xFFFFFFF0, v7  }
0x1be: {  	v6 =	vor.u32 v6, v7  }
0x1bf: {  	v7 =	vperm.xlane v6, v1;
	_ =	sdelay $0x1  }
0x1c0: {  	v6 =	vperm.xlane v6, v3;
	v7 =	vadd.s32 v2, v7;
	_ =	sdelay $0x1  }
0x1c1: {  	v6 =	vadd.s32 v2, v6;
	_ =	sdelay $0x1  }
0x1c2: {  	s13 =	simm.s32 $0x7380  }
0x1c3: {  	[tilespmem:s13], [sflag:$0x2] =	stream.indirect_vreg.gather [hbm4b:s0+s5], $0x80, v7, vm0, $0xb8;
	[tilespmem:$0x13C00] =	vst v63  }
0x1c4: {  	s14 =	simm.s32 $0x7B80  }
0x1c5: {  	[tilespmem:s14], [sflag:$0x2] =	stream.indirect_vreg.gather [hbm4b:s0+s5], $0x80, v6, vm0, $0xb8;
	[tilespmem:$0x13C00] =	vst v63  }
0x1c6: {  	v6 =	vld [tilespmem:$0x30];
	_ =	sdelay $0x4  }
0x1c7: {  	v7 =	vshll.u32 v6, $0x1  }
0x1c8: {  	v6 =	vand.u32 $0x7, v6;
	v7 =	vand.u32 $0xFFFFFFF0, v7  }
0x1c9: {  	v6 =	vor.u32 v6, v7  }
0x1ca: {  	v7 =	vperm.xlane v6, v1;
	_ =	sdelay $0x1  }
0x1cb: {  	v6 =	vperm.xlane v6, v3;
	v7 =	vadd.s32 v2, v7;
	_ =	sdelay $0x1  }
0x1cc: {  	v6 =	vadd.s32 v2, v6;
	_ =	sdelay $0x1  }
0x1cd: {  	s15 =	simm.s32 $0x8380  }
0x1ce: {  	[tilespmem:s15], [sflag:$0x2] =	stream.indirect_vreg.gather [hbm4b:s0+s5], $0x80, v7, vm0, $0xb8;
	[tilespmem:$0x13C00] =	vst v63  }
0x1cf: {  	s16 =	simm.s32 $0x8B80  }
0x1d0: {  	[tilespmem:s16], [sflag:$0x2] =	stream.indirect_vreg.gather [hbm4b:s0+s5], $0x80, v6, vm0, $0xb8;
	[tilespmem:$0x13C00] =	vst v63  }
0x1d1: {  	v6 =	vld [tilespmem:$0x1020];
	_ =	sdelay $0x4  }
0x1d2: {  	v7 =	vshll.u32 v6, $0x1  }
0x1d3: {  	v6 =	vand.u32 $0x7, v6;
	v7 =	vand.u32 $0xFFFFFFF0, v7  }
0x1d4: {  	v6 =	vor.u32 v6, v7  }
0x1d5: {  	v7 =	vperm.xlane v6, v1;
	_ =	sdelay $0x1  }
0x1d6: {  	v6 =	vperm.xlane v6, v3;
	v7 =	vadd.s32 v2, v7;
	_ =	sdelay $0x1  }
0x1d7: {  	v6 =	vadd.s32 v2, v6;
	_ =	sdelay $0x1  }
0x1d8: {  	s31 =	simm.s32 $0x9380  }
0x1d9: {  	[tilespmem:s31], [sflag:$0x2] =	stream.indirect_vreg.gather [hbm4b:s0+s5], $0x80, v7, vm0, $0xb8;
	[tilespmem:$0x13C00] =	vst v63  }
0x1da: {  	s3 =	simm.s32 $0x9B80  }
0x1db: {  	[tilespmem:s3], [sflag:$0x2] =	stream.indirect_vreg.gather [hbm4b:s0+s5], $0x80, v6, vm0, $0xb8;
	[tilespmem:$0x13C00] =	vst v63  }
0x1dc: {  	v6 =	vld [tilespmem:$0x1030];
	_ =	sdelay $0x4  }
0x1dd: {  	v7 =	vshll.u32 v6, $0x1  }
0x1de: {  	v6 =	vand.u32 $0x7, v6;
	v7 =	vand.u32 $0xFFFFFFF0, v7  }
0x1df: {  	v6 =	vor.u32 v6, v7  }
0x1e0: {  	v7 =	vperm.xlane v6, v1;
	_ =	sdelay $0x1  }
0x1e1: {  	v6 =	vperm.xlane v6, v3;
	v7 =	vadd.s32 v2, v7;
	_ =	sdelay $0x1  }
0x1e2: {  	v6 =	vadd.s32 v2, v6;
	_ =	sdelay $0x1  }
0x1e3: {  	s4 =	simm.s32 $0xA380  }
0x1e4: {  	[tilespmem:s4], [sflag:$0x2] =	stream.indirect_vreg.gather [hbm4b:s0+s5], $0x80, v7, vm0, $0xb8;
	[tilespmem:$0x13C00] =	vst v63  }
0x1e5: {  	s6 =	simm.s32 $0xAB80  }
0x1e6: {  	[tilespmem:s6], [sflag:$0x2] =	stream.indirect_vreg.gather [hbm4b:s0+s5], $0x80, v6, vm0, $0xb8;
	[tilespmem:$0x13C00] =	vst v63  }
0x1e7: {  	v6 =	vld [tilespmem:$0x40];
	_ =	sdelay $0x4  }
0x1e8: {  	v7 =	vshll.u32 v6, $0x1  }
0x1e9: {  	v6 =	vand.u32 $0x7, v6;
	v7 =	vand.u32 $0xFFFFFFF0, v7  }
0x1ea: {  	v6 =	vor.u32 v6, v7  }
0x1eb: {  	v7 =	vperm.xlane v6, v1;
	_ =	sdelay $0x1  }
0x1ec: {  	v6 =	vperm.xlane v6, v3;
	v7 =	vadd.s32 v2, v7;
	_ =	sdelay $0x1  }
0x1ed: {  	v6 =	vadd.s32 v2, v6;
	_ =	sdelay $0x1  }
0x1ee: {  	s7 =	simm.s32 $0xB380  }
0x1ef: {  	[tilespmem:s7], [sflag:$0x3] =	stream.indirect_vreg.gather [hbm4b:s0+s5], $0x80, v7, vm0, $0xb8;
	[tilespmem:$0x13C00] =	vst v63  }
0x1f0: {  	s8 =	simm.s32 $0xBB80  }
0x1f1: {  	[tilespmem:s8], [sflag:$0x3] =	stream.indirect_vreg.gather [hbm4b:s0+s5], $0x80, v6, vm0, $0xb8;
	[tilespmem:$0x13C00] =	vst v63  }
0x1f2: {  	v6 =	vld [tilespmem:$0x50];
	_ =	sdelay $0x4  }
0x1f3: {  	v7 =	vshll.u32 v6, $0x1  }
0x1f4: {  	v6 =	vand.u32 $0x7, v6;
	v7 =	vand.u32 $0xFFFFFFF0, v7  }
0x1f5: {  	v6 =	vor.u32 v6, v7  }
0x1f6: {  	v7 =	vperm.xlane v6, v1;
	_ =	sdelay $0x1  }
0x1f7: {  	v6 =	vperm.xlane v6, v3;
	v7 =	vadd.s32 v2, v7;
	_ =	sdelay $0x1  }
0x1f8: {  	v6 =	vadd.s32 v2, v6;
	_ =	sdelay $0x1  }
0x1f9: {  	s12 =	simm.s32 $0xC380  }
0x1fa: {  	[tilespmem:s12], [sflag:$0x3] =	stream.indirect_vreg.gather [hbm4b:s0+s5], $0x80, v7, vm0, $0xb8;
	[tilespmem:$0x13C00] =	vst v63  }
0x1fb: {  	s13 =	simm.s32 $0xCB80  }
0x1fc: {  	[tilespmem:s13], [sflag:$0x3] =	stream.indirect_vreg.gather [hbm4b:s0+s5], $0x80, v6, vm0, $0xb8;
	[tilespmem:$0x13C00] =	vst v63  }
0x1fd: {  	v6 =	vld [tilespmem:$0x1040];
	_ =	sdelay $0x4  }
0x1fe: {  	v7 =	vshll.u32 v6, $0x1  }
0x1ff: {  	v6 =	vand.u32 $0x7, v6;
	v7 =	vand.u32 $0xFFFFFFF0, v7  }
0x200: {  	v6 =	vor.u32 v6, v7  }
0x201: {  	v7 =	vperm.xlane v6, v1;
	_ =	sdelay $0x1  }
0x202: {  	v6 =	vperm.xlane v6, v3;
	v7 =	vadd.s32 v2, v7;
	_ =	sdelay $0x1  }
0x203: {  	v6 =	vadd.s32 v2, v6;
	_ =	sdelay $0x1  }
0x204: {  	s14 =	simm.s32 $0xD380  }
0x205: {  	[tilespmem:s14], [sflag:$0x3] =	stream.indirect_vreg.gather [hbm4b:s0+s5], $0x80, v7, vm0, $0xb8;
	[tilespmem:$0x13C00] =	vst v63  }
0x206: {  	s15 =	simm.s32 $0xDB80  }
0x207: {  	[tilespmem:s15], [sflag:$0x3] =	stream.indirect_vreg.gather [hbm4b:s0+s5], $0x80, v6, vm0, $0xb8;
	[tilespmem:$0x13C00] =	vst v63  }
0x208: {  	v6 =	vld [tilespmem:$0x1050];
	_ =	sdelay $0x4  }
0x209: {  	v7 =	vshll.u32 v6, $0x1  }
0x20a: {  	v6 =	vand.u32 $0x7, v6;
	v7 =	vand.u32 $0xFFFFFFF0, v7  }
0x20b: {  	v6 =	vor.u32 v6, v7  }
0x20c: {  	v7 =	vperm.xlane v6, v1;
	_ =	sdelay $0x1  }
0x20d: {  	v6 =	vperm.xlane v6, v3;
	v7 =	vadd.s32 v2, v7;
	_ =	sdelay $0x1  }
0x20e: {  	v6 =	vadd.s32 v2, v6;
	_ =	sdelay $0x1  }
0x20f: {  	s16 =	simm.s32 $0xE380  }
0x210: {  	[tilespmem:s16], [sflag:$0x3] =	stream.indirect_vreg.gather [hbm4b:s0+s5], $0x80, v7, vm0, $0xb8;
	[tilespmem:$0x13C00] =	vst v63  }
0x211: {  	s31 =	simm.s32 $0xEB80  }
0x212: {  	[tilespmem:s31], [sflag:$0x3] =	stream.indirect_vreg.gather [hbm4b:s0+s5], $0x80, v6, vm0, $0xb8;
	[tilespmem:$0x13C00] =	vst v63  }
0x213: {  	v6 =	vld [tilespmem:$0x60];
	_ =	sdelay $0x4  }
0x214: {  	v7 =	vshll.u32 v6, $0x1  }
0x215: {  	v6 =	vand.u32 $0x7, v6;
	v7 =	vand.u32 $0xFFFFFFF0, v7  }
0x216: {  	v6 =	vor.u32 v6, v7  }
0x217: {  	v7 =	vperm.xlane v6, v1;
	_ =	sdelay $0x1  }
0x218: {  	v6 =	vperm.xlane v6, v3;
	v7 =	vadd.s32 v2, v7;
	_ =	sdelay $0x1  }
0x219: {  	v6 =	vadd.s32 v2, v6;
	_ =	sdelay $0x2  }
0x21a: {  	[tilespmem:s17], [sflag:$0x4] =	stream.indirect_vreg.gather [hbm4b:s0+s5], $0x80, v7, vm0, $0xb8;
	[tilespmem:$0x13C00] =	vst v63  }
0x21b: {  	_ = 	snop  }
0x21c: {  	[tilespmem:s18], [sflag:$0x4] =	stream.indirect_vreg.gather [hbm4b:s0+s5], $0x80, v6, vm0, $0xb8;
	[tilespmem:$0x13C00] =	vst v63  }
0x21d: {  	v6 =	vld [tilespmem:$0x70];
	_ =	sdelay $0x4  }
0x21e: {  	v7 =	vshll.u32 v6, $0x1  }
0x21f: {  	v6 =	vand.u32 $0x7, v6;
	v7 =	vand.u32 $0xFFFFFFF0, v7  }
0x220: {  	v6 =	vor.u32 v6, v7  }
0x221: {  	v7 =	vperm.xlane v6, v1;
	_ =	sdelay $0x1  }
0x222: {  	v6 =	vperm.xlane v6, v3;
	v7 =	vadd.s32 v2, v7;
	_ =	sdelay $0x1  }
0x223: {  	v6 =	vadd.s32 v2, v6;
	_ =	sdelay $0x2  }
0x224: {  	[tilespmem:s19], [sflag:$0x4] =	stream.indirect_vreg.gather [hbm4b:s0+s5], $0x80, v7, vm0, $0xb8;
	[tilespmem:$0x13C00] =	vst v63  }
0x225: {  	_ = 	snop  }
0x226: {  	[tilespmem:s20], [sflag:$0x4] =	stream.indirect_vreg.gather [hbm4b:s0+s5], $0x80, v6, vm0, $0xb8;
	[tilespmem:$0x13C00] =	vst v63  }
0x227: {  	v6 =	vld [tilespmem:$0x1060];
	_ =	sdelay $0x4  }
0x228: {  	v7 =	vshll.u32 v6, $0x1  }
0x229: {  	v6 =	vand.u32 $0x7, v6;
	v7 =	vand.u32 $0xFFFFFFF0, v7  }
0x22a: {  	v6 =	vor.u32 v6, v7  }
0x22b: {  	v7 =	vperm.xlane v6, v1;
	_ =	sdelay $0x1  }
0x22c: {  	v6 =	vperm.xlane v6, v3;
	v7 =	vadd.s32 v2, v7;
	_ =	sdelay $0x1  }
0x22d: {  	v6 =	vadd.s32 v2, v6;
	_ =	sdelay $0x2  }
0x22e: {  	[tilespmem:s21], [sflag:$0x4] =	stream.indirect_vreg.gather [hbm4b:s0+s5], $0x80, v7, vm0, $0xb8;
	[tilespmem:$0x13C00] =	vst v63  }
0x22f: {  	_ = 	snop  }
0x230: {  	[tilespmem:s22], [sflag:$0x4] =	stream.indirect_vreg.gather [hbm4b:s0+s5], $0x80, v6, vm0, $0xb8;
	[tilespmem:$0x13C00] =	vst v63  }
0x231: {  	v6 =	vld [tilespmem:$0x1070];
	_ =	sdelay $0x4  }
0x232: {  	v7 =	vshll.u32 v6, $0x1  }
0x233: {  	v6 =	vand.u32 $0x7, v6;
	v7 =	vand.u32 $0xFFFFFFF0, v7  }
0x234: {  	v6 =	vor.u32 v6, v7  }
0x235: {  	v7 =	vperm.xlane v6, v1;
	_ =	sdelay $0x1  }
0x236: {  	v6 =	vperm.xlane v6, v3;
	v7 =	vadd.s32 v2, v7;
	_ =	sdelay $0x1  }
0x237: {  	v6 =	vadd.s32 v2, v6;
	_ =	sdelay $0x2  }
0x238: {  	[tilespmem:s23], [sflag:$0x4] =	stream.indirect_vreg.gather [hbm4b:s0+s5], $0x80, v7, vm0, $0xb8;
	[tilespmem:$0x13C00] =	vst v63  }
0x239: {  	s3 =	simm.s32 $0x0  }
0x23a: {  	[tilespmem:s24], [sflag:$0x4] =	stream.indirect_vreg.gather [hbm4b:s0+s5], $0x80, v6, vm0, $0xb8;
	[tilespmem:$0x13C00] =	vst v63  }
.LBB2_2:
0x23b: {  	_ =	swait.ge [sflag:s25], $0x4000  }
0x23c: {  	s2 =	sshll.u32 s3, $0x7;
	[sflag:s25] =	ssyncset.done $0x0  }
0x23d: {  	s6 =	sand.u32 $0x3FFFFF80, s2;
	[sflag:s25] =	ssyncadd.s32 $0xFFFFC000  }
0x23e: {  	s4 =	simm.s32 $0x0;
	v21 =	vld [tilespmem:s6+$0x2000]  }
0x23f: {  	s14 =	simm.s32 $0x3000;
	s7 =	sand.u32 $0x70, s4;
	s12 =	sand.u32 $0x400, s4;
	v36 =	vld [tilespmem:s6+$0x2010]  }
0x240: {  	s15 =	sor.u32 s7, s12;
	v8 =	vld [tilespmem:s14+$0x0]  }
0x241: {  	v6 =	vld [tilespmem:s15+$0x3380]  }
0x242: {  	v7 =	vld [tilespmem:s15+$0x5380]  }
0x243: {  	v10 =	vld [tilespmem:s15+$0x3400]  }
0x244: {  	v12 =	vld [tilespmem:s15+$0x5400];
	v9 =	vbroadcast v21, $0x0  }
0x245: {  	v14 =	vld [tilespmem:s15+$0x3480];
	v11 =	vbroadcast v21, $0x1  }
0x246: {  	v16 =	vld [tilespmem:s15+$0x5480];
	v13 =	vbroadcast v21, $0x2;
	v9 =	vpack.i.f32.bf16 v9, v9  }
0x247: {  	v17 =	vld [tilespmem:s15+$0x3500];
	v61 =	vbroadcast v36, $0x9;
	v11 =	vpack.i.f32.bf16 v11, v11;
	v15 =	vmul.bf16 v6, v9  }
0x248: {  	v19 =	vld [tilespmem:s15+$0x5500];
	v6 =	vpack.i.f32.bf16 v13, v13;
	v13 =	vbroadcast v21, $0x3;
	v18 =	vmul.bf16 v7, v9  }
0x249: {  	v20 =	vld [tilespmem:s15+$0x3580];
	v10 =	vmul.bf16 v10, v11;
	v12 =	vmul.bf16 v12, v11;
	v15 =	vadd.bf16 v15, v8  }
0x24a: {  	v22 =	vld [tilespmem:s15+$0x3600];
	v7 =	vpack.i.f32.bf16 v13, v13;
	v13 =	vbroadcast v21, $0x4;
	v18 =	vadd.bf16 v18, v8  }
0x24b: {  	v23 =	vld [tilespmem:s15+$0x3680];
	v14 =	vmul.bf16 v14, v6;
	v16 =	vmul.bf16 v16, v6;
	v10 =	vadd.bf16 v10, v15  }
0x24c: {  	s16 =	sor.u32 s4, s4;
	v15 =	vld [tilespmem:s15+$0x5580];
	v8 =	vpack.i.f32.bf16 v13, v13;
	v13 =	vbroadcast v21, $0x5;
	v12 =	vadd.bf16 v12, v18  }
0x24d: {  	s7 =	sor.u32 $0x380, s16;
	v17 =	vmul.bf16 v17, v7;
	v19 =	vmul.bf16 v19, v7;
	v18 =	vld [tilespmem:s15+$0x5600];
	v14 =	vadd.bf16 v14, v10  }
0x24e: {  	v24 =	vld [tilespmem:s7+$0x3380];
	v10 =	vpack.i.f32.bf16 v13, v13;
	v13 =	vbroadcast v21, $0x6;
	v16 =	vadd.bf16 v16, v12  }
0x24f: {  	v48 =	vbroadcast v36, $0xA;
	v14 =	vadd.bf16 v17, v14;
	v17 =	vmul.bf16 v20, v8;
	v20 =	vld [tilespmem:s15+$0x5680]  }
0x250: {  	v25 =	vld [tilespmem:s15+$0x3B80];
	v12 =	vpack.i.f32.bf16 v13, v13;
	v13 =	vbroadcast v21, $0x7;
	v16 =	vadd.bf16 v19, v16  }
0x251: {  	v19 =	vld [tilespmem:s15+$0x5700];
	v15 =	vmul.bf16 v15, v8;
	v14 =	vadd.bf16 v17, v14;
	v17 =	vmul.bf16 v22, v10  }
0x252: {  	v26 =	vld [tilespmem:s15+$0x3C00];
	v18 =	vmul.bf16 v18, v10;
	v13 =	vpack.i.f32.bf16 v13, v13;
	v22 =	vbroadcast v21, $0x8  }
0x253: {  	v15 =	vadd.bf16 v15, v16;
	v16 =	vadd.bf16 v17, v14;
	v17 =	vmul.bf16 v23, v12;
	v23 =	vld [tilespmem:s15+$0x5B80]  }
0x254: {  	v27 =	vld [tilespmem:s15+$0x3C80];
	v14 =	vpack.i.f32.bf16 v22, v22;
	v22 =	vbroadcast v21, $0x9;
	v20 =	vmul.bf16 v20, v12  }
0x255: {  	v18 =	vadd.bf16 v18, v15;
	v16 =	vadd.bf16 v17, v16;
	v17 =	vmul.bf16 v24, v13;
	v24 =	vld [tilespmem:s15+$0x5C00]  }
0x256: {  	v28 =	vld [tilespmem:s15+$0x3D00];
	v19 =	vmul.bf16 v19, v13;
	v15 =	vpack.i.f32.bf16 v22, v22;
	v22 =	vbroadcast v21, $0xA  }
0x257: {  	v18 =	vadd.bf16 v20, v18;
	v20 =	vmul.bf16 v25, v14;
	v25 =	vld [tilespmem:s15+$0x5C80];
	v17 =	vadd.bf16 v17, v16  }
0x258: {  	v29 =	vld [tilespmem:s15+$0x3D80];
	v16 =	vpack.i.f32.bf16 v22, v22;
	v22 =	vbroadcast v21, $0xB;
	v23 =	vmul.bf16 v23, v14  }
0x259: {  	v18 =	vadd.bf16 v19, v18;
	v19 =	vadd.bf16 v20, v17;
	v20 =	vmul.bf16 v26, v15;
	v26 =	vld [tilespmem:s15+$0x5D00]  }
0x25a: {  	v30 =	vld [tilespmem:s15+$0x3E00];
	v17 =	vpack.i.f32.bf16 v22, v22;
	v22 =	vbroadcast v21, $0xC;
	v24 =	vmul.bf16 v24, v15  }
0x25b: {  	v23 =	vadd.bf16 v23, v18;
	v19 =	vadd.bf16 v20, v19;
	v20 =	vmul.bf16 v27, v16;
	v27 =	vld [tilespmem:s15+$0x5D80]  }
0x25c: {  	v31 =	vld [tilespmem:s15+$0x3E80];
	v18 =	vpack.i.f32.bf16 v22, v22;
	v22 =	vbroadcast v21, $0xD;
	v25 =	vmul.bf16 v25, v16  }
0x25d: {  	v23 =	vadd.bf16 v24, v23;
	v24 =	vmul.bf16 v28, v17;
	v28 =	vld [tilespmem:s15+$0x5E00];
	v20 =	vadd.bf16 v20, v19  }
0x25e: {  	v32 =	vld [tilespmem:s15+$0x4380];
	v19 =	vpack.i.f32.bf16 v22, v22;
	v22 =	vbroadcast v21, $0xE;
	v26 =	vmul.bf16 v26, v17  }
0x25f: {  	v23 =	vadd.bf16 v25, v23;
	v25 =	vmul.bf16 v29, v18;
	v29 =	vld [tilespmem:s15+$0x5E80];
	v24 =	vadd.bf16 v24, v20  }
0x260: {  	v21 =	vbroadcast v21, $0xF;
	v20 =	vpack.i.f32.bf16 v22, v22;
	v22 =	vmul.bf16 v27, v18;
	v27 =	vld [tilespmem:s15+$0x3F00]  }
0x261: {  	v23 =	vadd.bf16 v26, v23;
	v26 =	vld [tilespmem:s15+$0x5F00];
	v24 =	vadd.bf16 v25, v24;
	v25 =	vmul.bf16 v30, v19  }
0x262: {  	v33 =	vld [tilespmem:s15+$0x4400];
	v21 =	vpack.i.f32.bf16 v21, v21;
	v30 =	vbroadcast v36, $0x0;
	v28 =	vmul.bf16 v28, v19  }
0x263: {  	v23 =	vadd.bf16 v22, v23;
	v24 =	vadd.bf16 v25, v24;
	v25 =	vmul.bf16 v31, v20;
	v31 =	vld [tilespmem:s15+$0x6380]  }
0x264: {  	v51 =	vld [tilespmem:s15+$0x6480];
	v22 =	vpack.i.f32.bf16 v30, v30;
	v30 =	vbroadcast v36, $0x1;
	v29 =	vmul.bf16 v29, v20  }
0x265: {  	v34 =	vld [tilespmem:s15+$0x4480];
	v28 =	vadd.bf16 v28, v23;
	v24 =	vadd.bf16 v25, v24;
	v25 =	vmul.bf16 v27, v21  }
0x266: {  	v27 =	vld [tilespmem:s15+$0x6400];
	v23 =	vpack.i.f32.bf16 v30, v30;
	v30 =	vbroadcast v36, $0x2;
	v26 =	vmul.bf16 v26, v21  }
0x267: {  	v52 =	vld [tilespmem:s15+$0x6500];
	v28 =	vadd.bf16 v29, v28;
	v29 =	vmul.bf16 v32, v22;
	v25 =	vadd.bf16 v25, v24  }
0x268: {  	v35 =	vld [tilespmem:s15+$0x4500];
	v24 =	vpack.i.f32.bf16 v30, v30;
	v30 =	vbroadcast v36, $0x3;
	v31 =	vmul.bf16 v31, v22  }
0x269: {  	v37 =	vld [tilespmem:s15+$0x4580];
	v26 =	vadd.bf16 v26, v28;
	v32 =	vmul.bf16 v51, v24;
	v51 =	vbroadcast v36, $0xB  }
0x26a: {  	v53 =	vld [tilespmem:s15+$0x6580];
	v28 =	vadd.bf16 v29, v25;
	v29 =	vmul.bf16 v33, v23;
	v25 =	vpack.i.f32.bf16 v30, v30  }
0x26b: {  	v38 =	vld [tilespmem:s15+$0x4600];
	v30 =	vbroadcast v36, $0x4;
	v27 =	vmul.bf16 v27, v23;
	v31 =	vadd.bf16 v31, v26  }
0x26c: {  	v54 =	vld [tilespmem:s15+$0x6600];
	v33 =	vmul.bf16 v52, v25;
	v28 =	vadd.bf16 v29, v28;
	v29 =	vmul.bf16 v34, v24  }
0x26d: {  	v26 =	vpack.i.f32.bf16 v30, v30;
	v30 =	vbroadcast v36, $0x5;
	v31 =	vadd.bf16 v27, v31  }
0x26e: {  	v39 =	vld [tilespmem:s15+$0x4680];
	v55 =	vmul.bf16 v37, v26;
	v28 =	vadd.bf16 v29, v28;
	v29 =	vmul.bf16 v35, v25  }
0x26f: {  	v56 =	vld [tilespmem:s15+$0x6680];
	v34 =	vmul.bf16 v53, v26;
	v27 =	vpack.i.f32.bf16 v30, v30;
	v30 =	vbroadcast v36, $0x6  }
0x270: {  	v40 =	vld [tilespmem:s15+$0x4700];
	v31 =	vadd.bf16 v32, v31;
	v57 =	vmul.bf16 v38, v27;
	v29 =	vadd.bf16 v29, v28  }
0x271: {  	v58 =	vld [tilespmem:s15+$0x6700];
	v35 =	vmul.bf16 v54, v27;
	v54 =	vbroadcast v36, $0xC  }
0x272: {  	v41 =	vld [tilespmem:s15+$0x4B80];
	v28 =	vpack.i.f32.bf16 v30, v30;
	v31 =	vadd.bf16 v33, v31;
	v32 =	vadd.bf16 v55, v29  }
0x273: {  	v60 =	vld [tilespmem:s15+$0x6B80];
	v30 =	vbroadcast v36, $0x7;
	v59 =	vmul.bf16 v39, v28  }
0x274: {  	v42 =	vld [tilespmem:s15+$0x4C00];
	v37 =	vmul.bf16 v56, v28;
	v31 =	vadd.bf16 v34, v31;
	v32 =	vadd.bf16 v57, v32  }
0x275: {  	v63 =	vld [tilespmem:s15+$0x6C00];
	v56 =	vbroadcast v36, $0xD;
	v29 =	vpack.i.f32.bf16 v30, v30;
	v30 =	vbroadcast v36, $0x8  }
0x276: {  	v43 =	vld [tilespmem:s15+$0x4C80];
	v62 =	vmul.bf16 v40, v29;
	v35 =	vadd.bf16 v35, v31;
	v32 =	vadd.bf16 v59, v32  }
0x277: {  	v50 =	vld [tilespmem:s15+$0x6C80];
	v38 =	vmul.bf16 v58, v29;
	v30 =	vpack.i.f32.bf16 v30, v30;
	v31 =	vpack.i.f32.bf16 v61, v61  }
0x278: {  	v44 =	vld [tilespmem:s15+$0x4D00];
	v49 =	vmul.bf16 v41, v30;
	v35 =	vadd.bf16 v37, v35;
	v33 =	vadd.bf16 v62, v32  }
0x279: {  	v45 =	vld [tilespmem:s15+$0x4D80];
	v34 =	vmul.bf16 v60, v30;
	v52 =	vmul.bf16 v42, v31  }
0x27a: {  	v53 =	vld [tilespmem:s15+$0x6D00];
	v40 =	vmul.bf16 v63, v31;
	v35 =	vadd.bf16 v38, v35;
	v37 =	vadd.bf16 v49, v33  }
0x27b: {  	v46 =	vld [tilespmem:s15+$0x6D80];
	v59 =	vbroadcast v36, $0xE;
	v36 =	vbroadcast v36, $0xF;
	v32 =	vpack.i.f32.bf16 v48, v48  }
0x27c: {  	v47 =	vld [tilespmem:s15+$0x4E00];
	v55 =	vmul.bf16 v43, v32;
	v35 =	vadd.bf16 v34, v35;
	v37 =	vadd.bf16 v52, v37  }
0x27d: {  	v58 =	vld [tilespmem:s15+$0x6E00];
	v41 =	vmul.bf16 v50, v32;
	v33 =	vpack.i.f32.bf16 v51, v51;
	v34 =	vpack.i.f32.bf16 v54, v54  }
0x27e: {  	v49 =	vld [tilespmem:s15+$0x4E80];
	v57 =	vmul.bf16 v44, v33;
	v40 =	vadd.bf16 v40, v35;
	v37 =	vadd.bf16 v55, v37  }
0x27f: {  	v48 =	vmul.bf16 v53, v33;
	v60 =	vmul.bf16 v45, v34  }
0x280: {  	v43 =	vld [tilespmem:s15+$0x6E80];
	v35 =	vpack.i.f32.bf16 v56, v56;
	v40 =	vadd.bf16 v41, v40;
	v38 =	vadd.bf16 v57, v37  }
0x281: {  	s31 =	sand.u32 $0xF0, s4;
	v42 =	vld [tilespmem:s15+$0x4F00];
	v61 =	vmul.bf16 v46, v34;
	v63 =	vmul.bf16 v47, v35  }
0x282: {  	v39 =	vld [tilespmem:s31+$0x3200];
	v37 =	vpack.i.f32.bf16 v59, v59;
	v40 =	vadd.bf16 v48, v40;
	v62 =	vadd.bf16 v60, v38  }
0x283: {  	s13 =	simm.s32 $0x3010;
	s4 =	simm.s32 $0x10;
	s12 =	simm.s32 $0x80;
	v36 =	vpack.i.f32.bf16 v36, v36;
	v44 =	vmul.bf16 v58, v35;
	v41 =	vld [tilespmem:s15+$0x6F00];
	v46 =	vmul.bf16 v49, v37  }
0x284: {  	s6 =	sand.u32 $0x70, s4;
	s14 =	simm.s32 $0x20;
	s15 =	sand.u32 $0x400, s12;
	v38 =	vimm.bf16 $0.0e+00;
	v47 =	vadd.bf16 v61, v40;
	v40 =	vld [tilespmem:s31+$0x3100];
	v45 =	vadd.bf16 v63, v62  }
.LBB2_3:
0x285: {  	p0 =	sne.s32 s14, $0xF0;
	v48 =	vld [tilespmem:s13+$0x0];
	s15 =	sor.u32 s6, s15;
	v43 =	vmul.bf16 v43, v37  }
0x286: {  	v49 =	vld [tilespmem:s15+$0x3380];
	v44 =	vadd.bf16 v44, v47;
	v45 =	vadd.bf16 v46, v45;
	v42 =	vmul.bf16 v42, v36  }
0x287: {  	v46 =	vld [tilespmem:s15+$0x5380]  }
0x288: {  	v47 =	vld [tilespmem:s15+$0x3400];
	v43 =	vadd.bf16 v43, v44;
	v42 =	vadd.bf16 v42, v45;
	v41 =	vmul.bf16 v41, v36  }
0x289: {  	v44 =	vld [tilespmem:s15+$0x5400]  }
0x28a: {  	v45 =	vld [tilespmem:s15+$0x3480];
	v41 =	vadd.bf16 v41, v43;
	v42 =	vmax.bf16 v42, v4  }
0x28b: {  	v43 =	vmul.bf16 v49, v9;
	v49 =	vld [tilespmem:s15+$0x5480];
	v42 =	vmin.bf16 v42, v5  }
0x28c: {  	v46 =	vmul.bf16 v46, v9;
	v50 =	vld [tilespmem:s15+$0x3500];
	v41 =	vmax.bf16 v41, v4;
	v40 =	vmul.bf16 v42, v40  }
0x28d: {  	v42 =	vadd.bf16 v43, v48;
	v43 =	vmul.bf16 v47, v11;
	v47 =	vld [tilespmem:s15+$0x5500];
	v41 =	vmin.bf16 v41, v5  }
0x28e: {  	v44 =	vmul.bf16 v44, v11;
	v51 =	vld [tilespmem:s15+$0x3580];
	v38 =	vadd.bf16 v40, v38;
	v39 =	vmul.bf16 v41, v39  }
0x28f: {  	v40 =	vadd.bf16 v46, v48;
	v41 =	vadd.bf16 v43, v42;
	v42 =	vmul.bf16 v45, v6;
	v43 =	vld [tilespmem:s15+$0x5580]  }
0x290: {  	v45 =	vmul.bf16 v49, v6;
	v46 =	vld [tilespmem:s15+$0x3600];
	v38 =	vadd.bf16 v39, v38  }
0x291: {  	v39 =	vadd.bf16 v44, v40;
	v40 =	vadd.bf16 v42, v41;
	v41 =	vmul.bf16 v50, v7;
	v42 =	vld [tilespmem:s15+$0x5600]  }
0x292: {  	s6 =	sor.u32 s12, s4;
	v44 =	vmul.bf16 v47, v7;
	v47 =	vld [tilespmem:s15+$0x3680]  }
0x293: {  	s6 =	sor.u32 $0x380, s6;
	v39 =	vadd.bf16 v45, v39;
	v40 =	vadd.bf16 v41, v40;
	v41 =	vmul.bf16 v51, v8;
	v45 =	vld [tilespmem:s15+$0x5680]  }
0x294: {  	v43 =	vmul.bf16 v43, v8;
	v48 =	vld [tilespmem:s6+$0x3380]  }
0x295: {  	v39 =	vadd.bf16 v44, v39;
	v40 =	vadd.bf16 v41, v40;
	v41 =	vmul.bf16 v46, v10;
	v44 =	vld [tilespmem:s15+$0x5700]  }
0x296: {  	v42 =	vmul.bf16 v42, v10;
	v46 =	vld [tilespmem:s15+$0x3B80]  }
0x297: {  	v39 =	vadd.bf16 v43, v39;
	v40 =	vadd.bf16 v41, v40;
	v41 =	vmul.bf16 v47, v12;
	v43 =	vld [tilespmem:s15+$0x5B80]  }
0x298: {  	v45 =	vmul.bf16 v45, v12;
	v47 =	vld [tilespmem:s15+$0x3C00]  }
0x299: {  	v39 =	vadd.bf16 v42, v39;
	v40 =	vadd.bf16 v41, v40;
	v41 =	vmul.bf16 v48, v13;
	v42 =	vld [tilespmem:s15+$0x5C00]  }
0x29a: {  	v44 =	vmul.bf16 v44, v13;
	v48 =	vld [tilespmem:s15+$0x3C80]  }
0x29b: {  	v39 =	vadd.bf16 v45, v39;
	v40 =	vadd.bf16 v41, v40;
	v41 =	vmul.bf16 v46, v14;
	v45 =	vld [tilespmem:s15+$0x5C80]  }
0x29c: {  	v43 =	vmul.bf16 v43, v14;
	v46 =	vld [tilespmem:s15+$0x3D00]  }
0x29d: {  	v39 =	vadd.bf16 v44, v39;
	v40 =	vadd.bf16 v41, v40;
	v41 =	vmul.bf16 v47, v15;
	v44 =	vld [tilespmem:s15+$0x5D00]  }
0x29e: {  	v42 =	vmul.bf16 v42, v15;
	v47 =	vld [tilespmem:s15+$0x3D80]  }
0x29f: {  	v39 =	vadd.bf16 v43, v39;
	v40 =	vadd.bf16 v41, v40;
	v41 =	vmul.bf16 v48, v16;
	v43 =	vld [tilespmem:s15+$0x5D80]  }
0x2a0: {  	v45 =	vmul.bf16 v45, v16;
	v48 =	vld [tilespmem:s15+$0x3E00]  }
0x2a1: {  	v39 =	vadd.bf16 v42, v39;
	v40 =	vadd.bf16 v41, v40;
	v41 =	vmul.bf16 v46, v17;
	v42 =	vld [tilespmem:s15+$0x5E00]  }
0x2a2: {  	v44 =	vmul.bf16 v44, v17;
	v46 =	vld [tilespmem:s15+$0x3E80]  }
0x2a3: {  	v39 =	vadd.bf16 v45, v39;
	v40 =	vadd.bf16 v41, v40;
	v41 =	vmul.bf16 v47, v18;
	v45 =	vld [tilespmem:s15+$0x5E80]  }
0x2a4: {  	v43 =	vmul.bf16 v43, v18;
	v47 =	vld [tilespmem:s15+$0x3F00]  }
0x2a5: {  	v39 =	vadd.bf16 v44, v39;
	v40 =	vadd.bf16 v41, v40;
	v41 =	vmul.bf16 v48, v19;
	v44 =	vld [tilespmem:s15+$0x5F00]  }
0x2a6: {  	v42 =	vmul.bf16 v42, v19;
	v48 =	vld [tilespmem:s15+$0x4380]  }
0x2a7: {  	v39 =	vadd.bf16 v43, v39;
	v40 =	vadd.bf16 v41, v40;
	v41 =	vmul.bf16 v46, v20;
	v43 =	vld [tilespmem:s15+$0x6380]  }
0x2a8: {  	v45 =	vmul.bf16 v45, v20;
	v46 =	vld [tilespmem:s15+$0x4400]  }
0x2a9: {  	v39 =	vadd.bf16 v42, v39;
	v40 =	vadd.bf16 v41, v40;
	v41 =	vmul.bf16 v47, v21;
	v42 =	vld [tilespmem:s15+$0x6400]  }
0x2aa: {  	v44 =	vmul.bf16 v44, v21;
	v47 =	vld [tilespmem:s15+$0x4480]  }
0x2ab: {  	v39 =	vadd.bf16 v45, v39;
	v40 =	vadd.bf16 v41, v40;
	v41 =	vmul.bf16 v48, v22;
	v45 =	vld [tilespmem:s15+$0x6480]  }
0x2ac: {  	v43 =	vmul.bf16 v43, v22;
	v48 =	vld [tilespmem:s15+$0x4500]  }
0x2ad: {  	v39 =	vadd.bf16 v44, v39;
	v40 =	vadd.bf16 v41, v40;
	v41 =	vmul.bf16 v46, v23;
	v44 =	vld [tilespmem:s15+$0x6500]  }
0x2ae: {  	v42 =	vmul.bf16 v42, v23;
	v46 =	vld [tilespmem:s15+$0x4580]  }
0x2af: {  	v39 =	vadd.bf16 v43, v39;
	v40 =	vadd.bf16 v41, v40;
	v41 =	vmul.bf16 v47, v24;
	v43 =	vld [tilespmem:s15+$0x6580]  }
0x2b0: {  	v45 =	vmul.bf16 v45, v24;
	v47 =	vld [tilespmem:s15+$0x4600]  }
0x2b1: {  	v39 =	vadd.bf16 v42, v39;
	v40 =	vadd.bf16 v41, v40;
	v41 =	vmul.bf16 v48, v25;
	v42 =	vld [tilespmem:s15+$0x6600]  }
0x2b2: {  	v44 =	vmul.bf16 v44, v25;
	v48 =	vld [tilespmem:s15+$0x4680]  }
0x2b3: {  	v39 =	vadd.bf16 v45, v39;
	v40 =	vadd.bf16 v41, v40;
	v41 =	vmul.bf16 v46, v26;
	v45 =	vld [tilespmem:s15+$0x6680]  }
0x2b4: {  	v43 =	vmul.bf16 v43, v26;
	v46 =	vld [tilespmem:s15+$0x4700]  }
0x2b5: {  	v39 =	vadd.bf16 v44, v39;
	v40 =	vadd.bf16 v41, v40;
	v41 =	vmul.bf16 v47, v27;
	v44 =	vld [tilespmem:s15+$0x6700]  }
0x2b6: {  	v42 =	vmul.bf16 v42, v27;
	v47 =	vld [tilespmem:s15+$0x4B80]  }
0x2b7: {  	v39 =	vadd.bf16 v43, v39;
	v40 =	vadd.bf16 v41, v40;
	v41 =	vmul.bf16 v48, v28;
	v43 =	vld [tilespmem:s15+$0x6B80]  }
0x2b8: {  	v45 =	vmul.bf16 v45, v28;
	v48 =	vld [tilespmem:s15+$0x4C00]  }
0x2b9: {  	v39 =	vadd.bf16 v42, v39;
	v40 =	vadd.bf16 v41, v40;
	v41 =	vmul.bf16 v46, v29;
	v42 =	vld [tilespmem:s15+$0x6C00]  }
0x2ba: {  	v44 =	vmul.bf16 v44, v29;
	v46 =	vld [tilespmem:s15+$0x4C80]  }
0x2bb: {  	v39 =	vadd.bf16 v45, v39;
	v40 =	vadd.bf16 v41, v40;
	v41 =	vmul.bf16 v47, v30;
	v45 =	vld [tilespmem:s15+$0x6C80]  }
0x2bc: {  	v43 =	vmul.bf16 v43, v30;
	v47 =	vld [tilespmem:s15+$0x4D00]  }
0x2bd: {  	v39 =	vadd.bf16 v44, v39;
	v40 =	vadd.bf16 v41, v40;
	v41 =	vmul.bf16 v48, v31;
	v44 =	vld [tilespmem:s15+$0x6D00]  }
0x2be: {  	v42 =	vmul.bf16 v42, v31;
	v48 =	vld [tilespmem:s15+$0x4D80]  }
0x2bf: {  	v39 =	vadd.bf16 v43, v39;
	v40 =	vadd.bf16 v41, v40;
	v41 =	vmul.bf16 v46, v32;
	v46 =	vld [tilespmem:s15+$0x6D80]  }
0x2c0: {  	v43 =	vmul.bf16 v45, v32;
	v45 =	vld [tilespmem:s15+$0x4E00]  }
0x2c1: {  	v39 =	vadd.bf16 v42, v39;
	v40 =	vadd.bf16 v41, v40;
	v41 =	vmul.bf16 v47, v33;
	v47 =	vld [tilespmem:s15+$0x6E00]  }
0x2c2: {  	v44 =	vmul.bf16 v44, v33;
	v49 =	vld [tilespmem:s15+$0x4E80]  }
.Ltmp2:
0x2c3: {  	v39 =	vadd.bf16 v43, v39;
	v40 =	vadd.bf16 v41, v40;
	v41 =	vmul.bf16 v48, v34;
	v43 =	vld [tilespmem:s15+$0x6E80];
	(pc) =	sbr.rel @p0 .LBB2_3-.Ltmp2, $4  }
0x2c4: {  	s7 =	sand.u32 $0xF0, s4;
	s4 =	smov.u32 s14;
	v46 =	vmul.bf16 v46, v34;
	v42 =	vld [tilespmem:s15+$0x4F00]  }
0x2c5: {  	v48 =	vadd.bf16 v44, v39;
	v40 =	vadd.bf16 v41, v40;
	v45 =	vmul.bf16 v45, v35;
	v39 =	vld [tilespmem:s7+$0x3200]  }
0x2c6: {  	s12 =	sadd.s32 $0x80, s12;
	s13 =	sadd.s32 $0x10, s13;
	v44 =	vmul.bf16 v47, v35;
	v41 =	vld [tilespmem:s15+$0x6F00]  }
0x2c7: {  	s14 =	sadd.s32 $0x10, s14;
	s6 =	sand.u32 $0x70, s4;
	s15 =	sand.u32 $0x400, s12;
	v47 =	vadd.bf16 v46, v48;
	v45 =	vadd.bf16 v45, v40;
	v46 =	vmul.bf16 v49, v37;
	v40 =	vld [tilespmem:s7+$0x3100]  }
0x2c8: {  	v48 =	vld [tilespmem:s13+$0x0];
	s6 =	sor.u32 s6, s15  }
0x2c9: {  	v49 =	vld [tilespmem:s6+$0x3380]  }
0x2ca: {  	v50 =	vld [tilespmem:s6+$0x5380]  }
0x2cb: {  	v51 =	vld [tilespmem:s6+$0x3400]  }
0x2cc: {  	v52 =	vld [tilespmem:s6+$0x5400]  }
0x2cd: {  	v53 =	vld [tilespmem:s6+$0x3480]  }
0x2ce: {  	v54 =	vld [tilespmem:s6+$0x5480];
	v49 =	vmul.bf16 v49, v9  }
0x2cf: {  	v55 =	vld [tilespmem:s6+$0x3500];
	v9 =	vmul.bf16 v50, v9  }
0x2d0: {  	v59 =	vld [tilespmem:s6+$0x5500];
	v58 =	vmul.bf16 v51, v11;
	v49 =	vadd.bf16 v49, v48  }
0x2d1: {  	v60 =	vld [tilespmem:s6+$0x3580];
	v11 =	vmul.bf16 v52, v11;
	v9 =	vadd.bf16 v9, v48  }
0x2d2: {  	v63 =	vld [tilespmem:s6+$0x5580];
	v62 =	vmul.bf16 v53, v6;
	v61 =	vadd.bf16 v58, v49  }
0x2d3: {  	v56 =	vld [tilespmem:s6+$0x3600];
	v6 =	vmul.bf16 v54, v6;
	v9 =	vadd.bf16 v11, v9  }
0x2d4: {  	s7 =	sor.u32 s12, s4;
	v57 =	vmul.bf16 v55, v7;
	v58 =	vld [tilespmem:s6+$0x5600];
	v11 =	vadd.bf16 v62, v61  }
0x2d5: {  	s7 =	sor.u32 $0x380, s7;
	v7 =	vmul.bf16 v59, v7;
	v59 =	vld [tilespmem:s6+$0x3680];
	v6 =	vadd.bf16 v6, v9  }
0x2d6: {  	v61 =	vld [tilespmem:s7+$0x3380];
	v9 =	vadd.bf16 v57, v11;
	v11 =	vmul.bf16 v60, v8  }
0x2d7: {  	v60 =	vld [tilespmem:s6+$0x5680];
	v8 =	vmul.bf16 v63, v8;
	v6 =	vadd.bf16 v7, v6  }
0x2d8: {  	v7 =	vadd.bf16 v11, v9;
	v9 =	vmul.bf16 v56, v10;
	v11 =	vld [tilespmem:s6+$0x5700]  }
0x2d9: {  	v62 =	vld [tilespmem:s6+$0x3B80];
	v10 =	vmul.bf16 v58, v10;
	v6 =	vadd.bf16 v8, v6  }
0x2da: {  	v8 =	vmul.bf16 v59, v12;
	v7 =	vadd.bf16 v9, v7;
	v9 =	vld [tilespmem:s6+$0x5B80]  }
0x2db: {  	v63 =	vld [tilespmem:s6+$0x3C00];
	v6 =	vadd.bf16 v10, v6  }
0x2dc: {  	v10 =	vld [tilespmem:s6+$0x5C00];
	v12 =	vmul.bf16 v60, v12;
	v7 =	vadd.bf16 v8, v7;
	v8 =	vmul.bf16 v61, v13  }
0x2dd: {  	v11 =	vmul.bf16 v11, v13;
	v13 =	vld [tilespmem:s6+$0x3C80]  }
0x2de: {  	v6 =	vadd.bf16 v12, v6;
	v12 =	vld [tilespmem:s6+$0x5C80];
	v7 =	vadd.bf16 v8, v7;
	v8 =	vmul.bf16 v62, v14  }
0x2df: {  	v9 =	vmul.bf16 v9, v14;
	v14 =	vld [tilespmem:s6+$0x3D00]  }
0x2e0: {  	v6 =	vadd.bf16 v11, v6;
	v11 =	vld [tilespmem:s6+$0x5D00];
	v7 =	vadd.bf16 v8, v7;
	v8 =	vmul.bf16 v63, v15  }
0x2e1: {  	v10 =	vmul.bf16 v10, v15;
	v15 =	vld [tilespmem:s6+$0x3D80]  }
0x2e2: {  	v6 =	vadd.bf16 v9, v6;
	v9 =	vld [tilespmem:s6+$0x5D80];
	v7 =	vadd.bf16 v8, v7;
	v8 =	vmul.bf16 v13, v16  }
0x2e3: {  	v12 =	vmul.bf16 v12, v16;
	v13 =	vld [tilespmem:s6+$0x3E00]  }
0x2e4: {  	v6 =	vadd.bf16 v10, v6;
	v10 =	vld [tilespmem:s6+$0x5E00];
	v7 =	vadd.bf16 v8, v7;
	v8 =	vmul.bf16 v14, v17  }
0x2e5: {  	v11 =	vmul.bf16 v11, v17;
	v14 =	vld [tilespmem:s6+$0x3E80]  }
0x2e6: {  	v6 =	vadd.bf16 v12, v6;
	v12 =	vld [tilespmem:s6+$0x5E80];
	v7 =	vadd.bf16 v8, v7;
	v8 =	vmul.bf16 v15, v18  }
0x2e7: {  	v9 =	vmul.bf16 v9, v18;
	v15 =	vld [tilespmem:s6+$0x3F00]  }
0x2e8: {  	v6 =	vadd.bf16 v11, v6;
	v11 =	vld [tilespmem:s6+$0x5F00];
	v7 =	vadd.bf16 v8, v7;
	v8 =	vmul.bf16 v13, v19  }
0x2e9: {  	v10 =	vmul.bf16 v10, v19;
	v13 =	vld [tilespmem:s6+$0x4380]  }
0x2ea: {  	v6 =	vadd.bf16 v9, v6;
	v9 =	vld [tilespmem:s6+$0x6380];
	v7 =	vadd.bf16 v8, v7;
	v8 =	vmul.bf16 v14, v20  }
0x2eb: {  	v12 =	vmul.bf16 v12, v20;
	v14 =	vld [tilespmem:s6+$0x4400]  }
0x2ec: {  	v6 =	vadd.bf16 v10, v6;
	v10 =	vld [tilespmem:s6+$0x6400];
	v7 =	vadd.bf16 v8, v7;
	v8 =	vmul.bf16 v15, v21  }
0x2ed: {  	v11 =	vmul.bf16 v11, v21;
	v15 =	vld [tilespmem:s6+$0x4480]  }
0x2ee: {  	v6 =	vadd.bf16 v12, v6;
	v12 =	vld [tilespmem:s6+$0x6480];
	v7 =	vadd.bf16 v8, v7;
	v8 =	vmul.bf16 v13, v22  }
0x2ef: {  	v9 =	vmul.bf16 v9, v22;
	v13 =	vld [tilespmem:s6+$0x4500]  }
0x2f0: {  	v6 =	vadd.bf16 v11, v6;
	v11 =	vld [tilespmem:s6+$0x6500];
	v7 =	vadd.bf16 v8, v7;
	v8 =	vmul.bf16 v14, v23  }
0x2f1: {  	v10 =	vmul.bf16 v10, v23;
	v14 =	vld [tilespmem:s6+$0x4580]  }
0x2f2: {  	v6 =	vadd.bf16 v9, v6;
	v9 =	vld [tilespmem:s6+$0x6580];
	v7 =	vadd.bf16 v8, v7;
	v8 =	vmul.bf16 v15, v24  }
0x2f3: {  	v12 =	vmul.bf16 v12, v24;
	v15 =	vld [tilespmem:s6+$0x4600]  }
0x2f4: {  	v6 =	vadd.bf16 v10, v6;
	v10 =	vld [tilespmem:s6+$0x6600];
	v7 =	vadd.bf16 v8, v7;
	v8 =	vmul.bf16 v13, v25  }
0x2f5: {  	v11 =	vmul.bf16 v11, v25;
	v13 =	vld [tilespmem:s6+$0x4680]  }
0x2f6: {  	v6 =	vadd.bf16 v12, v6;
	v12 =	vld [tilespmem:s6+$0x6680];
	v7 =	vadd.bf16 v8, v7;
	v8 =	vmul.bf16 v14, v26  }
0x2f7: {  	v9 =	vmul.bf16 v9, v26;
	v14 =	vld [tilespmem:s6+$0x4700]  }
0x2f8: {  	v6 =	vadd.bf16 v11, v6;
	v11 =	vld [tilespmem:s6+$0x6700];
	v7 =	vadd.bf16 v8, v7;
	v8 =	vmul.bf16 v15, v27  }
0x2f9: {  	v10 =	vmul.bf16 v10, v27;
	v15 =	vld [tilespmem:s6+$0x4B80]  }
0x2fa: {  	v6 =	vadd.bf16 v9, v6;
	v9 =	vld [tilespmem:s6+$0x6B80];
	v7 =	vadd.bf16 v8, v7;
	v8 =	vmul.bf16 v13, v28  }
0x2fb: {  	v12 =	vmul.bf16 v12, v28;
	v13 =	vld [tilespmem:s6+$0x4C00]  }
0x2fc: {  	v6 =	vadd.bf16 v10, v6;
	v10 =	vld [tilespmem:s6+$0x6C00];
	v7 =	vadd.bf16 v8, v7;
	v8 =	vmul.bf16 v14, v29  }
0x2fd: {  	v11 =	vmul.bf16 v11, v29;
	v14 =	vld [tilespmem:s6+$0x4C80]  }
0x2fe: {  	v6 =	vadd.bf16 v12, v6;
	v12 =	vld [tilespmem:s6+$0x6C80];
	v7 =	vadd.bf16 v8, v7;
	v8 =	vmul.bf16 v15, v30  }
0x2ff: {  	v9 =	vmul.bf16 v9, v30;
	v15 =	vld [tilespmem:s6+$0x4D00]  }
0x300: {  	v6 =	vadd.bf16 v11, v6;
	v11 =	vld [tilespmem:s6+$0x6D00];
	v7 =	vadd.bf16 v8, v7;
	v8 =	vmul.bf16 v13, v31  }
0x301: {  	v10 =	vmul.bf16 v10, v31;
	v13 =	vld [tilespmem:s6+$0x4D80]  }
0x302: {  	v6 =	vadd.bf16 v9, v6;
	v9 =	vld [tilespmem:s6+$0x6D80];
	v7 =	vadd.bf16 v8, v7;
	v8 =	vmul.bf16 v14, v32  }
0x303: {  	v16 =	vadd.bf16 v44, v47;
	v17 =	vld [tilespmem:s6+$0x4E00];
	v18 =	vmul.bf16 v42, v36;
	v12 =	vmul.bf16 v12, v32  }
0x304: {  	v6 =	vadd.bf16 v10, v6;
	v10 =	vld [tilespmem:s6+$0x6E00];
	v7 =	vadd.bf16 v8, v7;
	v8 =	vmul.bf16 v15, v33  }
0x305: {  	v19 =	vld [tilespmem:s6+$0x4E80];
	v14 =	vmul.bf16 v43, v37;
	v15 =	vadd.bf16 v46, v45;
	v11 =	vmul.bf16 v11, v33  }
0x306: {  	v6 =	vadd.bf16 v12, v6;
	v12 =	vld [tilespmem:s6+$0x6E80];
	v7 =	vadd.bf16 v8, v7;
	v8 =	vmul.bf16 v13, v34  }
0x307: {  	v13 =	vadd.bf16 v14, v16;
	v14 =	vadd.bf16 v18, v15;
	v9 =	vmul.bf16 v9, v34;
	v15 =	vld [tilespmem:s6+$0x4F00]  }
0x308: {  	v6 =	vadd.bf16 v11, v6;
	v7 =	vadd.bf16 v8, v7;
	v8 =	vmul.bf16 v17, v35  }
0x309: {  	v16 =	vld [tilespmem:s6+$0x6F00];
	v11 =	vmul.bf16 v41, v36;
	v14 =	vmax.bf16 v14, v4;
	v10 =	vmul.bf16 v10, v35  }
0x30a: {  	v6 =	vadd.bf16 v9, v6;
	v7 =	vadd.bf16 v8, v7;
	v8 =	vmul.bf16 v19, v37  }
0x30b: {  	v9 =	vadd.bf16 v11, v13;
	v11 =	vmin.bf16 v14, v5;
	v12 =	vmul.bf16 v12, v37  }
0x30c: {  	s12 =	sand.u32 $0xF0, s4;
	v6 =	vadd.bf16 v10, v6;
	v7 =	vadd.bf16 v8, v7;
	v8 =	vmul.bf16 v15, v36  }
0x30d: {  	v9 =	vmax.bf16 v9, v4;
	v10 =	vmul.bf16 v11, v40;
	v11 =	vld [tilespmem:s12+$0x3100]  }
0x30e: {  	v6 =	vadd.bf16 v12, v6;
	v7 =	vadd.bf16 v8, v7;
	v8 =	vmul.bf16 v16, v36  }
0x30f: {  	v9 =	vmin.bf16 v9, v5;
	v10 =	vadd.bf16 v10, v38;
	v12 =	vld [tilespmem:s12+$0x3200]  }
0x310: {  	v9 =	vmul.bf16 v9, v39;
	v6 =	vadd.bf16 v8, v6;
	v7 =	vmax.bf16 v7, v4  }
0x311: {  	v7 =	vmin.bf16 v7, v5  }
0x312: {  	v8 =	vadd.bf16 v9, v10;
	v6 =	vmax.bf16 v6, v4;
	v7 =	vmul.bf16 v7, v11  }
0x313: {  	v6 =	vmin.bf16 v6, v5  }
0x314: {  	v7 =	vadd.bf16 v7, v8;
	v6 =	vmul.bf16 v6, v12;
	_ =	sdelay $0x1  }
0x315: {  	v6 =	vadd.bf16 v6, v7;
	_ =	sdelay $0x1  }
0x316: {  	v7 =	vunpack.i.u.bf16.f32 v6;
	v6 =	vunpack.i.l.bf16.f32 v6  }
0x317: {  	s13 =	sshll.u32 s3, $0x6;
	v6 =	vadd.f32 v6, v7  }
0x318: {  	p0 =	seq.s32 s3, $0x1F;
	s4 =	sand.u32 $0x3FFFFFC0, s13  }
0x319: {  	[tilespmem:s4+$0x13380] =	vst v6;
	s4 =	sshll.u32 @!p0 s3, $0x7  }
0x31a: {  	v6 =	vld @!p0 [tilespmem:s4+$0x80];
	_ =	sdelay $0x4  }
0x31b: {  	v7 =	vshll.u32 @!p0 v6, $0x1  }
0x31c: {  	v8 =	vlaneseq.u32 @!p0;
	v6 =	vand.u32 @!p0 $0x7, v6;
	v7 =	vand.u32 @!p0 $0xFFFFFFF0, v7  }
0x31d: {  	v9 =	vshrl.u32 @!p0 v8, $0x3;
	v6 =	vor.u32 @!p0 v6, v7;
	v7 =	vand.u32 @!p0 $0x7, v8  }
0x31e: {  	v9 =	vmul.u32 @!p0 $0x8, v9;
	v10 =	vperm.xlane @!p0 v6, v7  }
0x31f: {  	v8 =	vor.u32 @!p0 $0x8, v8  }
0x320: {  	v6 =	vperm.xlane @!p0 v6, v8;
	v10 =	vadd.s32 @!p0 v9, v10;
	_ =	sdelay $0x1  }
0x321: {  	v6 =	vadd.s32 @!p0 v9, v6;
	_ =	sdelay $0x1  }
0x322: {  	vm1 =	vmmov @!p0 $0xffff;
	s7 =	simm.s32 @!p0 $0x3380;
	s6 =	simm.s32 @!p0 $0x0  }
0x323: {  	[tilespmem:s7], [sflag:$0x1] =	stream.indirect_vreg.gather @!p0 [hbm4b:s0+s6], $0x80, v10, vm1, $0xb8;
	[tilespmem:$0x13C00] =	vst v63  }
0x324: {  	s7 =	simm.s32 @!p0 $0x3B80  }
0x325: {  	[tilespmem:s7], [sflag:$0x1] =	stream.indirect_vreg.gather @!p0 [hbm4b:s0+s6], $0x80, v6, vm1, $0xb8;
	[tilespmem:$0x13C00] =	vst v63  }
0x326: {  	v6 =	vld @!p0 [tilespmem:s4+$0x90];
	_ =	sdelay $0x4  }
0x327: {  	v10 =	vshll.u32 @!p0 v6, $0x1  }
0x328: {  	v6 =	vand.u32 @!p0 $0x7, v6;
	v10 =	vand.u32 @!p0 $0xFFFFFFF0, v10  }
0x329: {  	v6 =	vor.u32 @!p0 v6, v10  }
0x32a: {  	v10 =	vperm.xlane @!p0 v6, v7;
	_ =	sdelay $0x1  }
0x32b: {  	v6 =	vperm.xlane @!p0 v6, v8;
	v10 =	vadd.s32 @!p0 v9, v10;
	_ =	sdelay $0x1  }
0x32c: {  	v6 =	vadd.s32 @!p0 v9, v6;
	_ =	sdelay $0x1  }
0x32d: {  	s7 =	simm.s32 @!p0 $0x4380  }
0x32e: {  	[tilespmem:s7], [sflag:$0x1] =	stream.indirect_vreg.gather @!p0 [hbm4b:s0+s6], $0x80, v10, vm1, $0xb8;
	[tilespmem:$0x13C00] =	vst v63  }
0x32f: {  	s7 =	simm.s32 @!p0 $0x4B80  }
0x330: {  	[tilespmem:s7], [sflag:$0x1] =	stream.indirect_vreg.gather @!p0 [hbm4b:s0+s6], $0x80, v6, vm1, $0xb8;
	[tilespmem:$0x13C00] =	vst v63  }
0x331: {  	v6 =	vld @!p0 [tilespmem:s4+$0x1080];
	_ =	sdelay $0x4  }
0x332: {  	v10 =	vshll.u32 @!p0 v6, $0x1  }
0x333: {  	v6 =	vand.u32 @!p0 $0x7, v6;
	v10 =	vand.u32 @!p0 $0xFFFFFFF0, v10  }
0x334: {  	v6 =	vor.u32 @!p0 v6, v10  }
0x335: {  	v10 =	vperm.xlane @!p0 v6, v7;
	_ =	sdelay $0x1  }
0x336: {  	v6 =	vperm.xlane @!p0 v6, v8;
	v10 =	vadd.s32 @!p0 v9, v10;
	_ =	sdelay $0x1  }
0x337: {  	v6 =	vadd.s32 @!p0 v9, v6;
	_ =	sdelay $0x1  }
0x338: {  	s7 =	simm.s32 @!p0 $0x5380  }
0x339: {  	[tilespmem:s7], [sflag:$0x1] =	stream.indirect_vreg.gather @!p0 [hbm4b:s0+s6], $0x80, v10, vm1, $0xb8;
	[tilespmem:$0x13C00] =	vst v63  }
0x33a: {  	s7 =	simm.s32 @!p0 $0x5B80  }
0x33b: {  	[tilespmem:s7], [sflag:$0x1] =	stream.indirect_vreg.gather @!p0 [hbm4b:s0+s6], $0x80, v6, vm1, $0xb8;
	[tilespmem:$0x13C00] =	vst v63  }
0x33c: {  	v6 =	vld @!p0 [tilespmem:s4+$0x1090];
	_ =	sdelay $0x4  }
0x33d: {  	v10 =	vshll.u32 @!p0 v6, $0x1  }
0x33e: {  	v6 =	vand.u32 @!p0 $0x7, v6;
	v10 =	vand.u32 @!p0 $0xFFFFFFF0, v10  }
0x33f: {  	v6 =	vor.u32 @!p0 v6, v10  }
0x340: {  	v7 =	vperm.xlane @!p0 v6, v7;
	_ =	sdelay $0x1  }
0x341: {  	v6 =	vperm.xlane @!p0 v6, v8;
	v7 =	vadd.s32 @!p0 v9, v7;
	_ =	sdelay $0x1  }
0x342: {  	v6 =	vadd.s32 @!p0 v9, v6;
	_ =	sdelay $0x1  }
0x343: {  	s7 =	simm.s32 @!p0 $0x6380  }
0x344: {  	[tilespmem:s7], [sflag:$0x1] =	stream.indirect_vreg.gather @!p0 [hbm4b:s0+s6], $0x80, v7, vm1, $0xb8;
	[tilespmem:$0x13C00] =	vst v63  }
0x345: {  	s7 =	simm.s32 @!p0 $0x6B80  }
0x346: {  	[tilespmem:s7], [sflag:$0x1] =	stream.indirect_vreg.gather @!p0 [hbm4b:s0+s6], $0x80, v6, vm1, $0xb8;
	[tilespmem:$0x13C00] =	vst v63  }
0x347: {  	s12 =	sshll.u32 s3, $0x2;
	_ =	swait.ge [sflag:s26], $0x4000  }
0x348: {  	s13 =	sor.u32 $0x1, s12;
	[sflag:s26] =	ssyncset.done $0x0  }
0x349: {  	s14 =	sshll.u32 s13, $0x5;
	[sflag:s26] =	ssyncadd.s32 $0xFFFFC000  }
0x34a: {  	s6 =	sor.u32 $0x30, s14;
	v21 =	vld [tilespmem:s14+$0x2000];
	s14 =	simm.s32 $0x0  }
0x34b: {  	s15 =	simm.s32 $0x3000;
	v36 =	vld [tilespmem:s6+$0x2000];
	s16 =	sand.u32 $0x70, s14;
	s8 =	sand.u32 $0x400, s14  }
0x34c: {  	v8 =	vld [tilespmem:s15+$0x0];
	s15 =	sor.u32 s16, s8  }
0x34d: {  	v6 =	vld [tilespmem:s15+$0x7380]  }
0x34e: {  	v7 =	vld [tilespmem:s15+$0x9380]  }
0x34f: {  	v10 =	vld [tilespmem:s15+$0x7400]  }
0x350: {  	v12 =	vld [tilespmem:s15+$0x9400];
	v9 =	vbroadcast v21, $0x0  }
0x351: {  	v14 =	vld [tilespmem:s15+$0x7480];
	v11 =	vbroadcast v21, $0x1  }
0x352: {  	v16 =	vld [tilespmem:s15+$0x9480];
	v13 =	vbroadcast v21, $0x2;
	v9 =	vpack.i.f32.bf16 v9, v9  }
0x353: {  	v17 =	vld [tilespmem:s15+$0x7500];
	v11 =	vpack.i.f32.bf16 v11, v11;
	v15 =	vmul.bf16 v6, v9  }
0x354: {  	v19 =	vld [tilespmem:s15+$0x9500];
	v6 =	vpack.i.f32.bf16 v13, v13;
	v13 =	vbroadcast v21, $0x3;
	v18 =	vmul.bf16 v7, v9  }
0x355: {  	v20 =	vld [tilespmem:s15+$0x7580];
	v10 =	vmul.bf16 v10, v11;
	v12 =	vmul.bf16 v12, v11;
	v15 =	vadd.bf16 v15, v8  }
0x356: {  	v22 =	vld [tilespmem:s15+$0x7600];
	v7 =	vpack.i.f32.bf16 v13, v13;
	v13 =	vbroadcast v21, $0x4;
	v18 =	vadd.bf16 v18, v8  }
0x357: {  	v23 =	vld [tilespmem:s15+$0x7680];
	v14 =	vmul.bf16 v14, v6;
	v16 =	vmul.bf16 v16, v6;
	v10 =	vadd.bf16 v10, v15  }
0x358: {  	v15 =	vld [tilespmem:s15+$0x9580];
	v8 =	vpack.i.f32.bf16 v13, v13;
	v13 =	vbroadcast v21, $0x5;
	v12 =	vadd.bf16 v12, v18  }
0x359: {  	v17 =	vmul.bf16 v17, v7;
	v19 =	vmul.bf16 v19, v7;
	v18 =	vld [tilespmem:s15+$0x9600];
	v14 =	vadd.bf16 v14, v10  }
0x35a: {  	s16 =	sor.u32 s14, s14;
	v25 =	vld [tilespmem:s15+$0x7B80];
	v10 =	vpack.i.f32.bf16 v13, v13;
	v13 =	vbroadcast v21, $0x6;
	v16 =	vadd.bf16 v16, v12  }
0x35b: {  	s7 =	sor.u32 $0x380, s16;
	v14 =	vadd.bf16 v17, v14;
	v17 =	vmul.bf16 v20, v8;
	v20 =	vld [tilespmem:s15+$0x9680]  }
0x35c: {  	v24 =	vld [tilespmem:s7+$0x7380];
	v12 =	vpack.i.f32.bf16 v13, v13;
	v13 =	vbroadcast v21, $0x7;
	v16 =	vadd.bf16 v19, v16  }
0x35d: {  	v19 =	vld [tilespmem:s15+$0x9700];
	v15 =	vmul.bf16 v15, v8;
	v14 =	vadd.bf16 v17, v14;
	v17 =	vmul.bf16 v22, v10  }
0x35e: {  	v26 =	vld [tilespmem:s15+$0x7C00];
	v18 =	vmul.bf16 v18, v10;
	v13 =	vpack.i.f32.bf16 v13, v13;
	v22 =	vbroadcast v21, $0x8  }
0x35f: {  	v15 =	vadd.bf16 v15, v16;
	v16 =	vadd.bf16 v17, v14;
	v17 =	vmul.bf16 v23, v12;
	v23 =	vld [tilespmem:s15+$0x9B80]  }
0x360: {  	v27 =	vld [tilespmem:s15+$0x7C80];
	v14 =	vpack.i.f32.bf16 v22, v22;
	v22 =	vbroadcast v21, $0x9;
	v20 =	vmul.bf16 v20, v12  }
0x361: {  	v18 =	vadd.bf16 v18, v15;
	v16 =	vadd.bf16 v17, v16;
	v17 =	vmul.bf16 v24, v13;
	v24 =	vld [tilespmem:s15+$0x9C00]  }
0x362: {  	v28 =	vld [tilespmem:s15+$0x7D00];
	v19 =	vmul.bf16 v19, v13;
	v15 =	vpack.i.f32.bf16 v22, v22;
	v22 =	vbroadcast v21, $0xA  }
0x363: {  	v18 =	vadd.bf16 v20, v18;
	v20 =	vmul.bf16 v25, v14;
	v25 =	vld [tilespmem:s15+$0x9C80];
	v17 =	vadd.bf16 v17, v16  }
0x364: {  	v29 =	vld [tilespmem:s15+$0x7D80];
	v16 =	vpack.i.f32.bf16 v22, v22;
	v22 =	vbroadcast v21, $0xB;
	v23 =	vmul.bf16 v23, v14  }
0x365: {  	v18 =	vadd.bf16 v19, v18;
	v19 =	vadd.bf16 v20, v17;
	v20 =	vmul.bf16 v26, v15;
	v26 =	vld [tilespmem:s15+$0x9D00]  }
0x366: {  	v30 =	vld [tilespmem:s15+$0x7E00];
	v17 =	vpack.i.f32.bf16 v22, v22;
	v22 =	vbroadcast v21, $0xC;
	v24 =	vmul.bf16 v24, v15  }
0x367: {  	v23 =	vadd.bf16 v23, v18;
	v19 =	vadd.bf16 v20, v19;
	v20 =	vmul.bf16 v27, v16;
	v27 =	vld [tilespmem:s15+$0x9D80]  }
0x368: {  	v31 =	vld [tilespmem:s15+$0x7E80];
	v18 =	vpack.i.f32.bf16 v22, v22;
	v22 =	vbroadcast v21, $0xD;
	v25 =	vmul.bf16 v25, v16  }
0x369: {  	v23 =	vadd.bf16 v24, v23;
	v24 =	vmul.bf16 v28, v17;
	v28 =	vld [tilespmem:s15+$0x9E00];
	v20 =	vadd.bf16 v20, v19  }
0x36a: {  	v50 =	vld [tilespmem:s15+$0x8380];
	v19 =	vpack.i.f32.bf16 v22, v22;
	v22 =	vbroadcast v21, $0xE;
	v26 =	vmul.bf16 v26, v17  }
0x36b: {  	v51 =	vld [tilespmem:s15+$0x8400];
	v23 =	vadd.bf16 v25, v23;
	v25 =	vmul.bf16 v29, v18;
	v24 =	vadd.bf16 v24, v20  }
0x36c: {  	v21 =	vbroadcast v21, $0xF;
	v29 =	vld [tilespmem:s15+$0x9E80];
	v20 =	vpack.i.f32.bf16 v22, v22;
	v22 =	vmul.bf16 v27, v18  }
0x36d: {  	v27 =	vld [tilespmem:s15+$0x7F00];
	v23 =	vadd.bf16 v26, v23;
	v24 =	vadd.bf16 v25, v24;
	v25 =	vmul.bf16 v30, v19  }
0x36e: {  	v26 =	vld [tilespmem:s15+$0x9F00];
	v30 =	vbroadcast v36, $0x0;
	v28 =	vmul.bf16 v28, v19  }
0x36f: {  	v52 =	vld [tilespmem:s15+$0x8480];
	v23 =	vadd.bf16 v22, v23;
	v24 =	vadd.bf16 v25, v24;
	v25 =	vmul.bf16 v31, v20  }
0x370: {  	v21 =	vpack.i.f32.bf16 v21, v21;
	v31 =	vld [tilespmem:s15+$0xA380];
	v22 =	vpack.i.f32.bf16 v30, v30;
	v30 =	vbroadcast v36, $0x1  }
0x371: {  	v53 =	vld [tilespmem:s15+$0xA480];
	v29 =	vmul.bf16 v29, v20;
	v28 =	vadd.bf16 v28, v23;
	v24 =	vadd.bf16 v25, v24  }
0x372: {  	v25 =	vmul.bf16 v27, v21;
	v27 =	vld [tilespmem:s15+$0xA400];
	v23 =	vpack.i.f32.bf16 v30, v30;
	v30 =	vbroadcast v36, $0x2  }
0x373: {  	v55 =	vld [tilespmem:s15+$0xA500];
	v26 =	vmul.bf16 v26, v21;
	v28 =	vadd.bf16 v29, v28;
	v29 =	vmul.bf16 v50, v22  }
0x374: {  	v56 =	vld [tilespmem:s15+$0x8580];
	v50 =	vbroadcast v36, $0x9;
	v25 =	vadd.bf16 v25, v24;
	v24 =	vpack.i.f32.bf16 v30, v30  }
0x375: {  	v57 =	vld [tilespmem:s15+$0xA580];
	v30 =	vbroadcast v36, $0x3;
	v31 =	vmul.bf16 v31, v22;
	v26 =	vadd.bf16 v26, v28  }
0x376: {  	v54 =	vld [tilespmem:s15+$0x8500];
	v32 =	vmul.bf16 v53, v24;
	v28 =	vadd.bf16 v29, v25;
	v29 =	vmul.bf16 v51, v23  }
0x377: {  	v58 =	vld [tilespmem:s15+$0x8600];
	v25 =	vpack.i.f32.bf16 v30, v30;
	v30 =	vbroadcast v36, $0x4;
	v27 =	vmul.bf16 v27, v23  }
0x378: {  	v59 =	vld [tilespmem:s15+$0xA600];
	v31 =	vadd.bf16 v31, v26;
	v33 =	vmul.bf16 v55, v25;
	v28 =	vadd.bf16 v29, v28  }
0x379: {  	v29 =	vmul.bf16 v52, v24;
	v26 =	vpack.i.f32.bf16 v30, v30;
	v30 =	vbroadcast v36, $0x5  }
0x37a: {  	v60 =	vld [tilespmem:s15+$0x8680];
	v31 =	vadd.bf16 v27, v31;
	v61 =	vmul.bf16 v56, v26;
	v34 =	vmul.bf16 v57, v26  }
0x37b: {  	v62 =	vld [tilespmem:s15+$0xA680];
	v28 =	vadd.bf16 v29, v28;
	v29 =	vmul.bf16 v54, v25;
	v27 =	vpack.i.f32.bf16 v30, v30  }
0x37c: {  	v63 =	vld [tilespmem:s15+$0x8700];
	v30 =	vbroadcast v36, $0x6;
	v54 =	vbroadcast v36, $0xA;
	v31 =	vadd.bf16 v32, v31  }
0x37d: {  	v46 =	vld [tilespmem:s15+$0xA700];
	v45 =	vmul.bf16 v58, v27;
	v35 =	vmul.bf16 v59, v27;
	v29 =	vadd.bf16 v29, v28  }
0x37e: {  	v47 =	vld [tilespmem:s15+$0x8B80];
	v58 =	vbroadcast v36, $0xB;
	v28 =	vpack.i.f32.bf16 v30, v30;
	v30 =	vbroadcast v36, $0x7  }
0x37f: {  	v49 =	vld [tilespmem:s15+$0xAB80];
	v31 =	vadd.bf16 v33, v31;
	v48 =	vmul.bf16 v60, v28;
	v32 =	vadd.bf16 v61, v29  }
0x380: {  	v51 =	vld [tilespmem:s15+$0x8C00];
	v37 =	vmul.bf16 v62, v28;
	v62 =	vbroadcast v36, $0xC;
	v29 =	vpack.i.f32.bf16 v30, v30  }
0x381: {  	v53 =	vld [tilespmem:s15+$0xAC00];
	v30 =	vbroadcast v36, $0x8;
	v31 =	vadd.bf16 v34, v31;
	v32 =	vadd.bf16 v45, v32  }
0x382: {  	v55 =	vld [tilespmem:s15+$0x8C80];
	v52 =	vmul.bf16 v63, v29;
	v38 =	vmul.bf16 v46, v29  }
0x383: {  	v57 =	vld [tilespmem:s15+$0xAC80];
	v30 =	vpack.i.f32.bf16 v30, v30;
	v35 =	vadd.bf16 v35, v31;
	v32 =	vadd.bf16 v48, v32  }
0x384: {  	v31 =	vpack.i.f32.bf16 v50, v50;
	v56 =	vmul.bf16 v47, v30;
	v34 =	vmul.bf16 v49, v30  }
0x385: {  	v59 =	vld [tilespmem:s15+$0x8D00];
	v60 =	vmul.bf16 v51, v31;
	v35 =	vadd.bf16 v37, v35;
	v33 =	vadd.bf16 v52, v32  }
0x386: {  	v61 =	vld [tilespmem:s15+$0xAD00];
	v40 =	vmul.bf16 v53, v31;
	v53 =	vbroadcast v36, $0xD  }
0x387: {  	v63 =	vld [tilespmem:s15+$0x8D80];
	v32 =	vpack.i.f32.bf16 v54, v54;
	v35 =	vadd.bf16 v38, v35;
	v37 =	vadd.bf16 v56, v33  }
0x388: {  	v52 =	vld [tilespmem:s15+$0xAD80];
	v51 =	vmul.bf16 v55, v32;
	v41 =	vmul.bf16 v57, v32  }
0x389: {  	v54 =	vld [tilespmem:s15+$0x8E00];
	v57 =	vbroadcast v36, $0xE;
	v35 =	vadd.bf16 v34, v35;
	v37 =	vadd.bf16 v60, v37  }
0x38a: {  	v36 =	vbroadcast v36, $0xF;
	v33 =	vpack.i.f32.bf16 v58, v58;
	v56 =	vld [tilespmem:s15+$0xAE00];
	v34 =	vpack.i.f32.bf16 v62, v62  }
0x38b: {  	v55 =	vmul.bf16 v59, v33;
	v59 =	vld [tilespmem:s15+$0x8E80];
	v40 =	vadd.bf16 v40, v35;
	v37 =	vadd.bf16 v51, v37  }
0x38c: {  	v58 =	vmul.bf16 v61, v33;
	v60 =	vmul.bf16 v63, v34  }
0x38d: {  	v43 =	vld [tilespmem:s15+$0xAE80];
	v35 =	vpack.i.f32.bf16 v53, v53;
	v40 =	vadd.bf16 v41, v40;
	v38 =	vadd.bf16 v55, v37  }
0x38e: {  	s8 =	sand.u32 $0xF0, s14;
	v42 =	vld [tilespmem:s15+$0x8F00];
	v61 =	vmul.bf16 v52, v34;
	v63 =	vmul.bf16 v54, v35  }
0x38f: {  	v39 =	vld [tilespmem:s8+$0x3200];
	v37 =	vpack.i.f32.bf16 v57, v57;
	v40 =	vadd.bf16 v58, v40;
	v62 =	vadd.bf16 v60, v38  }
0x390: {  	s31 =	simm.s32 $0x20;
	s14 =	simm.s32 $0x10;
	v36 =	vpack.i.f32.bf16 v36, v36;
	v44 =	vmul.bf16 v56, v35;
	v41 =	vld [tilespmem:s15+$0xAF00];
	s15 =	simm.s32 $0x80;
	v46 =	vmul.bf16 v59, v37  }
0x391: {  	s16 =	simm.s32 $0x3010;
	s6 =	sand.u32 $0x70, s14;
	s7 =	sand.u32 $0x400, s15;
	v38 =	vimm.bf16 $0.0e+00;
	v47 =	vadd.bf16 v61, v40;
	v40 =	vld [tilespmem:s8+$0x3100];
	v45 =	vadd.bf16 v63, v62  }
.LBB2_5:
0x392: {  	p1 =	sne.s32 s31, $0xF0;
	v48 =	vld [tilespmem:s16+$0x0];
	s6 =	sor.u32 s6, s7;
	v43 =	vmul.bf16 v43, v37  }
0x393: {  	v49 =	vld [tilespmem:s6+$0x7380];
	v44 =	vadd.bf16 v44, v47;
	v45 =	vadd.bf16 v46, v45;
	v42 =	vmul.bf16 v42, v36  }
0x394: {  	v46 =	vld [tilespmem:s6+$0x9380]  }
0x395: {  	v47 =	vld [tilespmem:s6+$0x7400];
	v43 =	vadd.bf16 v43, v44;
	v42 =	vadd.bf16 v42, v45;
	v41 =	vmul.bf16 v41, v36  }
0x396: {  	v44 =	vld [tilespmem:s6+$0x9400]  }
0x397: {  	v45 =	vld [tilespmem:s6+$0x7480];
	v41 =	vadd.bf16 v41, v43;
	v42 =	vmax.bf16 v42, v4  }
0x398: {  	v43 =	vmul.bf16 v49, v9;
	v49 =	vld [tilespmem:s6+$0x9480];
	v42 =	vmin.bf16 v42, v5  }
0x399: {  	v46 =	vmul.bf16 v46, v9;
	v50 =	vld [tilespmem:s6+$0x7500];
	v41 =	vmax.bf16 v41, v4;
	v40 =	vmul.bf16 v42, v40  }
0x39a: {  	v42 =	vadd.bf16 v43, v48;
	v43 =	vmul.bf16 v47, v11;
	v47 =	vld [tilespmem:s6+$0x9500];
	v41 =	vmin.bf16 v41, v5  }
0x39b: {  	v44 =	vmul.bf16 v44, v11;
	v51 =	vld [tilespmem:s6+$0x7580];
	v38 =	vadd.bf16 v40, v38;
	v39 =	vmul.bf16 v41, v39  }
0x39c: {  	v40 =	vadd.bf16 v46, v48;
	v41 =	vadd.bf16 v43, v42;
	v42 =	vmul.bf16 v45, v6;
	v43 =	vld [tilespmem:s6+$0x9580]  }
0x39d: {  	v45 =	vmul.bf16 v49, v6;
	v46 =	vld [tilespmem:s6+$0x7600];
	v38 =	vadd.bf16 v39, v38  }
0x39e: {  	v39 =	vadd.bf16 v44, v40;
	v40 =	vadd.bf16 v42, v41;
	v41 =	vmul.bf16 v50, v7;
	v42 =	vld [tilespmem:s6+$0x9600]  }
0x39f: {  	s7 =	sor.u32 s15, s14;
	v44 =	vmul.bf16 v47, v7;
	v47 =	vld [tilespmem:s6+$0x7680]  }
0x3a0: {  	s7 =	sor.u32 $0x380, s7;
	v39 =	vadd.bf16 v45, v39;
	v40 =	vadd.bf16 v41, v40;
	v41 =	vmul.bf16 v51, v8;
	v45 =	vld [tilespmem:s6+$0x9680]  }
0x3a1: {  	v43 =	vmul.bf16 v43, v8;
	v48 =	vld [tilespmem:s7+$0x7380]  }
0x3a2: {  	v39 =	vadd.bf16 v44, v39;
	v40 =	vadd.bf16 v41, v40;
	v41 =	vmul.bf16 v46, v10;
	v44 =	vld [tilespmem:s6+$0x9700]  }
0x3a3: {  	v42 =	vmul.bf16 v42, v10;
	v46 =	vld [tilespmem:s6+$0x7B80]  }
0x3a4: {  	v39 =	vadd.bf16 v43, v39;
	v40 =	vadd.bf16 v41, v40;
	v41 =	vmul.bf16 v47, v12;
	v43 =	vld [tilespmem:s6+$0x9B80]  }
0x3a5: {  	v45 =	vmul.bf16 v45, v12;
	v47 =	vld [tilespmem:s6+$0x7C00]  }
0x3a6: {  	v39 =	vadd.bf16 v42, v39;
	v40 =	vadd.bf16 v41, v40;
	v41 =	vmul.bf16 v48, v13;
	v42 =	vld [tilespmem:s6+$0x9C00]  }
0x3a7: {  	v44 =	vmul.bf16 v44, v13;
	v48 =	vld [tilespmem:s6+$0x7C80]  }
0x3a8: {  	v39 =	vadd.bf16 v45, v39;
	v40 =	vadd.bf16 v41, v40;
	v41 =	vmul.bf16 v46, v14;
	v45 =	vld [tilespmem:s6+$0x9C80]  }
0x3a9: {  	v43 =	vmul.bf16 v43, v14;
	v46 =	vld [tilespmem:s6+$0x7D00]  }
0x3aa: {  	v39 =	vadd.bf16 v44, v39;
	v40 =	vadd.bf16 v41, v40;
	v41 =	vmul.bf16 v47, v15;
	v44 =	vld [tilespmem:s6+$0x9D00]  }
0x3ab: {  	v42 =	vmul.bf16 v42, v15;
	v47 =	vld [tilespmem:s6+$0x7D80]  }
0x3ac: {  	v39 =	vadd.bf16 v43, v39;
	v40 =	vadd.bf16 v41, v40;
	v41 =	vmul.bf16 v48, v16;
	v43 =	vld [tilespmem:s6+$0x9D80]  }
0x3ad: {  	v45 =	vmul.bf16 v45, v16;
	v48 =	vld [tilespmem:s6+$0x7E00]  }
0x3ae: {  	v39 =	vadd.bf16 v42, v39;
	v40 =	vadd.bf16 v41, v40;
	v41 =	vmul.bf16 v46, v17;
	v42 =	vld [tilespmem:s6+$0x9E00]  }
0x3af: {  	v44 =	vmul.bf16 v44, v17;
	v46 =	vld [tilespmem:s6+$0x7E80]  }
0x3b0: {  	v39 =	vadd.bf16 v45, v39;
	v40 =	vadd.bf16 v41, v40;
	v41 =	vmul.bf16 v47, v18;
	v45 =	vld [tilespmem:s6+$0x9E80]  }
0x3b1: {  	v43 =	vmul.bf16 v43, v18;
	v47 =	vld [tilespmem:s6+$0x7F00]  }
0x3b2: {  	v39 =	vadd.bf16 v44, v39;
	v40 =	vadd.bf16 v41, v40;
	v41 =	vmul.bf16 v48, v19;
	v44 =	vld [tilespmem:s6+$0x9F00]  }
0x3b3: {  	v42 =	vmul.bf16 v42, v19;
	v48 =	vld [tilespmem:s6+$0x8380]  }
0x3b4: {  	v39 =	vadd.bf16 v43, v39;
	v40 =	vadd.bf16 v41, v40;
	v41 =	vmul.bf16 v46, v20;
	v43 =	vld [tilespmem:s6+$0xA380]  }
0x3b5: {  	v45 =	vmul.bf16 v45, v20;
	v46 =	vld [tilespmem:s6+$0x8400]  }
0x3b6: {  	v39 =	vadd.bf16 v42, v39;
	v40 =	vadd.bf16 v41, v40;
	v41 =	vmul.bf16 v47, v21;
	v42 =	vld [tilespmem:s6+$0xA400]  }
0x3b7: {  	v44 =	vmul.bf16 v44, v21;
	v47 =	vld [tilespmem:s6+$0x8480]  }
0x3b8: {  	v39 =	vadd.bf16 v45, v39;
	v40 =	vadd.bf16 v41, v40;
	v41 =	vmul.bf16 v48, v22;
	v45 =	vld [tilespmem:s6+$0xA480]  }
0x3b9: {  	v43 =	vmul.bf16 v43, v22;
	v48 =	vld [tilespmem:s6+$0x8500]  }
0x3ba: {  	v39 =	vadd.bf16 v44, v39;
	v40 =	vadd.bf16 v41, v40;
	v41 =	vmul.bf16 v46, v23;
	v44 =	vld [tilespmem:s6+$0xA500]  }
0x3bb: {  	v42 =	vmul.bf16 v42, v23;
	v46 =	vld [tilespmem:s6+$0x8580]  }
0x3bc: {  	v39 =	vadd.bf16 v43, v39;
	v40 =	vadd.bf16 v41, v40;
	v41 =	vmul.bf16 v47, v24;
	v43 =	vld [tilespmem:s6+$0xA580]  }
0x3bd: {  	v45 =	vmul.bf16 v45, v24;
	v47 =	vld [tilespmem:s6+$0x8600]  }
0x3be: {  	v39 =	vadd.bf16 v42, v39;
	v40 =	vadd.bf16 v41, v40;
	v41 =	vmul.bf16 v48, v25;
	v42 =	vld [tilespmem:s6+$0xA600]  }
0x3bf: {  	v44 =	vmul.bf16 v44, v25;
	v48 =	vld [tilespmem:s6+$0x8680]  }
0x3c0: {  	v39 =	vadd.bf16 v45, v39;
	v40 =	vadd.bf16 v41, v40;
	v41 =	vmul.bf16 v46, v26;
	v45 =	vld [tilespmem:s6+$0xA680]  }
0x3c1: {  	v43 =	vmul.bf16 v43, v26;
	v46 =	vld [tilespmem:s6+$0x8700]  }
0x3c2: {  	v39 =	vadd.bf16 v44, v39;
	v40 =	vadd.bf16 v41, v40;
	v41 =	vmul.bf16 v47, v27;
	v44 =	vld [tilespmem:s6+$0xA700]  }
0x3c3: {  	v42 =	vmul.bf16 v42, v27;
	v47 =	vld [tilespmem:s6+$0x8B80]  }
0x3c4: {  	v39 =	vadd.bf16 v43, v39;
	v40 =	vadd.bf16 v41, v40;
	v41 =	vmul.bf16 v48, v28;
	v43 =	vld [tilespmem:s6+$0xAB80]  }
0x3c5: {  	v45 =	vmul.bf16 v45, v28;
	v48 =	vld [tilespmem:s6+$0x8C00]  }
0x3c6: {  	v39 =	vadd.bf16 v42, v39;
	v40 =	vadd.bf16 v41, v40;
	v41 =	vmul.bf16 v46, v29;
	v42 =	vld [tilespmem:s6+$0xAC00]  }
0x3c7: {  	v44 =	vmul.bf16 v44, v29;
	v46 =	vld [tilespmem:s6+$0x8C80]  }
0x3c8: {  	v39 =	vadd.bf16 v45, v39;
	v40 =	vadd.bf16 v41, v40;
	v41 =	vmul.bf16 v47, v30;
	v45 =	vld [tilespmem:s6+$0xAC80]  }
0x3c9: {  	v43 =	vmul.bf16 v43, v30;
	v47 =	vld [tilespmem:s6+$0x8D00]  }
0x3ca: {  	v39 =	vadd.bf16 v44, v39;
	v40 =	vadd.bf16 v41, v40;
	v41 =	vmul.bf16 v48, v31;
	v44 =	vld [tilespmem:s6+$0xAD00]  }
0x3cb: {  	v42 =	vmul.bf16 v42, v31;
	v48 =	vld [tilespmem:s6+$0x8D80]  }
0x3cc: {  	v39 =	vadd.bf16 v43, v39;
	v40 =	vadd.bf16 v41, v40;
	v41 =	vmul.bf16 v46, v32;
	v46 =	vld [tilespmem:s6+$0xAD80]  }
0x3cd: {  	v43 =	vmul.bf16 v45, v32;
	v45 =	vld [tilespmem:s6+$0x8E00]  }
0x3ce: {  	v39 =	vadd.bf16 v42, v39;
	v40 =	vadd.bf16 v41, v40;
	v41 =	vmul.bf16 v47, v33;
	v47 =	vld [tilespmem:s6+$0xAE00]  }
0x3cf: {  	v44 =	vmul.bf16 v44, v33;
	v49 =	vld [tilespmem:s6+$0x8E80]  }
.Ltmp3:
0x3d0: {  	v39 =	vadd.bf16 v43, v39;
	v40 =	vadd.bf16 v41, v40;
	v41 =	vmul.bf16 v48, v34;
	v43 =	vld [tilespmem:s6+$0xAE80];
	(pc) =	sbr.rel @p1 .LBB2_5-.Ltmp3, $4  }
0x3d1: {  	s8 =	sand.u32 $0xF0, s14;
	s14 =	smov.u32 s31;
	v46 =	vmul.bf16 v46, v34;
	v42 =	vld [tilespmem:s6+$0x8F00]  }
0x3d2: {  	v48 =	vadd.bf16 v44, v39;
	v40 =	vadd.bf16 v41, v40;
	v45 =	vmul.bf16 v45, v35;
	v39 =	vld [tilespmem:s8+$0x3200]  }
0x3d3: {  	s15 =	sadd.s32 $0x80, s15;
	s16 =	sadd.s32 $0x10, s16;
	v44 =	vmul.bf16 v47, v35;
	v41 =	vld [tilespmem:s6+$0xAF00]  }
0x3d4: {  	s31 =	sadd.s32 $0x10, s31;
	s7 =	sand.u32 $0x400, s15;
	s6 =	sand.u32 $0x70, s14;
	v47 =	vadd.bf16 v46, v48;
	v45 =	vadd.bf16 v45, v40;
	v46 =	vmul.bf16 v49, v37;
	v40 =	vld [tilespmem:s8+$0x3100]  }
0x3d5: {  	v48 =	vld [tilespmem:s16+$0x0];
	s6 =	sor.u32 s6, s7  }
0x3d6: {  	v49 =	vld [tilespmem:s6+$0x7380]  }
0x3d7: {  	v50 =	vld [tilespmem:s6+$0x9380]  }
0x3d8: {  	v51 =	vld [tilespmem:s6+$0x7400]  }
0x3d9: {  	v52 =	vld [tilespmem:s6+$0x9400]  }
0x3da: {  	v53 =	vld [tilespmem:s6+$0x7480]  }
0x3db: {  	v54 =	vld [tilespmem:s6+$0x9480];
	v49 =	vmul.bf16 v49, v9  }
0x3dc: {  	v55 =	vld [tilespmem:s6+$0x7500];
	v9 =	vmul.bf16 v50, v9  }
0x3dd: {  	v59 =	vld [tilespmem:s6+$0x9500];
	v58 =	vmul.bf16 v51, v11;
	v49 =	vadd.bf16 v49, v48  }
0x3de: {  	v60 =	vld [tilespmem:s6+$0x7580];
	v11 =	vmul.bf16 v52, v11;
	v9 =	vadd.bf16 v9, v48  }
0x3df: {  	v63 =	vld [tilespmem:s6+$0x9580];
	v62 =	vmul.bf16 v53, v6;
	v61 =	vadd.bf16 v58, v49  }
0x3e0: {  	v56 =	vld [tilespmem:s6+$0x7600];
	v6 =	vmul.bf16 v54, v6;
	v9 =	vadd.bf16 v11, v9  }
0x3e1: {  	s16 =	sor.u32 s15, s14;
	v57 =	vmul.bf16 v55, v7;
	v58 =	vld [tilespmem:s6+$0x9600];
	v11 =	vadd.bf16 v62, v61  }
0x3e2: {  	s7 =	sor.u32 $0x380, s16;
	v7 =	vmul.bf16 v59, v7;
	v59 =	vld [tilespmem:s6+$0x7680];
	v6 =	vadd.bf16 v6, v9  }
0x3e3: {  	v61 =	vld [tilespmem:s7+$0x7380];
	v9 =	vadd.bf16 v57, v11;
	v11 =	vmul.bf16 v60, v8  }
0x3e4: {  	v60 =	vld [tilespmem:s6+$0x9680];
	v8 =	vmul.bf16 v63, v8;
	v6 =	vadd.bf16 v7, v6  }
0x3e5: {  	v7 =	vadd.bf16 v11, v9;
	v9 =	vmul.bf16 v56, v10;
	v11 =	vld [tilespmem:s6+$0x9700]  }
0x3e6: {  	v62 =	vld [tilespmem:s6+$0x7B80];
	v10 =	vmul.bf16 v58, v10;
	v6 =	vadd.bf16 v8, v6  }
0x3e7: {  	v8 =	vmul.bf16 v59, v12;
	v7 =	vadd.bf16 v9, v7;
	v9 =	vld [tilespmem:s6+$0x9B80]  }
0x3e8: {  	v63 =	vld [tilespmem:s6+$0x7C00];
	v6 =	vadd.bf16 v10, v6  }
0x3e9: {  	v10 =	vld [tilespmem:s6+$0x9C00];
	v12 =	vmul.bf16 v60, v12;
	v7 =	vadd.bf16 v8, v7;
	v8 =	vmul.bf16 v61, v13  }
0x3ea: {  	v11 =	vmul.bf16 v11, v13;
	v13 =	vld [tilespmem:s6+$0x7C80]  }
0x3eb: {  	v6 =	vadd.bf16 v12, v6;
	v12 =	vld [tilespmem:s6+$0x9C80];
	v7 =	vadd.bf16 v8, v7;
	v8 =	vmul.bf16 v62, v14  }
0x3ec: {  	v9 =	vmul.bf16 v9, v14;
	v14 =	vld [tilespmem:s6+$0x7D00]  }
0x3ed: {  	v6 =	vadd.bf16 v11, v6;
	v11 =	vld [tilespmem:s6+$0x9D00];
	v7 =	vadd.bf16 v8, v7;
	v8 =	vmul.bf16 v63, v15  }
0x3ee: {  	v10 =	vmul.bf16 v10, v15;
	v15 =	vld [tilespmem:s6+$0x7D80]  }
0x3ef: {  	v6 =	vadd.bf16 v9, v6;
	v9 =	vld [tilespmem:s6+$0x9D80];
	v7 =	vadd.bf16 v8, v7;
	v8 =	vmul.bf16 v13, v16  }
0x3f0: {  	v12 =	vmul.bf16 v12, v16;
	v13 =	vld [tilespmem:s6+$0x7E00]  }
0x3f1: {  	v6 =	vadd.bf16 v10, v6;
	v10 =	vld [tilespmem:s6+$0x9E00];
	v7 =	vadd.bf16 v8, v7;
	v8 =	vmul.bf16 v14, v17  }
0x3f2: {  	v11 =	vmul.bf16 v11, v17;
	v14 =	vld [tilespmem:s6+$0x7E80]  }
0x3f3: {  	v6 =	vadd.bf16 v12, v6;
	v12 =	vld [tilespmem:s6+$0x9E80];
	v7 =	vadd.bf16 v8, v7;
	v8 =	vmul.bf16 v15, v18  }
0x3f4: {  	v9 =	vmul.bf16 v9, v18;
	v15 =	vld [tilespmem:s6+$0x7F00]  }
0x3f5: {  	v6 =	vadd.bf16 v11, v6;
	v11 =	vld [tilespmem:s6+$0x9F00];
	v7 =	vadd.bf16 v8, v7;
	v8 =	vmul.bf16 v13, v19  }
0x3f6: {  	v10 =	vmul.bf16 v10, v19;
	v13 =	vld [tilespmem:s6+$0x8380]  }
0x3f7: {  	v6 =	vadd.bf16 v9, v6;
	v9 =	vld [tilespmem:s6+$0xA380];
	v7 =	vadd.bf16 v8, v7;
	v8 =	vmul.bf16 v14, v20  }
0x3f8: {  	v12 =	vmul.bf16 v12, v20;
	v14 =	vld [tilespmem:s6+$0x8400]  }
0x3f9: {  	v6 =	vadd.bf16 v10, v6;
	v10 =	vld [tilespmem:s6+$0xA400];
	v7 =	vadd.bf16 v8, v7;
	v8 =	vmul.bf16 v15, v21  }
0x3fa: {  	v11 =	vmul.bf16 v11, v21;
	v15 =	vld [tilespmem:s6+$0x8480]  }
0x3fb: {  	v6 =	vadd.bf16 v12, v6;
	v12 =	vld [tilespmem:s6+$0xA480];
	v7 =	vadd.bf16 v8, v7;
	v8 =	vmul.bf16 v13, v22  }
0x3fc: {  	v9 =	vmul.bf16 v9, v22;
	v13 =	vld [tilespmem:s6+$0x8500]  }
0x3fd: {  	v6 =	vadd.bf16 v11, v6;
	v11 =	vld [tilespmem:s6+$0xA500];
	v7 =	vadd.bf16 v8, v7;
	v8 =	vmul.bf16 v14, v23  }
0x3fe: {  	v10 =	vmul.bf16 v10, v23;
	v14 =	vld [tilespmem:s6+$0x8580]  }
0x3ff: {  	v6 =	vadd.bf16 v9, v6;
	v9 =	vld [tilespmem:s6+$0xA580];
	v7 =	vadd.bf16 v8, v7;
	v8 =	vmul.bf16 v15, v24  }
0x400: {  	v12 =	vmul.bf16 v12, v24;
	v15 =	vld [tilespmem:s6+$0x8600]  }
0x401: {  	v6 =	vadd.bf16 v10, v6;
	v10 =	vld [tilespmem:s6+$0xA600];
	v7 =	vadd.bf16 v8, v7;
	v8 =	vmul.bf16 v13, v25  }
0x402: {  	v11 =	vmul.bf16 v11, v25;
	v13 =	vld [tilespmem:s6+$0x8680]  }
0x403: {  	v6 =	vadd.bf16 v12, v6;
	v12 =	vld [tilespmem:s6+$0xA680];
	v7 =	vadd.bf16 v8, v7;
	v8 =	vmul.bf16 v14, v26  }
0x404: {  	v9 =	vmul.bf16 v9, v26;
	v14 =	vld [tilespmem:s6+$0x8700]  }
0x405: {  	v6 =	vadd.bf16 v11, v6;
	v11 =	vld [tilespmem:s6+$0xA700];
	v7 =	vadd.bf16 v8, v7;
	v8 =	vmul.bf16 v15, v27  }
0x406: {  	v10 =	vmul.bf16 v10, v27;
	v15 =	vld [tilespmem:s6+$0x8B80]  }
0x407: {  	v6 =	vadd.bf16 v9, v6;
	v9 =	vld [tilespmem:s6+$0xAB80];
	v7 =	vadd.bf16 v8, v7;
	v8 =	vmul.bf16 v13, v28  }
0x408: {  	v12 =	vmul.bf16 v12, v28;
	v13 =	vld [tilespmem:s6+$0x8C00]  }
0x409: {  	v6 =	vadd.bf16 v10, v6;
	v10 =	vld [tilespmem:s6+$0xAC00];
	v7 =	vadd.bf16 v8, v7;
	v8 =	vmul.bf16 v14, v29  }
0x40a: {  	v11 =	vmul.bf16 v11, v29;
	v14 =	vld [tilespmem:s6+$0x8C80]  }
0x40b: {  	v6 =	vadd.bf16 v12, v6;
	v12 =	vld [tilespmem:s6+$0xAC80];
	v7 =	vadd.bf16 v8, v7;
	v8 =	vmul.bf16 v15, v30  }
0x40c: {  	v9 =	vmul.bf16 v9, v30;
	v15 =	vld [tilespmem:s6+$0x8D00]  }
0x40d: {  	v6 =	vadd.bf16 v11, v6;
	v11 =	vld [tilespmem:s6+$0xAD00];
	v7 =	vadd.bf16 v8, v7;
	v8 =	vmul.bf16 v13, v31  }
0x40e: {  	v10 =	vmul.bf16 v10, v31;
	v13 =	vld [tilespmem:s6+$0x8D80]  }
0x40f: {  	v6 =	vadd.bf16 v9, v6;
	v9 =	vld [tilespmem:s6+$0xAD80];
	v7 =	vadd.bf16 v8, v7;
	v8 =	vmul.bf16 v14, v32  }
0x410: {  	v16 =	vadd.bf16 v44, v47;
	v17 =	vld [tilespmem:s6+$0x8E00];
	v18 =	vmul.bf16 v42, v36;
	v12 =	vmul.bf16 v12, v32  }
0x411: {  	v6 =	vadd.bf16 v10, v6;
	v10 =	vld [tilespmem:s6+$0xAE00];
	v7 =	vadd.bf16 v8, v7;
	v8 =	vmul.bf16 v15, v33  }
0x412: {  	v19 =	vld [tilespmem:s6+$0x8E80];
	v14 =	vmul.bf16 v43, v37;
	v15 =	vadd.bf16 v46, v45;
	v11 =	vmul.bf16 v11, v33  }
0x413: {  	v6 =	vadd.bf16 v12, v6;
	v12 =	vld [tilespmem:s6+$0xAE80];
	v7 =	vadd.bf16 v8, v7;
	v8 =	vmul.bf16 v13, v34  }
0x414: {  	v13 =	vadd.bf16 v14, v16;
	v14 =	vadd.bf16 v18, v15;
	v9 =	vmul.bf16 v9, v34;
	v15 =	vld [tilespmem:s6+$0x8F00]  }
0x415: {  	v6 =	vadd.bf16 v11, v6;
	v7 =	vadd.bf16 v8, v7;
	v8 =	vmul.bf16 v17, v35  }
0x416: {  	v16 =	vld [tilespmem:s6+$0xAF00];
	v11 =	vmul.bf16 v41, v36;
	v14 =	vmax.bf16 v14, v4;
	v10 =	vmul.bf16 v10, v35  }
0x417: {  	v6 =	vadd.bf16 v9, v6;
	v7 =	vadd.bf16 v8, v7;
	v8 =	vmul.bf16 v19, v37  }
0x418: {  	v9 =	vadd.bf16 v11, v13;
	v11 =	vmin.bf16 v14, v5;
	v12 =	vmul.bf16 v12, v37  }
0x419: {  	s8 =	sand.u32 $0xF0, s14;
	v6 =	vadd.bf16 v10, v6;
	v7 =	vadd.bf16 v8, v7;
	v8 =	vmul.bf16 v15, v36  }
0x41a: {  	v9 =	vmax.bf16 v9, v4;
	v10 =	vmul.bf16 v11, v40;
	v11 =	vld [tilespmem:s8+$0x3100]  }
0x41b: {  	v6 =	vadd.bf16 v12, v6;
	v7 =	vadd.bf16 v8, v7;
	v8 =	vmul.bf16 v16, v36  }
0x41c: {  	v9 =	vmin.bf16 v9, v5;
	v10 =	vadd.bf16 v10, v38;
	v12 =	vld [tilespmem:s8+$0x3200]  }
0x41d: {  	v9 =	vmul.bf16 v9, v39;
	v6 =	vadd.bf16 v8, v6;
	v7 =	vmax.bf16 v7, v4  }
0x41e: {  	v7 =	vmin.bf16 v7, v5  }
0x41f: {  	v8 =	vadd.bf16 v9, v10;
	v6 =	vmax.bf16 v6, v4;
	v7 =	vmul.bf16 v7, v11  }
0x420: {  	v6 =	vmin.bf16 v6, v5  }
0x421: {  	v7 =	vadd.bf16 v7, v8;
	v6 =	vmul.bf16 v6, v12;
	_ =	sdelay $0x1  }
0x422: {  	v6 =	vadd.bf16 v6, v7;
	_ =	sdelay $0x1  }
0x423: {  	v7 =	vunpack.i.u.bf16.f32 v6;
	v6 =	vunpack.i.l.bf16.f32 v6  }
0x424: {  	s13 =	sshll.u32 s13, $0x4;
	v6 =	vadd.f32 v6, v7  }
0x425: {  	s6 =	sand.u32 $0x3FFFFFF0, s13  }
0x426: {  	[tilespmem:s6+$0x13380] =	vst v6  }
0x427: {  	v6 =	vld @!p0 [tilespmem:s4+$0xA0];
	_ =	sdelay $0x4  }
0x428: {  	v7 =	vshll.u32 @!p0 v6, $0x1  }
0x429: {  	v8 =	vlaneseq.u32 @!p0;
	v6 =	vand.u32 @!p0 $0x7, v6;
	v7 =	vand.u32 @!p0 $0xFFFFFFF0, v7  }
0x42a: {  	v9 =	vshrl.u32 @!p0 v8, $0x3;
	v6 =	vor.u32 @!p0 v6, v7;
	v7 =	vand.u32 @!p0 $0x7, v8  }
0x42b: {  	v9 =	vmul.u32 @!p0 $0x8, v9;
	v10 =	vperm.xlane @!p0 v6, v7  }
0x42c: {  	v8 =	vor.u32 @!p0 $0x8, v8  }
0x42d: {  	v6 =	vperm.xlane @!p0 v6, v8;
	v10 =	vadd.s32 @!p0 v9, v10;
	_ =	sdelay $0x1  }
0x42e: {  	v6 =	vadd.s32 @!p0 v9, v6;
	_ =	sdelay $0x1  }
0x42f: {  	s7 =	simm.s32 @!p0 $0x7380;
	s6 =	simm.s32 @!p0 $0x0  }
0x430: {  	[tilespmem:s7], [sflag:$0x2] =	stream.indirect_vreg.gather @!p0 [hbm4b:s0+s6], $0x80, v10, vm1, $0xb8;
	[tilespmem:$0x13C00] =	vst v63  }
0x431: {  	s7 =	simm.s32 @!p0 $0x7B80  }
0x432: {  	[tilespmem:s7], [sflag:$0x2] =	stream.indirect_vreg.gather @!p0 [hbm4b:s0+s6], $0x80, v6, vm1, $0xb8;
	[tilespmem:$0x13C00] =	vst v63  }
0x433: {  	v6 =	vld @!p0 [tilespmem:s4+$0xB0];
	_ =	sdelay $0x4  }
0x434: {  	v10 =	vshll.u32 @!p0 v6, $0x1  }
0x435: {  	v6 =	vand.u32 @!p0 $0x7, v6;
	v10 =	vand.u32 @!p0 $0xFFFFFFF0, v10  }
0x436: {  	v6 =	vor.u32 @!p0 v6, v10  }
0x437: {  	v10 =	vperm.xlane @!p0 v6, v7;
	_ =	sdelay $0x1  }
0x438: {  	v6 =	vperm.xlane @!p0 v6, v8;
	v10 =	vadd.s32 @!p0 v9, v10;
	_ =	sdelay $0x1  }
0x439: {  	v6 =	vadd.s32 @!p0 v9, v6;
	_ =	sdelay $0x1  }
0x43a: {  	s7 =	simm.s32 @!p0 $0x8380  }
0x43b: {  	[tilespmem:s7], [sflag:$0x2] =	stream.indirect_vreg.gather @!p0 [hbm4b:s0+s6], $0x80, v10, vm1, $0xb8;
	[tilespmem:$0x13C00] =	vst v63  }
0x43c: {  	s7 =	simm.s32 @!p0 $0x8B80  }
0x43d: {  	[tilespmem:s7], [sflag:$0x2] =	stream.indirect_vreg.gather @!p0 [hbm4b:s0+s6], $0x80, v6, vm1, $0xb8;
	[tilespmem:$0x13C00] =	vst v63  }
0x43e: {  	v6 =	vld @!p0 [tilespmem:s4+$0x10A0];
	_ =	sdelay $0x4  }
0x43f: {  	v10 =	vshll.u32 @!p0 v6, $0x1  }
0x440: {  	v6 =	vand.u32 @!p0 $0x7, v6;
	v10 =	vand.u32 @!p0 $0xFFFFFFF0, v10  }
0x441: {  	v6 =	vor.u32 @!p0 v6, v10  }
0x442: {  	v10 =	vperm.xlane @!p0 v6, v7;
	_ =	sdelay $0x1  }
0x443: {  	v6 =	vperm.xlane @!p0 v6, v8;
	v10 =	vadd.s32 @!p0 v9, v10;
	_ =	sdelay $0x1  }
0x444: {  	v6 =	vadd.s32 @!p0 v9, v6;
	_ =	sdelay $0x1  }
0x445: {  	s7 =	simm.s32 @!p0 $0x9380  }
0x446: {  	[tilespmem:s7], [sflag:$0x2] =	stream.indirect_vreg.gather @!p0 [hbm4b:s0+s6], $0x80, v10, vm1, $0xb8;
	[tilespmem:$0x13C00] =	vst v63  }
0x447: {  	s7 =	simm.s32 @!p0 $0x9B80  }
0x448: {  	[tilespmem:s7], [sflag:$0x2] =	stream.indirect_vreg.gather @!p0 [hbm4b:s0+s6], $0x80, v6, vm1, $0xb8;
	[tilespmem:$0x13C00] =	vst v63  }
0x449: {  	v6 =	vld @!p0 [tilespmem:s4+$0x10B0];
	_ =	sdelay $0x4  }
0x44a: {  	v10 =	vshll.u32 @!p0 v6, $0x1  }
0x44b: {  	v6 =	vand.u32 @!p0 $0x7, v6;
	v10 =	vand.u32 @!p0 $0xFFFFFFF0, v10  }
0x44c: {  	v6 =	vor.u32 @!p0 v6, v10  }
0x44d: {  	v7 =	vperm.xlane @!p0 v6, v7;
	_ =	sdelay $0x1  }
0x44e: {  	v6 =	vperm.xlane @!p0 v6, v8;
	v7 =	vadd.s32 @!p0 v9, v7;
	_ =	sdelay $0x1  }
0x44f: {  	v6 =	vadd.s32 @!p0 v9, v6;
	_ =	sdelay $0x1  }
0x450: {  	s7 =	simm.s32 @!p0 $0xA380  }
0x451: {  	[tilespmem:s7], [sflag:$0x2] =	stream.indirect_vreg.gather @!p0 [hbm4b:s0+s6], $0x80, v7, vm1, $0xb8;
	[tilespmem:$0x13C00] =	vst v63  }
0x452: {  	s7 =	simm.s32 @!p0 $0xAB80  }
0x453: {  	[tilespmem:s7], [sflag:$0x2] =	stream.indirect_vreg.gather @!p0 [hbm4b:s0+s6], $0x80, v6, vm1, $0xb8;
	[tilespmem:$0x13C00] =	vst v63  }
0x454: {  	_ =	swait.ge [sflag:s28], $0x4000  }
0x455: {  	s13 =	sor.u32 $0x2, s12;
	[sflag:s28] =	ssyncset.done $0x0  }
0x456: {  	s14 =	sshll.u32 s13, $0x5;
	[sflag:s28] =	ssyncadd.s32 $0xFFFFC000  }
0x457: {  	s6 =	sor.u32 $0x50, s14;
	v21 =	vld [tilespmem:s14+$0x2000];
	s14 =	simm.s32 $0x0  }
0x458: {  	s15 =	simm.s32 $0x3000;
	v36 =	vld [tilespmem:s6+$0x2000];
	s16 =	sand.u32 $0x70, s14;
	s8 =	sand.u32 $0x400, s14  }
0x459: {  	v8 =	vld [tilespmem:s15+$0x0];
	s15 =	sor.u32 s16, s8  }
0x45a: {  	v6 =	vld [tilespmem:s15+$0xB380]  }
0x45b: {  	v7 =	vld [tilespmem:s15+$0xD380]  }
0x45c: {  	v10 =	vld [tilespmem:s15+$0xB400]  }
0x45d: {  	v12 =	vld [tilespmem:s15+$0xD400];
	v9 =	vbroadcast v21, $0x0  }
0x45e: {  	v14 =	vld [tilespmem:s15+$0xB480];
	v11 =	vbroadcast v21, $0x1  }
0x45f: {  	v16 =	vld [tilespmem:s15+$0xD480];
	v13 =	vbroadcast v21, $0x2;
	v9 =	vpack.i.f32.bf16 v9, v9  }
0x460: {  	v17 =	vld [tilespmem:s15+$0xB500];
	v11 =	vpack.i.f32.bf16 v11, v11;
	v15 =	vmul.bf16 v6, v9  }
0x461: {  	v19 =	vld [tilespmem:s15+$0xD500];
	v6 =	vpack.i.f32.bf16 v13, v13;
	v13 =	vbroadcast v21, $0x3;
	v18 =	vmul.bf16 v7, v9  }
0x462: {  	v20 =	vld [tilespmem:s15+$0xB580];
	v10 =	vmul.bf16 v10, v11;
	v12 =	vmul.bf16 v12, v11;
	v15 =	vadd.bf16 v15, v8  }
0x463: {  	v22 =	vld [tilespmem:s15+$0xB600];
	v7 =	vpack.i.f32.bf16 v13, v13;
	v13 =	vbroadcast v21, $0x4;
	v18 =	vadd.bf16 v18, v8  }
0x464: {  	v23 =	vld [tilespmem:s15+$0xB680];
	v14 =	vmul.bf16 v14, v6;
	v16 =	vmul.bf16 v16, v6;
	v10 =	vadd.bf16 v10, v15  }
0x465: {  	v15 =	vld [tilespmem:s15+$0xD580];
	v8 =	vpack.i.f32.bf16 v13, v13;
	v13 =	vbroadcast v21, $0x5;
	v12 =	vadd.bf16 v12, v18  }
0x466: {  	v17 =	vmul.bf16 v17, v7;
	v19 =	vmul.bf16 v19, v7;
	v18 =	vld [tilespmem:s15+$0xD600];
	v14 =	vadd.bf16 v14, v10  }
0x467: {  	s16 =	sor.u32 s14, s14;
	v25 =	vld [tilespmem:s15+$0xBB80];
	v10 =	vpack.i.f32.bf16 v13, v13;
	v13 =	vbroadcast v21, $0x6;
	v16 =	vadd.bf16 v16, v12  }
0x468: {  	s7 =	sor.u32 $0x380, s16;
	v14 =	vadd.bf16 v17, v14;
	v17 =	vmul.bf16 v20, v8;
	v20 =	vld [tilespmem:s15+$0xD680]  }
0x469: {  	v24 =	vld [tilespmem:s7+$0xB380];
	v12 =	vpack.i.f32.bf16 v13, v13;
	v13 =	vbroadcast v21, $0x7;
	v16 =	vadd.bf16 v19, v16  }
0x46a: {  	v19 =	vld [tilespmem:s15+$0xD700];
	v15 =	vmul.bf16 v15, v8;
	v14 =	vadd.bf16 v17, v14;
	v17 =	vmul.bf16 v22, v10  }
0x46b: {  	v26 =	vld [tilespmem:s15+$0xBC00];
	v18 =	vmul.bf16 v18, v10;
	v13 =	vpack.i.f32.bf16 v13, v13;
	v22 =	vbroadcast v21, $0x8  }
0x46c: {  	v15 =	vadd.bf16 v15, v16;
	v16 =	vadd.bf16 v17, v14;
	v17 =	vmul.bf16 v23, v12;
	v23 =	vld [tilespmem:s15+$0xDB80]  }
0x46d: {  	v27 =	vld [tilespmem:s15+$0xBC80];
	v14 =	vpack.i.f32.bf16 v22, v22;
	v22 =	vbroadcast v21, $0x9;
	v20 =	vmul.bf16 v20, v12  }
0x46e: {  	v18 =	vadd.bf16 v18, v15;
	v16 =	vadd.bf16 v17, v16;
	v17 =	vmul.bf16 v24, v13;
	v24 =	vld [tilespmem:s15+$0xDC00]  }
0x46f: {  	v28 =	vld [tilespmem:s15+$0xBD00];
	v19 =	vmul.bf16 v19, v13;
	v15 =	vpack.i.f32.bf16 v22, v22;
	v22 =	vbroadcast v21, $0xA  }
0x470: {  	v18 =	vadd.bf16 v20, v18;
	v20 =	vmul.bf16 v25, v14;
	v25 =	vld [tilespmem:s15+$0xDC80];
	v17 =	vadd.bf16 v17, v16  }
0x471: {  	v29 =	vld [tilespmem:s15+$0xBD80];
	v16 =	vpack.i.f32.bf16 v22, v22;
	v22 =	vbroadcast v21, $0xB;
	v23 =	vmul.bf16 v23, v14  }
0x472: {  	v18 =	vadd.bf16 v19, v18;
	v19 =	vadd.bf16 v20, v17;
	v20 =	vmul.bf16 v26, v15;
	v26 =	vld [tilespmem:s15+$0xDD00]  }
0x473: {  	v30 =	vld [tilespmem:s15+$0xBE00];
	v17 =	vpack.i.f32.bf16 v22, v22;
	v22 =	vbroadcast v21, $0xC;
	v24 =	vmul.bf16 v24, v15  }
0x474: {  	v23 =	vadd.bf16 v23, v18;
	v19 =	vadd.bf16 v20, v19;
	v20 =	vmul.bf16 v27, v16;
	v27 =	vld [tilespmem:s15+$0xDD80]  }
0x475: {  	v31 =	vld [tilespmem:s15+$0xBE80];
	v18 =	vpack.i.f32.bf16 v22, v22;
	v22 =	vbroadcast v21, $0xD;
	v25 =	vmul.bf16 v25, v16  }
0x476: {  	v23 =	vadd.bf16 v24, v23;
	v24 =	vmul.bf16 v28, v17;
	v28 =	vld [tilespmem:s15+$0xDE00];
	v20 =	vadd.bf16 v20, v19  }
0x477: {  	v50 =	vld [tilespmem:s15+$0xC380];
	v19 =	vpack.i.f32.bf16 v22, v22;
	v22 =	vbroadcast v21, $0xE;
	v26 =	vmul.bf16 v26, v17  }
0x478: {  	v51 =	vld [tilespmem:s15+$0xC400];
	v23 =	vadd.bf16 v25, v23;
	v25 =	vmul.bf16 v29, v18;
	v24 =	vadd.bf16 v24, v20  }
0x479: {  	v21 =	vbroadcast v21, $0xF;
	v29 =	vld [tilespmem:s15+$0xDE80];
	v20 =	vpack.i.f32.bf16 v22, v22;
	v22 =	vmul.bf16 v27, v18  }
0x47a: {  	v27 =	vld [tilespmem:s15+$0xBF00];
	v23 =	vadd.bf16 v26, v23;
	v24 =	vadd.bf16 v25, v24;
	v25 =	vmul.bf16 v30, v19  }
0x47b: {  	v26 =	vld [tilespmem:s15+$0xDF00];
	v30 =	vbroadcast v36, $0x0;
	v28 =	vmul.bf16 v28, v19  }
0x47c: {  	v52 =	vld [tilespmem:s15+$0xC480];
	v23 =	vadd.bf16 v22, v23;
	v24 =	vadd.bf16 v25, v24;
	v25 =	vmul.bf16 v31, v20  }
0x47d: {  	v21 =	vpack.i.f32.bf16 v21, v21;
	v31 =	vld [tilespmem:s15+$0xE380];
	v22 =	vpack.i.f32.bf16 v30, v30;
	v30 =	vbroadcast v36, $0x1  }
0x47e: {  	v53 =	vld [tilespmem:s15+$0xE480];
	v29 =	vmul.bf16 v29, v20;
	v28 =	vadd.bf16 v28, v23;
	v24 =	vadd.bf16 v25, v24  }
0x47f: {  	v25 =	vmul.bf16 v27, v21;
	v27 =	vld [tilespmem:s15+$0xE400];
	v23 =	vpack.i.f32.bf16 v30, v30;
	v30 =	vbroadcast v36, $0x2  }
0x480: {  	v55 =	vld [tilespmem:s15+$0xE500];
	v26 =	vmul.bf16 v26, v21;
	v28 =	vadd.bf16 v29, v28;
	v29 =	vmul.bf16 v50, v22  }
0x481: {  	v56 =	vld [tilespmem:s15+$0xC580];
	v50 =	vbroadcast v36, $0x9;
	v25 =	vadd.bf16 v25, v24;
	v24 =	vpack.i.f32.bf16 v30, v30  }
0x482: {  	v57 =	vld [tilespmem:s15+$0xE580];
	v30 =	vbroadcast v36, $0x3;
	v31 =	vmul.bf16 v31, v22;
	v26 =	vadd.bf16 v26, v28  }
0x483: {  	v54 =	vld [tilespmem:s15+$0xC500];
	v32 =	vmul.bf16 v53, v24;
	v28 =	vadd.bf16 v29, v25;
	v29 =	vmul.bf16 v51, v23  }
0x484: {  	v58 =	vld [tilespmem:s15+$0xC600];
	v25 =	vpack.i.f32.bf16 v30, v30;
	v30 =	vbroadcast v36, $0x4;
	v27 =	vmul.bf16 v27, v23  }
0x485: {  	v59 =	vld [tilespmem:s15+$0xE600];
	v31 =	vadd.bf16 v31, v26;
	v33 =	vmul.bf16 v55, v25;
	v28 =	vadd.bf16 v29, v28  }
0x486: {  	v29 =	vmul.bf16 v52, v24;
	v26 =	vpack.i.f32.bf16 v30, v30;
	v30 =	vbroadcast v36, $0x5  }
0x487: {  	v60 =	vld [tilespmem:s15+$0xC680];
	v31 =	vadd.bf16 v27, v31;
	v61 =	vmul.bf16 v56, v26;
	v34 =	vmul.bf16 v57, v26  }
0x488: {  	v62 =	vld [tilespmem:s15+$0xE680];
	v28 =	vadd.bf16 v29, v28;
	v29 =	vmul.bf16 v54, v25;
	v27 =	vpack.i.f32.bf16 v30, v30  }
0x489: {  	v63 =	vld [tilespmem:s15+$0xC700];
	v30 =	vbroadcast v36, $0x6;
	v54 =	vbroadcast v36, $0xA;
	v31 =	vadd.bf16 v32, v31  }
0x48a: {  	v46 =	vld [tilespmem:s15+$0xE700];
	v45 =	vmul.bf16 v58, v27;
	v35 =	vmul.bf16 v59, v27;
	v29 =	vadd.bf16 v29, v28  }
0x48b: {  	v47 =	vld [tilespmem:s15+$0xCB80];
	v58 =	vbroadcast v36, $0xB;
	v28 =	vpack.i.f32.bf16 v30, v30;
	v30 =	vbroadcast v36, $0x7  }
0x48c: {  	v49 =	vld [tilespmem:s15+$0xEB80];
	v31 =	vadd.bf16 v33, v31;
	v48 =	vmul.bf16 v60, v28;
	v32 =	vadd.bf16 v61, v29  }
0x48d: {  	v51 =	vld [tilespmem:s15+$0xCC00];
	v37 =	vmul.bf16 v62, v28;
	v62 =	vbroadcast v36, $0xC;
	v29 =	vpack.i.f32.bf16 v30, v30  }
0x48e: {  	v53 =	vld [tilespmem:s15+$0xEC00];
	v30 =	vbroadcast v36, $0x8;
	v31 =	vadd.bf16 v34, v31;
	v32 =	vadd.bf16 v45, v32  }
0x48f: {  	v55 =	vld [tilespmem:s15+$0xCC80];
	v52 =	vmul.bf16 v63, v29;
	v38 =	vmul.bf16 v46, v29  }
0x490: {  	v57 =	vld [tilespmem:s15+$0xEC80];
	v30 =	vpack.i.f32.bf16 v30, v30;
	v35 =	vadd.bf16 v35, v31;
	v32 =	vadd.bf16 v48, v32  }
0x491: {  	v31 =	vpack.i.f32.bf16 v50, v50;
	v56 =	vmul.bf16 v47, v30;
	v34 =	vmul.bf16 v49, v30  }
0x492: {  	v59 =	vld [tilespmem:s15+$0xCD00];
	v60 =	vmul.bf16 v51, v31;
	v35 =	vadd.bf16 v37, v35;
	v33 =	vadd.bf16 v52, v32  }
0x493: {  	v61 =	vld [tilespmem:s15+$0xED00];
	v40 =	vmul.bf16 v53, v31;
	v53 =	vbroadcast v36, $0xD  }
0x494: {  	v63 =	vld [tilespmem:s15+$0xCD80];
	v32 =	vpack.i.f32.bf16 v54, v54;
	v35 =	vadd.bf16 v38, v35;
	v37 =	vadd.bf16 v56, v33  }
0x495: {  	v52 =	vld [tilespmem:s15+$0xED80];
	v51 =	vmul.bf16 v55, v32;
	v41 =	vmul.bf16 v57, v32  }
0x496: {  	v54 =	vld [tilespmem:s15+$0xCE00];
	v57 =	vbroadcast v36, $0xE;
	v35 =	vadd.bf16 v34, v35;
	v37 =	vadd.bf16 v60, v37  }
0x497: {  	v36 =	vbroadcast v36, $0xF;
	v33 =	vpack.i.f32.bf16 v58, v58;
	v56 =	vld [tilespmem:s15+$0xEE00];
	v34 =	vpack.i.f32.bf16 v62, v62  }
0x498: {  	v55 =	vmul.bf16 v59, v33;
	v59 =	vld [tilespmem:s15+$0xCE80];
	v40 =	vadd.bf16 v40, v35;
	v37 =	vadd.bf16 v51, v37  }
0x499: {  	v58 =	vmul.bf16 v61, v33;
	v60 =	vmul.bf16 v63, v34  }
0x49a: {  	v43 =	vld [tilespmem:s15+$0xEE80];
	v35 =	vpack.i.f32.bf16 v53, v53;
	v40 =	vadd.bf16 v41, v40;
	v38 =	vadd.bf16 v55, v37  }
0x49b: {  	s8 =	sand.u32 $0xF0, s14;
	v42 =	vld [tilespmem:s15+$0xCF00];
	v61 =	vmul.bf16 v52, v34;
	v63 =	vmul.bf16 v54, v35  }
0x49c: {  	v39 =	vld [tilespmem:s8+$0x3200];
	v37 =	vpack.i.f32.bf16 v57, v57;
	v40 =	vadd.bf16 v58, v40;
	v62 =	vadd.bf16 v60, v38  }
0x49d: {  	s31 =	simm.s32 $0x20;
	s14 =	simm.s32 $0x10;
	v36 =	vpack.i.f32.bf16 v36, v36;
	v44 =	vmul.bf16 v56, v35;
	v41 =	vld [tilespmem:s15+$0xEF00];
	s15 =	simm.s32 $0x80;
	v46 =	vmul.bf16 v59, v37  }
0x49e: {  	s16 =	simm.s32 $0x3010;
	s6 =	sand.u32 $0x70, s14;
	s7 =	sand.u32 $0x400, s15;
	v38 =	vimm.bf16 $0.0e+00;
	v47 =	vadd.bf16 v61, v40;
	v40 =	vld [tilespmem:s8+$0x3100];
	v45 =	vadd.bf16 v63, v62  }
.LBB2_7:
0x49f: {  	p1 =	sne.s32 s31, $0xF0;
	v48 =	vld [tilespmem:s16+$0x0];
	s6 =	sor.u32 s6, s7;
	v43 =	vmul.bf16 v43, v37  }
0x4a0: {  	v49 =	vld [tilespmem:s6+$0xB380];
	v44 =	vadd.bf16 v44, v47;
	v45 =	vadd.bf16 v46, v45;
	v42 =	vmul.bf16 v42, v36  }
0x4a1: {  	v46 =	vld [tilespmem:s6+$0xD380]  }
0x4a2: {  	v47 =	vld [tilespmem:s6+$0xB400];
	v43 =	vadd.bf16 v43, v44;
	v42 =	vadd.bf16 v42, v45;
	v41 =	vmul.bf16 v41, v36  }
0x4a3: {  	v44 =	vld [tilespmem:s6+$0xD400]  }
0x4a4: {  	v45 =	vld [tilespmem:s6+$0xB480];
	v41 =	vadd.bf16 v41, v43;
	v42 =	vmax.bf16 v42, v4  }
0x4a5: {  	v43 =	vmul.bf16 v49, v9;
	v49 =	vld [tilespmem:s6+$0xD480];
	v42 =	vmin.bf16 v42, v5  }
0x4a6: {  	v46 =	vmul.bf16 v46, v9;
	v50 =	vld [tilespmem:s6+$0xB500];
	v41 =	vmax.bf16 v41, v4;
	v40 =	vmul.bf16 v42, v40  }
0x4a7: {  	v42 =	vadd.bf16 v43, v48;
	v43 =	vmul.bf16 v47, v11;
	v47 =	vld [tilespmem:s6+$0xD500];
	v41 =	vmin.bf16 v41, v5  }
0x4a8: {  	v44 =	vmul.bf16 v44, v11;
	v51 =	vld [tilespmem:s6+$0xB580];
	v38 =	vadd.bf16 v40, v38;
	v39 =	vmul.bf16 v41, v39  }
0x4a9: {  	v40 =	vadd.bf16 v46, v48;
	v41 =	vadd.bf16 v43, v42;
	v42 =	vmul.bf16 v45, v6;
	v43 =	vld [tilespmem:s6+$0xD580]  }
0x4aa: {  	v45 =	vmul.bf16 v49, v6;
	v46 =	vld [tilespmem:s6+$0xB600];
	v38 =	vadd.bf16 v39, v38  }
0x4ab: {  	v39 =	vadd.bf16 v44, v40;
	v40 =	vadd.bf16 v42, v41;
	v41 =	vmul.bf16 v50, v7;
	v42 =	vld [tilespmem:s6+$0xD600]  }
0x4ac: {  	s7 =	sor.u32 s15, s14;
	v44 =	vmul.bf16 v47, v7;
	v47 =	vld [tilespmem:s6+$0xB680]  }
0x4ad: {  	s7 =	sor.u32 $0x380, s7;
	v39 =	vadd.bf16 v45, v39;
	v40 =	vadd.bf16 v41, v40;
	v41 =	vmul.bf16 v51, v8;
	v45 =	vld [tilespmem:s6+$0xD680]  }
0x4ae: {  	v43 =	vmul.bf16 v43, v8;
	v48 =	vld [tilespmem:s7+$0xB380]  }
0x4af: {  	v39 =	vadd.bf16 v44, v39;
	v40 =	vadd.bf16 v41, v40;
	v41 =	vmul.bf16 v46, v10;
	v44 =	vld [tilespmem:s6+$0xD700]  }
0x4b0: {  	v42 =	vmul.bf16 v42, v10;
	v46 =	vld [tilespmem:s6+$0xBB80]  }
0x4b1: {  	v39 =	vadd.bf16 v43, v39;
	v40 =	vadd.bf16 v41, v40;
	v41 =	vmul.bf16 v47, v12;
	v43 =	vld [tilespmem:s6+$0xDB80]  }
0x4b2: {  	v45 =	vmul.bf16 v45, v12;
	v47 =	vld [tilespmem:s6+$0xBC00]  }
0x4b3: {  	v39 =	vadd.bf16 v42, v39;
	v40 =	vadd.bf16 v41, v40;
	v41 =	vmul.bf16 v48, v13;
	v42 =	vld [tilespmem:s6+$0xDC00]  }
0x4b4: {  	v44 =	vmul.bf16 v44, v13;
	v48 =	vld [tilespmem:s6+$0xBC80]  }
0x4b5: {  	v39 =	vadd.bf16 v45, v39;
	v40 =	vadd.bf16 v41, v40;
	v41 =	vmul.bf16 v46, v14;
	v45 =	vld [tilespmem:s6+$0xDC80]  }
0x4b6: {  	v43 =	vmul.bf16 v43, v14;
	v46 =	vld [tilespmem:s6+$0xBD00]  }
0x4b7: {  	v39 =	vadd.bf16 v44, v39;
	v40 =	vadd.bf16 v41, v40;
	v41 =	vmul.bf16 v47, v15;
	v44 =	vld [tilespmem:s6+$0xDD00]  }
0x4b8: {  	v42 =	vmul.bf16 v42, v15;
	v47 =	vld [tilespmem:s6+$0xBD80]  }
0x4b9: {  	v39 =	vadd.bf16 v43, v39;
	v40 =	vadd.bf16 v41, v40;
	v41 =	vmul.bf16 v48, v16;
	v43 =	vld [tilespmem:s6+$0xDD80]  }
0x4ba: {  	v45 =	vmul.bf16 v45, v16;
	v48 =	vld [tilespmem:s6+$0xBE00]  }
0x4bb: {  	v39 =	vadd.bf16 v42, v39;
	v40 =	vadd.bf16 v41, v40;
	v41 =	vmul.bf16 v46, v17;
	v42 =	vld [tilespmem:s6+$0xDE00]  }
0x4bc: {  	v44 =	vmul.bf16 v44, v17;
	v46 =	vld [tilespmem:s6+$0xBE80]  }
0x4bd: {  	v39 =	vadd.bf16 v45, v39;
	v40 =	vadd.bf16 v41, v40;
	v41 =	vmul.bf16 v47, v18;
	v45 =	vld [tilespmem:s6+$0xDE80]  }
0x4be: {  	v43 =	vmul.bf16 v43, v18;
	v47 =	vld [tilespmem:s6+$0xBF00]  }
0x4bf: {  	v39 =	vadd.bf16 v44, v39;
	v40 =	vadd.bf16 v41, v40;
	v41 =	vmul.bf16 v48, v19;
	v44 =	vld [tilespmem:s6+$0xDF00]  }
0x4c0: {  	v42 =	vmul.bf16 v42, v19;
	v48 =	vld [tilespmem:s6+$0xC380]  }
0x4c1: {  	v39 =	vadd.bf16 v43, v39;
	v40 =	vadd.bf16 v41, v40;
	v41 =	vmul.bf16 v46, v20;
	v43 =	vld [tilespmem:s6+$0xE380]  }
0x4c2: {  	v45 =	vmul.bf16 v45, v20;
	v46 =	vld [tilespmem:s6+$0xC400]  }
0x4c3: {  	v39 =	vadd.bf16 v42, v39;
	v40 =	vadd.bf16 v41, v40;
	v41 =	vmul.bf16 v47, v21;
	v42 =	vld [tilespmem:s6+$0xE400]  }
0x4c4: {  	v44 =	vmul.bf16 v44, v21;
	v47 =	vld [tilespmem:s6+$0xC480]  }
0x4c5: {  	v39 =	vadd.bf16 v45, v39;
	v40 =	vadd.bf16 v41, v40;
	v41 =	vmul.bf16 v48, v22;
	v45 =	vld [tilespmem:s6+$0xE480]  }
0x4c6: {  	v43 =	vmul.bf16 v43, v22;
	v48 =	vld [tilespmem:s6+$0xC500]  }
0x4c7: {  	v39 =	vadd.bf16 v44, v39;
	v40 =	vadd.bf16 v41, v40;
	v41 =	vmul.bf16 v46, v23;
	v44 =	vld [tilespmem:s6+$0xE500]  }
0x4c8: {  	v42 =	vmul.bf16 v42, v23;
	v46 =	vld [tilespmem:s6+$0xC580]  }
0x4c9: {  	v39 =	vadd.bf16 v43, v39;
	v40 =	vadd.bf16 v41, v40;
	v41 =	vmul.bf16 v47, v24;
	v43 =	vld [tilespmem:s6+$0xE580]  }
0x4ca: {  	v45 =	vmul.bf16 v45, v24;
	v47 =	vld [tilespmem:s6+$0xC600]  }
0x4cb: {  	v39 =	vadd.bf16 v42, v39;
	v40 =	vadd.bf16 v41, v40;
	v41 =	vmul.bf16 v48, v25;
	v42 =	vld [tilespmem:s6+$0xE600]  }
0x4cc: {  	v44 =	vmul.bf16 v44, v25;
	v48 =	vld [tilespmem:s6+$0xC680]  }
0x4cd: {  	v39 =	vadd.bf16 v45, v39;
	v40 =	vadd.bf16 v41, v40;
	v41 =	vmul.bf16 v46, v26;
	v45 =	vld [tilespmem:s6+$0xE680]  }
0x4ce: {  	v43 =	vmul.bf16 v43, v26;
	v46 =	vld [tilespmem:s6+$0xC700]  }
0x4cf: {  	v39 =	vadd.bf16 v44, v39;
	v40 =	vadd.bf16 v41, v40;
	v41 =	vmul.bf16 v47, v27;
	v44 =	vld [tilespmem:s6+$0xE700]  }
0x4d0: {  	v42 =	vmul.bf16 v42, v27;
	v47 =	vld [tilespmem:s6+$0xCB80]  }
0x4d1: {  	v39 =	vadd.bf16 v43, v39;
	v40 =	vadd.bf16 v41, v40;
	v41 =	vmul.bf16 v48, v28;
	v43 =	vld [tilespmem:s6+$0xEB80]  }
0x4d2: {  	v45 =	vmul.bf16 v45, v28;
	v48 =	vld [tilespmem:s6+$0xCC00]  }
0x4d3: {  	v39 =	vadd.bf16 v42, v39;
	v40 =	vadd.bf16 v41, v40;
	v41 =	vmul.bf16 v46, v29;
	v42 =	vld [tilespmem:s6+$0xEC00]  }
0x4d4: {  	v44 =	vmul.bf16 v44, v29;
	v46 =	vld [tilespmem:s6+$0xCC80]  }
0x4d5: {  	v39 =	vadd.bf16 v45, v39;
	v40 =	vadd.bf16 v41, v40;
	v41 =	vmul.bf16 v47, v30;
	v45 =	vld [tilespmem:s6+$0xEC80]  }
0x4d6: {  	v43 =	vmul.bf16 v43, v30;
	v47 =	vld [tilespmem:s6+$0xCD00]  }
0x4d7: {  	v39 =	vadd.bf16 v44, v39;
	v40 =	vadd.bf16 v41, v40;
	v41 =	vmul.bf16 v48, v31;
	v44 =	vld [tilespmem:s6+$0xED00]  }
0x4d8: {  	v42 =	vmul.bf16 v42, v31;
	v48 =	vld [tilespmem:s6+$0xCD80]  }
0x4d9: {  	v39 =	vadd.bf16 v43, v39;
	v40 =	vadd.bf16 v41, v40;
	v41 =	vmul.bf16 v46, v32;
	v46 =	vld [tilespmem:s6+$0xED80]  }
0x4da: {  	v43 =	vmul.bf16 v45, v32;
	v45 =	vld [tilespmem:s6+$0xCE00]  }
0x4db: {  	v39 =	vadd.bf16 v42, v39;
	v40 =	vadd.bf16 v41, v40;
	v41 =	vmul.bf16 v47, v33;
	v47 =	vld [tilespmem:s6+$0xEE00]  }
0x4dc: {  	v44 =	vmul.bf16 v44, v33;
	v49 =	vld [tilespmem:s6+$0xCE80]  }
.Ltmp4:
0x4dd: {  	v39 =	vadd.bf16 v43, v39;
	v40 =	vadd.bf16 v41, v40;
	v41 =	vmul.bf16 v48, v34;
	v43 =	vld [tilespmem:s6+$0xEE80];
	(pc) =	sbr.rel @p1 .LBB2_7-.Ltmp4, $4  }
0x4de: {  	s8 =	sand.u32 $0xF0, s14;
	s14 =	smov.u32 s31;
	v46 =	vmul.bf16 v46, v34;
	v42 =	vld [tilespmem:s6+$0xCF00]  }
0x4df: {  	v48 =	vadd.bf16 v44, v39;
	v40 =	vadd.bf16 v41, v40;
	v45 =	vmul.bf16 v45, v35;
	v39 =	vld [tilespmem:s8+$0x3200]  }
0x4e0: {  	s15 =	sadd.s32 $0x80, s15;
	s16 =	sadd.s32 $0x10, s16;
	v44 =	vmul.bf16 v47, v35;
	v41 =	vld [tilespmem:s6+$0xEF00]  }
0x4e1: {  	s31 =	sadd.s32 $0x10, s31;
	s7 =	sand.u32 $0x400, s15;
	s6 =	sand.u32 $0x70, s14;
	v47 =	vadd.bf16 v46, v48;
	v45 =	vadd.bf16 v45, v40;
	v46 =	vmul.bf16 v49, v37;
	v40 =	vld [tilespmem:s8+$0x3100]  }
0x4e2: {  	v48 =	vld [tilespmem:s16+$0x0];
	s6 =	sor.u32 s6, s7  }
0x4e3: {  	v49 =	vld [tilespmem:s6+$0xB380]  }
0x4e4: {  	v50 =	vld [tilespmem:s6+$0xD380]  }
0x4e5: {  	v51 =	vld [tilespmem:s6+$0xB400]  }
0x4e6: {  	v52 =	vld [tilespmem:s6+$0xD400]  }
0x4e7: {  	v53 =	vld [tilespmem:s6+$0xB480]  }
0x4e8: {  	v54 =	vld [tilespmem:s6+$0xD480];
	v49 =	vmul.bf16 v49, v9  }
0x4e9: {  	v55 =	vld [tilespmem:s6+$0xB500];
	v9 =	vmul.bf16 v50, v9  }
0x4ea: {  	v59 =	vld [tilespmem:s6+$0xD500];
	v58 =	vmul.bf16 v51, v11;
	v49 =	vadd.bf16 v49, v48  }
0x4eb: {  	v60 =	vld [tilespmem:s6+$0xB580];
	v11 =	vmul.bf16 v52, v11;
	v9 =	vadd.bf16 v9, v48  }
0x4ec: {  	v63 =	vld [tilespmem:s6+$0xD580];
	v62 =	vmul.bf16 v53, v6;
	v61 =	vadd.bf16 v58, v49  }
0x4ed: {  	v56 =	vld [tilespmem:s6+$0xB600];
	v6 =	vmul.bf16 v54, v6;
	v9 =	vadd.bf16 v11, v9  }
0x4ee: {  	s8 =	sor.u32 s15, s14;
	v57 =	vmul.bf16 v55, v7;
	v58 =	vld [tilespmem:s6+$0xD600];
	v11 =	vadd.bf16 v62, v61  }
0x4ef: {  	s7 =	sor.u32 $0x380, s8;
	v7 =	vmul.bf16 v59, v7;
	v59 =	vld [tilespmem:s6+$0xB680];
	v6 =	vadd.bf16 v6, v9  }
0x4f0: {  	v61 =	vld [tilespmem:s7+$0xB380];
	v9 =	vadd.bf16 v57, v11;
	v11 =	vmul.bf16 v60, v8  }
0x4f1: {  	v60 =	vld [tilespmem:s6+$0xD680];
	v8 =	vmul.bf16 v63, v8;
	v6 =	vadd.bf16 v7, v6  }
0x4f2: {  	v7 =	vadd.bf16 v11, v9;
	v9 =	vmul.bf16 v56, v10;
	v11 =	vld [tilespmem:s6+$0xD700]  }
0x4f3: {  	v62 =	vld [tilespmem:s6+$0xBB80];
	v10 =	vmul.bf16 v58, v10;
	v6 =	vadd.bf16 v8, v6  }
0x4f4: {  	v8 =	vmul.bf16 v59, v12;
	v7 =	vadd.bf16 v9, v7;
	v9 =	vld [tilespmem:s6+$0xDB80]  }
0x4f5: {  	v63 =	vld [tilespmem:s6+$0xBC00];
	v6 =	vadd.bf16 v10, v6  }
0x4f6: {  	v10 =	vld [tilespmem:s6+$0xDC00];
	v12 =	vmul.bf16 v60, v12;
	v7 =	vadd.bf16 v8, v7;
	v8 =	vmul.bf16 v61, v13  }
0x4f7: {  	v11 =	vmul.bf16 v11, v13;
	v13 =	vld [tilespmem:s6+$0xBC80]  }
0x4f8: {  	v6 =	vadd.bf16 v12, v6;
	v12 =	vld [tilespmem:s6+$0xDC80];
	v7 =	vadd.bf16 v8, v7;
	v8 =	vmul.bf16 v62, v14  }
0x4f9: {  	v9 =	vmul.bf16 v9, v14;
	v14 =	vld [tilespmem:s6+$0xBD00]  }
0x4fa: {  	v6 =	vadd.bf16 v11, v6;
	v11 =	vld [tilespmem:s6+$0xDD00];
	v7 =	vadd.bf16 v8, v7;
	v8 =	vmul.bf16 v63, v15  }
0x4fb: {  	v10 =	vmul.bf16 v10, v15;
	v15 =	vld [tilespmem:s6+$0xBD80]  }
0x4fc: {  	v6 =	vadd.bf16 v9, v6;
	v9 =	vld [tilespmem:s6+$0xDD80];
	v7 =	vadd.bf16 v8, v7;
	v8 =	vmul.bf16 v13, v16  }
0x4fd: {  	v12 =	vmul.bf16 v12, v16;
	v13 =	vld [tilespmem:s6+$0xBE00]  }
0x4fe: {  	v6 =	vadd.bf16 v10, v6;
	v10 =	vld [tilespmem:s6+$0xDE00];
	v7 =	vadd.bf16 v8, v7;
	v8 =	vmul.bf16 v14, v17  }
0x4ff: {  	v11 =	vmul.bf16 v11, v17;
	v14 =	vld [tilespmem:s6+$0xBE80]  }
0x500: {  	v6 =	vadd.bf16 v12, v6;
	v12 =	vld [tilespmem:s6+$0xDE80];
	v7 =	vadd.bf16 v8, v7;
	v8 =	vmul.bf16 v15, v18  }
0x501: {  	v9 =	vmul.bf16 v9, v18;
	v15 =	vld [tilespmem:s6+$0xBF00]  }
0x502: {  	v6 =	vadd.bf16 v11, v6;
	v11 =	vld [tilespmem:s6+$0xDF00];
	v7 =	vadd.bf16 v8, v7;
	v8 =	vmul.bf16 v13, v19  }
0x503: {  	v10 =	vmul.bf16 v10, v19;
	v13 =	vld [tilespmem:s6+$0xC380]  }
0x504: {  	v6 =	vadd.bf16 v9, v6;
	v9 =	vld [tilespmem:s6+$0xE380];
	v7 =	vadd.bf16 v8, v7;
	v8 =	vmul.bf16 v14, v20  }
0x505: {  	v12 =	vmul.bf16 v12, v20;
	v14 =	vld [tilespmem:s6+$0xC400]  }
0x506: {  	v6 =	vadd.bf16 v10, v6;
	v10 =	vld [tilespmem:s6+$0xE400];
	v7 =	vadd.bf16 v8, v7;
	v8 =	vmul.bf16 v15, v21  }
0x507: {  	v11 =	vmul.bf16 v11, v21;
	v15 =	vld [tilespmem:s6+$0xC480]  }
0x508: {  	v6 =	vadd.bf16 v12, v6;
	v12 =	vld [tilespmem:s6+$0xE480];
	v7 =	vadd.bf16 v8, v7;
	v8 =	vmul.bf16 v13, v22  }
0x509: {  	v9 =	vmul.bf16 v9, v22;
	v13 =	vld [tilespmem:s6+$0xC500]  }
0x50a: {  	v6 =	vadd.bf16 v11, v6;
	v11 =	vld [tilespmem:s6+$0xE500];
	v7 =	vadd.bf16 v8, v7;
	v8 =	vmul.bf16 v14, v23  }
0x50b: {  	v10 =	vmul.bf16 v10, v23;
	v14 =	vld [tilespmem:s6+$0xC580]  }
0x50c: {  	v6 =	vadd.bf16 v9, v6;
	v9 =	vld [tilespmem:s6+$0xE580];
	v7 =	vadd.bf16 v8, v7;
	v8 =	vmul.bf16 v15, v24  }
0x50d: {  	v12 =	vmul.bf16 v12, v24;
	v15 =	vld [tilespmem:s6+$0xC600]  }
0x50e: {  	v6 =	vadd.bf16 v10, v6;
	v10 =	vld [tilespmem:s6+$0xE600];
	v7 =	vadd.bf16 v8, v7;
	v8 =	vmul.bf16 v13, v25  }
0x50f: {  	v11 =	vmul.bf16 v11, v25;
	v13 =	vld [tilespmem:s6+$0xC680]  }
0x510: {  	v6 =	vadd.bf16 v12, v6;
	v12 =	vld [tilespmem:s6+$0xE680];
	v7 =	vadd.bf16 v8, v7;
	v8 =	vmul.bf16 v14, v26  }
0x511: {  	v9 =	vmul.bf16 v9, v26;
	v14 =	vld [tilespmem:s6+$0xC700]  }
0x512: {  	v6 =	vadd.bf16 v11, v6;
	v11 =	vld [tilespmem:s6+$0xE700];
	v7 =	vadd.bf16 v8, v7;
	v8 =	vmul.bf16 v15, v27  }
0x513: {  	v10 =	vmul.bf16 v10, v27;
	v15 =	vld [tilespmem:s6+$0xCB80]  }
0x514: {  	v6 =	vadd.bf16 v9, v6;
	v9 =	vld [tilespmem:s6+$0xEB80];
	v7 =	vadd.bf16 v8, v7;
	v8 =	vmul.bf16 v13, v28  }
0x515: {  	v12 =	vmul.bf16 v12, v28;
	v13 =	vld [tilespmem:s6+$0xCC00]  }
0x516: {  	v6 =	vadd.bf16 v10, v6;
	v10 =	vld [tilespmem:s6+$0xEC00];
	v7 =	vadd.bf16 v8, v7;
	v8 =	vmul.bf16 v14, v29  }
0x517: {  	v11 =	vmul.bf16 v11, v29;
	v14 =	vld [tilespmem:s6+$0xCC80]  }
0x518: {  	v6 =	vadd.bf16 v12, v6;
	v12 =	vld [tilespmem:s6+$0xEC80];
	v7 =	vadd.bf16 v8, v7;
	v8 =	vmul.bf16 v15, v30  }
0x519: {  	v9 =	vmul.bf16 v9, v30;
	v15 =	vld [tilespmem:s6+$0xCD00]  }
0x51a: {  	v6 =	vadd.bf16 v11, v6;
	v11 =	vld [tilespmem:s6+$0xED00];
	v7 =	vadd.bf16 v8, v7;
	v8 =	vmul.bf16 v13, v31  }
0x51b: {  	v10 =	vmul.bf16 v10, v31;
	v13 =	vld [tilespmem:s6+$0xCD80]  }
0x51c: {  	v6 =	vadd.bf16 v9, v6;
	v9 =	vld [tilespmem:s6+$0xED80];
	v7 =	vadd.bf16 v8, v7;
	v8 =	vmul.bf16 v14, v32  }
0x51d: {  	v16 =	vadd.bf16 v44, v47;
	v17 =	vld [tilespmem:s6+$0xCE00];
	v18 =	vmul.bf16 v42, v36;
	v12 =	vmul.bf16 v12, v32  }
0x51e: {  	v6 =	vadd.bf16 v10, v6;
	v10 =	vld [tilespmem:s6+$0xEE00];
	v7 =	vadd.bf16 v8, v7;
	v8 =	vmul.bf16 v15, v33  }
0x51f: {  	v19 =	vld [tilespmem:s6+$0xCE80];
	v14 =	vmul.bf16 v43, v37;
	v15 =	vadd.bf16 v46, v45;
	v11 =	vmul.bf16 v11, v33  }
0x520: {  	v6 =	vadd.bf16 v12, v6;
	v12 =	vld [tilespmem:s6+$0xEE80];
	v7 =	vadd.bf16 v8, v7;
	v8 =	vmul.bf16 v13, v34  }
0x521: {  	v13 =	vadd.bf16 v14, v16;
	v14 =	vadd.bf16 v18, v15;
	v9 =	vmul.bf16 v9, v34;
	v15 =	vld [tilespmem:s6+$0xCF00]  }
0x522: {  	v6 =	vadd.bf16 v11, v6;
	v7 =	vadd.bf16 v8, v7;
	v8 =	vmul.bf16 v17, v35  }
0x523: {  	v16 =	vld [tilespmem:s6+$0xEF00];
	v11 =	vmul.bf16 v41, v36;
	v14 =	vmax.bf16 v14, v4;
	v10 =	vmul.bf16 v10, v35  }
0x524: {  	v6 =	vadd.bf16 v9, v6;
	v7 =	vadd.bf16 v8, v7;
	v8 =	vmul.bf16 v19, v37  }
0x525: {  	v9 =	vadd.bf16 v11, v13;
	v11 =	vmin.bf16 v14, v5;
	v12 =	vmul.bf16 v12, v37  }
0x526: {  	s14 =	sand.u32 $0xF0, s14;
	v6 =	vadd.bf16 v10, v6;
	v7 =	vadd.bf16 v8, v7;
	v8 =	vmul.bf16 v15, v36  }
0x527: {  	v9 =	vmax.bf16 v9, v4;
	v10 =	vmul.bf16 v11, v40;
	v11 =	vld [tilespmem:s14+$0x3100]  }
0x528: {  	v6 =	vadd.bf16 v12, v6;
	v7 =	vadd.bf16 v8, v7;
	v8 =	vmul.bf16 v16, v36  }
0x529: {  	v9 =	vmin.bf16 v9, v5;
	v10 =	vadd.bf16 v10, v38;
	v12 =	vld [tilespmem:s14+$0x3200]  }
0x52a: {  	v9 =	vmul.bf16 v9, v39;
	v6 =	vadd.bf16 v8, v6;
	v7 =	vmax.bf16 v7, v4  }
0x52b: {  	v7 =	vmin.bf16 v7, v5  }
0x52c: {  	v8 =	vadd.bf16 v9, v10;
	v6 =	vmax.bf16 v6, v4;
	v7 =	vmul.bf16 v7, v11  }
0x52d: {  	v6 =	vmin.bf16 v6, v5  }
0x52e: {  	v7 =	vadd.bf16 v7, v8;
	v6 =	vmul.bf16 v6, v12;
	_ =	sdelay $0x1  }
0x52f: {  	v6 =	vadd.bf16 v6, v7;
	_ =	sdelay $0x1  }
0x530: {  	v7 =	vunpack.i.u.bf16.f32 v6;
	v6 =	vunpack.i.l.bf16.f32 v6  }
0x531: {  	s15 =	sshll.u32 s13, $0x4;
	v6 =	vadd.f32 v6, v7  }
0x532: {  	s6 =	sand.u32 $0x3FFFFFF0, s15  }
0x533: {  	[tilespmem:s6+$0x13380] =	vst v6  }
0x534: {  	v6 =	vld @!p0 [tilespmem:s4+$0xC0];
	_ =	sdelay $0x4  }
0x535: {  	v7 =	vshll.u32 @!p0 v6, $0x1  }
0x536: {  	v8 =	vlaneseq.u32 @!p0;
	v6 =	vand.u32 @!p0 $0x7, v6;
	v7 =	vand.u32 @!p0 $0xFFFFFFF0, v7  }
0x537: {  	v9 =	vshrl.u32 @!p0 v8, $0x3;
	v6 =	vor.u32 @!p0 v6, v7;
	v7 =	vand.u32 @!p0 $0x7, v8  }
0x538: {  	v9 =	vmul.u32 @!p0 $0x8, v9;
	v10 =	vperm.xlane @!p0 v6, v7  }
0x539: {  	v8 =	vor.u32 @!p0 $0x8, v8  }
0x53a: {  	v6 =	vperm.xlane @!p0 v6, v8;
	v10 =	vadd.s32 @!p0 v9, v10;
	_ =	sdelay $0x1  }
0x53b: {  	v6 =	vadd.s32 @!p0 v9, v6;
	_ =	sdelay $0x1  }
0x53c: {  	s7 =	simm.s32 @!p0 $0xB380;
	s6 =	simm.s32 @!p0 $0x0  }
0x53d: {  	[tilespmem:s7], [sflag:$0x3] =	stream.indirect_vreg.gather @!p0 [hbm4b:s0+s6], $0x80, v10, vm1, $0xb8;
	[tilespmem:$0x13C00] =	vst v63  }
0x53e: {  	s7 =	simm.s32 @!p0 $0xBB80  }
0x53f: {  	[tilespmem:s7], [sflag:$0x3] =	stream.indirect_vreg.gather @!p0 [hbm4b:s0+s6], $0x80, v6, vm1, $0xb8;
	[tilespmem:$0x13C00] =	vst v63  }
0x540: {  	v6 =	vld @!p0 [tilespmem:s4+$0xD0];
	_ =	sdelay $0x4  }
0x541: {  	v10 =	vshll.u32 @!p0 v6, $0x1  }
0x542: {  	v6 =	vand.u32 @!p0 $0x7, v6;
	v10 =	vand.u32 @!p0 $0xFFFFFFF0, v10  }
0x543: {  	v6 =	vor.u32 @!p0 v6, v10  }
0x544: {  	v10 =	vperm.xlane @!p0 v6, v7;
	_ =	sdelay $0x1  }
0x545: {  	v6 =	vperm.xlane @!p0 v6, v8;
	v10 =	vadd.s32 @!p0 v9, v10;
	_ =	sdelay $0x1  }
0x546: {  	v6 =	vadd.s32 @!p0 v9, v6;
	_ =	sdelay $0x1  }
0x547: {  	s7 =	simm.s32 @!p0 $0xC380  }
0x548: {  	[tilespmem:s7], [sflag:$0x3] =	stream.indirect_vreg.gather @!p0 [hbm4b:s0+s6], $0x80, v10, vm1, $0xb8;
	[tilespmem:$0x13C00] =	vst v63  }
0x549: {  	s7 =	simm.s32 @!p0 $0xCB80  }
0x54a: {  	[tilespmem:s7], [sflag:$0x3] =	stream.indirect_vreg.gather @!p0 [hbm4b:s0+s6], $0x80, v6, vm1, $0xb8;
	[tilespmem:$0x13C00] =	vst v63  }
0x54b: {  	v6 =	vld @!p0 [tilespmem:s4+$0x10C0];
	_ =	sdelay $0x4  }
0x54c: {  	v10 =	vshll.u32 @!p0 v6, $0x1  }
0x54d: {  	v6 =	vand.u32 @!p0 $0x7, v6;
	v10 =	vand.u32 @!p0 $0xFFFFFFF0, v10  }
0x54e: {  	v6 =	vor.u32 @!p0 v6, v10  }
0x54f: {  	v10 =	vperm.xlane @!p0 v6, v7;
	_ =	sdelay $0x1  }
0x550: {  	v6 =	vperm.xlane @!p0 v6, v8;
	v10 =	vadd.s32 @!p0 v9, v10;
	_ =	sdelay $0x1  }
0x551: {  	v6 =	vadd.s32 @!p0 v9, v6;
	_ =	sdelay $0x1  }
0x552: {  	s7 =	simm.s32 @!p0 $0xD380  }
0x553: {  	[tilespmem:s7], [sflag:$0x3] =	stream.indirect_vreg.gather @!p0 [hbm4b:s0+s6], $0x80, v10, vm1, $0xb8;
	[tilespmem:$0x13C00] =	vst v63  }
0x554: {  	s7 =	simm.s32 @!p0 $0xDB80  }
0x555: {  	[tilespmem:s7], [sflag:$0x3] =	stream.indirect_vreg.gather @!p0 [hbm4b:s0+s6], $0x80, v6, vm1, $0xb8;
	[tilespmem:$0x13C00] =	vst v63  }
0x556: {  	v6 =	vld @!p0 [tilespmem:s4+$0x10D0];
	_ =	sdelay $0x4  }
0x557: {  	v10 =	vshll.u32 @!p0 v6, $0x1  }
0x558: {  	v6 =	vand.u32 @!p0 $0x7, v6;
	v10 =	vand.u32 @!p0 $0xFFFFFFF0, v10  }
0x559: {  	v6 =	vor.u32 @!p0 v6, v10  }
0x55a: {  	v7 =	vperm.xlane @!p0 v6, v7;
	_ =	sdelay $0x1  }
0x55b: {  	v6 =	vperm.xlane @!p0 v6, v8;
	v7 =	vadd.s32 @!p0 v9, v7;
	_ =	sdelay $0x1  }
0x55c: {  	v6 =	vadd.s32 @!p0 v9, v6;
	_ =	sdelay $0x1  }
0x55d: {  	s4 =	simm.s32 @!p0 $0xE380  }
0x55e: {  	[tilespmem:s4], [sflag:$0x3] =	stream.indirect_vreg.gather @!p0 [hbm4b:s0+s6], $0x80, v7, vm1, $0xb8;
	[tilespmem:$0x13C00] =	vst v63  }
0x55f: {  	s4 =	simm.s32 @!p0 $0xEB80  }
0x560: {  	[tilespmem:s4], [sflag:$0x3] =	stream.indirect_vreg.gather @!p0 [hbm4b:s0+s6], $0x80, v6, vm1, $0xb8;
	[tilespmem:$0x13C00] =	vst v63  }
0x561: {  	_ =	swait.ge [sflag:s29], $0x4000  }
0x562: {  	s4 =	sor.u32 $0x3, s12;
	[sflag:s29] =	ssyncset.done $0x0  }
0x563: {  	s16 =	sshll.u32 s4, $0x5;
	[sflag:s29] =	ssyncadd.s32 $0xFFFFC000  }
0x564: {  	s31 =	simm.s32 $0x0;
	s6 =	sor.u32 $0x70, s16;
	v21 =	vld [tilespmem:s16+$0x2000]  }
0x565: {  	s13 =	simm.s32 $0x3000;
	s8 =	sand.u32 $0x400, s31;
	s14 =	sand.u32 $0x70, s31;
	v36 =	vld [tilespmem:s6+$0x2000]  }
0x566: {  	s15 =	sor.u32 s14, s8;
	v8 =	vld [tilespmem:s13+$0x0]  }
0x567: {  	v6 =	vld [tilespmem:s15+$0xF380]  }
0x568: {  	v7 =	vld [tilespmem:s15+$0x11380]  }
0x569: {  	v10 =	vld [tilespmem:s15+$0xF400]  }
0x56a: {  	v12 =	vld [tilespmem:s15+$0x11400];
	v9 =	vbroadcast v21, $0x0  }
0x56b: {  	v14 =	vld [tilespmem:s15+$0xF480];
	v11 =	vbroadcast v21, $0x1  }
0x56c: {  	v16 =	vld [tilespmem:s15+$0x11480];
	v13 =	vbroadcast v21, $0x2;
	v9 =	vpack.i.f32.bf16 v9, v9  }
0x56d: {  	v17 =	vld [tilespmem:s15+$0xF500];
	v11 =	vpack.i.f32.bf16 v11, v11;
	v15 =	vmul.bf16 v6, v9  }
0x56e: {  	v19 =	vld [tilespmem:s15+$0x11500];
	v6 =	vpack.i.f32.bf16 v13, v13;
	v13 =	vbroadcast v21, $0x3;
	v18 =	vmul.bf16 v7, v9  }
0x56f: {  	v20 =	vld [tilespmem:s15+$0xF580];
	v10 =	vmul.bf16 v10, v11;
	v12 =	vmul.bf16 v12, v11;
	v15 =	vadd.bf16 v15, v8  }
0x570: {  	v22 =	vld [tilespmem:s15+$0xF600];
	v7 =	vpack.i.f32.bf16 v13, v13;
	v13 =	vbroadcast v21, $0x4;
	v18 =	vadd.bf16 v18, v8  }
0x571: {  	v23 =	vld [tilespmem:s15+$0xF680];
	v14 =	vmul.bf16 v14, v6;
	v16 =	vmul.bf16 v16, v6;
	v10 =	vadd.bf16 v10, v15  }
0x572: {  	v15 =	vld [tilespmem:s15+$0x11580];
	v8 =	vpack.i.f32.bf16 v13, v13;
	v13 =	vbroadcast v21, $0x5;
	v12 =	vadd.bf16 v12, v18  }
0x573: {  	v17 =	vmul.bf16 v17, v7;
	v19 =	vmul.bf16 v19, v7;
	v18 =	vld [tilespmem:s15+$0x11600];
	v14 =	vadd.bf16 v14, v10  }
0x574: {  	s16 =	sor.u32 s31, s31;
	v25 =	vld [tilespmem:s15+$0xFB80];
	v10 =	vpack.i.f32.bf16 v13, v13;
	v13 =	vbroadcast v21, $0x6;
	v16 =	vadd.bf16 v16, v12  }
0x575: {  	s7 =	sor.u32 $0x380, s16;
	v14 =	vadd.bf16 v17, v14;
	v17 =	vmul.bf16 v20, v8;
	v20 =	vld [tilespmem:s15+$0x11680]  }
0x576: {  	v24 =	vld [tilespmem:s7+$0xF380];
	v12 =	vpack.i.f32.bf16 v13, v13;
	v13 =	vbroadcast v21, $0x7;
	v16 =	vadd.bf16 v19, v16  }
0x577: {  	v19 =	vld [tilespmem:s15+$0x11700];
	v15 =	vmul.bf16 v15, v8;
	v14 =	vadd.bf16 v17, v14;
	v17 =	vmul.bf16 v22, v10  }
0x578: {  	v26 =	vld [tilespmem:s15+$0xFC00];
	v18 =	vmul.bf16 v18, v10;
	v13 =	vpack.i.f32.bf16 v13, v13;
	v22 =	vbroadcast v21, $0x8  }
0x579: {  	v15 =	vadd.bf16 v15, v16;
	v16 =	vadd.bf16 v17, v14;
	v17 =	vmul.bf16 v23, v12;
	v23 =	vld [tilespmem:s15+$0x11B80]  }
0x57a: {  	v27 =	vld [tilespmem:s15+$0xFC80];
	v14 =	vpack.i.f32.bf16 v22, v22;
	v22 =	vbroadcast v21, $0x9;
	v20 =	vmul.bf16 v20, v12  }
0x57b: {  	v18 =	vadd.bf16 v18, v15;
	v16 =	vadd.bf16 v17, v16;
	v17 =	vmul.bf16 v24, v13;
	v24 =	vld [tilespmem:s15+$0x11C00]  }
0x57c: {  	v28 =	vld [tilespmem:s15+$0xFD00];
	v19 =	vmul.bf16 v19, v13;
	v15 =	vpack.i.f32.bf16 v22, v22;
	v22 =	vbroadcast v21, $0xA  }
0x57d: {  	v18 =	vadd.bf16 v20, v18;
	v20 =	vmul.bf16 v25, v14;
	v25 =	vld [tilespmem:s15+$0x11C80];
	v17 =	vadd.bf16 v17, v16  }
0x57e: {  	v29 =	vld [tilespmem:s15+$0xFD80];
	v16 =	vpack.i.f32.bf16 v22, v22;
	v22 =	vbroadcast v21, $0xB;
	v23 =	vmul.bf16 v23, v14  }
0x57f: {  	v18 =	vadd.bf16 v19, v18;
	v19 =	vadd.bf16 v20, v17;
	v20 =	vmul.bf16 v26, v15;
	v26 =	vld [tilespmem:s15+$0x11D00]  }
0x580: {  	v30 =	vld [tilespmem:s15+$0xFE00];
	v17 =	vpack.i.f32.bf16 v22, v22;
	v22 =	vbroadcast v21, $0xC;
	v24 =	vmul.bf16 v24, v15  }
0x581: {  	v23 =	vadd.bf16 v23, v18;
	v19 =	vadd.bf16 v20, v19;
	v20 =	vmul.bf16 v27, v16;
	v27 =	vld [tilespmem:s15+$0x11D80]  }
0x582: {  	v31 =	vld [tilespmem:s15+$0xFE80];
	v18 =	vpack.i.f32.bf16 v22, v22;
	v22 =	vbroadcast v21, $0xD;
	v25 =	vmul.bf16 v25, v16  }
0x583: {  	v23 =	vadd.bf16 v24, v23;
	v24 =	vmul.bf16 v28, v17;
	v28 =	vld [tilespmem:s15+$0x11E00];
	v20 =	vadd.bf16 v20, v19  }
0x584: {  	v50 =	vld [tilespmem:s15+$0x10380];
	v19 =	vpack.i.f32.bf16 v22, v22;
	v22 =	vbroadcast v21, $0xE;
	v26 =	vmul.bf16 v26, v17  }
0x585: {  	v51 =	vld [tilespmem:s15+$0x10400];
	v23 =	vadd.bf16 v25, v23;
	v25 =	vmul.bf16 v29, v18;
	v24 =	vadd.bf16 v24, v20  }
0x586: {  	v21 =	vbroadcast v21, $0xF;
	v29 =	vld [tilespmem:s15+$0x11E80];
	v20 =	vpack.i.f32.bf16 v22, v22;
	v22 =	vmul.bf16 v27, v18  }
0x587: {  	v27 =	vld [tilespmem:s15+$0xFF00];
	v23 =	vadd.bf16 v26, v23;
	v24 =	vadd.bf16 v25, v24;
	v25 =	vmul.bf16 v30, v19  }
0x588: {  	v26 =	vld [tilespmem:s15+$0x11F00];
	v30 =	vbroadcast v36, $0x0;
	v28 =	vmul.bf16 v28, v19  }
0x589: {  	v52 =	vld [tilespmem:s15+$0x10480];
	v23 =	vadd.bf16 v22, v23;
	v24 =	vadd.bf16 v25, v24;
	v25 =	vmul.bf16 v31, v20  }
0x58a: {  	v21 =	vpack.i.f32.bf16 v21, v21;
	v31 =	vld [tilespmem:s15+$0x12380];
	v22 =	vpack.i.f32.bf16 v30, v30;
	v30 =	vbroadcast v36, $0x1  }
0x58b: {  	v53 =	vld [tilespmem:s15+$0x12480];
	v29 =	vmul.bf16 v29, v20;
	v28 =	vadd.bf16 v28, v23;
	v24 =	vadd.bf16 v25, v24  }
0x58c: {  	v25 =	vmul.bf16 v27, v21;
	v27 =	vld [tilespmem:s15+$0x12400];
	v23 =	vpack.i.f32.bf16 v30, v30;
	v30 =	vbroadcast v36, $0x2  }
0x58d: {  	v55 =	vld [tilespmem:s15+$0x12500];
	v26 =	vmul.bf16 v26, v21;
	v28 =	vadd.bf16 v29, v28;
	v29 =	vmul.bf16 v50, v22  }
0x58e: {  	v56 =	vld [tilespmem:s15+$0x10580];
	v50 =	vbroadcast v36, $0x9;
	v25 =	vadd.bf16 v25, v24;
	v24 =	vpack.i.f32.bf16 v30, v30  }
0x58f: {  	v57 =	vld [tilespmem:s15+$0x12580];
	v30 =	vbroadcast v36, $0x3;
	v31 =	vmul.bf16 v31, v22;
	v26 =	vadd.bf16 v26, v28  }
0x590: {  	v54 =	vld [tilespmem:s15+$0x10500];
	v32 =	vmul.bf16 v53, v24;
	v28 =	vadd.bf16 v29, v25;
	v29 =	vmul.bf16 v51, v23  }
0x591: {  	v58 =	vld [tilespmem:s15+$0x10600];
	v25 =	vpack.i.f32.bf16 v30, v30;
	v30 =	vbroadcast v36, $0x4;
	v27 =	vmul.bf16 v27, v23  }
0x592: {  	v59 =	vld [tilespmem:s15+$0x12600];
	v31 =	vadd.bf16 v31, v26;
	v33 =	vmul.bf16 v55, v25;
	v28 =	vadd.bf16 v29, v28  }
0x593: {  	v29 =	vmul.bf16 v52, v24;
	v26 =	vpack.i.f32.bf16 v30, v30;
	v30 =	vbroadcast v36, $0x5  }
0x594: {  	v60 =	vld [tilespmem:s15+$0x10680];
	v31 =	vadd.bf16 v27, v31;
	v61 =	vmul.bf16 v56, v26;
	v34 =	vmul.bf16 v57, v26  }
0x595: {  	v62 =	vld [tilespmem:s15+$0x12680];
	v28 =	vadd.bf16 v29, v28;
	v29 =	vmul.bf16 v54, v25;
	v27 =	vpack.i.f32.bf16 v30, v30  }
0x596: {  	v63 =	vld [tilespmem:s15+$0x10700];
	v30 =	vbroadcast v36, $0x6;
	v54 =	vbroadcast v36, $0xA;
	v31 =	vadd.bf16 v32, v31  }
0x597: {  	v46 =	vld [tilespmem:s15+$0x12700];
	v45 =	vmul.bf16 v58, v27;
	v35 =	vmul.bf16 v59, v27;
	v29 =	vadd.bf16 v29, v28  }
0x598: {  	v47 =	vld [tilespmem:s15+$0x10B80];
	v58 =	vbroadcast v36, $0xB;
	v28 =	vpack.i.f32.bf16 v30, v30;
	v30 =	vbroadcast v36, $0x7  }
0x599: {  	v49 =	vld [tilespmem:s15+$0x12B80];
	v31 =	vadd.bf16 v33, v31;
	v48 =	vmul.bf16 v60, v28;
	v32 =	vadd.bf16 v61, v29  }
0x59a: {  	v51 =	vld [tilespmem:s15+$0x10C00];
	v37 =	vmul.bf16 v62, v28;
	v62 =	vbroadcast v36, $0xC;
	v29 =	vpack.i.f32.bf16 v30, v30  }
0x59b: {  	v53 =	vld [tilespmem:s15+$0x12C00];
	v30 =	vbroadcast v36, $0x8;
	v31 =	vadd.bf16 v34, v31;
	v32 =	vadd.bf16 v45, v32  }
0x59c: {  	v55 =	vld [tilespmem:s15+$0x10C80];
	v52 =	vmul.bf16 v63, v29;
	v38 =	vmul.bf16 v46, v29  }
0x59d: {  	v57 =	vld [tilespmem:s15+$0x12C80];
	v30 =	vpack.i.f32.bf16 v30, v30;
	v35 =	vadd.bf16 v35, v31;
	v32 =	vadd.bf16 v48, v32  }
0x59e: {  	v31 =	vpack.i.f32.bf16 v50, v50;
	v56 =	vmul.bf16 v47, v30;
	v34 =	vmul.bf16 v49, v30  }
0x59f: {  	v59 =	vld [tilespmem:s15+$0x10D00];
	v60 =	vmul.bf16 v51, v31;
	v35 =	vadd.bf16 v37, v35;
	v33 =	vadd.bf16 v52, v32  }
0x5a0: {  	v61 =	vld [tilespmem:s15+$0x12D00];
	v40 =	vmul.bf16 v53, v31;
	v53 =	vbroadcast v36, $0xD  }
0x5a1: {  	v63 =	vld [tilespmem:s15+$0x10D80];
	v32 =	vpack.i.f32.bf16 v54, v54;
	v35 =	vadd.bf16 v38, v35;
	v37 =	vadd.bf16 v56, v33  }
0x5a2: {  	v52 =	vld [tilespmem:s15+$0x12D80];
	v51 =	vmul.bf16 v55, v32;
	v41 =	vmul.bf16 v57, v32  }
0x5a3: {  	v54 =	vld [tilespmem:s15+$0x10E00];
	v57 =	vbroadcast v36, $0xE;
	v35 =	vadd.bf16 v34, v35;
	v37 =	vadd.bf16 v60, v37  }
0x5a4: {  	v36 =	vbroadcast v36, $0xF;
	v33 =	vpack.i.f32.bf16 v58, v58;
	v56 =	vld [tilespmem:s15+$0x12E00];
	v34 =	vpack.i.f32.bf16 v62, v62  }
0x5a5: {  	v55 =	vmul.bf16 v59, v33;
	v59 =	vld [tilespmem:s15+$0x10E80];
	v40 =	vadd.bf16 v40, v35;
	v37 =	vadd.bf16 v51, v37  }
0x5a6: {  	v58 =	vmul.bf16 v61, v33;
	v60 =	vmul.bf16 v63, v34  }
0x5a7: {  	v43 =	vld [tilespmem:s15+$0x12E80];
	v35 =	vpack.i.f32.bf16 v53, v53;
	v40 =	vadd.bf16 v41, v40;
	v38 =	vadd.bf16 v55, v37  }
0x5a8: {  	v42 =	vld [tilespmem:s15+$0x10F00];
	s31 =	sand.u32 $0xF0, s31;
	v61 =	vmul.bf16 v52, v34;
	v63 =	vmul.bf16 v54, v35  }
0x5a9: {  	v39 =	vld [tilespmem:s31+$0x3200];
	v37 =	vpack.i.f32.bf16 v57, v57;
	v40 =	vadd.bf16 v58, v40;
	v62 =	vadd.bf16 v60, v38  }
0x5aa: {  	s14 =	simm.s32 $0x3010;
	s12 =	simm.s32 $0x10;
	s13 =	simm.s32 $0x80;
	v36 =	vpack.i.f32.bf16 v36, v36;
	v44 =	vmul.bf16 v56, v35;
	v41 =	vld [tilespmem:s15+$0x12F00];
	v46 =	vmul.bf16 v59, v37  }
0x5ab: {  	s6 =	sand.u32 $0x70, s12;
	s7 =	sand.u32 $0x400, s13;
	s15 =	simm.s32 $0x20;
	v38 =	vimm.bf16 $0.0e+00;
	v47 =	vadd.bf16 v61, v40;
	v40 =	vld [tilespmem:s31+$0x3100];
	v45 =	vadd.bf16 v63, v62  }
.LBB2_9:
0x5ac: {  	p1 =	sne.s32 s15, $0xF0;
	v48 =	vld [tilespmem:s14+$0x0];
	s6 =	sor.u32 s6, s7;
	v43 =	vmul.bf16 v43, v37  }
0x5ad: {  	v49 =	vld [tilespmem:s6+$0xF380];
	v44 =	vadd.bf16 v44, v47;
	v45 =	vadd.bf16 v46, v45;
	v42 =	vmul.bf16 v42, v36  }
0x5ae: {  	v46 =	vld [tilespmem:s6+$0x11380]  }
0x5af: {  	v47 =	vld [tilespmem:s6+$0xF400];
	v43 =	vadd.bf16 v43, v44;
	v42 =	vadd.bf16 v42, v45;
	v41 =	vmul.bf16 v41, v36  }
0x5b0: {  	v44 =	vld [tilespmem:s6+$0x11400]  }
0x5b1: {  	v45 =	vld [tilespmem:s6+$0xF480];
	v41 =	vadd.bf16 v41, v43;
	v42 =	vmax.bf16 v42, v4  }
0x5b2: {  	v43 =	vmul.bf16 v49, v9;
	v49 =	vld [tilespmem:s6+$0x11480];
	v42 =	vmin.bf16 v42, v5  }
0x5b3: {  	v46 =	vmul.bf16 v46, v9;
	v50 =	vld [tilespmem:s6+$0xF500];
	v41 =	vmax.bf16 v41, v4;
	v40 =	vmul.bf16 v42, v40  }
0x5b4: {  	v42 =	vadd.bf16 v43, v48;
	v43 =	vmul.bf16 v47, v11;
	v47 =	vld [tilespmem:s6+$0x11500];
	v41 =	vmin.bf16 v41, v5  }
0x5b5: {  	v44 =	vmul.bf16 v44, v11;
	v51 =	vld [tilespmem:s6+$0xF580];
	v38 =	vadd.bf16 v40, v38;
	v39 =	vmul.bf16 v41, v39  }
0x5b6: {  	v40 =	vadd.bf16 v46, v48;
	v41 =	vadd.bf16 v43, v42;
	v42 =	vmul.bf16 v45, v6;
	v43 =	vld [tilespmem:s6+$0x11580]  }
0x5b7: {  	v45 =	vmul.bf16 v49, v6;
	v46 =	vld [tilespmem:s6+$0xF600];
	v38 =	vadd.bf16 v39, v38  }
0x5b8: {  	v39 =	vadd.bf16 v44, v40;
	v40 =	vadd.bf16 v42, v41;
	v41 =	vmul.bf16 v50, v7;
	v42 =	vld [tilespmem:s6+$0x11600]  }
0x5b9: {  	s7 =	sor.u32 s13, s12;
	v44 =	vmul.bf16 v47, v7;
	v47 =	vld [tilespmem:s6+$0xF680]  }
0x5ba: {  	s7 =	sor.u32 $0x380, s7;
	v39 =	vadd.bf16 v45, v39;
	v40 =	vadd.bf16 v41, v40;
	v41 =	vmul.bf16 v51, v8;
	v45 =	vld [tilespmem:s6+$0x11680]  }
0x5bb: {  	v43 =	vmul.bf16 v43, v8;
	v48 =	vld [tilespmem:s7+$0xF380]  }
0x5bc: {  	v39 =	vadd.bf16 v44, v39;
	v40 =	vadd.bf16 v41, v40;
	v41 =	vmul.bf16 v46, v10;
	v44 =	vld [tilespmem:s6+$0x11700]  }
0x5bd: {  	v42 =	vmul.bf16 v42, v10;
	v46 =	vld [tilespmem:s6+$0xFB80]  }
0x5be: {  	v39 =	vadd.bf16 v43, v39;
	v40 =	vadd.bf16 v41, v40;
	v41 =	vmul.bf16 v47, v12;
	v43 =	vld [tilespmem:s6+$0x11B80]  }
0x5bf: {  	v45 =	vmul.bf16 v45, v12;
	v47 =	vld [tilespmem:s6+$0xFC00]  }
0x5c0: {  	v39 =	vadd.bf16 v42, v39;
	v40 =	vadd.bf16 v41, v40;
	v41 =	vmul.bf16 v48, v13;
	v42 =	vld [tilespmem:s6+$0x11C00]  }
0x5c1: {  	v44 =	vmul.bf16 v44, v13;
	v48 =	vld [tilespmem:s6+$0xFC80]  }
0x5c2: {  	v39 =	vadd.bf16 v45, v39;
	v40 =	vadd.bf16 v41, v40;
	v41 =	vmul.bf16 v46, v14;
	v45 =	vld [tilespmem:s6+$0x11C80]  }
0x5c3: {  	v43 =	vmul.bf16 v43, v14;
	v46 =	vld [tilespmem:s6+$0xFD00]  }
0x5c4: {  	v39 =	vadd.bf16 v44, v39;
	v40 =	vadd.bf16 v41, v40;
	v41 =	vmul.bf16 v47, v15;
	v44 =	vld [tilespmem:s6+$0x11D00]  }
0x5c5: {  	v42 =	vmul.bf16 v42, v15;
	v47 =	vld [tilespmem:s6+$0xFD80]  }
0x5c6: {  	v39 =	vadd.bf16 v43, v39;
	v40 =	vadd.bf16 v41, v40;
	v41 =	vmul.bf16 v48, v16;
	v43 =	vld [tilespmem:s6+$0x11D80]  }
0x5c7: {  	v45 =	vmul.bf16 v45, v16;
	v48 =	vld [tilespmem:s6+$0xFE00]  }
0x5c8: {  	v39 =	vadd.bf16 v42, v39;
	v40 =	vadd.bf16 v41, v40;
	v41 =	vmul.bf16 v46, v17;
	v42 =	vld [tilespmem:s6+$0x11E00]  }
0x5c9: {  	v44 =	vmul.bf16 v44, v17;
	v46 =	vld [tilespmem:s6+$0xFE80]  }
0x5ca: {  	v39 =	vadd.bf16 v45, v39;
	v40 =	vadd.bf16 v41, v40;
	v41 =	vmul.bf16 v47, v18;
	v45 =	vld [tilespmem:s6+$0x11E80]  }
0x5cb: {  	v43 =	vmul.bf16 v43, v18;
	v47 =	vld [tilespmem:s6+$0xFF00]  }
0x5cc: {  	v39 =	vadd.bf16 v44, v39;
	v40 =	vadd.bf16 v41, v40;
	v41 =	vmul.bf16 v48, v19;
	v44 =	vld [tilespmem:s6+$0x11F00]  }
0x5cd: {  	v42 =	vmul.bf16 v42, v19;
	v48 =	vld [tilespmem:s6+$0x10380]  }
0x5ce: {  	v39 =	vadd.bf16 v43, v39;
	v40 =	vadd.bf16 v41, v40;
	v41 =	vmul.bf16 v46, v20;
	v43 =	vld [tilespmem:s6+$0x12380]  }
0x5cf: {  	v45 =	vmul.bf16 v45, v20;
	v46 =	vld [tilespmem:s6+$0x10400]  }
0x5d0: {  	v39 =	vadd.bf16 v42, v39;
	v40 =	vadd.bf16 v41, v40;
	v41 =	vmul.bf16 v47, v21;
	v42 =	vld [tilespmem:s6+$0x12400]  }
0x5d1: {  	v44 =	vmul.bf16 v44, v21;
	v47 =	vld [tilespmem:s6+$0x10480]  }
0x5d2: {  	v39 =	vadd.bf16 v45, v39;
	v40 =	vadd.bf16 v41, v40;
	v41 =	vmul.bf16 v48, v22;
	v45 =	vld [tilespmem:s6+$0x12480]  }
0x5d3: {  	v43 =	vmul.bf16 v43, v22;
	v48 =	vld [tilespmem:s6+$0x10500]  }
0x5d4: {  	v39 =	vadd.bf16 v44, v39;
	v40 =	vadd.bf16 v41, v40;
	v41 =	vmul.bf16 v46, v23;
	v44 =	vld [tilespmem:s6+$0x12500]  }
0x5d5: {  	v42 =	vmul.bf16 v42, v23;
	v46 =	vld [tilespmem:s6+$0x10580]  }
0x5d6: {  	v39 =	vadd.bf16 v43, v39;
	v40 =	vadd.bf16 v41, v40;
	v41 =	vmul.bf16 v47, v24;
	v43 =	vld [tilespmem:s6+$0x12580]  }
0x5d7: {  	v45 =	vmul.bf16 v45, v24;
	v47 =	vld [tilespmem:s6+$0x10600]  }
0x5d8: {  	v39 =	vadd.bf16 v42, v39;
	v40 =	vadd.bf16 v41, v40;
	v41 =	vmul.bf16 v48, v25;
	v42 =	vld [tilespmem:s6+$0x12600]  }
0x5d9: {  	v44 =	vmul.bf16 v44, v25;
	v48 =	vld [tilespmem:s6+$0x10680]  }
0x5da: {  	v39 =	vadd.bf16 v45, v39;
	v40 =	vadd.bf16 v41, v40;
	v41 =	vmul.bf16 v46, v26;
	v45 =	vld [tilespmem:s6+$0x12680]  }
0x5db: {  	v43 =	vmul.bf16 v43, v26;
	v46 =	vld [tilespmem:s6+$0x10700]  }
0x5dc: {  	v39 =	vadd.bf16 v44, v39;
	v40 =	vadd.bf16 v41, v40;
	v41 =	vmul.bf16 v47, v27;
	v44 =	vld [tilespmem:s6+$0x12700]  }
0x5dd: {  	v42 =	vmul.bf16 v42, v27;
	v47 =	vld [tilespmem:s6+$0x10B80]  }
0x5de: {  	v39 =	vadd.bf16 v43, v39;
	v40 =	vadd.bf16 v41, v40;
	v41 =	vmul.bf16 v48, v28;
	v43 =	vld [tilespmem:s6+$0x12B80]  }
0x5df: {  	v45 =	vmul.bf16 v45, v28;
	v48 =	vld [tilespmem:s6+$0x10C00]  }
0x5e0: {  	v39 =	vadd.bf16 v42, v39;
	v40 =	vadd.bf16 v41, v40;
	v41 =	vmul.bf16 v46, v29;
	v42 =	vld [tilespmem:s6+$0x12C00]  }
0x5e1: {  	v44 =	vmul.bf16 v44, v29;
	v46 =	vld [tilespmem:s6+$0x10C80]  }
0x5e2: {  	v39 =	vadd.bf16 v45, v39;
	v40 =	vadd.bf16 v41, v40;
	v41 =	vmul.bf16 v47, v30;
	v45 =	vld [tilespmem:s6+$0x12C80]  }
0x5e3: {  	v43 =	vmul.bf16 v43, v30;
	v47 =	vld [tilespmem:s6+$0x10D00]  }
0x5e4: {  	v39 =	vadd.bf16 v44, v39;
	v40 =	vadd.bf16 v41, v40;
	v41 =	vmul.bf16 v48, v31;
	v44 =	vld [tilespmem:s6+$0x12D00]  }
0x5e5: {  	v42 =	vmul.bf16 v42, v31;
	v48 =	vld [tilespmem:s6+$0x10D80]  }
0x5e6: {  	v39 =	vadd.bf16 v43, v39;
	v40 =	vadd.bf16 v41, v40;
	v41 =	vmul.bf16 v46, v32;
	v46 =	vld [tilespmem:s6+$0x12D80]  }
0x5e7: {  	v43 =	vmul.bf16 v45, v32;
	v45 =	vld [tilespmem:s6+$0x10E00]  }
0x5e8: {  	v39 =	vadd.bf16 v42, v39;
	v40 =	vadd.bf16 v41, v40;
	v41 =	vmul.bf16 v47, v33;
	v47 =	vld [tilespmem:s6+$0x12E00]  }
0x5e9: {  	v44 =	vmul.bf16 v44, v33;
	v49 =	vld [tilespmem:s6+$0x10E80]  }
.Ltmp5:
0x5ea: {  	v39 =	vadd.bf16 v43, v39;
	v40 =	vadd.bf16 v41, v40;
	v41 =	vmul.bf16 v48, v34;
	v43 =	vld [tilespmem:s6+$0x12E80];
	(pc) =	sbr.rel @p1 .LBB2_9-.Ltmp5, $4  }
0x5eb: {  	s8 =	sand.u32 $0xF0, s12;
	s12 =	smov.u32 s15;
	v46 =	vmul.bf16 v46, v34;
	v42 =	vld [tilespmem:s6+$0x10F00]  }
0x5ec: {  	v48 =	vadd.bf16 v44, v39;
	v40 =	vadd.bf16 v41, v40;
	v45 =	vmul.bf16 v45, v35;
	v39 =	vld [tilespmem:s8+$0x3200]  }
0x5ed: {  	s13 =	sadd.s32 $0x80, s13;
	s14 =	sadd.s32 $0x10, s14;
	v44 =	vmul.bf16 v47, v35;
	v41 =	vld [tilespmem:s6+$0x12F00]  }
0x5ee: {  	s15 =	sadd.s32 $0x10, s15;
	s7 =	sand.u32 $0x400, s13;
	s6 =	sand.u32 $0x70, s12;
	v47 =	vadd.bf16 v46, v48;
	v45 =	vadd.bf16 v45, v40;
	v46 =	vmul.bf16 v49, v37;
	v40 =	vld [tilespmem:s8+$0x3100]  }
0x5ef: {  	v48 =	vld [tilespmem:s14+$0x0];
	s6 =	sor.u32 s6, s7  }
0x5f0: {  	v49 =	vld [tilespmem:s6+$0xF380]  }
0x5f1: {  	v50 =	vld [tilespmem:s6+$0x11380]  }
0x5f2: {  	v51 =	vld [tilespmem:s6+$0xF400]  }
0x5f3: {  	v52 =	vld [tilespmem:s6+$0x11400]  }
0x5f4: {  	v53 =	vld [tilespmem:s6+$0xF480]  }
0x5f5: {  	v54 =	vld [tilespmem:s6+$0x11480];
	v49 =	vmul.bf16 v49, v9  }
0x5f6: {  	v55 =	vld [tilespmem:s6+$0xF500]  }
0x5f7: {  	v60 =	vmul.bf16 v50, v9;
	v61 =	vmul.bf16 v51, v11;
	v51 =	vld [tilespmem:s6+$0x11500];
	v49 =	vadd.bf16 v49, v48  }
0x5f8: {  	v62 =	vmul.bf16 v52, v11;
	v52 =	vld [tilespmem:s6+$0xF580]  }
0x5f9: {  	v57 =	vld [tilespmem:s6+$0x11580];
	v56 =	vmul.bf16 v53, v6;
	v9 =	vadd.bf16 v60, v48;
	v63 =	vadd.bf16 v61, v49  }
0x5fa: {  	v58 =	vld [tilespmem:s6+$0xF600];
	v6 =	vmul.bf16 v54, v6  }
0x5fb: {  	v60 =	vmul.bf16 v55, v7;
	v9 =	vadd.bf16 v62, v9;
	v61 =	vld [tilespmem:s6+$0x11600];
	v59 =	vadd.bf16 v56, v63  }
0x5fc: {  	s16 =	sor.u32 s13, s12;
	v62 =	vld [tilespmem:s6+$0xF680];
	v7 =	vmul.bf16 v51, v7  }
0x5fd: {  	s7 =	sor.u32 $0x380, s16;
	v54 =	vld [tilespmem:s6+$0x11680];
	v52 =	vmul.bf16 v52, v8;
	v6 =	vadd.bf16 v6, v9;
	v63 =	vadd.bf16 v60, v59  }
0x5fe: {  	v55 =	vmul.bf16 v57, v8;
	v56 =	vld [tilespmem:s7+$0xF380]  }
0x5ff: {  	v57 =	vmul.bf16 v58, v10;
	v58 =	vld [tilespmem:s6+$0x11700];
	v6 =	vadd.bf16 v7, v6;
	v7 =	vadd.bf16 v52, v63  }
0x600: {  	v60 =	vld [tilespmem:s6+$0xFB80];
	v59 =	vmul.bf16 v61, v10  }
0x601: {  	v61 =	vmul.bf16 v62, v12;
	v62 =	vld [tilespmem:s6+$0x11B80];
	v6 =	vadd.bf16 v55, v6;
	v7 =	vadd.bf16 v57, v7  }
0x602: {  	v63 =	vmul.bf16 v54, v12;
	v52 =	vld [tilespmem:s6+$0xFC00]  }
0x603: {  	v54 =	vld [tilespmem:s6+$0x11C00];
	v53 =	vmul.bf16 v56, v13;
	v6 =	vadd.bf16 v59, v6;
	v7 =	vadd.bf16 v61, v7  }
0x604: {  	v11 =	vmul.bf16 v58, v13;
	v55 =	vld [tilespmem:s6+$0xFC80]  }
0x605: {  	v58 =	vld [tilespmem:s6+$0xFD00];
	v56 =	vmul.bf16 v60, v14;
	v6 =	vadd.bf16 v63, v6;
	v7 =	vadd.bf16 v53, v7  }
0x606: {  	v57 =	vld [tilespmem:s6+$0x11C80];
	v9 =	vmul.bf16 v62, v14  }
0x607: {  	v60 =	vld [tilespmem:s6+$0x11D00];
	v59 =	vmul.bf16 v52, v15;
	v6 =	vadd.bf16 v11, v6;
	v7 =	vadd.bf16 v56, v7  }
0x608: {  	v61 =	vld [tilespmem:s6+$0xFD80];
	v10 =	vmul.bf16 v54, v15  }
0x609: {  	v48 =	vld [tilespmem:s6+$0xFE00];
	v62 =	vmul.bf16 v55, v16;
	v6 =	vadd.bf16 v9, v6;
	v7 =	vadd.bf16 v59, v7  }
0x60a: {  	v49 =	vmul.bf16 v58, v17;
	v63 =	vld [tilespmem:s6+$0x11D80]  }
0x60b: {  	v51 =	vld [tilespmem:s6+$0xFE80];
	v12 =	vmul.bf16 v57, v16;
	v6 =	vadd.bf16 v10, v6;
	v7 =	vadd.bf16 v62, v7  }
0x60c: {  	v50 =	vld [tilespmem:s6+$0x11E00];
	v11 =	vmul.bf16 v60, v17  }
0x60d: {  	v54 =	vld [tilespmem:s6+$0xFF00];
	v52 =	vmul.bf16 v61, v18;
	v6 =	vadd.bf16 v12, v6;
	v7 =	vadd.bf16 v49, v7  }
0x60e: {  	v55 =	vmul.bf16 v48, v19;
	v53 =	vld [tilespmem:s6+$0x11E80]  }
0x60f: {  	v57 =	vld [tilespmem:s6+$0x10380];
	v9 =	vmul.bf16 v63, v18;
	v6 =	vadd.bf16 v11, v6;
	v7 =	vadd.bf16 v52, v7  }
0x610: {  	v58 =	vmul.bf16 v51, v20;
	v56 =	vld [tilespmem:s6+$0x11F00]  }
0x611: {  	v60 =	vld [tilespmem:s6+$0x10400];
	v10 =	vmul.bf16 v50, v19;
	v6 =	vadd.bf16 v9, v6;
	v7 =	vadd.bf16 v55, v7  }
0x612: {  	v59 =	vld [tilespmem:s6+$0x12380];
	v61 =	vmul.bf16 v54, v21  }
0x613: {  	v63 =	vld [tilespmem:s6+$0x10480];
	v12 =	vmul.bf16 v53, v20;
	v6 =	vadd.bf16 v10, v6;
	v7 =	vadd.bf16 v58, v7  }
0x614: {  	v62 =	vld [tilespmem:s6+$0x12400];
	v18 =	vmul.bf16 v57, v22  }
0x615: {  	v20 =	vld [tilespmem:s6+$0x10500];
	v11 =	vmul.bf16 v56, v21;
	v6 =	vadd.bf16 v12, v6;
	v7 =	vadd.bf16 v61, v7  }
0x616: {  	v19 =	vld [tilespmem:s6+$0x12480];
	v21 =	vmul.bf16 v60, v23  }
0x617: {  	v48 =	vld [tilespmem:s6+$0x10580];
	v9 =	vmul.bf16 v59, v22;
	v6 =	vadd.bf16 v11, v6;
	v7 =	vadd.bf16 v18, v7  }
0x618: {  	v49 =	vmul.bf16 v63, v24;
	v22 =	vld [tilespmem:s6+$0x12500]  }
0x619: {  	v51 =	vld [tilespmem:s6+$0x10600];
	v10 =	vmul.bf16 v62, v23;
	v6 =	vadd.bf16 v9, v6;
	v7 =	vadd.bf16 v21, v7  }
0x61a: {  	v50 =	vld [tilespmem:s6+$0x12580];
	v52 =	vmul.bf16 v20, v25  }
0x61b: {  	v54 =	vld [tilespmem:s6+$0x10680];
	v12 =	vmul.bf16 v19, v24;
	v6 =	vadd.bf16 v10, v6;
	v7 =	vadd.bf16 v49, v7  }
0x61c: {  	v53 =	vld [tilespmem:s6+$0x12600];
	v55 =	vmul.bf16 v48, v26  }
0x61d: {  	v57 =	vld [tilespmem:s6+$0x10700];
	v11 =	vmul.bf16 v22, v25;
	v6 =	vadd.bf16 v12, v6;
	v7 =	vadd.bf16 v52, v7  }
0x61e: {  	v56 =	vld [tilespmem:s6+$0x12680];
	v58 =	vmul.bf16 v51, v27  }
0x61f: {  	v60 =	vld [tilespmem:s6+$0x10B80];
	v9 =	vmul.bf16 v50, v26;
	v6 =	vadd.bf16 v11, v6;
	v7 =	vadd.bf16 v55, v7  }
0x620: {  	v59 =	vld [tilespmem:s6+$0x12700];
	v61 =	vmul.bf16 v54, v28  }
0x621: {  	v63 =	vld [tilespmem:s6+$0x10C00];
	v10 =	vmul.bf16 v53, v27;
	v6 =	vadd.bf16 v9, v6;
	v7 =	vadd.bf16 v58, v7  }
0x622: {  	v62 =	vld [tilespmem:s6+$0x12B80];
	v18 =	vmul.bf16 v57, v29  }
0x623: {  	v20 =	vld [tilespmem:s6+$0x10C80];
	v12 =	vmul.bf16 v56, v28;
	v6 =	vadd.bf16 v10, v6;
	v7 =	vadd.bf16 v61, v7  }
0x624: {  	v19 =	vld [tilespmem:s6+$0x12C00];
	v21 =	vmul.bf16 v60, v30  }
0x625: {  	v22 =	vld [tilespmem:s6+$0x12C80];
	v11 =	vmul.bf16 v59, v29;
	v6 =	vadd.bf16 v12, v6;
	v7 =	vadd.bf16 v18, v7  }
0x626: {  	v23 =	vld [tilespmem:s6+$0x10D00];
	v24 =	vmul.bf16 v63, v31  }
0x627: {  	v26 =	vld [tilespmem:s6+$0x10D80];
	v9 =	vmul.bf16 v62, v30;
	v6 =	vadd.bf16 v11, v6;
	v7 =	vadd.bf16 v21, v7  }
0x628: {  	v25 =	vld [tilespmem:s6+$0x12D00];
	v27 =	vmul.bf16 v20, v32;
	v29 =	vmul.bf16 v43, v37  }
0x629: {  	v10 =	vmul.bf16 v19, v31;
	v31 =	vld [tilespmem:s6+$0x10E00];
	v6 =	vadd.bf16 v9, v6;
	v7 =	vadd.bf16 v24, v7  }
0x62a: {  	v28 =	vld [tilespmem:s6+$0x12D80];
	v30 =	vadd.bf16 v44, v47;
	v44 =	vadd.bf16 v46, v45;
	v12 =	vmul.bf16 v22, v32  }
0x62b: {  	v46 =	vld [tilespmem:s6+$0x10E80];
	v32 =	vmul.bf16 v23, v33;
	v6 =	vadd.bf16 v10, v6;
	v7 =	vadd.bf16 v27, v7  }
0x62c: {  	v43 =	vld [tilespmem:s6+$0x12E00];
	v45 =	vmul.bf16 v42, v36;
	v47 =	vmul.bf16 v26, v34  }
0x62d: {  	v51 =	vld [tilespmem:s6+$0x10F00];
	v11 =	vmul.bf16 v25, v33;
	v6 =	vadd.bf16 v12, v6;
	v7 =	vadd.bf16 v32, v7  }
0x62e: {  	v48 =	vld [tilespmem:s6+$0x12E80];
	v53 =	vmul.bf16 v41, v36;
	v50 =	vadd.bf16 v45, v44;
	v52 =	vmul.bf16 v31, v35  }
0x62f: {  	v54 =	vld [tilespmem:s6+$0x12F00];
	v9 =	vmul.bf16 v28, v34;
	v6 =	vadd.bf16 v11, v6;
	v7 =	vadd.bf16 v47, v7  }
0x630: {  	v49 =	vadd.bf16 v29, v30;
	v14 =	vmax.bf16 v50, v4;
	v55 =	vmul.bf16 v46, v37  }
0x631: {  	v10 =	vmul.bf16 v43, v35;
	v6 =	vadd.bf16 v9, v6;
	v7 =	vadd.bf16 v52, v7  }
0x632: {  	v58 =	vmul.bf16 v51, v36;
	v56 =	vadd.bf16 v53, v49;
	v57 =	vmin.bf16 v14, v5  }
0x633: {  	s31 =	sand.u32 $0xF0, s12;
	v12 =	vmul.bf16 v48, v37;
	v6 =	vadd.bf16 v10, v6;
	v7 =	vadd.bf16 v55, v7  }
0x634: {  	v60 =	vld [tilespmem:s31+$0x3100];
	v61 =	vmul.bf16 v54, v36;
	v59 =	vmul.bf16 v57, v40  }
0x635: {  	v9 =	vmax.bf16 v56, v4;
	v6 =	vadd.bf16 v12, v6;
	v7 =	vadd.bf16 v58, v7  }
0x636: {  	v62 =	vld [tilespmem:s31+$0x3200];
	v9 =	vmin.bf16 v9, v5;
	v10 =	vadd.bf16 v59, v38  }
0x637: {  	v9 =	vmul.bf16 v9, v39;
	v6 =	vadd.bf16 v61, v6;
	v7 =	vmax.bf16 v7, v4  }
0x638: {  	v7 =	vmin.bf16 v7, v5  }
0x639: {  	v63 =	vadd.bf16 v9, v10;
	v6 =	vmax.bf16 v6, v4;
	v7 =	vmul.bf16 v7, v60  }
0x63a: {  	v6 =	vmin.bf16 v6, v5  }
0x63b: {  	v6 =	vmul.bf16 v6, v62;
	v7 =	vadd.bf16 v7, v63;
	_ =	sdelay $0x1  }
0x63c: {  	v6 =	vadd.bf16 v6, v7  }
.Ltmp6:
0x63d: {  	_ = 	snop;
	(pc) =	sbr.rel @p0 .LBB2_12-.Ltmp6, $4  }
0x63e: {  	v7 =	vunpack.i.u.bf16.f32 v6;
	v6 =	vunpack.i.l.bf16.f32 v6  }
0x63f: {  	s4 =	sshll.u32 s4, $0x4;
	v6 =	vadd.f32 v6, v7  }
0x640: {  	s4 =	sand.u32 $0x3FFFFFF0, s4  }
0x641: {  	[tilespmem:s4+$0x13380] =	vst v6  }
0x642: {  	v6 =	vld [tilespmem:s2+$0xE0];
	_ =	sdelay $0x4  }
0x643: {  	v7 =	vshll.u32 v6, $0x1  }
0x644: {  	v6 =	vand.u32 $0x7, v6;
	v7 =	vand.u32 $0xFFFFFFF0, v7  }
0x645: {  	v6 =	vor.u32 v6, v7  }
0x646: {  	v7 =	vperm.xlane v6, v1;
	_ =	sdelay $0x1  }
0x647: {  	v6 =	vperm.xlane v6, v3;
	v7 =	vadd.s32 v2, v7;
	_ =	sdelay $0x1  }
0x648: {  	v6 =	vadd.s32 v2, v6;
	_ =	sdelay $0x2  }
0x649: {  	[tilespmem:s17], [sflag:$0x4] =	stream.indirect_vreg.gather [hbm4b:s0+s5], $0x80, v7, vm0, $0xb8;
	[tilespmem:$0x13C00] =	vst v63  }
0x64a: {  	_ = 	snop  }
0x64b: {  	[tilespmem:s18], [sflag:$0x4] =	stream.indirect_vreg.gather [hbm4b:s0+s5], $0x80, v6, vm0, $0xb8;
	[tilespmem:$0x13C00] =	vst v63  }
0x64c: {  	v6 =	vld [tilespmem:s2+$0xF0];
	_ =	sdelay $0x4  }
0x64d: {  	v7 =	vshll.u32 v6, $0x1  }
0x64e: {  	v6 =	vand.u32 $0x7, v6;
	v7 =	vand.u32 $0xFFFFFFF0, v7  }
0x64f: {  	v6 =	vor.u32 v6, v7  }
0x650: {  	v7 =	vperm.xlane v6, v1;
	_ =	sdelay $0x1  }
0x651: {  	v6 =	vperm.xlane v6, v3;
	v7 =	vadd.s32 v2, v7;
	_ =	sdelay $0x1  }
0x652: {  	v6 =	vadd.s32 v2, v6;
	_ =	sdelay $0x2  }
0x653: {  	[tilespmem:s19], [sflag:$0x4] =	stream.indirect_vreg.gather [hbm4b:s0+s5], $0x80, v7, vm0, $0xb8;
	[tilespmem:$0x13C00] =	vst v63  }
0x654: {  	_ = 	snop  }
0x655: {  	[tilespmem:s20], [sflag:$0x4] =	stream.indirect_vreg.gather [hbm4b:s0+s5], $0x80, v6, vm0, $0xb8;
	[tilespmem:$0x13C00] =	vst v63  }
0x656: {  	v6 =	vld [tilespmem:s2+$0x10E0];
	_ =	sdelay $0x4  }
0x657: {  	v7 =	vshll.u32 v6, $0x1  }
0x658: {  	v6 =	vand.u32 $0x7, v6;
	v7 =	vand.u32 $0xFFFFFFF0, v7  }
0x659: {  	v6 =	vor.u32 v6, v7  }
0x65a: {  	v7 =	vperm.xlane v6, v1;
	_ =	sdelay $0x1  }
0x65b: {  	v6 =	vperm.xlane v6, v3;
	v7 =	vadd.s32 v2, v7;
	_ =	sdelay $0x1  }
0x65c: {  	v6 =	vadd.s32 v2, v6;
	_ =	sdelay $0x2  }
0x65d: {  	[tilespmem:s21], [sflag:$0x4] =	stream.indirect_vreg.gather [hbm4b:s0+s5], $0x80, v7, vm0, $0xb8;
	[tilespmem:$0x13C00] =	vst v63  }
0x65e: {  	_ = 	snop  }
0x65f: {  	[tilespmem:s22], [sflag:$0x4] =	stream.indirect_vreg.gather [hbm4b:s0+s5], $0x80, v6, vm0, $0xb8;
	[tilespmem:$0x13C00] =	vst v63  }
0x660: {  	v6 =	vld [tilespmem:s2+$0x10F0];
	_ =	sdelay $0x4  }
0x661: {  	v7 =	vshll.u32 v6, $0x1  }
0x662: {  	v6 =	vand.u32 $0x7, v6;
	v7 =	vand.u32 $0xFFFFFFF0, v7  }
0x663: {  	v6 =	vor.u32 v6, v7  }
0x664: {  	v7 =	vperm.xlane v6, v1;
	_ =	sdelay $0x1  }
0x665: {  	v6 =	vperm.xlane v6, v3;
	v7 =	vadd.s32 v2, v7;
	_ =	sdelay $0x1  }
0x666: {  	v6 =	vadd.s32 v2, v6  }
.Ltmp7:
0x667: {  	_ = 	snop;
	(pc) =	sbr.rel .LBB2_2-.Ltmp7, $4  }
0x668: {  	_ = 	snop  }
0x669: {  	[tilespmem:s23], [sflag:$0x4] =	stream.indirect_vreg.gather [hbm4b:s0+s5], $0x80, v7, vm0, $0xb8;
	[tilespmem:$0x13C00] =	vst v63  }
0x66a: {  	s3 =	sadd.s32 $0x1, s3  }
0x66b: {  	[tilespmem:s24], [sflag:$0x4] =	stream.indirect_vreg.gather [hbm4b:s0+s5], $0x80, v6, vm0, $0xb8;
	[tilespmem:$0x13C00] =	vst v63  }
.LBB2_13:
0x66c: {  	_ =	sfence.sel $0x180000  }
0x66d: {  	[bflag:$0x0] =	sbarrier.arrive $0xFFFF  }
0x66e: {  	_ =	strace $0x90000047  }
0x66f: {  	s0 =	stileid.u32;
	[bflag:$0x2] =	sbarrier.arrive $0xFFFF  }
0x670: {  	p0 =	sne.s32 s0, $0x0;
	s0 =	rddreg [dreg:$0x7]  }
0x671: {  	s0 =	sadd.s32 @!p0 $0x100000, s0  }
0x672: {  	[sflag:s0] =	ssyncadd.tile.s32 @!p0 $0x1;
	_ =	shalt  }
.Lfunc_end2:
_tile_overlayer_lowered:
.L_overlay_start_2:
0x673: {  	(tag) =	ssettag $0x2  }
0x674: {  	s0 =	rddreg [dreg:$0x0];
	s2 =	stileid.u32  }
0x675: {  	s1 =	rddreg [dreg:$0x1];
	p0 =	sne.s32 s2, $0x0  }
0x676: {  	s3 =	rddreg [dreg:$0x2];
	[bflag:$0x3] =	sbarrier.arrive $0xFFFF;
	s2 =	simm.s32 @!p0 $0x1C05  }
0x677: {  	[timem:s3], [sflag:s2] =	dma.local @!p0 [hbm:s0], s1  }
0x678: {  	s0 =	simm.s32 @!p0 $0x5  }
0x679: {  	_ =	swait.ge @!p0 [sflag:s0], s1  }
0x67a: {  	s1 =	ssub.s32 @!p0 $0x0, s1;
	[sflag:s0] =	ssyncset.done @!p0 $0x0  }
0x67b: {  	[sflag:s0] =	ssyncadd.s32 @!p0 s1  }
0x67c: {  	[bflag:$0x3] =	sbarrier.arrive $0xFFFF  }
0x67d: {  	_ =	shalt  }

</sc_bundles>
